<compile_context>
chip_gen: v7x
topology: tpu7x:2x2x1
jax: 0.10.2.dev20260603
libtpu: 0.0.44.dev20260713+nightly
codegen_flags: <defaults>
</compile_context>

<pallas_src>
import functools

import jax
import jax.numpy as jnp
from jax import lax
from jax.experimental import pallas as pl
from jax.experimental.pallas import tpu as pltpu
from jax.experimental.pallas import tpu_sc as plsc

NC, NS, LANES = 2, 16, 16
NW = NC * NS
NUM_LEVELS = 3
SAMPLES = 9
OUT_C = NUM_LEVELS * SAMPLES
NBUF = 2


def _make_sc_kernel(B, D, H, W):
    rows_per_w = (B * H) // NW
    bands_per_b = H // rows_per_w
    n_groups = W // LANES

    mesh = plsc.VectorSubcoreMesh(
        core_axis_name="c", subcore_axis_name="s", num_cores=NC, num_subcores=NS
    )

    @functools.partial(
        pl.kernel,
        out_type=jax.ShapeDtypeStruct((B, OUT_C, H, W), jnp.float32),
        mesh=mesh,
        scratch_types=[
            [pltpu.VMEM((D, W), jnp.float32)] * NBUF,
            pltpu.VMEM((rows_per_w, W), jnp.float32),
            [pltpu.VMEM((OUT_C, W), jnp.float32)] * NBUF,
            [pltpu.SemaphoreType.DMA] * NBUF,
            [pltpu.SemaphoreType.DMA] * NBUF,
        ],
        compiler_params=pltpu.CompilerParams(
            use_tc_tiling_on_sc=True, needs_layout_passes=False
        ),
    )
    def sc_kernel(cv_hbm, disp_hbm, out_hbm, cvbs, dispb, outbs, in_sems, out_sems):
        cid = lax.axis_index("c")
        sid = lax.axis_index("s")
        wid = sid * NC + cid
        b = wid // bands_per_b
        h0 = (wid % bands_per_b) * rows_per_w

        pltpu.sync_copy(disp_hbm.at[b, 0, pl.ds(h0, rows_per_w), :], dispb)

        col_iota = lax.iota(jnp.int32, LANES)

        def start_in(r, p):
            pltpu.async_copy(cv_hbm.at[b, :, h0 + r, :], cvbs[p], in_sems[p])

        def wait_in(r, p):
            pltpu.make_async_copy(cv_hbm.at[b, :, h0 + r, :], cvbs[p],
                                  in_sems[p]).wait()

        def start_out(r, p):
            pltpu.async_copy(outbs[p], out_hbm.at[b, :, h0 + r, :], out_sems[p])

        def wait_out(r, p):
            pltpu.make_async_copy(outbs[p], out_hbm.at[b, :, h0 + r, :],
                                  out_sems[p]).wait()

        def compute_row(r, p):
            cvb = cvbs[p]
            outb = outbs[p]

            @plsc.parallel_loop(0, n_groups, unroll=2)
            def _group(g):
                colv = g * LANES + col_iota
                disp = dispb[r, pl.ds(g * LANES, LANES)]

                t0 = disp.astype(jnp.int32)
                fr0 = disp - t0.astype(jnp.float32)
                b0 = t0 - 4
                w1a = fr0
                w0a = 1.0 - fr0
                s_prev = None
                for j in range(SAMPLES + 1):
                    rrow = jnp.clip(b0 + j, 0, D - 1)
                    s = plsc.load_gather(cvb, [rrow, colv])
                    if j > 0:
                        outb[j - 1, pl.ds(g * LANES, LANES)] = (
                            w0a * s_prev + w1a * s
                        )
                    s_prev = s

                d1 = disp * jnp.float32(0.5)
                t1 = d1.astype(jnp.int32)
                fr1 = d1 - t1.astype(jnp.float32)
                d2 = disp * jnp.float32(0.25)
                t2 = d2.astype(jnp.int32)
                fr2 = d2 - t2.astype(jnp.float32)
                qb = 2 * t2 - 8
                emask = (t1 - 4) - qb == 5

                P = []
                for k in range(2 * SAMPLES + 2):
                    q = jnp.clip(qb + k, 0, (D >> 1) - 1)
                    rrow = q << 1
                    P.append(
                        plsc.load_gather(cvb, [rrow, colv])
                        + plsc.load_gather(cvb, [rrow + 1, colv])
                    )
                cst = lambda v: jnp.full((LANES,), v, jnp.int32)
                p62 = plsc.load_gather(cvb, [cst(D - 4), colv]) + plsc.load_gather(
                    cvb, [cst(D - 3), colv]
                )
                p1t = plsc.load_gather(cvb, [cst(2), colv]) + plsc.load_gather(
                    cvb, [cst(3), colv]
                )

                w1b = fr1 * jnp.float32(0.5)
                w0b = jnp.float32(0.5) - w1b
                s_prev = None
                for j in range(SAMPLES + 1):
                    s = jnp.where(emask, P[5 + j], P[4 + j])
                    if j > 0:
                        outb[SAMPLES + (j - 1), pl.ds(g * LANES, LANES)] = (
                            w0b * s_prev + w1b * s
                        )
                    s_prev = s

                w1c = fr2 * jnp.float32(0.25)
                w0c = jnp.float32(0.25) - w1c
                s_prev = None
                for j in range(SAMPLES + 1):
                    ev = P[2 * j]
                    if j >= 5:
                        ev = jnp.where(qb >= (D >> 1) - 1 - 2 * j, p62, ev)
                    od = P[2 * j + 1]
                    if j <= 3:
                        od = jnp.where(qb <= -1 - 2 * j, p1t, od)
                    s = ev + od
                    if j > 0:
                        outb[2 * SAMPLES + (j - 1), pl.ds(g * LANES, LANES)] = (
                            w0c * s_prev + w1c * s
                        )
                    s_prev = s

        start_in(0, 0)
        start_in(1, 1)

        @pl.loop(0, rows_per_w, step=NBUF)
        def _rows(k):
            for p in range(NBUF):
                r = k + p
                wait_in(r, p)

                @pl.when(r >= NBUF)
                def _():
                    wait_out(r - NBUF, p)

                compute_row(r, p)
                start_out(r, p)

                @pl.when(r + NBUF < rows_per_w)
                def _():
                    start_in(r + NBUF, p)

        for p in range(NBUF):
            wait_out(rows_per_w - NBUF + p, p)

    return sc_kernel


def kernel(cost_volume, radius, cur_disp):
    del radius
    B, D, H, W = cost_volume.shape
    fn = _make_sc_kernel(B, D, H, W)
    return fn(cost_volume, cur_disp)

# --- scband reference (transcript-rebuilt; emitter-appended) ---
"""Pipeline reference for scband-pyrmaid-cost-volume-31147102830791 (READ-ONLY COPY).

The authoritative reference and input builder live on the scoring server;
editing this copy changes nothing except your own understanding.
"""

import jax, jax.numpy as jnp
import numpy as np

RADIUS = 4
NUM_LEVELS = 3
SAMPLE_POINTS = 8


def ste_ceil(x):
    return jax.lax.stop_gradient(jnp.ceil(x) - x) + x


def ste_floor(x):
    return jax.lax.stop_gradient(jnp.floor(x) - x) + x


def build_local_cost_volume_fixed(cost_volume, cur_disp, searching_radius, sample_nums):
    # scale = W_C // W_D == 1 for our shapes, so no bilinear upsampling branch is taken
    B, D, H, W = cost_volume.shape
    lower_bound = cur_disp - searching_radius
    upper_bound = cur_disp + searching_radius
    sample_intervals = (upper_bound - lower_bound) * 1.0 / sample_nums
    addition_summation = jnp.arange(sample_nums + 1, dtype=cur_disp.dtype).reshape(1, sample_nums + 1, 1, 1)
    sampling_candidate_intervals = addition_summation * sample_intervals
    sampling_candidates = lower_bound + sampling_candidate_intervals  # [B, S+1, H, W]
    sample_candidate_ceil = jnp.clip(ste_ceil(sampling_candidates), 0, D - 1)
    sample_candidate_floor = jnp.clip(ste_floor(sampling_candidates), 0, D - 1)
    floor_rate = sample_candidate_ceil - sampling_candidates
    ceil_rate = 1.0 - floor_rate
    ceil_idx = jax.lax.stop_gradient(sample_candidate_ceil).astype(jnp.int32)
    floor_idx = jax.lax.stop_gradient(sample_candidate_floor).astype(jnp.int32)
    ceil_volume = jnp.take_along_axis(cost_volume, ceil_idx, axis=1)
    floor_volume = jnp.take_along_axis(cost_volume, floor_idx, axis=1)
    final_volume = ceil_volume * ceil_rate + floor_volume * floor_rate
    return final_volume, sampling_candidates


def setup_inputs(seed: int = 0) -> dict:
    key = jax.random.key(seed)
    k1, k2 = jax.random.split(key)
    B, D, H, W = 4, 128, 128, 256
    cost_volume = jax.random.normal(k1, (B, D, H, W), dtype=jnp.float32)
    cur_disp = jax.random.uniform(k2, (B, 1, H, W), dtype=jnp.float32, minval=0.0, maxval=float(D))
    return {"cost_volume": cost_volume, "radius": RADIUS, "cur_disp": cur_disp}


def reference(cost_volume, radius, cur_disp):
    # build cost-volume pyramid by avg-pooling along disparity dim (kernel=2, stride=2)
    cost_volume_pyramid = [cost_volume]
    cv = cost_volume
    for i in range(NUM_LEVELS - 1):
        B, D, H, W = cv.shape
        cv = cv.reshape(B, D // 2, 2, H, W).mean(axis=2)
        cost_volume_pyramid.append(cv)
    out_pyramid = []
    for i in range(NUM_LEVELS):
        corr = cost_volume_pyramid[i]
        ref_disp = cur_disp * 1.0 / (2.0 ** i)
        final_volume, _ = build_local_cost_volume_fixed(corr, ref_disp, radius, SAMPLE_POINTS)
        out_pyramid.append(final_volume)
    out = jnp.concatenate(out_pyramid, axis=1)  # [B, NUM_LEVELS*(S+1), H, W]
    return out

if __name__ == "__main__":
    import jax
    _d = setup_inputs()
    print(jax.jit(kernel)(*tuple(_d.values())))

</pallas_src>

<mosaic_0001>
#map = affine_map<(d0, d1) -> (0, 0, 0, 0)>
module attributes {stable_mosaic.version = 14 : i64} {
  func.func @sc_kernel(%arg0: i32, %arg1: i32, %arg2: memref<4x128x128x256xf32, #tpu.memory_space<hbm>>, %arg3: memref<4x1x128x256xf32, #tpu.memory_space<hbm>>, %arg4: memref<4x27x128x256xf32, #tpu.memory_space<hbm>>, %arg5: memref<128x256xf32, #tpu.memory_space<vmem>>, %arg6: memref<128x256xf32, #tpu.memory_space<vmem>>, %arg7: memref<16x256xf32, #tpu.memory_space<vmem>>, %arg8: memref<27x256xf32, #tpu.memory_space<vmem>>, %arg9: memref<27x256xf32, #tpu.memory_space<vmem>>, %arg10: memref<!tpu.dma_semaphore, #tpu.memory_space<semaphore_mem>>, %arg11: memref<!tpu.dma_semaphore, #tpu.memory_space<semaphore_mem>>, %arg12: memref<!tpu.dma_semaphore, #tpu.memory_space<semaphore_mem>>, %arg13: memref<!tpu.dma_semaphore, #tpu.memory_space<semaphore_mem>>) attributes {dimension_semantics = [#tpu.dimension_semantics<core_parallel>, #tpu.dimension_semantics<subcore_parallel>], iteration_bounds = array<i64: 2, 16>, scalar_prefetch = 0 : i64, scratch_operands = 9 : i64, tpu.core_type = #tpu.core_type<sc_vector_subcore>, window_params = [{transform_indices = #map}, {transform_indices = #map}, {transform_indices = #map}]} {
    %mul3A = arith.constant 2 : i32
    %mul3A_0 = arith.muli %arg1, %mul3A : i32
    %add3A = arith.addi %mul3A_0, %arg0 : i32
    %jit3A = arith.constant 8 : i32
    %div3A = arith.divsi %add3A, %jit3A : i32
    %sign3A = arith.constant 0 : i32
    %sign3A_1 = arith.cmpi sgt, %add3A, %sign3A : i32
    %sign3A_2 = arith.extui %sign3A_1 : i1 to i32
    %sign3A_3 = arith.constant 0 : i32
    %sign3A_4 = arith.cmpi slt, %add3A, %sign3A_3 : i32
    %sign3A_5 = arith.extui %sign3A_4 : i1 to i32
    %sign3A_6 = arith.subi %sign3A_2, %sign3A_5 : i32
    %sign3A_7 = arith.constant 0 : i32
    %sign3A_8 = arith.cmpi sgt, %jit3A, %sign3A_7 : i32
    %sign3A_9 = arith.extui %sign3A_8 : i1 to i32
    %sign3A_10 = arith.constant 0 : i32
    %sign3A_11 = arith.cmpi slt, %jit3A, %sign3A_10 : i32
    %sign3A_12 = arith.extui %sign3A_11 : i1 to i32
    %sign3A_13 = arith.subi %sign3A_9, %sign3A_12 : i32
    %ne3A = arith.cmpi ne, %sign3A_6, %sign3A_13 : i32
    %rem3A = arith.remsi %add3A, %jit3A : i32
    %ne3A_14 = arith.constant 0 : i32
    %ne3A_15 = arith.cmpi ne, %rem3A, %ne3A_14 : i32
    %and3A = arith.andi %ne3A, %ne3A_15 : i1
    %sub3A = arith.constant 1 : i32
    %sub3A_16 = arith.subi %div3A, %sub3A : i32
    %select_n3A = arith.select %and3A, %sub3A_16, %div3A : i32
    %jit3A_17 = arith.constant 8 : i32
    %eq3A = arith.constant 0 : i32
    %eq3A_18 = arith.cmpi eq, %jit3A_17, %eq3A : i32
    %jit3A_19 = arith.constant 1 : i32
    %select_n3A_20 = arith.select %eq3A_18, %jit3A_19, %jit3A_17 : i32
    %rem3A_21 = arith.remsi %add3A, %select_n3A_20 : i32
    %ne3A_22 = arith.constant 0 : i32
    %ne3A_23 = arith.cmpi ne, %rem3A_21, %ne3A_22 : i32
    %lt3A = arith.constant 0 : i32
    %lt3A_24 = arith.cmpi slt, %rem3A_21, %lt3A : i32
    %lt3A_25 = arith.constant 0 : i32
    %lt3A_26 = arith.cmpi slt, %select_n3A_20, %lt3A_25 : i32
    %ne3A_27 = arith.xori %lt3A_24, %lt3A_26 : i1
    %and3A_28 = arith.andi %ne3A_27, %ne3A_23 : i1
    %add3A_29 = arith.addi %rem3A_21, %select_n3A_20 : i32
    %select_n3A_30 = arith.select %and3A_28, %add3A_29, %rem3A_21 : i32
    %mul3A_31 = arith.constant 16 : i32
    %mul3A_32 = arith.muli %select_n3A_30, %mul3A_31 : i32
    %run_scoped3A = arith.constant 0 : i32
    "tpu.region"() ({
      %run_scoped3A_75 = tpu.sem_alloc : memref<!tpu.dma_semaphore, #tpu.memory_space<semaphore_mem>>
      %dma_start3A_76 = arith.constant 0 : i32
      %dma_start3A_77 = tpu.memref_slice %arg3[%select_n3A, %run_scoped3A, %mul3A_32, %dma_start3A_76] : memref<4x1x128x256xf32, #tpu.memory_space<hbm>> -> memref<1x1x16x256xf32, #tpu.memory_space<hbm>>
      %dma_start3A_78 = tpu.memref_squeeze %dma_start3A_77 : memref<1x1x16x256xf32, #tpu.memory_space<hbm>> -> memref<16x256xf32, #tpu.memory_space<hbm>>
      %dma_start3A_79 = arith.constant 0 : i32
      %dma_start3A_80 = tpu.memref_slice %arg3[%select_n3A, %run_scoped3A, %mul3A_32, %dma_start3A_79] : memref<4x1x128x256xf32, #tpu.memory_space<hbm>> -> memref<1x1x16x256xf32, #tpu.memory_space<hbm>>
      %dma_start3A_81 = tpu.memref_squeeze %dma_start3A_80 : memref<1x1x16x256xf32, #tpu.memory_space<hbm>> -> memref<16x256xf32, #tpu.memory_space<hbm>>
      tpu.enqueue_dma source(%dma_start3A_81 : memref<16x256xf32, #tpu.memory_space<hbm>>) target(%arg7 : memref<16x256xf32, #tpu.memory_space<vmem>>) target_semaphore(%run_scoped3A_75 : memref<!tpu.dma_semaphore, #tpu.memory_space<semaphore_mem>>)
      %dma_wait3A_82 = arith.constant 0 : i32
      %dma_wait3A_83 = tpu.memref_slice %arg3[%select_n3A, %run_scoped3A, %mul3A_32, %dma_wait3A_82] : memref<4x1x128x256xf32, #tpu.memory_space<hbm>> -> memref<1x1x16x256xf32, #tpu.memory_space<hbm>>
      %dma_wait3A_84 = tpu.memref_squeeze %dma_wait3A_83 : memref<1x1x16x256xf32, #tpu.memory_space<hbm>> -> memref<16x256xf32, #tpu.memory_space<hbm>>
      %dma_wait3A_85 = arith.constant 0 : i32
      %dma_wait3A_86 = tpu.memref_slice %arg3[%select_n3A, %run_scoped3A, %mul3A_32, %dma_wait3A_85] : memref<4x1x128x256xf32, #tpu.memory_space<hbm>> -> memref<1x1x16x256xf32, #tpu.memory_space<hbm>>
      %dma_wait3A_87 = tpu.memref_squeeze %dma_wait3A_86 : memref<1x1x16x256xf32, #tpu.memory_space<hbm>> -> memref<16x256xf32, #tpu.memory_space<hbm>>
      tpu.wait_dma2 semaphore(%run_scoped3A_75 : memref<!tpu.dma_semaphore, #tpu.memory_space<semaphore_mem>>) src(%dma_wait3A_87 : memref<16x256xf32, #tpu.memory_space<hbm>>) dst(%arg7 : memref<16x256xf32, #tpu.memory_space<vmem>>)
      tpu.yield
    }) : () -> ()
    %iota3A = tpu.iota {dimensions = array<i32: 0>} : vector<16xi32>
    %add3A_33 = arith.constant 0 : i32
    %add3A_34 = arith.addi %mul3A_32, %add3A_33 : i32
    %dma_start3A = arith.constant 0 : i32
    %dma_start3A_35 = arith.constant 0 : i32
    %dma_start3A_36 = tpu.memref_slice %arg2[%select_n3A, %dma_start3A, %add3A_34, %dma_start3A_35] : memref<4x128x128x256xf32, #tpu.memory_space<hbm>> -> memref<1x128x1x256xf32, #tpu.memory_space<hbm>>
    %dma_start3A_37 = tpu.memref_squeeze %dma_start3A_36 : memref<1x128x1x256xf32, #tpu.memory_space<hbm>> -> memref<128x256xf32, #tpu.memory_space<hbm>>
    %dma_start3A_38 = arith.constant 0 : i32
    %dma_start3A_39 = arith.constant 0 : i32
    %dma_start3A_40 = tpu.memref_slice %arg2[%select_n3A, %dma_start3A_38, %add3A_34, %dma_start3A_39] : memref<4x128x128x256xf32, #tpu.memory_space<hbm>> -> memref<1x128x1x256xf32, #tpu.memory_space<hbm>>
    %dma_start3A_41 = tpu.memref_squeeze %dma_start3A_40 : memref<1x128x1x256xf32, #tpu.memory_space<hbm>> -> memref<128x256xf32, #tpu.memory_space<hbm>>
    tpu.enqueue_dma source(%dma_start3A_41 : memref<128x256xf32, #tpu.memory_space<hbm>>) target(%arg5 : memref<128x256xf32, #tpu.memory_space<vmem>>) target_semaphore(%arg10 : memref<!tpu.dma_semaphore, #tpu.memory_space<semaphore_mem>>)
    %add3A_42 = arith.constant 1 : i32
    %add3A_43 = arith.addi %mul3A_32, %add3A_42 : i32
    %dma_start3A_44 = arith.constant 0 : i32
    %dma_start3A_45 = arith.constant 0 : i32
    %dma_start3A_46 = tpu.memref_slice %arg2[%select_n3A, %dma_start3A_44, %add3A_43, %dma_start3A_45] : memref<4x128x128x256xf32, #tpu.memory_space<hbm>> -> memref<1x128x1x256xf32, #tpu.memory_space<hbm>>
    %dma_start3A_47 = tpu.memref_squeeze %dma_start3A_46 : memref<1x128x1x256xf32, #tpu.memory_space<hbm>> -> memref<128x256xf32, #tpu.memory_space<hbm>>
    %dma_start3A_48 = arith.constant 0 : i32
    %dma_start3A_49 = arith.constant 0 : i32
    %dma_start3A_50 = tpu.memref_slice %arg2[%select_n3A, %dma_start3A_48, %add3A_43, %dma_start3A_49] : memref<4x128x128x256xf32, #tpu.memory_space<hbm>> -> memref<1x128x1x256xf32, #tpu.memory_space<hbm>>
    %dma_start3A_51 = tpu.memref_squeeze %dma_start3A_50 : memref<1x128x1x256xf32, #tpu.memory_space<hbm>> -> memref<128x256xf32, #tpu.memory_space<hbm>>
    tpu.enqueue_dma source(%dma_start3A_51 : memref<128x256xf32, #tpu.memory_space<hbm>>) target(%arg6 : memref<128x256xf32, #tpu.memory_space<vmem>>) target_semaphore(%arg11 : memref<!tpu.dma_semaphore, #tpu.memory_space<semaphore_mem>>)
    %scan3A = arith.constant 0 : i32
    %scan3A_52 = arith.constant 8 : i32
    %scan3A_53 = arith.addi %scan3A, %scan3A_52 : i32
    %scan3A_54 = arith.constant 1 : i32
    scf.for %scan3A_75 = %scan3A to %scan3A_53 step %scan3A_54  : i32 {
      %mul3A_76 = arith.constant 2 : i32
      %mul3A_77 = arith.muli %scan3A_75, %mul3A_76 : i32
      %add3A_78 = arith.constant 0 : i32
      %add3A_79 = arith.addi %add3A_78, %mul3A_77 : i32
      %add3A_80 = arith.constant 0 : i32
      %add3A_81 = arith.addi %add3A_79, %add3A_80 : i32
      %add3A_82 = arith.addi %mul3A_32, %add3A_81 : i32
      %dma_wait3A_83 = arith.constant 0 : i32
      %dma_wait3A_84 = arith.constant 0 : i32
      %dma_wait3A_85 = tpu.memref_slice %arg2[%select_n3A, %dma_wait3A_83, %add3A_82, %dma_wait3A_84] : memref<4x128x128x256xf32, #tpu.memory_space<hbm>> -> memref<1x128x1x256xf32, #tpu.memory_space<hbm>>
      %dma_wait3A_86 = tpu.memref_squeeze %dma_wait3A_85 : memref<1x128x1x256xf32, #tpu.memory_space<hbm>> -> memref<128x256xf32, #tpu.memory_space<hbm>>
      %dma_wait3A_87 = arith.constant 0 : i32
      %dma_wait3A_88 = arith.constant 0 : i32
      %dma_wait3A_89 = tpu.memref_slice %arg2[%select_n3A, %dma_wait3A_87, %add3A_82, %dma_wait3A_88] : memref<4x128x128x256xf32, #tpu.memory_space<hbm>> -> memref<1x128x1x256xf32, #tpu.memory_space<hbm>>
      %dma_wait3A_90 = tpu.memref_squeeze %dma_wait3A_89 : memref<1x128x1x256xf32, #tpu.memory_space<hbm>> -> memref<128x256xf32, #tpu.memory_space<hbm>>
      tpu.wait_dma2 semaphore(%arg10 : memref<!tpu.dma_semaphore, #tpu.memory_space<semaphore_mem>>) src(%dma_wait3A_90 : memref<128x256xf32, #tpu.memory_space<hbm>>) dst(%arg5 : memref<128x256xf32, #tpu.memory_space<vmem>>)
      %ge3A = arith.constant 2 : i32
      %ge3A_91 = arith.cmpi sge, %add3A_81, %ge3A : i32
      %convert_element_type3A = arith.extui %ge3A_91 : i1 to i32
      %cond3A = arith.constant 0 : i32
      %cond3A_92 = arith.cmpi ne, %convert_element_type3A, %cond3A : i32
      scf.if %cond3A_92 {
        %sub3A_146 = arith.constant 2 : i32
        %sub3A_147 = arith.subi %add3A_81, %sub3A_146 : i32
        %add3A_148 = arith.addi %mul3A_32, %sub3A_147 : i32
        %dma_wait3A_149 = arith.constant 0 : i32
        %dma_wait3A_150 = arith.constant 0 : i32
        %dma_wait3A_151 = tpu.memref_slice %arg4[%select_n3A, %dma_wait3A_149, %add3A_148, %dma_wait3A_150] : memref<4x27x128x256xf32, #tpu.memory_space<hbm>> -> memref<1x27x1x256xf32, #tpu.memory_space<hbm>>
        %dma_wait3A_152 = tpu.memref_squeeze %dma_wait3A_151 : memref<1x27x1x256xf32, #tpu.memory_space<hbm>> -> memref<27x256xf32, #tpu.memory_space<hbm>>
        %dma_wait3A_153 = arith.constant 0 : i32
        %dma_wait3A_154 = arith.constant 0 : i32
        %dma_wait3A_155 = tpu.memref_slice %arg4[%select_n3A, %dma_wait3A_153, %add3A_148, %dma_wait3A_154] : memref<4x27x128x256xf32, #tpu.memory_space<hbm>> -> memref<1x27x1x256xf32, #tpu.memory_space<hbm>>
        %dma_wait3A_156 = tpu.memref_squeeze %dma_wait3A_155 : memref<1x27x1x256xf32, #tpu.memory_space<hbm>> -> memref<27x256xf32, #tpu.memory_space<hbm>>
        tpu.wait_dma2 semaphore(%arg12 : memref<!tpu.dma_semaphore, #tpu.memory_space<semaphore_mem>>) src(%arg8 : memref<27x256xf32, #tpu.memory_space<vmem>>) dst(%dma_wait3A_156 : memref<27x256xf32, #tpu.memory_space<hbm>>)
      } else {
      }
      %parallel_loop3A = arith.constant 0 : i32
      %parallel_loop3A_93 = arith.constant 16 : i32
      %parallel_loop3A_94 = arith.constant 1 : i32
      scf.for %parallel_loop3A_146 = %parallel_loop3A to %parallel_loop3A_93 step %parallel_loop3A_94  : i32 {
        %parallel_loop3A_147 = arith.constant 16 : i32
        %parallel_loop3A_148 = arith.muli %parallel_loop3A_146, %parallel_loop3A_147 : i32
        %parallel_loop3A_149 = vector.broadcast %parallel_loop3A_148 : i32 to vector<16xi32>
        %parallel_loop3A_150 = arith.addi %parallel_loop3A_149, %iota3A : vector<16xi32>
        %parallel_loop3A_151 = arith.constant 16 : i32
        %parallel_loop3A_152 = arith.muli %parallel_loop3A_146, %parallel_loop3A_151 : i32
        %parallel_loop3A_153 = arith.index_cast %add3A_81 : i32 to index
        %parallel_loop3A_154 = arith.index_cast %parallel_loop3A_152 : i32 to index
        %parallel_loop3A_155 = tpu.vector_load %arg7[%parallel_loop3A_153, %parallel_loop3A_154] {strides = array<i32>} : memref<16x256xf32, #tpu.memory_space<vmem>>, vector<16xf32>,
        %parallel_loop3A_156 = arith.fptosi %parallel_loop3A_155 : vector<16xf32> to vector<16xi32>
        %parallel_loop3A_157 = arith.sitofp %parallel_loop3A_156 : vector<16xi32> to vector<16xf32>
        %parallel_loop3A_158 = arith.subf %parallel_loop3A_155, %parallel_loop3A_157 : vector<16xf32>
        %parallel_loop3A_159 = arith.constant 4 : i32
        %parallel_loop3A_160 = vector.broadcast %parallel_loop3A_159 : i32 to vector<16xi32>
        %parallel_loop3A_161 = arith.subi %parallel_loop3A_156, %parallel_loop3A_160 : vector<16xi32>
        %parallel_loop3A_162 = arith.constant 1.000000e+00 : f32
        %parallel_loop3A_163 = vector.broadcast %parallel_loop3A_162 : f32 to vector<16xf32>
        %parallel_loop3A_164 = arith.subf %parallel_loop3A_163, %parallel_loop3A_158 : vector<16xf32>
        %parallel_loop3A_165 = arith.constant 0 : i32
        %parallel_loop3A_166 = vector.broadcast %parallel_loop3A_165 : i32 to vector<16xi32>
        %parallel_loop3A_167 = arith.addi %parallel_loop3A_161, %parallel_loop3A_166 : vector<16xi32>
        %parallel_loop3A_168 = arith.constant 0 : i32
        %parallel_loop3A_169 = arith.constant 127 : i32
        %parallel_loop3A_170 = vector.broadcast %parallel_loop3A_168 : i32 to vector<16xi32>
        %parallel_loop3A_171 = arith.maxsi %parallel_loop3A_170, %parallel_loop3A_167 : vector<16xi32>
        %parallel_loop3A_172 = vector.broadcast %parallel_loop3A_169 : i32 to vector<16xi32>
        %parallel_loop3A_173 = arith.minsi %parallel_loop3A_172, %parallel_loop3A_171 : vector<16xi32>
        %parallel_loop3A_174 = tpu.vector_load_idx %arg5[%parallel_loop3A_173, %parallel_loop3A_150] : memref<128x256xf32, #tpu.memory_space<vmem>>[vector<16xi32>, vector<16xi32>], vector<16xf32>,
        %parallel_loop3A_175 = arith.constant 1 : i32
        %parallel_loop3A_176 = vector.broadcast %parallel_loop3A_175 : i32 to vector<16xi32>
        %parallel_loop3A_177 = arith.addi %parallel_loop3A_161, %parallel_loop3A_176 : vector<16xi32>
        %parallel_loop3A_178 = arith.constant 0 : i32
        %parallel_loop3A_179 = arith.constant 127 : i32
        %parallel_loop3A_180 = vector.broadcast %parallel_loop3A_178 : i32 to vector<16xi32>
        %parallel_loop3A_181 = arith.maxsi %parallel_loop3A_180, %parallel_loop3A_177 : vector<16xi32>
        %parallel_loop3A_182 = vector.broadcast %parallel_loop3A_179 : i32 to vector<16xi32>
        %parallel_loop3A_183 = arith.minsi %parallel_loop3A_182, %parallel_loop3A_181 : vector<16xi32>
        %parallel_loop3A_184 = tpu.vector_load_idx %arg5[%parallel_loop3A_183, %parallel_loop3A_150] : memref<128x256xf32, #tpu.memory_space<vmem>>[vector<16xi32>, vector<16xi32>], vector<16xf32>,
        %parallel_loop3A_185 = arith.mulf %parallel_loop3A_164, %parallel_loop3A_174 : vector<16xf32>
        %parallel_loop3A_186 = arith.mulf %parallel_loop3A_158, %parallel_loop3A_184 : vector<16xf32>
        %parallel_loop3A_187 = arith.addf %parallel_loop3A_185, %parallel_loop3A_186 : vector<16xf32>
        %parallel_loop3A_188 = arith.constant 16 : i32
        %parallel_loop3A_189 = arith.muli %parallel_loop3A_146, %parallel_loop3A_188 : i32
        %parallel_loop3A_190 = arith.constant 0 : i32
        %parallel_loop3A_191 = arith.index_cast %parallel_loop3A_190 : i32 to index
        %parallel_loop3A_192 = arith.index_cast %parallel_loop3A_189 : i32 to index
        %parallel_loop3A_193 = tpu.vector_load %arg8[%parallel_loop3A_191, %parallel_loop3A_192] {strides = array<i32>} : memref<27x256xf32, #tpu.memory_space<vmem>>, vector<16xf32>,
        tpu.vector_store %arg8[%parallel_loop3A_191, %parallel_loop3A_192], %parallel_loop3A_187 {strides = array<i32>} : memref<27x256xf32, #tpu.memory_space<vmem>>, vector<16xf32>,
        %parallel_loop3A_194 = arith.constant 2 : i32
        %parallel_loop3A_195 = vector.broadcast %parallel_loop3A_194 : i32 to vector<16xi32>
        %parallel_loop3A_196 = arith.addi %parallel_loop3A_161, %parallel_loop3A_195 : vector<16xi32>
        %parallel_loop3A_197 = arith.constant 0 : i32
        %parallel_loop3A_198 = arith.constant 127 : i32
        %parallel_loop3A_199 = vector.broadcast %parallel_loop3A_197 : i32 to vector<16xi32>
        %parallel_loop3A_200 = arith.maxsi %parallel_loop3A_199, %parallel_loop3A_196 : vector<16xi32>
        %parallel_loop3A_201 = vector.broadcast %parallel_loop3A_198 : i32 to vector<16xi32>
        %parallel_loop3A_202 = arith.minsi %parallel_loop3A_201, %parallel_loop3A_200 : vector<16xi32>
        %parallel_loop3A_203 = tpu.vector_load_idx %arg5[%parallel_loop3A_202, %parallel_loop3A_150] : memref<128x256xf32, #tpu.memory_space<vmem>>[vector<16xi32>, vector<16xi32>], vector<16xf32>,
        %parallel_loop3A_204 = arith.mulf %parallel_loop3A_164, %parallel_loop3A_184 : vector<16xf32>
        %parallel_loop3A_205 = arith.mulf %parallel_loop3A_158, %parallel_loop3A_203 : vector<16xf32>
        %parallel_loop3A_206 = arith.addf %parallel_loop3A_204, %parallel_loop3A_205 : vector<16xf32>
        %parallel_loop3A_207 = arith.constant 16 : i32
        %parallel_loop3A_208 = arith.muli %parallel_loop3A_146, %parallel_loop3A_207 : i32
        %parallel_loop3A_209 = arith.constant 1 : i32
        %parallel_loop3A_210 = arith.index_cast %parallel_loop3A_209 : i32 to index
        %parallel_loop3A_211 = arith.index_cast %parallel_loop3A_208 : i32 to index
        %parallel_loop3A_212 = tpu.vector_load %arg8[%parallel_loop3A_210, %parallel_loop3A_211] {strides = array<i32>} : memref<27x256xf32, #tpu.memory_space<vmem>>, vector<16xf32>,
        tpu.vector_store %arg8[%parallel_loop3A_210, %parallel_loop3A_211], %parallel_loop3A_206 {strides = array<i32>} : memref<27x256xf32, #tpu.memory_space<vmem>>, vector<16xf32>,
        %parallel_loop3A_213 = arith.constant 3 : i32
        %parallel_loop3A_214 = vector.broadcast %parallel_loop3A_213 : i32 to vector<16xi32>
        %parallel_loop3A_215 = arith.addi %parallel_loop3A_161, %parallel_loop3A_214 : vector<16xi32>
        %parallel_loop3A_216 = arith.constant 0 : i32
        %parallel_loop3A_217 = arith.constant 127 : i32
        %parallel_loop3A_218 = vector.broadcast %parallel_loop3A_216 : i32 to vector<16xi32>
        %parallel_loop3A_219 = arith.maxsi %parallel_loop3A_218, %parallel_loop3A_215 : vector<16xi32>
        %parallel_loop3A_220 = vector.broadcast %parallel_loop3A_217 : i32 to vector<16xi32>
        %parallel_loop3A_221 = arith.minsi %parallel_loop3A_220, %parallel_loop3A_219 : vector<16xi32>
        %parallel_loop3A_222 = tpu.vector_load_idx %arg5[%parallel_loop3A_221, %parallel_loop3A_150] : memref<128x256xf32, #tpu.memory_space<vmem>>[vector<16xi32>, vector<16xi32>], vector<16xf32>,
        %parallel_loop3A_223 = arith.mulf %parallel_loop3A_164, %parallel_loop3A_203 : vector<16xf32>
        %parallel_loop3A_224 = arith.mulf %parallel_loop3A_158, %parallel_loop3A_222 : vector<16xf32>
        %parallel_loop3A_225 = arith.addf %parallel_loop3A_223, %parallel_loop3A_224 : vector<16xf32>
        %parallel_loop3A_226 = arith.constant 16 : i32
        %parallel_loop3A_227 = arith.muli %parallel_loop3A_146, %parallel_loop3A_226 : i32
        %parallel_loop3A_228 = arith.constant 2 : i32
        %parallel_loop3A_229 = arith.index_cast %parallel_loop3A_228 : i32 to index
        %parallel_loop3A_230 = arith.index_cast %parallel_loop3A_227 : i32 to index
        %parallel_loop3A_231 = tpu.vector_load %arg8[%parallel_loop3A_229, %parallel_loop3A_230] {strides = array<i32>} : memref<27x256xf32, #tpu.memory_space<vmem>>, vector<16xf32>,
        tpu.vector_store %arg8[%parallel_loop3A_229, %parallel_loop3A_230], %parallel_loop3A_225 {strides = array<i32>} : memref<27x256xf32, #tpu.memory_space<vmem>>, vector<16xf32>,
        %parallel_loop3A_232 = arith.constant 4 : i32
        %parallel_loop3A_233 = vector.broadcast %parallel_loop3A_232 : i32 to vector<16xi32>
        %parallel_loop3A_234 = arith.addi %parallel_loop3A_161, %parallel_loop3A_233 : vector<16xi32>
        %parallel_loop3A_235 = arith.constant 0 : i32
        %parallel_loop3A_236 = arith.constant 127 : i32
        %parallel_loop3A_237 = vector.broadcast %parallel_loop3A_235 : i32 to vector<16xi32>
        %parallel_loop3A_238 = arith.maxsi %parallel_loop3A_237, %parallel_loop3A_234 : vector<16xi32>
        %parallel_loop3A_239 = vector.broadcast %parallel_loop3A_236 : i32 to vector<16xi32>
        %parallel_loop3A_240 = arith.minsi %parallel_loop3A_239, %parallel_loop3A_238 : vector<16xi32>
        %parallel_loop3A_241 = tpu.vector_load_idx %arg5[%parallel_loop3A_240, %parallel_loop3A_150] : memref<128x256xf32, #tpu.memory_space<vmem>>[vector<16xi32>, vector<16xi32>], vector<16xf32>,
        %parallel_loop3A_242 = arith.mulf %parallel_loop3A_164, %parallel_loop3A_222 : vector<16xf32>
        %parallel_loop3A_243 = arith.mulf %parallel_loop3A_158, %parallel_loop3A_241 : vector<16xf32>
        %parallel_loop3A_244 = arith.addf %parallel_loop3A_242, %parallel_loop3A_243 : vector<16xf32>
        %parallel_loop3A_245 = arith.constant 16 : i32
        %parallel_loop3A_246 = arith.muli %parallel_loop3A_146, %parallel_loop3A_245 : i32
        %parallel_loop3A_247 = arith.constant 3 : i32
        %parallel_loop3A_248 = arith.index_cast %parallel_loop3A_247 : i32 to index
        %parallel_loop3A_249 = arith.index_cast %parallel_loop3A_246 : i32 to index
        %parallel_loop3A_250 = tpu.vector_load %arg8[%parallel_loop3A_248, %parallel_loop3A_249] {strides = array<i32>} : memref<27x256xf32, #tpu.memory_space<vmem>>, vector<16xf32>,
        tpu.vector_store %arg8[%parallel_loop3A_248, %parallel_loop3A_249], %parallel_loop3A_244 {strides = array<i32>} : memref<27x256xf32, #tpu.memory_space<vmem>>, vector<16xf32>,
        %parallel_loop3A_251 = arith.constant 5 : i32
        %parallel_loop3A_252 = vector.broadcast %parallel_loop3A_251 : i32 to vector<16xi32>
        %parallel_loop3A_253 = arith.addi %parallel_loop3A_161, %parallel_loop3A_252 : vector<16xi32>
        %parallel_loop3A_254 = arith.constant 0 : i32
        %parallel_loop3A_255 = arith.constant 127 : i32
        %parallel_loop3A_256 = vector.broadcast %parallel_loop3A_254 : i32 to vector<16xi32>
        %parallel_loop3A_257 = arith.maxsi %parallel_loop3A_256, %parallel_loop3A_253 : vector<16xi32>
        %parallel_loop3A_258 = vector.broadcast %parallel_loop3A_255 : i32 to vector<16xi32>
        %parallel_loop3A_259 = arith.minsi %parallel_loop3A_258, %parallel_loop3A_257 : vector<16xi32>
        %parallel_loop3A_260 = tpu.vector_load_idx %arg5[%parallel_loop3A_259, %parallel_loop3A_150] : memref<128x256xf32, #tpu.memory_space<vmem>>[vector<16xi32>, vector<16xi32>], vector<16xf32>,
        %parallel_loop3A_261 = arith.mulf %parallel_loop3A_164, %parallel_loop3A_241 : vector<16xf32>
        %parallel_loop3A_262 = arith.mulf %parallel_loop3A_158, %parallel_loop3A_260 : vector<16xf32>
        %parallel_loop3A_263 = arith.addf %parallel_loop3A_261, %parallel_loop3A_262 : vector<16xf32>
        %parallel_loop3A_264 = arith.constant 16 : i32
        %parallel_loop3A_265 = arith.muli %parallel_loop3A_146, %parallel_loop3A_264 : i32
        %parallel_loop3A_266 = arith.constant 4 : i32
        %parallel_loop3A_267 = arith.index_cast %parallel_loop3A_266 : i32 to index
        %parallel_loop3A_268 = arith.index_cast %parallel_loop3A_265 : i32 to index
        %parallel_loop3A_269 = tpu.vector_load %arg8[%parallel_loop3A_267, %parallel_loop3A_268] {strides = array<i32>} : memref<27x256xf32, #tpu.memory_space<vmem>>, vector<16xf32>,
        tpu.vector_store %arg8[%parallel_loop3A_267, %parallel_loop3A_268], %parallel_loop3A_263 {strides = array<i32>} : memref<27x256xf32, #tpu.memory_space<vmem>>, vector<16xf32>,
        %parallel_loop3A_270 = arith.constant 6 : i32
        %parallel_loop3A_271 = vector.broadcast %parallel_loop3A_270 : i32 to vector<16xi32>
        %parallel_loop3A_272 = arith.addi %parallel_loop3A_161, %parallel_loop3A_271 : vector<16xi32>
        %parallel_loop3A_273 = arith.constant 0 : i32
        %parallel_loop3A_274 = arith.constant 127 : i32
        %parallel_loop3A_275 = vector.broadcast %parallel_loop3A_273 : i32 to vector<16xi32>
        %parallel_loop3A_276 = arith.maxsi %parallel_loop3A_275, %parallel_loop3A_272 : vector<16xi32>
        %parallel_loop3A_277 = vector.broadcast %parallel_loop3A_274 : i32 to vector<16xi32>
        %parallel_loop3A_278 = arith.minsi %parallel_loop3A_277, %parallel_loop3A_276 : vector<16xi32>
        %parallel_loop3A_279 = tpu.vector_load_idx %arg5[%parallel_loop3A_278, %parallel_loop3A_150] : memref<128x256xf32, #tpu.memory_space<vmem>>[vector<16xi32>, vector<16xi32>], vector<16xf32>,
        %parallel_loop3A_280 = arith.mulf %parallel_loop3A_164, %parallel_loop3A_260 : vector<16xf32>
        %parallel_loop3A_281 = arith.mulf %parallel_loop3A_158, %parallel_loop3A_279 : vector<16xf32>
        %parallel_loop3A_282 = arith.addf %parallel_loop3A_280, %parallel_loop3A_281 : vector<16xf32>
        %parallel_loop3A_283 = arith.constant 16 : i32
        %parallel_loop3A_284 = arith.muli %parallel_loop3A_146, %parallel_loop3A_283 : i32
        %parallel_loop3A_285 = arith.constant 5 : i32
        %parallel_loop3A_286 = arith.index_cast %parallel_loop3A_285 : i32 to index
        %parallel_loop3A_287 = arith.index_cast %parallel_loop3A_284 : i32 to index
        %parallel_loop3A_288 = tpu.vector_load %arg8[%parallel_loop3A_286, %parallel_loop3A_287] {strides = array<i32>} : memref<27x256xf32, #tpu.memory_space<vmem>>, vector<16xf32>,
        tpu.vector_store %arg8[%parallel_loop3A_286, %parallel_loop3A_287], %parallel_loop3A_282 {strides = array<i32>} : memref<27x256xf32, #tpu.memory_space<vmem>>, vector<16xf32>,
        %parallel_loop3A_289 = arith.constant 7 : i32
        %parallel_loop3A_290 = vector.broadcast %parallel_loop3A_289 : i32 to vector<16xi32>
        %parallel_loop3A_291 = arith.addi %parallel_loop3A_161, %parallel_loop3A_290 : vector<16xi32>
        %parallel_loop3A_292 = arith.constant 0 : i32
        %parallel_loop3A_293 = arith.constant 127 : i32
        %parallel_loop3A_294 = vector.broadcast %parallel_loop3A_292 : i32 to vector<16xi32>
        %parallel_loop3A_295 = arith.maxsi %parallel_loop3A_294, %parallel_loop3A_291 : vector<16xi32>
        %parallel_loop3A_296 = vector.broadcast %parallel_loop3A_293 : i32 to vector<16xi32>
        %parallel_loop3A_297 = arith.minsi %parallel_loop3A_296, %parallel_loop3A_295 : vector<16xi32>
        %parallel_loop3A_298 = tpu.vector_load_idx %arg5[%parallel_loop3A_297, %parallel_loop3A_150] : memref<128x256xf32, #tpu.memory_space<vmem>>[vector<16xi32>, vector<16xi32>], vector<16xf32>,
        %parallel_loop3A_299 = arith.mulf %parallel_loop3A_164, %parallel_loop3A_279 : vector<16xf32>
        %parallel_loop3A_300 = arith.mulf %parallel_loop3A_158, %parallel_loop3A_298 : vector<16xf32>
        %parallel_loop3A_301 = arith.addf %parallel_loop3A_299, %parallel_loop3A_300 : vector<16xf32>
        %parallel_loop3A_302 = arith.constant 16 : i32
        %parallel_loop3A_303 = arith.muli %parallel_loop3A_146, %parallel_loop3A_302 : i32
        %parallel_loop3A_304 = arith.constant 6 : i32
        %parallel_loop3A_305 = arith.index_cast %parallel_loop3A_304 : i32 to index
        %parallel_loop3A_306 = arith.index_cast %parallel_loop3A_303 : i32 to index
        %parallel_loop3A_307 = tpu.vector_load %arg8[%parallel_loop3A_305, %parallel_loop3A_306] {strides = array<i32>} : memref<27x256xf32, #tpu.memory_space<vmem>>, vector<16xf32>,
        tpu.vector_store %arg8[%parallel_loop3A_305, %parallel_loop3A_306], %parallel_loop3A_301 {strides = array<i32>} : memref<27x256xf32, #tpu.memory_space<vmem>>, vector<16xf32>,
        %parallel_loop3A_308 = arith.constant 8 : i32
        %parallel_loop3A_309 = vector.broadcast %parallel_loop3A_308 : i32 to vector<16xi32>
        %parallel_loop3A_310 = arith.addi %parallel_loop3A_161, %parallel_loop3A_309 : vector<16xi32>
        %parallel_loop3A_311 = arith.constant 0 : i32
        %parallel_loop3A_312 = arith.constant 127 : i32
        %parallel_loop3A_313 = vector.broadcast %parallel_loop3A_311 : i32 to vector<16xi32>
        %parallel_loop3A_314 = arith.maxsi %parallel_loop3A_313, %parallel_loop3A_310 : vector<16xi32>
        %parallel_loop3A_315 = vector.broadcast %parallel_loop3A_312 : i32 to vector<16xi32>
        %parallel_loop3A_316 = arith.minsi %parallel_loop3A_315, %parallel_loop3A_314 : vector<16xi32>
        %parallel_loop3A_317 = tpu.vector_load_idx %arg5[%parallel_loop3A_316, %parallel_loop3A_150] : memref<128x256xf32, #tpu.memory_space<vmem>>[vector<16xi32>, vector<16xi32>], vector<16xf32>,
        %parallel_loop3A_318 = arith.mulf %parallel_loop3A_164, %parallel_loop3A_298 : vector<16xf32>
        %parallel_loop3A_319 = arith.mulf %parallel_loop3A_158, %parallel_loop3A_317 : vector<16xf32>
        %parallel_loop3A_320 = arith.addf %parallel_loop3A_318, %parallel_loop3A_319 : vector<16xf32>
        %parallel_loop3A_321 = arith.constant 16 : i32
        %parallel_loop3A_322 = arith.muli %parallel_loop3A_146, %parallel_loop3A_321 : i32
        %parallel_loop3A_323 = arith.constant 7 : i32
        %parallel_loop3A_324 = arith.index_cast %parallel_loop3A_323 : i32 to index
        %parallel_loop3A_325 = arith.index_cast %parallel_loop3A_322 : i32 to index
        %parallel_loop3A_326 = tpu.vector_load %arg8[%parallel_loop3A_324, %parallel_loop3A_325] {strides = array<i32>} : memref<27x256xf32, #tpu.memory_space<vmem>>, vector<16xf32>,
        tpu.vector_store %arg8[%parallel_loop3A_324, %parallel_loop3A_325], %parallel_loop3A_320 {strides = array<i32>} : memref<27x256xf32, #tpu.memory_space<vmem>>, vector<16xf32>,
        %parallel_loop3A_327 = arith.constant 9 : i32
        %parallel_loop3A_328 = vector.broadcast %parallel_loop3A_327 : i32 to vector<16xi32>
        %parallel_loop3A_329 = arith.addi %parallel_loop3A_161, %parallel_loop3A_328 : vector<16xi32>
        %parallel_loop3A_330 = arith.constant 0 : i32
        %parallel_loop3A_331 = arith.constant 127 : i32
        %parallel_loop3A_332 = vector.broadcast %parallel_loop3A_330 : i32 to vector<16xi32>
        %parallel_loop3A_333 = arith.maxsi %parallel_loop3A_332, %parallel_loop3A_329 : vector<16xi32>
        %parallel_loop3A_334 = vector.broadcast %parallel_loop3A_331 : i32 to vector<16xi32>
        %parallel_loop3A_335 = arith.minsi %parallel_loop3A_334, %parallel_loop3A_333 : vector<16xi32>
        %parallel_loop3A_336 = tpu.vector_load_idx %arg5[%parallel_loop3A_335, %parallel_loop3A_150] : memref<128x256xf32, #tpu.memory_space<vmem>>[vector<16xi32>, vector<16xi32>], vector<16xf32>,
        %parallel_loop3A_337 = arith.mulf %parallel_loop3A_164, %parallel_loop3A_317 : vector<16xf32>
        %parallel_loop3A_338 = arith.mulf %parallel_loop3A_158, %parallel_loop3A_336 : vector<16xf32>
        %parallel_loop3A_339 = arith.addf %parallel_loop3A_337, %parallel_loop3A_338 : vector<16xf32>
        %parallel_loop3A_340 = arith.constant 16 : i32
        %parallel_loop3A_341 = arith.muli %parallel_loop3A_146, %parallel_loop3A_340 : i32
        %parallel_loop3A_342 = arith.constant 8 : i32
        %parallel_loop3A_343 = arith.index_cast %parallel_loop3A_342 : i32 to index
        %parallel_loop3A_344 = arith.index_cast %parallel_loop3A_341 : i32 to index
        %parallel_loop3A_345 = tpu.vector_load %arg8[%parallel_loop3A_343, %parallel_loop3A_344] {strides = array<i32>} : memref<27x256xf32, #tpu.memory_space<vmem>>, vector<16xf32>,
        tpu.vector_store %arg8[%parallel_loop3A_343, %parallel_loop3A_344], %parallel_loop3A_339 {strides = array<i32>} : memref<27x256xf32, #tpu.memory_space<vmem>>, vector<16xf32>,
        %parallel_loop3A_346 = arith.constant 5.000000e-01 : f32
        %parallel_loop3A_347 = vector.broadcast %parallel_loop3A_346 : f32 to vector<16xf32>
        %parallel_loop3A_348 = arith.mulf %parallel_loop3A_155, %parallel_loop3A_347 : vector<16xf32>
        %parallel_loop3A_349 = arith.fptosi %parallel_loop3A_348 : vector<16xf32> to vector<16xi32>
        %parallel_loop3A_350 = arith.sitofp %parallel_loop3A_349 : vector<16xi32> to vector<16xf32>
        %parallel_loop3A_351 = arith.subf %parallel_loop3A_348, %parallel_loop3A_350 : vector<16xf32>
        %parallel_loop3A_352 = arith.constant 2.500000e-01 : f32
        %parallel_loop3A_353 = vector.broadcast %parallel_loop3A_352 : f32 to vector<16xf32>
        %parallel_loop3A_354 = arith.mulf %parallel_loop3A_155, %parallel_loop3A_353 : vector<16xf32>
        %parallel_loop3A_355 = arith.fptosi %parallel_loop3A_354 : vector<16xf32> to vector<16xi32>
        %parallel_loop3A_356 = arith.sitofp %parallel_loop3A_355 : vector<16xi32> to vector<16xf32>
        %parallel_loop3A_357 = arith.subf %parallel_loop3A_354, %parallel_loop3A_356 : vector<16xf32>
        %parallel_loop3A_358 = arith.constant 2 : i32
        %parallel_loop3A_359 = vector.broadcast %parallel_loop3A_358 : i32 to vector<16xi32>
        %parallel_loop3A_360 = arith.muli %parallel_loop3A_359, %parallel_loop3A_355 : vector<16xi32>
        %parallel_loop3A_361 = arith.constant 8 : i32
        %parallel_loop3A_362 = vector.broadcast %parallel_loop3A_361 : i32 to vector<16xi32>
        %parallel_loop3A_363 = arith.subi %parallel_loop3A_360, %parallel_loop3A_362 : vector<16xi32>
        %parallel_loop3A_364 = arith.constant 4 : i32
        %parallel_loop3A_365 = vector.broadcast %parallel_loop3A_364 : i32 to vector<16xi32>
        %parallel_loop3A_366 = arith.subi %parallel_loop3A_349, %parallel_loop3A_365 : vector<16xi32>
        %parallel_loop3A_367 = arith.subi %parallel_loop3A_366, %parallel_loop3A_363 : vector<16xi32>
        %parallel_loop3A_368 = arith.constant 5 : i32
        %parallel_loop3A_369 = vector.broadcast %parallel_loop3A_368 : i32 to vector<16xi32>
        %parallel_loop3A_370 = arith.cmpi eq, %parallel_loop3A_367, %parallel_loop3A_369 : vector<16xi32>
        %parallel_loop3A_371 = arith.constant 0 : i32
        %parallel_loop3A_372 = vector.broadcast %parallel_loop3A_371 : i32 to vector<16xi32>
        %parallel_loop3A_373 = arith.addi %parallel_loop3A_363, %parallel_loop3A_372 : vector<16xi32>
        %parallel_loop3A_374 = arith.constant 0 : i32
        %parallel_loop3A_375 = arith.constant 63 : i32
        %parallel_loop3A_376 = vector.broadcast %parallel_loop3A_374 : i32 to vector<16xi32>
        %parallel_loop3A_377 = arith.maxsi %parallel_loop3A_376, %parallel_loop3A_373 : vector<16xi32>
        %parallel_loop3A_378 = vector.broadcast %parallel_loop3A_375 : i32 to vector<16xi32>
        %parallel_loop3A_379 = arith.minsi %parallel_loop3A_378, %parallel_loop3A_377 : vector<16xi32>
        %parallel_loop3A_380 = arith.constant 1 : i32
        %parallel_loop3A_381 = vector.broadcast %parallel_loop3A_380 : i32 to vector<16xi32>
        %parallel_loop3A_382 = arith.shli %parallel_loop3A_379, %parallel_loop3A_381 : vector<16xi32>
        %parallel_loop3A_383 = tpu.vector_load_idx %arg5[%parallel_loop3A_382, %parallel_loop3A_150] : memref<128x256xf32, #tpu.memory_space<vmem>>[vector<16xi32>, vector<16xi32>], vector<16xf32>,
        %parallel_loop3A_384 = arith.constant 1 : i32
        %parallel_loop3A_385 = vector.broadcast %parallel_loop3A_384 : i32 to vector<16xi32>
        %parallel_loop3A_386 = arith.addi %parallel_loop3A_382, %parallel_loop3A_385 : vector<16xi32>
        %parallel_loop3A_387 = tpu.vector_load_idx %arg5[%parallel_loop3A_386, %parallel_loop3A_150] : memref<128x256xf32, #tpu.memory_space<vmem>>[vector<16xi32>, vector<16xi32>], vector<16xf32>,
        %parallel_loop3A_388 = arith.addf %parallel_loop3A_383, %parallel_loop3A_387 : vector<16xf32>
        %parallel_loop3A_389 = arith.constant 1 : i32
        %parallel_loop3A_390 = vector.broadcast %parallel_loop3A_389 : i32 to vector<16xi32>
        %parallel_loop3A_391 = arith.addi %parallel_loop3A_363, %parallel_loop3A_390 : vector<16xi32>
        %parallel_loop3A_392 = arith.constant 0 : i32
        %parallel_loop3A_393 = arith.constant 63 : i32
        %parallel_loop3A_394 = vector.broadcast %parallel_loop3A_392 : i32 to vector<16xi32>
        %parallel_loop3A_395 = arith.maxsi %parallel_loop3A_394, %parallel_loop3A_391 : vector<16xi32>
        %parallel_loop3A_396 = vector.broadcast %parallel_loop3A_393 : i32 to vector<16xi32>
        %parallel_loop3A_397 = arith.minsi %parallel_loop3A_396, %parallel_loop3A_395 : vector<16xi32>
        %parallel_loop3A_398 = arith.constant 1 : i32
        %parallel_loop3A_399 = vector.broadcast %parallel_loop3A_398 : i32 to vector<16xi32>
        %parallel_loop3A_400 = arith.shli %parallel_loop3A_397, %parallel_loop3A_399 : vector<16xi32>
        %parallel_loop3A_401 = tpu.vector_load_idx %arg5[%parallel_loop3A_400, %parallel_loop3A_150] : memref<128x256xf32, #tpu.memory_space<vmem>>[vector<16xi32>, vector<16xi32>], vector<16xf32>,
        %parallel_loop3A_402 = arith.constant 1 : i32
        %parallel_loop3A_403 = vector.broadcast %parallel_loop3A_402 : i32 to vector<16xi32>
        %parallel_loop3A_404 = arith.addi %parallel_loop3A_400, %parallel_loop3A_403 : vector<16xi32>
        %parallel_loop3A_405 = tpu.vector_load_idx %arg5[%parallel_loop3A_404, %parallel_loop3A_150] : memref<128x256xf32, #tpu.memory_space<vmem>>[vector<16xi32>, vector<16xi32>], vector<16xf32>,
        %parallel_loop3A_406 = arith.addf %parallel_loop3A_401, %parallel_loop3A_405 : vector<16xf32>
        %parallel_loop3A_407 = arith.constant 2 : i32
        %parallel_loop3A_408 = vector.broadcast %parallel_loop3A_407 : i32 to vector<16xi32>
        %parallel_loop3A_409 = arith.addi %parallel_loop3A_363, %parallel_loop3A_408 : vector<16xi32>
        %parallel_loop3A_410 = arith.constant 0 : i32
        %parallel_loop3A_411 = arith.constant 63 : i32
        %parallel_loop3A_412 = vector.broadcast %parallel_loop3A_410 : i32 to vector<16xi32>
        %parallel_loop3A_413 = arith.maxsi %parallel_loop3A_412, %parallel_loop3A_409 : vector<16xi32>
        %parallel_loop3A_414 = vector.broadcast %parallel_loop3A_411 : i32 to vector<16xi32>
        %parallel_loop3A_415 = arith.minsi %parallel_loop3A_414, %parallel_loop3A_413 : vector<16xi32>
        %parallel_loop3A_416 = arith.constant 1 : i32
        %parallel_loop3A_417 = vector.broadcast %parallel_loop3A_416 : i32 to vector<16xi32>
        %parallel_loop3A_418 = arith.shli %parallel_loop3A_415, %parallel_loop3A_417 : vector<16xi32>
        %parallel_loop3A_419 = tpu.vector_load_idx %arg5[%parallel_loop3A_418, %parallel_loop3A_150] : memref<128x256xf32, #tpu.memory_space<vmem>>[vector<16xi32>, vector<16xi32>], vector<16xf32>,
        %parallel_loop3A_420 = arith.constant 1 : i32
        %parallel_loop3A_421 = vector.broadcast %parallel_loop3A_420 : i32 to vector<16xi32>
        %parallel_loop3A_422 = arith.addi %parallel_loop3A_418, %parallel_loop3A_421 : vector<16xi32>
        %parallel_loop3A_423 = tpu.vector_load_idx %arg5[%parallel_loop3A_422, %parallel_loop3A_150] : memref<128x256xf32, #tpu.memory_space<vmem>>[vector<16xi32>, vector<16xi32>], vector<16xf32>,
        %parallel_loop3A_424 = arith.addf %parallel_loop3A_419, %parallel_loop3A_423 : vector<16xf32>
        %parallel_loop3A_425 = arith.constant 3 : i32
        %parallel_loop3A_426 = vector.broadcast %parallel_loop3A_425 : i32 to vector<16xi32>
        %parallel_loop3A_427 = arith.addi %parallel_loop3A_363, %parallel_loop3A_426 : vector<16xi32>
        %parallel_loop3A_428 = arith.constant 0 : i32
        %parallel_loop3A_429 = arith.constant 63 : i32
        %parallel_loop3A_430 = vector.broadcast %parallel_loop3A_428 : i32 to vector<16xi32>
        %parallel_loop3A_431 = arith.maxsi %parallel_loop3A_430, %parallel_loop3A_427 : vector<16xi32>
        %parallel_loop3A_432 = vector.broadcast %parallel_loop3A_429 : i32 to vector<16xi32>
        %parallel_loop3A_433 = arith.minsi %parallel_loop3A_432, %parallel_loop3A_431 : vector<16xi32>
        %parallel_loop3A_434 = arith.constant 1 : i32
        %parallel_loop3A_435 = vector.broadcast %parallel_loop3A_434 : i32 to vector<16xi32>
        %parallel_loop3A_436 = arith.shli %parallel_loop3A_433, %parallel_loop3A_435 : vector<16xi32>
        %parallel_loop3A_437 = tpu.vector_load_idx %arg5[%parallel_loop3A_436, %parallel_loop3A_150] : memref<128x256xf32, #tpu.memory_space<vmem>>[vector<16xi32>, vector<16xi32>], vector<16xf32>,
        %parallel_loop3A_438 = arith.constant 1 : i32
        %parallel_loop3A_439 = vector.broadcast %parallel_loop3A_438 : i32 to vector<16xi32>
        %parallel_loop3A_440 = arith.addi %parallel_loop3A_436, %parallel_loop3A_439 : vector<16xi32>
        %parallel_loop3A_441 = tpu.vector_load_idx %arg5[%parallel_loop3A_440, %parallel_loop3A_150] : memref<128x256xf32, #tpu.memory_space<vmem>>[vector<16xi32>, vector<16xi32>], vector<16xf32>,
        %parallel_loop3A_442 = arith.addf %parallel_loop3A_437, %parallel_loop3A_441 : vector<16xf32>
        %parallel_loop3A_443 = arith.constant 4 : i32
        %parallel_loop3A_444 = vector.broadcast %parallel_loop3A_443 : i32 to vector<16xi32>
        %parallel_loop3A_445 = arith.addi %parallel_loop3A_363, %parallel_loop3A_444 : vector<16xi32>
        %parallel_loop3A_446 = arith.constant 0 : i32
        %parallel_loop3A_447 = arith.constant 63 : i32
        %parallel_loop3A_448 = vector.broadcast %parallel_loop3A_446 : i32 to vector<16xi32>
        %parallel_loop3A_449 = arith.maxsi %parallel_loop3A_448, %parallel_loop3A_445 : vector<16xi32>
        %parallel_loop3A_450 = vector.broadcast %parallel_loop3A_447 : i32 to vector<16xi32>
        %parallel_loop3A_451 = arith.minsi %parallel_loop3A_450, %parallel_loop3A_449 : vector<16xi32>
        %parallel_loop3A_452 = arith.constant 1 : i32
        %parallel_loop3A_453 = vector.broadcast %parallel_loop3A_452 : i32 to vector<16xi32>
        %parallel_loop3A_454 = arith.shli %parallel_loop3A_451, %parallel_loop3A_453 : vector<16xi32>
        %parallel_loop3A_455 = tpu.vector_load_idx %arg5[%parallel_loop3A_454, %parallel_loop3A_150] : memref<128x256xf32, #tpu.memory_space<vmem>>[vector<16xi32>, vector<16xi32>], vector<16xf32>,
        %parallel_loop3A_456 = arith.constant 1 : i32
        %parallel_loop3A_457 = vector.broadcast %parallel_loop3A_456 : i32 to vector<16xi32>
        %parallel_loop3A_458 = arith.addi %parallel_loop3A_454, %parallel_loop3A_457 : vector<16xi32>
        %parallel_loop3A_459 = tpu.vector_load_idx %arg5[%parallel_loop3A_458, %parallel_loop3A_150] : memref<128x256xf32, #tpu.memory_space<vmem>>[vector<16xi32>, vector<16xi32>], vector<16xf32>,
        %parallel_loop3A_460 = arith.addf %parallel_loop3A_455, %parallel_loop3A_459 : vector<16xf32>
        %parallel_loop3A_461 = arith.constant 5 : i32
        %parallel_loop3A_462 = vector.broadcast %parallel_loop3A_461 : i32 to vector<16xi32>
        %parallel_loop3A_463 = arith.addi %parallel_loop3A_363, %parallel_loop3A_462 : vector<16xi32>
        %parallel_loop3A_464 = arith.constant 0 : i32
        %parallel_loop3A_465 = arith.constant 63 : i32
        %parallel_loop3A_466 = vector.broadcast %parallel_loop3A_464 : i32 to vector<16xi32>
        %parallel_loop3A_467 = arith.maxsi %parallel_loop3A_466, %parallel_loop3A_463 : vector<16xi32>
        %parallel_loop3A_468 = vector.broadcast %parallel_loop3A_465 : i32 to vector<16xi32>
        %parallel_loop3A_469 = arith.minsi %parallel_loop3A_468, %parallel_loop3A_467 : vector<16xi32>
        %parallel_loop3A_470 = arith.constant 1 : i32
        %parallel_loop3A_471 = vector.broadcast %parallel_loop3A_470 : i32 to vector<16xi32>
        %parallel_loop3A_472 = arith.shli %parallel_loop3A_469, %parallel_loop3A_471 : vector<16xi32>
        %parallel_loop3A_473 = tpu.vector_load_idx %arg5[%parallel_loop3A_472, %parallel_loop3A_150] : memref<128x256xf32, #tpu.memory_space<vmem>>[vector<16xi32>, vector<16xi32>], vector<16xf32>,
        %parallel_loop3A_474 = arith.constant 1 : i32
        %parallel_loop3A_475 = vector.broadcast %parallel_loop3A_474 : i32 to vector<16xi32>
        %parallel_loop3A_476 = arith.addi %parallel_loop3A_472, %parallel_loop3A_475 : vector<16xi32>
        %parallel_loop3A_477 = tpu.vector_load_idx %arg5[%parallel_loop3A_476, %parallel_loop3A_150] : memref<128x256xf32, #tpu.memory_space<vmem>>[vector<16xi32>, vector<16xi32>], vector<16xf32>,
        %parallel_loop3A_478 = arith.addf %parallel_loop3A_473, %parallel_loop3A_477 : vector<16xf32>
        %parallel_loop3A_479 = arith.constant 6 : i32
        %parallel_loop3A_480 = vector.broadcast %parallel_loop3A_479 : i32 to vector<16xi32>
        %parallel_loop3A_481 = arith.addi %parallel_loop3A_363, %parallel_loop3A_480 : vector<16xi32>
        %parallel_loop3A_482 = arith.constant 0 : i32
        %parallel_loop3A_483 = arith.constant 63 : i32
        %parallel_loop3A_484 = vector.broadcast %parallel_loop3A_482 : i32 to vector<16xi32>
        %parallel_loop3A_485 = arith.maxsi %parallel_loop3A_484, %parallel_loop3A_481 : vector<16xi32>
        %parallel_loop3A_486 = vector.broadcast %parallel_loop3A_483 : i32 to vector<16xi32>
        %parallel_loop3A_487 = arith.minsi %parallel_loop3A_486, %parallel_loop3A_485 : vector<16xi32>
        %parallel_loop3A_488 = arith.constant 1 : i32
        %parallel_loop3A_489 = vector.broadcast %parallel_loop3A_488 : i32 to vector<16xi32>
        %parallel_loop3A_490 = arith.shli %parallel_loop3A_487, %parallel_loop3A_489 : vector<16xi32>
        %parallel_loop3A_491 = tpu.vector_load_idx %arg5[%parallel_loop3A_490, %parallel_loop3A_150] : memref<128x256xf32, #tpu.memory_space<vmem>>[vector<16xi32>, vector<16xi32>], vector<16xf32>,
        %parallel_loop3A_492 = arith.constant 1 : i32
        %parallel_loop3A_493 = vector.broadcast %parallel_loop3A_492 : i32 to vector<16xi32>
        %parallel_loop3A_494 = arith.addi %parallel_loop3A_490, %parallel_loop3A_493 : vector<16xi32>
        %parallel_loop3A_495 = tpu.vector_load_idx %arg5[%parallel_loop3A_494, %parallel_loop3A_150] : memref<128x256xf32, #tpu.memory_space<vmem>>[vector<16xi32>, vector<16xi32>], vector<16xf32>,
        %parallel_loop3A_496 = arith.addf %parallel_loop3A_491, %parallel_loop3A_495 : vector<16xf32>
        %parallel_loop3A_497 = arith.constant 7 : i32
        %parallel_loop3A_498 = vector.broadcast %parallel_loop3A_497 : i32 to vector<16xi32>
        %parallel_loop3A_499 = arith.addi %parallel_loop3A_363, %parallel_loop3A_498 : vector<16xi32>
        %parallel_loop3A_500 = arith.constant 0 : i32
        %parallel_loop3A_501 = arith.constant 63 : i32
        %parallel_loop3A_502 = vector.broadcast %parallel_loop3A_500 : i32 to vector<16xi32>
        %parallel_loop3A_503 = arith.maxsi %parallel_loop3A_502, %parallel_loop3A_499 : vector<16xi32>
        %parallel_loop3A_504 = vector.broadcast %parallel_loop3A_501 : i32 to vector<16xi32>
        %parallel_loop3A_505 = arith.minsi %parallel_loop3A_504, %parallel_loop3A_503 : vector<16xi32>
        %parallel_loop3A_506 = arith.constant 1 : i32
        %parallel_loop3A_507 = vector.broadcast %parallel_loop3A_506 : i32 to vector<16xi32>
        %parallel_loop3A_508 = arith.shli %parallel_loop3A_505, %parallel_loop3A_507 : vector<16xi32>
        %parallel_loop3A_509 = tpu.vector_load_idx %arg5[%parallel_loop3A_508, %parallel_loop3A_150] : memref<128x256xf32, #tpu.memory_space<vmem>>[vector<16xi32>, vector<16xi32>], vector<16xf32>,
        %parallel_loop3A_510 = arith.constant 1 : i32
        %parallel_loop3A_511 = vector.broadcast %parallel_loop3A_510 : i32 to vector<16xi32>
        %parallel_loop3A_512 = arith.addi %parallel_loop3A_508, %parallel_loop3A_511 : vector<16xi32>
        %parallel_loop3A_513 = tpu.vector_load_idx %arg5[%parallel_loop3A_512, %parallel_loop3A_150] : memref<128x256xf32, #tpu.memory_space<vmem>>[vector<16xi32>, vector<16xi32>], vector<16xf32>,
        %parallel_loop3A_514 = arith.addf %parallel_loop3A_509, %parallel_loop3A_513 : vector<16xf32>
        %parallel_loop3A_515 = arith.constant 8 : i32
        %parallel_loop3A_516 = vector.broadcast %parallel_loop3A_515 : i32 to vector<16xi32>
        %parallel_loop3A_517 = arith.addi %parallel_loop3A_363, %parallel_loop3A_516 : vector<16xi32>
        %parallel_loop3A_518 = arith.constant 0 : i32
        %parallel_loop3A_519 = arith.constant 63 : i32
        %parallel_loop3A_520 = vector.broadcast %parallel_loop3A_518 : i32 to vector<16xi32>
        %parallel_loop3A_521 = arith.maxsi %parallel_loop3A_520, %parallel_loop3A_517 : vector<16xi32>
        %parallel_loop3A_522 = vector.broadcast %parallel_loop3A_519 : i32 to vector<16xi32>
        %parallel_loop3A_523 = arith.minsi %parallel_loop3A_522, %parallel_loop3A_521 : vector<16xi32>
        %parallel_loop3A_524 = arith.constant 1 : i32
        %parallel_loop3A_525 = vector.broadcast %parallel_loop3A_524 : i32 to vector<16xi32>
        %parallel_loop3A_526 = arith.shli %parallel_loop3A_523, %parallel_loop3A_525 : vector<16xi32>
        %parallel_loop3A_527 = tpu.vector_load_idx %arg5[%parallel_loop3A_526, %parallel_loop3A_150] : memref<128x256xf32, #tpu.memory_space<vmem>>[vector<16xi32>, vector<16xi32>], vector<16xf32>,
        %parallel_loop3A_528 = arith.constant 1 : i32
        %parallel_loop3A_529 = vector.broadcast %parallel_loop3A_528 : i32 to vector<16xi32>
        %parallel_loop3A_530 = arith.addi %parallel_loop3A_526, %parallel_loop3A_529 : vector<16xi32>
        %parallel_loop3A_531 = tpu.vector_load_idx %arg5[%parallel_loop3A_530, %parallel_loop3A_150] : memref<128x256xf32, #tpu.memory_space<vmem>>[vector<16xi32>, vector<16xi32>], vector<16xf32>,
        %parallel_loop3A_532 = arith.addf %parallel_loop3A_527, %parallel_loop3A_531 : vector<16xf32>
        %parallel_loop3A_533 = arith.constant 9 : i32
        %parallel_loop3A_534 = vector.broadcast %parallel_loop3A_533 : i32 to vector<16xi32>
        %parallel_loop3A_535 = arith.addi %parallel_loop3A_363, %parallel_loop3A_534 : vector<16xi32>
        %parallel_loop3A_536 = arith.constant 0 : i32
        %parallel_loop3A_537 = arith.constant 63 : i32
        %parallel_loop3A_538 = vector.broadcast %parallel_loop3A_536 : i32 to vector<16xi32>
        %parallel_loop3A_539 = arith.maxsi %parallel_loop3A_538, %parallel_loop3A_535 : vector<16xi32>
        %parallel_loop3A_540 = vector.broadcast %parallel_loop3A_537 : i32 to vector<16xi32>
        %parallel_loop3A_541 = arith.minsi %parallel_loop3A_540, %parallel_loop3A_539 : vector<16xi32>
        %parallel_loop3A_542 = arith.constant 1 : i32
        %parallel_loop3A_543 = vector.broadcast %parallel_loop3A_542 : i32 to vector<16xi32>
        %parallel_loop3A_544 = arith.shli %parallel_loop3A_541, %parallel_loop3A_543 : vector<16xi32>
        %parallel_loop3A_545 = tpu.vector_load_idx %arg5[%parallel_loop3A_544, %parallel_loop3A_150] : memref<128x256xf32, #tpu.memory_space<vmem>>[vector<16xi32>, vector<16xi32>], vector<16xf32>,
        %parallel_loop3A_546 = arith.constant 1 : i32
        %parallel_loop3A_547 = vector.broadcast %parallel_loop3A_546 : i32 to vector<16xi32>
        %parallel_loop3A_548 = arith.addi %parallel_loop3A_544, %parallel_loop3A_547 : vector<16xi32>
        %parallel_loop3A_549 = tpu.vector_load_idx %arg5[%parallel_loop3A_548, %parallel_loop3A_150] : memref<128x256xf32, #tpu.memory_space<vmem>>[vector<16xi32>, vector<16xi32>], vector<16xf32>,
        %parallel_loop3A_550 = arith.addf %parallel_loop3A_545, %parallel_loop3A_549 : vector<16xf32>
        %parallel_loop3A_551 = arith.constant 10 : i32
        %parallel_loop3A_552 = vector.broadcast %parallel_loop3A_551 : i32 to vector<16xi32>
        %parallel_loop3A_553 = arith.addi %parallel_loop3A_363, %parallel_loop3A_552 : vector<16xi32>
        %parallel_loop3A_554 = arith.constant 0 : i32
        %parallel_loop3A_555 = arith.constant 63 : i32
        %parallel_loop3A_556 = vector.broadcast %parallel_loop3A_554 : i32 to vector<16xi32>
        %parallel_loop3A_557 = arith.maxsi %parallel_loop3A_556, %parallel_loop3A_553 : vector<16xi32>
        %parallel_loop3A_558 = vector.broadcast %parallel_loop3A_555 : i32 to vector<16xi32>
        %parallel_loop3A_559 = arith.minsi %parallel_loop3A_558, %parallel_loop3A_557 : vector<16xi32>
        %parallel_loop3A_560 = arith.constant 1 : i32
        %parallel_loop3A_561 = vector.broadcast %parallel_loop3A_560 : i32 to vector<16xi32>
        %parallel_loop3A_562 = arith.shli %parallel_loop3A_559, %parallel_loop3A_561 : vector<16xi32>
        %parallel_loop3A_563 = tpu.vector_load_idx %arg5[%parallel_loop3A_562, %parallel_loop3A_150] : memref<128x256xf32, #tpu.memory_space<vmem>>[vector<16xi32>, vector<16xi32>], vector<16xf32>,
        %parallel_loop3A_564 = arith.constant 1 : i32
        %parallel_loop3A_565 = vector.broadcast %parallel_loop3A_564 : i32 to vector<16xi32>
        %parallel_loop3A_566 = arith.addi %parallel_loop3A_562, %parallel_loop3A_565 : vector<16xi32>
        %parallel_loop3A_567 = tpu.vector_load_idx %arg5[%parallel_loop3A_566, %parallel_loop3A_150] : memref<128x256xf32, #tpu.memory_space<vmem>>[vector<16xi32>, vector<16xi32>], vector<16xf32>,
        %parallel_loop3A_568 = arith.addf %parallel_loop3A_563, %parallel_loop3A_567 : vector<16xf32>
        %parallel_loop3A_569 = arith.constant 11 : i32
        %parallel_loop3A_570 = vector.broadcast %parallel_loop3A_569 : i32 to vector<16xi32>
        %parallel_loop3A_571 = arith.addi %parallel_loop3A_363, %parallel_loop3A_570 : vector<16xi32>
        %parallel_loop3A_572 = arith.constant 0 : i32
        %parallel_loop3A_573 = arith.constant 63 : i32
        %parallel_loop3A_574 = vector.broadcast %parallel_loop3A_572 : i32 to vector<16xi32>
        %parallel_loop3A_575 = arith.maxsi %parallel_loop3A_574, %parallel_loop3A_571 : vector<16xi32>
        %parallel_loop3A_576 = vector.broadcast %parallel_loop3A_573 : i32 to vector<16xi32>
        %parallel_loop3A_577 = arith.minsi %parallel_loop3A_576, %parallel_loop3A_575 : vector<16xi32>
        %parallel_loop3A_578 = arith.constant 1 : i32
        %parallel_loop3A_579 = vector.broadcast %parallel_loop3A_578 : i32 to vector<16xi32>
        %parallel_loop3A_580 = arith.shli %parallel_loop3A_577, %parallel_loop3A_579 : vector<16xi32>
        %parallel_loop3A_581 = tpu.vector_load_idx %arg5[%parallel_loop3A_580, %parallel_loop3A_150] : memref<128x256xf32, #tpu.memory_space<vmem>>[vector<16xi32>, vector<16xi32>], vector<16xf32>,
        %parallel_loop3A_582 = arith.constant 1 : i32
        %parallel_loop3A_583 = vector.broadcast %parallel_loop3A_582 : i32 to vector<16xi32>
        %parallel_loop3A_584 = arith.addi %parallel_loop3A_580, %parallel_loop3A_583 : vector<16xi32>
        %parallel_loop3A_585 = tpu.vector_load_idx %arg5[%parallel_loop3A_584, %parallel_loop3A_150] : memref<128x256xf32, #tpu.memory_space<vmem>>[vector<16xi32>, vector<16xi32>], vector<16xf32>,
        %parallel_loop3A_586 = arith.addf %parallel_loop3A_581, %parallel_loop3A_585 : vector<16xf32>
        %parallel_loop3A_587 = arith.constant 12 : i32
        %parallel_loop3A_588 = vector.broadcast %parallel_loop3A_587 : i32 to vector<16xi32>
        %parallel_loop3A_589 = arith.addi %parallel_loop3A_363, %parallel_loop3A_588 : vector<16xi32>
        %parallel_loop3A_590 = arith.constant 0 : i32
        %parallel_loop3A_591 = arith.constant 63 : i32
        %parallel_loop3A_592 = vector.broadcast %parallel_loop3A_590 : i32 to vector<16xi32>
        %parallel_loop3A_593 = arith.maxsi %parallel_loop3A_592, %parallel_loop3A_589 : vector<16xi32>
        %parallel_loop3A_594 = vector.broadcast %parallel_loop3A_591 : i32 to vector<16xi32>
        %parallel_loop3A_595 = arith.minsi %parallel_loop3A_594, %parallel_loop3A_593 : vector<16xi32>
        %parallel_loop3A_596 = arith.constant 1 : i32
        %parallel_loop3A_597 = vector.broadcast %parallel_loop3A_596 : i32 to vector<16xi32>
        %parallel_loop3A_598 = arith.shli %parallel_loop3A_595, %parallel_loop3A_597 : vector<16xi32>
        %parallel_loop3A_599 = tpu.vector_load_idx %arg5[%parallel_loop3A_598, %parallel_loop3A_150] : memref<128x256xf32, #tpu.memory_space<vmem>>[vector<16xi32>, vector<16xi32>], vector<16xf32>,
        %parallel_loop3A_600 = arith.constant 1 : i32
        %parallel_loop3A_601 = vector.broadcast %parallel_loop3A_600 : i32 to vector<16xi32>
        %parallel_loop3A_602 = arith.addi %parallel_loop3A_598, %parallel_loop3A_601 : vector<16xi32>
        %parallel_loop3A_603 = tpu.vector_load_idx %arg5[%parallel_loop3A_602, %parallel_loop3A_150] : memref<128x256xf32, #tpu.memory_space<vmem>>[vector<16xi32>, vector<16xi32>], vector<16xf32>,
        %parallel_loop3A_604 = arith.addf %parallel_loop3A_599, %parallel_loop3A_603 : vector<16xf32>
        %parallel_loop3A_605 = arith.constant 13 : i32
        %parallel_loop3A_606 = vector.broadcast %parallel_loop3A_605 : i32 to vector<16xi32>
        %parallel_loop3A_607 = arith.addi %parallel_loop3A_363, %parallel_loop3A_606 : vector<16xi32>
        %parallel_loop3A_608 = arith.constant 0 : i32
        %parallel_loop3A_609 = arith.constant 63 : i32
        %parallel_loop3A_610 = vector.broadcast %parallel_loop3A_608 : i32 to vector<16xi32>
        %parallel_loop3A_611 = arith.maxsi %parallel_loop3A_610, %parallel_loop3A_607 : vector<16xi32>
        %parallel_loop3A_612 = vector.broadcast %parallel_loop3A_609 : i32 to vector<16xi32>
        %parallel_loop3A_613 = arith.minsi %parallel_loop3A_612, %parallel_loop3A_611 : vector<16xi32>
        %parallel_loop3A_614 = arith.constant 1 : i32
        %parallel_loop3A_615 = vector.broadcast %parallel_loop3A_614 : i32 to vector<16xi32>
        %parallel_loop3A_616 = arith.shli %parallel_loop3A_613, %parallel_loop3A_615 : vector<16xi32>
        %parallel_loop3A_617 = tpu.vector_load_idx %arg5[%parallel_loop3A_616, %parallel_loop3A_150] : memref<128x256xf32, #tpu.memory_space<vmem>>[vector<16xi32>, vector<16xi32>], vector<16xf32>,
        %parallel_loop3A_618 = arith.constant 1 : i32
        %parallel_loop3A_619 = vector.broadcast %parallel_loop3A_618 : i32 to vector<16xi32>
        %parallel_loop3A_620 = arith.addi %parallel_loop3A_616, %parallel_loop3A_619 : vector<16xi32>
        %parallel_loop3A_621 = tpu.vector_load_idx %arg5[%parallel_loop3A_620, %parallel_loop3A_150] : memref<128x256xf32, #tpu.memory_space<vmem>>[vector<16xi32>, vector<16xi32>], vector<16xf32>,
        %parallel_loop3A_622 = arith.addf %parallel_loop3A_617, %parallel_loop3A_621 : vector<16xf32>
        %parallel_loop3A_623 = arith.constant 14 : i32
        %parallel_loop3A_624 = vector.broadcast %parallel_loop3A_623 : i32 to vector<16xi32>
        %parallel_loop3A_625 = arith.addi %parallel_loop3A_363, %parallel_loop3A_624 : vector<16xi32>
        %parallel_loop3A_626 = arith.constant 0 : i32
        %parallel_loop3A_627 = arith.constant 63 : i32
        %parallel_loop3A_628 = vector.broadcast %parallel_loop3A_626 : i32 to vector<16xi32>
        %parallel_loop3A_629 = arith.maxsi %parallel_loop3A_628, %parallel_loop3A_625 : vector<16xi32>
        %parallel_loop3A_630 = vector.broadcast %parallel_loop3A_627 : i32 to vector<16xi32>
        %parallel_loop3A_631 = arith.minsi %parallel_loop3A_630, %parallel_loop3A_629 : vector<16xi32>
        %parallel_loop3A_632 = arith.constant 1 : i32
        %parallel_loop3A_633 = vector.broadcast %parallel_loop3A_632 : i32 to vector<16xi32>
        %parallel_loop3A_634 = arith.shli %parallel_loop3A_631, %parallel_loop3A_633 : vector<16xi32>
        %parallel_loop3A_635 = tpu.vector_load_idx %arg5[%parallel_loop3A_634, %parallel_loop3A_150] : memref<128x256xf32, #tpu.memory_space<vmem>>[vector<16xi32>, vector<16xi32>], vector<16xf32>,
        %parallel_loop3A_636 = arith.constant 1 : i32
        %parallel_loop3A_637 = vector.broadcast %parallel_loop3A_636 : i32 to vector<16xi32>
        %parallel_loop3A_638 = arith.addi %parallel_loop3A_634, %parallel_loop3A_637 : vector<16xi32>
        %parallel_loop3A_639 = tpu.vector_load_idx %arg5[%parallel_loop3A_638, %parallel_loop3A_150] : memref<128x256xf32, #tpu.memory_space<vmem>>[vector<16xi32>, vector<16xi32>], vector<16xf32>,
        %parallel_loop3A_640 = arith.addf %parallel_loop3A_635, %parallel_loop3A_639 : vector<16xf32>
        %parallel_loop3A_641 = arith.constant 15 : i32
        %parallel_loop3A_642 = vector.broadcast %parallel_loop3A_641 : i32 to vector<16xi32>
        %parallel_loop3A_643 = arith.addi %parallel_loop3A_363, %parallel_loop3A_642 : vector<16xi32>
        %parallel_loop3A_644 = arith.constant 0 : i32
        %parallel_loop3A_645 = arith.constant 63 : i32
        %parallel_loop3A_646 = vector.broadcast %parallel_loop3A_644 : i32 to vector<16xi32>
        %parallel_loop3A_647 = arith.maxsi %parallel_loop3A_646, %parallel_loop3A_643 : vector<16xi32>
        %parallel_loop3A_648 = vector.broadcast %parallel_loop3A_645 : i32 to vector<16xi32>
        %parallel_loop3A_649 = arith.minsi %parallel_loop3A_648, %parallel_loop3A_647 : vector<16xi32>
        %parallel_loop3A_650 = arith.constant 1 : i32
        %parallel_loop3A_651 = vector.broadcast %parallel_loop3A_650 : i32 to vector<16xi32>
        %parallel_loop3A_652 = arith.shli %parallel_loop3A_649, %parallel_loop3A_651 : vector<16xi32>
        %parallel_loop3A_653 = tpu.vector_load_idx %arg5[%parallel_loop3A_652, %parallel_loop3A_150] : memref<128x256xf32, #tpu.memory_space<vmem>>[vector<16xi32>, vector<16xi32>], vector<16xf32>,
        %parallel_loop3A_654 = arith.constant 1 : i32
        %parallel_loop3A_655 = vector.broadcast %parallel_loop3A_654 : i32 to vector<16xi32>
        %parallel_loop3A_656 = arith.addi %parallel_loop3A_652, %parallel_loop3A_655 : vector<16xi32>
        %parallel_loop3A_657 = tpu.vector_load_idx %arg5[%parallel_loop3A_656, %parallel_loop3A_150] : memref<128x256xf32, #tpu.memory_space<vmem>>[vector<16xi32>, vector<16xi32>], vector<16xf32>,
        %parallel_loop3A_658 = arith.addf %parallel_loop3A_653, %parallel_loop3A_657 : vector<16xf32>
        %parallel_loop3A_659 = arith.constant 16 : i32
        %parallel_loop3A_660 = vector.broadcast %parallel_loop3A_659 : i32 to vector<16xi32>
        %parallel_loop3A_661 = arith.addi %parallel_loop3A_363, %parallel_loop3A_660 : vector<16xi32>
        %parallel_loop3A_662 = arith.constant 0 : i32
        %parallel_loop3A_663 = arith.constant 63 : i32
        %parallel_loop3A_664 = vector.broadcast %parallel_loop3A_662 : i32 to vector<16xi32>
        %parallel_loop3A_665 = arith.maxsi %parallel_loop3A_664, %parallel_loop3A_661 : vector<16xi32>
        %parallel_loop3A_666 = vector.broadcast %parallel_loop3A_663 : i32 to vector<16xi32>
        %parallel_loop3A_667 = arith.minsi %parallel_loop3A_666, %parallel_loop3A_665 : vector<16xi32>
        %parallel_loop3A_668 = arith.constant 1 : i32
        %parallel_loop3A_669 = vector.broadcast %parallel_loop3A_668 : i32 to vector<16xi32>
        %parallel_loop3A_670 = arith.shli %parallel_loop3A_667, %parallel_loop3A_669 : vector<16xi32>
        %parallel_loop3A_671 = tpu.vector_load_idx %arg5[%parallel_loop3A_670, %parallel_loop3A_150] : memref<128x256xf32, #tpu.memory_space<vmem>>[vector<16xi32>, vector<16xi32>], vector<16xf32>,
        %parallel_loop3A_672 = arith.constant 1 : i32
        %parallel_loop3A_673 = vector.broadcast %parallel_loop3A_672 : i32 to vector<16xi32>
        %parallel_loop3A_674 = arith.addi %parallel_loop3A_670, %parallel_loop3A_673 : vector<16xi32>
        %parallel_loop3A_675 = tpu.vector_load_idx %arg5[%parallel_loop3A_674, %parallel_loop3A_150] : memref<128x256xf32, #tpu.memory_space<vmem>>[vector<16xi32>, vector<16xi32>], vector<16xf32>,
        %parallel_loop3A_676 = arith.addf %parallel_loop3A_671, %parallel_loop3A_675 : vector<16xf32>
        %parallel_loop3A_677 = arith.constant 17 : i32
        %parallel_loop3A_678 = vector.broadcast %parallel_loop3A_677 : i32 to vector<16xi32>
        %parallel_loop3A_679 = arith.addi %parallel_loop3A_363, %parallel_loop3A_678 : vector<16xi32>
        %parallel_loop3A_680 = arith.constant 0 : i32
        %parallel_loop3A_681 = arith.constant 63 : i32
        %parallel_loop3A_682 = vector.broadcast %parallel_loop3A_680 : i32 to vector<16xi32>
        %parallel_loop3A_683 = arith.maxsi %parallel_loop3A_682, %parallel_loop3A_679 : vector<16xi32>
        %parallel_loop3A_684 = vector.broadcast %parallel_loop3A_681 : i32 to vector<16xi32>
        %parallel_loop3A_685 = arith.minsi %parallel_loop3A_684, %parallel_loop3A_683 : vector<16xi32>
        %parallel_loop3A_686 = arith.constant 1 : i32
        %parallel_loop3A_687 = vector.broadcast %parallel_loop3A_686 : i32 to vector<16xi32>
        %parallel_loop3A_688 = arith.shli %parallel_loop3A_685, %parallel_loop3A_687 : vector<16xi32>
        %parallel_loop3A_689 = tpu.vector_load_idx %arg5[%parallel_loop3A_688, %parallel_loop3A_150] : memref<128x256xf32, #tpu.memory_space<vmem>>[vector<16xi32>, vector<16xi32>], vector<16xf32>,
        %parallel_loop3A_690 = arith.constant 1 : i32
        %parallel_loop3A_691 = vector.broadcast %parallel_loop3A_690 : i32 to vector<16xi32>
        %parallel_loop3A_692 = arith.addi %parallel_loop3A_688, %parallel_loop3A_691 : vector<16xi32>
        %parallel_loop3A_693 = tpu.vector_load_idx %arg5[%parallel_loop3A_692, %parallel_loop3A_150] : memref<128x256xf32, #tpu.memory_space<vmem>>[vector<16xi32>, vector<16xi32>], vector<16xf32>,
        %parallel_loop3A_694 = arith.addf %parallel_loop3A_689, %parallel_loop3A_693 : vector<16xf32>
        %parallel_loop3A_695 = arith.constant 18 : i32
        %parallel_loop3A_696 = vector.broadcast %parallel_loop3A_695 : i32 to vector<16xi32>
        %parallel_loop3A_697 = arith.addi %parallel_loop3A_363, %parallel_loop3A_696 : vector<16xi32>
        %parallel_loop3A_698 = arith.constant 0 : i32
        %parallel_loop3A_699 = arith.constant 63 : i32
        %parallel_loop3A_700 = vector.broadcast %parallel_loop3A_698 : i32 to vector<16xi32>
        %parallel_loop3A_701 = arith.maxsi %parallel_loop3A_700, %parallel_loop3A_697 : vector<16xi32>
        %parallel_loop3A_702 = vector.broadcast %parallel_loop3A_699 : i32 to vector<16xi32>
        %parallel_loop3A_703 = arith.minsi %parallel_loop3A_702, %parallel_loop3A_701 : vector<16xi32>
        %parallel_loop3A_704 = arith.constant 1 : i32
        %parallel_loop3A_705 = vector.broadcast %parallel_loop3A_704 : i32 to vector<16xi32>
        %parallel_loop3A_706 = arith.shli %parallel_loop3A_703, %parallel_loop3A_705 : vector<16xi32>
        %parallel_loop3A_707 = tpu.vector_load_idx %arg5[%parallel_loop3A_706, %parallel_loop3A_150] : memref<128x256xf32, #tpu.memory_space<vmem>>[vector<16xi32>, vector<16xi32>], vector<16xf32>,
        %parallel_loop3A_708 = arith.constant 1 : i32
        %parallel_loop3A_709 = vector.broadcast %parallel_loop3A_708 : i32 to vector<16xi32>
        %parallel_loop3A_710 = arith.addi %parallel_loop3A_706, %parallel_loop3A_709 : vector<16xi32>
        %parallel_loop3A_711 = tpu.vector_load_idx %arg5[%parallel_loop3A_710, %parallel_loop3A_150] : memref<128x256xf32, #tpu.memory_space<vmem>>[vector<16xi32>, vector<16xi32>], vector<16xf32>,
        %parallel_loop3A_712 = arith.addf %parallel_loop3A_707, %parallel_loop3A_711 : vector<16xf32>
        %parallel_loop3A_713 = arith.constant 19 : i32
        %parallel_loop3A_714 = vector.broadcast %parallel_loop3A_713 : i32 to vector<16xi32>
        %parallel_loop3A_715 = arith.addi %parallel_loop3A_363, %parallel_loop3A_714 : vector<16xi32>
        %parallel_loop3A_716 = arith.constant 0 : i32
        %parallel_loop3A_717 = arith.constant 63 : i32
        %parallel_loop3A_718 = vector.broadcast %parallel_loop3A_716 : i32 to vector<16xi32>
        %parallel_loop3A_719 = arith.maxsi %parallel_loop3A_718, %parallel_loop3A_715 : vector<16xi32>
        %parallel_loop3A_720 = vector.broadcast %parallel_loop3A_717 : i32 to vector<16xi32>
        %parallel_loop3A_721 = arith.minsi %parallel_loop3A_720, %parallel_loop3A_719 : vector<16xi32>
        %parallel_loop3A_722 = arith.constant 1 : i32
        %parallel_loop3A_723 = vector.broadcast %parallel_loop3A_722 : i32 to vector<16xi32>
        %parallel_loop3A_724 = arith.shli %parallel_loop3A_721, %parallel_loop3A_723 : vector<16xi32>
        %parallel_loop3A_725 = tpu.vector_load_idx %arg5[%parallel_loop3A_724, %parallel_loop3A_150] : memref<128x256xf32, #tpu.memory_space<vmem>>[vector<16xi32>, vector<16xi32>], vector<16xf32>,
        %parallel_loop3A_726 = arith.constant 1 : i32
        %parallel_loop3A_727 = vector.broadcast %parallel_loop3A_726 : i32 to vector<16xi32>
        %parallel_loop3A_728 = arith.addi %parallel_loop3A_724, %parallel_loop3A_727 : vector<16xi32>
        %parallel_loop3A_729 = tpu.vector_load_idx %arg5[%parallel_loop3A_728, %parallel_loop3A_150] : memref<128x256xf32, #tpu.memory_space<vmem>>[vector<16xi32>, vector<16xi32>], vector<16xf32>,
        %parallel_loop3A_730 = arith.addf %parallel_loop3A_725, %parallel_loop3A_729 : vector<16xf32>
        %parallel_loop3A_731 = arith.constant 124 : i32
        %parallel_loop3A_732 = vector.broadcast %parallel_loop3A_731 : i32 to vector<16xi32>
        %parallel_loop3A_733 = tpu.vector_load_idx %arg5[%parallel_loop3A_732, %parallel_loop3A_150] : memref<128x256xf32, #tpu.memory_space<vmem>>[vector<16xi32>, vector<16xi32>], vector<16xf32>,
        %parallel_loop3A_734 = arith.constant 125 : i32
        %parallel_loop3A_735 = vector.broadcast %parallel_loop3A_734 : i32 to vector<16xi32>
        %parallel_loop3A_736 = tpu.vector_load_idx %arg5[%parallel_loop3A_735, %parallel_loop3A_150] : memref<128x256xf32, #tpu.memory_space<vmem>>[vector<16xi32>, vector<16xi32>], vector<16xf32>,
        %parallel_loop3A_737 = arith.addf %parallel_loop3A_733, %parallel_loop3A_736 : vector<16xf32>
        %parallel_loop3A_738 = arith.constant 2 : i32
        %parallel_loop3A_739 = vector.broadcast %parallel_loop3A_738 : i32 to vector<16xi32>
        %parallel_loop3A_740 = tpu.vector_load_idx %arg5[%parallel_loop3A_739, %parallel_loop3A_150] : memref<128x256xf32, #tpu.memory_space<vmem>>[vector<16xi32>, vector<16xi32>], vector<16xf32>,
        %parallel_loop3A_741 = arith.constant 3 : i32
        %parallel_loop3A_742 = vector.broadcast %parallel_loop3A_741 : i32 to vector<16xi32>
        %parallel_loop3A_743 = tpu.vector_load_idx %arg5[%parallel_loop3A_742, %parallel_loop3A_150] : memref<128x256xf32, #tpu.memory_space<vmem>>[vector<16xi32>, vector<16xi32>], vector<16xf32>,
        %parallel_loop3A_744 = arith.addf %parallel_loop3A_740, %parallel_loop3A_743 : vector<16xf32>
        %parallel_loop3A_745 = arith.constant 5.000000e-01 : f32
        %parallel_loop3A_746 = vector.broadcast %parallel_loop3A_745 : f32 to vector<16xf32>
        %parallel_loop3A_747 = arith.mulf %parallel_loop3A_351, %parallel_loop3A_746 : vector<16xf32>
        %parallel_loop3A_748 = arith.constant 5.000000e-01 : f32
        %parallel_loop3A_749 = vector.broadcast %parallel_loop3A_748 : f32 to vector<16xf32>
        %parallel_loop3A_750 = arith.subf %parallel_loop3A_749, %parallel_loop3A_747 : vector<16xf32>
        %parallel_loop3A_751 = arith.select %parallel_loop3A_370, %parallel_loop3A_478, %parallel_loop3A_460 : vector<16xi1>, vector<16xf32>
        %parallel_loop3A_752 = arith.select %parallel_loop3A_370, %parallel_loop3A_496, %parallel_loop3A_478 : vector<16xi1>, vector<16xf32>
        %parallel_loop3A_753 = arith.mulf %parallel_loop3A_750, %parallel_loop3A_751 : vector<16xf32>
        %parallel_loop3A_754 = arith.mulf %parallel_loop3A_747, %parallel_loop3A_752 : vector<16xf32>
        %parallel_loop3A_755 = arith.addf %parallel_loop3A_753, %parallel_loop3A_754 : vector<16xf32>
        %parallel_loop3A_756 = arith.constant 16 : i32
        %parallel_loop3A_757 = arith.muli %parallel_loop3A_146, %parallel_loop3A_756 : i32
        %parallel_loop3A_758 = arith.constant 9 : i32
        %parallel_loop3A_759 = arith.index_cast %parallel_loop3A_758 : i32 to index
        %parallel_loop3A_760 = arith.index_cast %parallel_loop3A_757 : i32 to index
        %parallel_loop3A_761 = tpu.vector_load %arg8[%parallel_loop3A_759, %parallel_loop3A_760] {strides = array<i32>} : memref<27x256xf32, #tpu.memory_space<vmem>>, vector<16xf32>,
        tpu.vector_store %arg8[%parallel_loop3A_759, %parallel_loop3A_760], %parallel_loop3A_755 {strides = array<i32>} : memref<27x256xf32, #tpu.memory_space<vmem>>, vector<16xf32>,
        %parallel_loop3A_762 = arith.select %parallel_loop3A_370, %parallel_loop3A_514, %parallel_loop3A_496 : vector<16xi1>, vector<16xf32>
        %parallel_loop3A_763 = arith.mulf %parallel_loop3A_750, %parallel_loop3A_752 : vector<16xf32>
        %parallel_loop3A_764 = arith.mulf %parallel_loop3A_747, %parallel_loop3A_762 : vector<16xf32>
        %parallel_loop3A_765 = arith.addf %parallel_loop3A_763, %parallel_loop3A_764 : vector<16xf32>
        %parallel_loop3A_766 = arith.constant 16 : i32
        %parallel_loop3A_767 = arith.muli %parallel_loop3A_146, %parallel_loop3A_766 : i32
        %parallel_loop3A_768 = arith.constant 10 : i32
        %parallel_loop3A_769 = arith.index_cast %parallel_loop3A_768 : i32 to index
        %parallel_loop3A_770 = arith.index_cast %parallel_loop3A_767 : i32 to index
        %parallel_loop3A_771 = tpu.vector_load %arg8[%parallel_loop3A_769, %parallel_loop3A_770] {strides = array<i32>} : memref<27x256xf32, #tpu.memory_space<vmem>>, vector<16xf32>,
        tpu.vector_store %arg8[%parallel_loop3A_769, %parallel_loop3A_770], %parallel_loop3A_765 {strides = array<i32>} : memref<27x256xf32, #tpu.memory_space<vmem>>, vector<16xf32>,
        %parallel_loop3A_772 = arith.select %parallel_loop3A_370, %parallel_loop3A_532, %parallel_loop3A_514 : vector<16xi1>, vector<16xf32>
        %parallel_loop3A_773 = arith.mulf %parallel_loop3A_750, %parallel_loop3A_762 : vector<16xf32>
        %parallel_loop3A_774 = arith.mulf %parallel_loop3A_747, %parallel_loop3A_772 : vector<16xf32>
        %parallel_loop3A_775 = arith.addf %parallel_loop3A_773, %parallel_loop3A_774 : vector<16xf32>
        %parallel_loop3A_776 = arith.constant 16 : i32
        %parallel_loop3A_777 = arith.muli %parallel_loop3A_146, %parallel_loop3A_776 : i32
        %parallel_loop3A_778 = arith.constant 11 : i32
        %parallel_loop3A_779 = arith.index_cast %parallel_loop3A_778 : i32 to index
        %parallel_loop3A_780 = arith.index_cast %parallel_loop3A_777 : i32 to index
        %parallel_loop3A_781 = tpu.vector_load %arg8[%parallel_loop3A_779, %parallel_loop3A_780] {strides = array<i32>} : memref<27x256xf32, #tpu.memory_space<vmem>>, vector<16xf32>,
        tpu.vector_store %arg8[%parallel_loop3A_779, %parallel_loop3A_780], %parallel_loop3A_775 {strides = array<i32>} : memref<27x256xf32, #tpu.memory_space<vmem>>, vector<16xf32>,
        %parallel_loop3A_782 = arith.select %parallel_loop3A_370, %parallel_loop3A_550, %parallel_loop3A_532 : vector<16xi1>, vector<16xf32>
        %parallel_loop3A_783 = arith.mulf %parallel_loop3A_750, %parallel_loop3A_772 : vector<16xf32>
        %parallel_loop3A_784 = arith.mulf %parallel_loop3A_747, %parallel_loop3A_782 : vector<16xf32>
        %parallel_loop3A_785 = arith.addf %parallel_loop3A_783, %parallel_loop3A_784 : vector<16xf32>
        %parallel_loop3A_786 = arith.constant 16 : i32
        %parallel_loop3A_787 = arith.muli %parallel_loop3A_146, %parallel_loop3A_786 : i32
        %parallel_loop3A_788 = arith.constant 12 : i32
        %parallel_loop3A_789 = arith.index_cast %parallel_loop3A_788 : i32 to index
        %parallel_loop3A_790 = arith.index_cast %parallel_loop3A_787 : i32 to index
        %parallel_loop3A_791 = tpu.vector_load %arg8[%parallel_loop3A_789, %parallel_loop3A_790] {strides = array<i32>} : memref<27x256xf32, #tpu.memory_space<vmem>>, vector<16xf32>,
        tpu.vector_store %arg8[%parallel_loop3A_789, %parallel_loop3A_790], %parallel_loop3A_785 {strides = array<i32>} : memref<27x256xf32, #tpu.memory_space<vmem>>, vector<16xf32>,
        %parallel_loop3A_792 = arith.select %parallel_loop3A_370, %parallel_loop3A_568, %parallel_loop3A_550 : vector<16xi1>, vector<16xf32>
        %parallel_loop3A_793 = arith.mulf %parallel_loop3A_750, %parallel_loop3A_782 : vector<16xf32>
        %parallel_loop3A_794 = arith.mulf %parallel_loop3A_747, %parallel_loop3A_792 : vector<16xf32>
        %parallel_loop3A_795 = arith.addf %parallel_loop3A_793, %parallel_loop3A_794 : vector<16xf32>
        %parallel_loop3A_796 = arith.constant 16 : i32
        %parallel_loop3A_797 = arith.muli %parallel_loop3A_146, %parallel_loop3A_796 : i32
        %parallel_loop3A_798 = arith.constant 13 : i32
        %parallel_loop3A_799 = arith.index_cast %parallel_loop3A_798 : i32 to index
        %parallel_loop3A_800 = arith.index_cast %parallel_loop3A_797 : i32 to index
        %parallel_loop3A_801 = tpu.vector_load %arg8[%parallel_loop3A_799, %parallel_loop3A_800] {strides = array<i32>} : memref<27x256xf32, #tpu.memory_space<vmem>>, vector<16xf32>,
        tpu.vector_store %arg8[%parallel_loop3A_799, %parallel_loop3A_800], %parallel_loop3A_795 {strides = array<i32>} : memref<27x256xf32, #tpu.memory_space<vmem>>, vector<16xf32>,
        %parallel_loop3A_802 = arith.select %parallel_loop3A_370, %parallel_loop3A_586, %parallel_loop3A_568 : vector<16xi1>, vector<16xf32>
        %parallel_loop3A_803 = arith.mulf %parallel_loop3A_750, %parallel_loop3A_792 : vector<16xf32>
        %parallel_loop3A_804 = arith.mulf %parallel_loop3A_747, %parallel_loop3A_802 : vector<16xf32>
        %parallel_loop3A_805 = arith.addf %parallel_loop3A_803, %parallel_loop3A_804 : vector<16xf32>
        %parallel_loop3A_806 = arith.constant 16 : i32
        %parallel_loop3A_807 = arith.muli %parallel_loop3A_146, %parallel_loop3A_806 : i32
        %parallel_loop3A_808 = arith.constant 14 : i32
        %parallel_loop3A_809 = arith.index_cast %parallel_loop3A_808 : i32 to index
        %parallel_loop3A_810 = arith.index_cast %parallel_loop3A_807 : i32 to index
        %parallel_loop3A_811 = tpu.vector_load %arg8[%parallel_loop3A_809, %parallel_loop3A_810] {strides = array<i32>} : memref<27x256xf32, #tpu.memory_space<vmem>>, vector<16xf32>,
        tpu.vector_store %arg8[%parallel_loop3A_809, %parallel_loop3A_810], %parallel_loop3A_805 {strides = array<i32>} : memref<27x256xf32, #tpu.memory_space<vmem>>, vector<16xf32>,
        %parallel_loop3A_812 = arith.select %parallel_loop3A_370, %parallel_loop3A_604, %parallel_loop3A_586 : vector<16xi1>, vector<16xf32>
        %parallel_loop3A_813 = arith.mulf %parallel_loop3A_750, %parallel_loop3A_802 : vector<16xf32>
        %parallel_loop3A_814 = arith.mulf %parallel_loop3A_747, %parallel_loop3A_812 : vector<16xf32>
        %parallel_loop3A_815 = arith.addf %parallel_loop3A_813, %parallel_loop3A_814 : vector<16xf32>
        %parallel_loop3A_816 = arith.constant 16 : i32
        %parallel_loop3A_817 = arith.muli %parallel_loop3A_146, %parallel_loop3A_816 : i32
        %parallel_loop3A_818 = arith.constant 15 : i32
        %parallel_loop3A_819 = arith.index_cast %parallel_loop3A_818 : i32 to index
        %parallel_loop3A_820 = arith.index_cast %parallel_loop3A_817 : i32 to index
        %parallel_loop3A_821 = tpu.vector_load %arg8[%parallel_loop3A_819, %parallel_loop3A_820] {strides = array<i32>} : memref<27x256xf32, #tpu.memory_space<vmem>>, vector<16xf32>,
        tpu.vector_store %arg8[%parallel_loop3A_819, %parallel_loop3A_820], %parallel_loop3A_815 {strides = array<i32>} : memref<27x256xf32, #tpu.memory_space<vmem>>, vector<16xf32>,
        %parallel_loop3A_822 = arith.select %parallel_loop3A_370, %parallel_loop3A_622, %parallel_loop3A_604 : vector<16xi1>, vector<16xf32>
        %parallel_loop3A_823 = arith.mulf %parallel_loop3A_750, %parallel_loop3A_812 : vector<16xf32>
        %parallel_loop3A_824 = arith.mulf %parallel_loop3A_747, %parallel_loop3A_822 : vector<16xf32>
        %parallel_loop3A_825 = arith.addf %parallel_loop3A_823, %parallel_loop3A_824 : vector<16xf32>
        %parallel_loop3A_826 = arith.constant 16 : i32
        %parallel_loop3A_827 = arith.muli %parallel_loop3A_146, %parallel_loop3A_826 : i32
        %parallel_loop3A_828 = arith.constant 16 : i32
        %parallel_loop3A_829 = arith.index_cast %parallel_loop3A_828 : i32 to index
        %parallel_loop3A_830 = arith.index_cast %parallel_loop3A_827 : i32 to index
        %parallel_loop3A_831 = tpu.vector_load %arg8[%parallel_loop3A_829, %parallel_loop3A_830] {strides = array<i32>} : memref<27x256xf32, #tpu.memory_space<vmem>>, vector<16xf32>,
        tpu.vector_store %arg8[%parallel_loop3A_829, %parallel_loop3A_830], %parallel_loop3A_825 {strides = array<i32>} : memref<27x256xf32, #tpu.memory_space<vmem>>, vector<16xf32>,
        %parallel_loop3A_832 = arith.select %parallel_loop3A_370, %parallel_loop3A_640, %parallel_loop3A_622 : vector<16xi1>, vector<16xf32>
        %parallel_loop3A_833 = arith.mulf %parallel_loop3A_750, %parallel_loop3A_822 : vector<16xf32>
        %parallel_loop3A_834 = arith.mulf %parallel_loop3A_747, %parallel_loop3A_832 : vector<16xf32>
        %parallel_loop3A_835 = arith.addf %parallel_loop3A_833, %parallel_loop3A_834 : vector<16xf32>
        %parallel_loop3A_836 = arith.constant 16 : i32
        %parallel_loop3A_837 = arith.muli %parallel_loop3A_146, %parallel_loop3A_836 : i32
        %parallel_loop3A_838 = arith.constant 17 : i32
        %parallel_loop3A_839 = arith.index_cast %parallel_loop3A_838 : i32 to index
        %parallel_loop3A_840 = arith.index_cast %parallel_loop3A_837 : i32 to index
        %parallel_loop3A_841 = tpu.vector_load %arg8[%parallel_loop3A_839, %parallel_loop3A_840] {strides = array<i32>} : memref<27x256xf32, #tpu.memory_space<vmem>>, vector<16xf32>,
        tpu.vector_store %arg8[%parallel_loop3A_839, %parallel_loop3A_840], %parallel_loop3A_835 {strides = array<i32>} : memref<27x256xf32, #tpu.memory_space<vmem>>, vector<16xf32>,
        %parallel_loop3A_842 = arith.constant 2.500000e-01 : f32
        %parallel_loop3A_843 = vector.broadcast %parallel_loop3A_842 : f32 to vector<16xf32>
        %parallel_loop3A_844 = arith.mulf %parallel_loop3A_357, %parallel_loop3A_843 : vector<16xf32>
        %parallel_loop3A_845 = arith.constant 2.500000e-01 : f32
        %parallel_loop3A_846 = vector.broadcast %parallel_loop3A_845 : f32 to vector<16xf32>
        %parallel_loop3A_847 = arith.subf %parallel_loop3A_846, %parallel_loop3A_844 : vector<16xf32>
        %parallel_loop3A_848 = arith.constant -1 : i32
        %parallel_loop3A_849 = vector.broadcast %parallel_loop3A_848 : i32 to vector<16xi32>
        %parallel_loop3A_850 = arith.cmpi sle, %parallel_loop3A_363, %parallel_loop3A_849 : vector<16xi32>
        %parallel_loop3A_851 = arith.select %parallel_loop3A_850, %parallel_loop3A_744, %parallel_loop3A_406 : vector<16xi1>, vector<16xf32>
        %parallel_loop3A_852 = arith.addf %parallel_loop3A_388, %parallel_loop3A_851 : vector<16xf32>
        %parallel_loop3A_853 = arith.constant -3 : i32
        %parallel_loop3A_854 = vector.broadcast %parallel_loop3A_853 : i32 to vector<16xi32>
        %parallel_loop3A_855 = arith.cmpi sle, %parallel_loop3A_363, %parallel_loop3A_854 : vector<16xi32>
        %parallel_loop3A_856 = arith.select %parallel_loop3A_855, %parallel_loop3A_744, %parallel_loop3A_442 : vector<16xi1>, vector<16xf32>
        %parallel_loop3A_857 = arith.addf %parallel_loop3A_424, %parallel_loop3A_856 : vector<16xf32>
        %parallel_loop3A_858 = arith.mulf %parallel_loop3A_847, %parallel_loop3A_852 : vector<16xf32>
        %parallel_loop3A_859 = arith.mulf %parallel_loop3A_844, %parallel_loop3A_857 : vector<16xf32>
        %parallel_loop3A_860 = arith.addf %parallel_loop3A_858, %parallel_loop3A_859 : vector<16xf32>
        %parallel_loop3A_861 = arith.constant 16 : i32
        %parallel_loop3A_862 = arith.muli %parallel_loop3A_146, %parallel_loop3A_861 : i32
        %parallel_loop3A_863 = arith.constant 18 : i32
        %parallel_loop3A_864 = arith.index_cast %parallel_loop3A_863 : i32 to index
        %parallel_loop3A_865 = arith.index_cast %parallel_loop3A_862 : i32 to index
        %parallel_loop3A_866 = tpu.vector_load %arg8[%parallel_loop3A_864, %parallel_loop3A_865] {strides = array<i32>} : memref<27x256xf32, #tpu.memory_space<vmem>>, vector<16xf32>,
        tpu.vector_store %arg8[%parallel_loop3A_864, %parallel_loop3A_865], %parallel_loop3A_860 {strides = array<i32>} : memref<27x256xf32, #tpu.memory_space<vmem>>, vector<16xf32>,
        %parallel_loop3A_867 = arith.constant -5 : i32
        %parallel_loop3A_868 = vector.broadcast %parallel_loop3A_867 : i32 to vector<16xi32>
        %parallel_loop3A_869 = arith.cmpi sle, %parallel_loop3A_363, %parallel_loop3A_868 : vector<16xi32>
        %parallel_loop3A_870 = arith.select %parallel_loop3A_869, %parallel_loop3A_744, %parallel_loop3A_478 : vector<16xi1>, vector<16xf32>
        %parallel_loop3A_871 = arith.addf %parallel_loop3A_460, %parallel_loop3A_870 : vector<16xf32>
        %parallel_loop3A_872 = arith.mulf %parallel_loop3A_847, %parallel_loop3A_857 : vector<16xf32>
        %parallel_loop3A_873 = arith.mulf %parallel_loop3A_844, %parallel_loop3A_871 : vector<16xf32>
        %parallel_loop3A_874 = arith.addf %parallel_loop3A_872, %parallel_loop3A_873 : vector<16xf32>
        %parallel_loop3A_875 = arith.constant 16 : i32
        %parallel_loop3A_876 = arith.muli %parallel_loop3A_146, %parallel_loop3A_875 : i32
        %parallel_loop3A_877 = arith.constant 19 : i32
        %parallel_loop3A_878 = arith.index_cast %parallel_loop3A_877 : i32 to index
        %parallel_loop3A_879 = arith.index_cast %parallel_loop3A_876 : i32 to index
        %parallel_loop3A_880 = tpu.vector_load %arg8[%parallel_loop3A_878, %parallel_loop3A_879] {strides = array<i32>} : memref<27x256xf32, #tpu.memory_space<vmem>>, vector<16xf32>,
        tpu.vector_store %arg8[%parallel_loop3A_878, %parallel_loop3A_879], %parallel_loop3A_874 {strides = array<i32>} : memref<27x256xf32, #tpu.memory_space<vmem>>, vector<16xf32>,
        %parallel_loop3A_881 = arith.constant -7 : i32
        %parallel_loop3A_882 = vector.broadcast %parallel_loop3A_881 : i32 to vector<16xi32>
        %parallel_loop3A_883 = arith.cmpi sle, %parallel_loop3A_363, %parallel_loop3A_882 : vector<16xi32>
        %parallel_loop3A_884 = arith.select %parallel_loop3A_883, %parallel_loop3A_744, %parallel_loop3A_514 : vector<16xi1>, vector<16xf32>
        %parallel_loop3A_885 = arith.addf %parallel_loop3A_496, %parallel_loop3A_884 : vector<16xf32>
        %parallel_loop3A_886 = arith.mulf %parallel_loop3A_847, %parallel_loop3A_871 : vector<16xf32>
        %parallel_loop3A_887 = arith.mulf %parallel_loop3A_844, %parallel_loop3A_885 : vector<16xf32>
        %parallel_loop3A_888 = arith.addf %parallel_loop3A_886, %parallel_loop3A_887 : vector<16xf32>
        %parallel_loop3A_889 = arith.constant 16 : i32
        %parallel_loop3A_890 = arith.muli %parallel_loop3A_146, %parallel_loop3A_889 : i32
        %parallel_loop3A_891 = arith.constant 20 : i32
        %parallel_loop3A_892 = arith.index_cast %parallel_loop3A_891 : i32 to index
        %parallel_loop3A_893 = arith.index_cast %parallel_loop3A_890 : i32 to index
        %parallel_loop3A_894 = tpu.vector_load %arg8[%parallel_loop3A_892, %parallel_loop3A_893] {strides = array<i32>} : memref<27x256xf32, #tpu.memory_space<vmem>>, vector<16xf32>,
        tpu.vector_store %arg8[%parallel_loop3A_892, %parallel_loop3A_893], %parallel_loop3A_888 {strides = array<i32>} : memref<27x256xf32, #tpu.memory_space<vmem>>, vector<16xf32>,
        %parallel_loop3A_895 = arith.addf %parallel_loop3A_532, %parallel_loop3A_550 : vector<16xf32>
        %parallel_loop3A_896 = arith.mulf %parallel_loop3A_847, %parallel_loop3A_885 : vector<16xf32>
        %parallel_loop3A_897 = arith.mulf %parallel_loop3A_844, %parallel_loop3A_895 : vector<16xf32>
        %parallel_loop3A_898 = arith.addf %parallel_loop3A_896, %parallel_loop3A_897 : vector<16xf32>
        %parallel_loop3A_899 = arith.constant 16 : i32
        %parallel_loop3A_900 = arith.muli %parallel_loop3A_146, %parallel_loop3A_899 : i32
        %parallel_loop3A_901 = arith.constant 21 : i32
        %parallel_loop3A_902 = arith.index_cast %parallel_loop3A_901 : i32 to index
        %parallel_loop3A_903 = arith.index_cast %parallel_loop3A_900 : i32 to index
        %parallel_loop3A_904 = tpu.vector_load %arg8[%parallel_loop3A_902, %parallel_loop3A_903] {strides = array<i32>} : memref<27x256xf32, #tpu.memory_space<vmem>>, vector<16xf32>,
        tpu.vector_store %arg8[%parallel_loop3A_902, %parallel_loop3A_903], %parallel_loop3A_898 {strides = array<i32>} : memref<27x256xf32, #tpu.memory_space<vmem>>, vector<16xf32>,
        %parallel_loop3A_905 = arith.constant 53 : i32
        %parallel_loop3A_906 = vector.broadcast %parallel_loop3A_905 : i32 to vector<16xi32>
        %parallel_loop3A_907 = arith.cmpi sge, %parallel_loop3A_363, %parallel_loop3A_906 : vector<16xi32>
        %parallel_loop3A_908 = arith.select %parallel_loop3A_907, %parallel_loop3A_737, %parallel_loop3A_568 : vector<16xi1>, vector<16xf32>
        %parallel_loop3A_909 = arith.addf %parallel_loop3A_908, %parallel_loop3A_586 : vector<16xf32>
        %parallel_loop3A_910 = arith.mulf %parallel_loop3A_847, %parallel_loop3A_895 : vector<16xf32>
        %parallel_loop3A_911 = arith.mulf %parallel_loop3A_844, %parallel_loop3A_909 : vector<16xf32>
        %parallel_loop3A_912 = arith.addf %parallel_loop3A_910, %parallel_loop3A_911 : vector<16xf32>
        %parallel_loop3A_913 = arith.constant 16 : i32
        %parallel_loop3A_914 = arith.muli %parallel_loop3A_146, %parallel_loop3A_913 : i32
        %parallel_loop3A_915 = arith.constant 22 : i32
        %parallel_loop3A_916 = arith.index_cast %parallel_loop3A_915 : i32 to index
        %parallel_loop3A_917 = arith.index_cast %parallel_loop3A_914 : i32 to index
        %parallel_loop3A_918 = tpu.vector_load %arg8[%parallel_loop3A_916, %parallel_loop3A_917] {strides = array<i32>} : memref<27x256xf32, #tpu.memory_space<vmem>>, vector<16xf32>,
        tpu.vector_store %arg8[%parallel_loop3A_916, %parallel_loop3A_917], %parallel_loop3A_912 {strides = array<i32>} : memref<27x256xf32, #tpu.memory_space<vmem>>, vector<16xf32>,
        %parallel_loop3A_919 = arith.constant 51 : i32
        %parallel_loop3A_920 = vector.broadcast %parallel_loop3A_919 : i32 to vector<16xi32>
        %parallel_loop3A_921 = arith.cmpi sge, %parallel_loop3A_363, %parallel_loop3A_920 : vector<16xi32>
        %parallel_loop3A_922 = arith.select %parallel_loop3A_921, %parallel_loop3A_737, %parallel_loop3A_604 : vector<16xi1>, vector<16xf32>
        %parallel_loop3A_923 = arith.addf %parallel_loop3A_922, %parallel_loop3A_622 : vector<16xf32>
        %parallel_loop3A_924 = arith.mulf %parallel_loop3A_847, %parallel_loop3A_909 : vector<16xf32>
        %parallel_loop3A_925 = arith.mulf %parallel_loop3A_844, %parallel_loop3A_923 : vector<16xf32>
        %parallel_loop3A_926 = arith.addf %parallel_loop3A_924, %parallel_loop3A_925 : vector<16xf32>
        %parallel_loop3A_927 = arith.constant 16 : i32
        %parallel_loop3A_928 = arith.muli %parallel_loop3A_146, %parallel_loop3A_927 : i32
        %parallel_loop3A_929 = arith.constant 23 : i32
        %parallel_loop3A_930 = arith.index_cast %parallel_loop3A_929 : i32 to index
        %parallel_loop3A_931 = arith.index_cast %parallel_loop3A_928 : i32 to index
        %parallel_loop3A_932 = tpu.vector_load %arg8[%parallel_loop3A_930, %parallel_loop3A_931] {strides = array<i32>} : memref<27x256xf32, #tpu.memory_space<vmem>>, vector<16xf32>,
        tpu.vector_store %arg8[%parallel_loop3A_930, %parallel_loop3A_931], %parallel_loop3A_926 {strides = array<i32>} : memref<27x256xf32, #tpu.memory_space<vmem>>, vector<16xf32>,
        %parallel_loop3A_933 = arith.constant 49 : i32
        %parallel_loop3A_934 = vector.broadcast %parallel_loop3A_933 : i32 to vector<16xi32>
        %parallel_loop3A_935 = arith.cmpi sge, %parallel_loop3A_363, %parallel_loop3A_934 : vector<16xi32>
        %parallel_loop3A_936 = arith.select %parallel_loop3A_935, %parallel_loop3A_737, %parallel_loop3A_640 : vector<16xi1>, vector<16xf32>
        %parallel_loop3A_937 = arith.addf %parallel_loop3A_936, %parallel_loop3A_658 : vector<16xf32>
        %parallel_loop3A_938 = arith.mulf %parallel_loop3A_847, %parallel_loop3A_923 : vector<16xf32>
        %parallel_loop3A_939 = arith.mulf %parallel_loop3A_844, %parallel_loop3A_937 : vector<16xf32>
        %parallel_loop3A_940 = arith.addf %parallel_loop3A_938, %parallel_loop3A_939 : vector<16xf32>
        %parallel_loop3A_941 = arith.constant 16 : i32
        %parallel_loop3A_942 = arith.muli %parallel_loop3A_146, %parallel_loop3A_941 : i32
        %parallel_loop3A_943 = arith.constant 24 : i32
        %parallel_loop3A_944 = arith.index_cast %parallel_loop3A_943 : i32 to index
        %parallel_loop3A_945 = arith.index_cast %parallel_loop3A_942 : i32 to index
        %parallel_loop3A_946 = tpu.vector_load %arg8[%parallel_loop3A_944, %parallel_loop3A_945] {strides = array<i32>} : memref<27x256xf32, #tpu.memory_space<vmem>>, vector<16xf32>,
        tpu.vector_store %arg8[%parallel_loop3A_944, %parallel_loop3A_945], %parallel_loop3A_940 {strides = array<i32>} : memref<27x256xf32, #tpu.memory_space<vmem>>, vector<16xf32>,
        %parallel_loop3A_947 = arith.constant 47 : i32
        %parallel_loop3A_948 = vector.broadcast %parallel_loop3A_947 : i32 to vector<16xi32>
        %parallel_loop3A_949 = arith.cmpi sge, %parallel_loop3A_363, %parallel_loop3A_948 : vector<16xi32>
        %parallel_loop3A_950 = arith.select %parallel_loop3A_949, %parallel_loop3A_737, %parallel_loop3A_676 : vector<16xi1>, vector<16xf32>
        %parallel_loop3A_951 = arith.addf %parallel_loop3A_950, %parallel_loop3A_694 : vector<16xf32>
        %parallel_loop3A_952 = arith.mulf %parallel_loop3A_847, %parallel_loop3A_937 : vector<16xf32>
        %parallel_loop3A_953 = arith.mulf %parallel_loop3A_844, %parallel_loop3A_951 : vector<16xf32>
        %parallel_loop3A_954 = arith.addf %parallel_loop3A_952, %parallel_loop3A_953 : vector<16xf32>
        %parallel_loop3A_955 = arith.constant 16 : i32
        %parallel_loop3A_956 = arith.muli %parallel_loop3A_146, %parallel_loop3A_955 : i32
        %parallel_loop3A_957 = arith.constant 25 : i32
        %parallel_loop3A_958 = arith.index_cast %parallel_loop3A_957 : i32 to index
        %parallel_loop3A_959 = arith.index_cast %parallel_loop3A_956 : i32 to index
        %parallel_loop3A_960 = tpu.vector_load %arg8[%parallel_loop3A_958, %parallel_loop3A_959] {strides = array<i32>} : memref<27x256xf32, #tpu.memory_space<vmem>>, vector<16xf32>,
        tpu.vector_store %arg8[%parallel_loop3A_958, %parallel_loop3A_959], %parallel_loop3A_954 {strides = array<i32>} : memref<27x256xf32, #tpu.memory_space<vmem>>, vector<16xf32>,
        %parallel_loop3A_961 = arith.constant 45 : i32
        %parallel_loop3A_962 = vector.broadcast %parallel_loop3A_961 : i32 to vector<16xi32>
        %parallel_loop3A_963 = arith.cmpi sge, %parallel_loop3A_363, %parallel_loop3A_962 : vector<16xi32>
        %parallel_loop3A_964 = arith.select %parallel_loop3A_963, %parallel_loop3A_737, %parallel_loop3A_712 : vector<16xi1>, vector<16xf32>
        %parallel_loop3A_965 = arith.addf %parallel_loop3A_964, %parallel_loop3A_730 : vector<16xf32>
        %parallel_loop3A_966 = arith.mulf %parallel_loop3A_847, %parallel_loop3A_951 : vector<16xf32>
        %parallel_loop3A_967 = arith.mulf %parallel_loop3A_844, %parallel_loop3A_965 : vector<16xf32>
        %parallel_loop3A_968 = arith.addf %parallel_loop3A_966, %parallel_loop3A_967 : vector<16xf32>
        %parallel_loop3A_969 = arith.constant 16 : i32
        %parallel_loop3A_970 = arith.muli %parallel_loop3A_146, %parallel_loop3A_969 : i32
        %parallel_loop3A_971 = arith.constant 26 : i32
        %parallel_loop3A_972 = arith.index_cast %parallel_loop3A_971 : i32 to index
        %parallel_loop3A_973 = arith.index_cast %parallel_loop3A_970 : i32 to index
        %parallel_loop3A_974 = tpu.vector_load %arg8[%parallel_loop3A_972, %parallel_loop3A_973] {strides = array<i32>} : memref<27x256xf32, #tpu.memory_space<vmem>>, vector<16xf32>,
        tpu.vector_store %arg8[%parallel_loop3A_972, %parallel_loop3A_973], %parallel_loop3A_968 {strides = array<i32>} : memref<27x256xf32, #tpu.memory_space<vmem>>, vector<16xf32>,
      } {sc.loop_unroll_factor = 2 : i64, sc.parallel_access}
      %add3A_95 = arith.addi %mul3A_32, %add3A_81 : i32
      %dma_start3A_96 = arith.constant 0 : i32
      %dma_start3A_97 = arith.constant 0 : i32
      %dma_start3A_98 = tpu.memref_slice %arg4[%select_n3A, %dma_start3A_96, %add3A_95, %dma_start3A_97] : memref<4x27x128x256xf32, #tpu.memory_space<hbm>> -> memref<1x27x1x256xf32, #tpu.memory_space<hbm>>
      %dma_start3A_99 = tpu.memref_squeeze %dma_start3A_98 : memref<1x27x1x256xf32, #tpu.memory_space<hbm>> -> memref<27x256xf32, #tpu.memory_space<hbm>>
      %dma_start3A_100 = arith.constant 0 : i32
      %dma_start3A_101 = arith.constant 0 : i32
      %dma_start3A_102 = tpu.memref_slice %arg4[%select_n3A, %dma_start3A_100, %add3A_95, %dma_start3A_101] : memref<4x27x128x256xf32, #tpu.memory_space<hbm>> -> memref<1x27x1x256xf32, #tpu.memory_space<hbm>>
      %dma_start3A_103 = tpu.memref_squeeze %dma_start3A_102 : memref<1x27x1x256xf32, #tpu.memory_space<hbm>> -> memref<27x256xf32, #tpu.memory_space<hbm>>
      tpu.enqueue_dma source(%arg8 : memref<27x256xf32, #tpu.memory_space<vmem>>) target(%dma_start3A_103 : memref<27x256xf32, #tpu.memory_space<hbm>>) target_semaphore(%arg12 : memref<!tpu.dma_semaphore, #tpu.memory_space<semaphore_mem>>)
      %add3A_104 = arith.constant 2 : i32
      %add3A_105 = arith.addi %add3A_81, %add3A_104 : i32
      %lt3A_106 = arith.constant 16 : i32
      %lt3A_107 = arith.cmpi slt, %add3A_105, %lt3A_106 : i32
      %convert_element_type3A_108 = arith.extui %lt3A_107 : i1 to i32
      %cond3A_109 = arith.constant 0 : i32
      %cond3A_110 = arith.cmpi ne, %convert_element_type3A_108, %cond3A_109 : i32
      scf.if %cond3A_110 {
        %add3A_146 = arith.constant 2 : i32
        %add3A_147 = arith.addi %add3A_81, %add3A_146 : i32
        %add3A_148 = arith.addi %mul3A_32, %add3A_147 : i32
        %dma_start3A_149 = arith.constant 0 : i32
        %dma_start3A_150 = arith.constant 0 : i32
        %dma_start3A_151 = tpu.memref_slice %arg2[%select_n3A, %dma_start3A_149, %add3A_148, %dma_start3A_150] : memref<4x128x128x256xf32, #tpu.memory_space<hbm>> -> memref<1x128x1x256xf32, #tpu.memory_space<hbm>>
        %dma_start3A_152 = tpu.memref_squeeze %dma_start3A_151 : memref<1x128x1x256xf32, #tpu.memory_space<hbm>> -> memref<128x256xf32, #tpu.memory_space<hbm>>
        %dma_start3A_153 = arith.constant 0 : i32
        %dma_start3A_154 = arith.constant 0 : i32
        %dma_start3A_155 = tpu.memref_slice %arg2[%select_n3A, %dma_start3A_153, %add3A_148, %dma_start3A_154] : memref<4x128x128x256xf32, #tpu.memory_space<hbm>> -> memref<1x128x1x256xf32, #tpu.memory_space<hbm>>
        %dma_start3A_156 = tpu.memref_squeeze %dma_start3A_155 : memref<1x128x1x256xf32, #tpu.memory_space<hbm>> -> memref<128x256xf32, #tpu.memory_space<hbm>>
        tpu.enqueue_dma source(%dma_start3A_156 : memref<128x256xf32, #tpu.memory_space<hbm>>) target(%arg5 : memref<128x256xf32, #tpu.memory_space<vmem>>) target_semaphore(%arg10 : memref<!tpu.dma_semaphore, #tpu.memory_space<semaphore_mem>>)
      } else {
      }
      %add3A_111 = arith.constant 1 : i32
      %add3A_112 = arith.addi %add3A_79, %add3A_111 : i32
      %add3A_113 = arith.addi %mul3A_32, %add3A_112 : i32
      %dma_wait3A_114 = arith.constant 0 : i32
      %dma_wait3A_115 = arith.constant 0 : i32
      %dma_wait3A_116 = tpu.memref_slice %arg2[%select_n3A, %dma_wait3A_114, %add3A_113, %dma_wait3A_115] : memref<4x128x128x256xf32, #tpu.memory_space<hbm>> -> memref<1x128x1x256xf32, #tpu.memory_space<hbm>>
      %dma_wait3A_117 = tpu.memref_squeeze %dma_wait3A_116 : memref<1x128x1x256xf32, #tpu.memory_space<hbm>> -> memref<128x256xf32, #tpu.memory_space<hbm>>
      %dma_wait3A_118 = arith.constant 0 : i32
      %dma_wait3A_119 = arith.constant 0 : i32
      %dma_wait3A_120 = tpu.memref_slice %arg2[%select_n3A, %dma_wait3A_118, %add3A_113, %dma_wait3A_119] : memref<4x128x128x256xf32, #tpu.memory_space<hbm>> -> memref<1x128x1x256xf32, #tpu.memory_space<hbm>>
      %dma_wait3A_121 = tpu.memref_squeeze %dma_wait3A_120 : memref<1x128x1x256xf32, #tpu.memory_space<hbm>> -> memref<128x256xf32, #tpu.memory_space<hbm>>
      tpu.wait_dma2 semaphore(%arg11 : memref<!tpu.dma_semaphore, #tpu.memory_space<semaphore_mem>>) src(%dma_wait3A_121 : memref<128x256xf32, #tpu.memory_space<hbm>>) dst(%arg6 : memref<128x256xf32, #tpu.memory_space<vmem>>)
      %ge3A_122 = arith.constant 2 : i32
      %ge3A_123 = arith.cmpi sge, %add3A_112, %ge3A_122 : i32
      %convert_element_type3A_124 = arith.extui %ge3A_123 : i1 to i32
      %cond3A_125 = arith.constant 0 : i32
      %cond3A_126 = arith.cmpi ne, %convert_element_type3A_124, %cond3A_125 : i32
      scf.if %cond3A_126 {
        %sub3A_146 = arith.constant 2 : i32
        %sub3A_147 = arith.subi %add3A_112, %sub3A_146 : i32
        %add3A_148 = arith.addi %mul3A_32, %sub3A_147 : i32
        %dma_wait3A_149 = arith.constant 0 : i32
        %dma_wait3A_150 = arith.constant 0 : i32
        %dma_wait3A_151 = tpu.memref_slice %arg4[%select_n3A, %dma_wait3A_149, %add3A_148, %dma_wait3A_150] : memref<4x27x128x256xf32, #tpu.memory_space<hbm>> -> memref<1x27x1x256xf32, #tpu.memory_space<hbm>>
        %dma_wait3A_152 = tpu.memref_squeeze %dma_wait3A_151 : memref<1x27x1x256xf32, #tpu.memory_space<hbm>> -> memref<27x256xf32, #tpu.memory_space<hbm>>
        %dma_wait3A_153 = arith.constant 0 : i32
        %dma_wait3A_154 = arith.constant 0 : i32
        %dma_wait3A_155 = tpu.memref_slice %arg4[%select_n3A, %dma_wait3A_153, %add3A_148, %dma_wait3A_154] : memref<4x27x128x256xf32, #tpu.memory_space<hbm>> -> memref<1x27x1x256xf32, #tpu.memory_space<hbm>>
        %dma_wait3A_156 = tpu.memref_squeeze %dma_wait3A_155 : memref<1x27x1x256xf32, #tpu.memory_space<hbm>> -> memref<27x256xf32, #tpu.memory_space<hbm>>
        tpu.wait_dma2 semaphore(%arg13 : memref<!tpu.dma_semaphore, #tpu.memory_space<semaphore_mem>>) src(%arg9 : memref<27x256xf32, #tpu.memory_space<vmem>>) dst(%dma_wait3A_156 : memref<27x256xf32, #tpu.memory_space<hbm>>)
      } else {
      }
      %parallel_loop3A_127 = arith.constant 0 : i32
      %parallel_loop3A_128 = arith.constant 16 : i32
      %parallel_loop3A_129 = arith.constant 1 : i32
      scf.for %parallel_loop3A_146 = %parallel_loop3A_127 to %parallel_loop3A_128 step %parallel_loop3A_129  : i32 {
        %parallel_loop3A_147 = arith.constant 16 : i32
        %parallel_loop3A_148 = arith.muli %parallel_loop3A_146, %parallel_loop3A_147 : i32
        %parallel_loop3A_149 = vector.broadcast %parallel_loop3A_148 : i32 to vector<16xi32>
        %parallel_loop3A_150 = arith.addi %parallel_loop3A_149, %iota3A : vector<16xi32>
        %parallel_loop3A_151 = arith.constant 16 : i32
        %parallel_loop3A_152 = arith.muli %parallel_loop3A_146, %parallel_loop3A_151 : i32
        %parallel_loop3A_153 = arith.index_cast %add3A_112 : i32 to index
        %parallel_loop3A_154 = arith.index_cast %parallel_loop3A_152 : i32 to index
        %parallel_loop3A_155 = tpu.vector_load %arg7[%parallel_loop3A_153, %parallel_loop3A_154] {strides = array<i32>} : memref<16x256xf32, #tpu.memory_space<vmem>>, vector<16xf32>,
        %parallel_loop3A_156 = arith.fptosi %parallel_loop3A_155 : vector<16xf32> to vector<16xi32>
        %parallel_loop3A_157 = arith.sitofp %parallel_loop3A_156 : vector<16xi32> to vector<16xf32>
        %parallel_loop3A_158 = arith.subf %parallel_loop3A_155, %parallel_loop3A_157 : vector<16xf32>
        %parallel_loop3A_159 = arith.constant 4 : i32
        %parallel_loop3A_160 = vector.broadcast %parallel_loop3A_159 : i32 to vector<16xi32>
        %parallel_loop3A_161 = arith.subi %parallel_loop3A_156, %parallel_loop3A_160 : vector<16xi32>
        %parallel_loop3A_162 = arith.constant 1.000000e+00 : f32
        %parallel_loop3A_163 = vector.broadcast %parallel_loop3A_162 : f32 to vector<16xf32>
        %parallel_loop3A_164 = arith.subf %parallel_loop3A_163, %parallel_loop3A_158 : vector<16xf32>
        %parallel_loop3A_165 = arith.constant 0 : i32
        %parallel_loop3A_166 = vector.broadcast %parallel_loop3A_165 : i32 to vector<16xi32>
        %parallel_loop3A_167 = arith.addi %parallel_loop3A_161, %parallel_loop3A_166 : vector<16xi32>
        %parallel_loop3A_168 = arith.constant 0 : i32
        %parallel_loop3A_169 = arith.constant 127 : i32
        %parallel_loop3A_170 = vector.broadcast %parallel_loop3A_168 : i32 to vector<16xi32>
        %parallel_loop3A_171 = arith.maxsi %parallel_loop3A_170, %parallel_loop3A_167 : vector<16xi32>
        %parallel_loop3A_172 = vector.broadcast %parallel_loop3A_169 : i32 to vector<16xi32>
        %parallel_loop3A_173 = arith.minsi %parallel_loop3A_172, %parallel_loop3A_171 : vector<16xi32>
        %parallel_loop3A_174 = tpu.vector_load_idx %arg6[%parallel_loop3A_173, %parallel_loop3A_150] : memref<128x256xf32, #tpu.memory_space<vmem>>[vector<16xi32>, vector<16xi32>], vector<16xf32>,
        %parallel_loop3A_175 = arith.constant 1 : i32
        %parallel_loop3A_176 = vector.broadcast %parallel_loop3A_175 : i32 to vector<16xi32>
        %parallel_loop3A_177 = arith.addi %parallel_loop3A_161, %parallel_loop3A_176 : vector<16xi32>
        %parallel_loop3A_178 = arith.constant 0 : i32
        %parallel_loop3A_179 = arith.constant 127 : i32
        %parallel_loop3A_180 = vector.broadcast %parallel_loop3A_178 : i32 to vector<16xi32>
        %parallel_loop3A_181 = arith.maxsi %parallel_loop3A_180, %parallel_loop3A_177 : vector<16xi32>
        %parallel_loop3A_182 = vector.broadcast %parallel_loop3A_179 : i32 to vector<16xi32>
        %parallel_loop3A_183 = arith.minsi %parallel_loop3A_182, %parallel_loop3A_181 : vector<16xi32>
        %parallel_loop3A_184 = tpu.vector_load_idx %arg6[%parallel_loop3A_183, %parallel_loop3A_150] : memref<128x256xf32, #tpu.memory_space<vmem>>[vector<16xi32>, vector<16xi32>], vector<16xf32>,
        %parallel_loop3A_185 = arith.mulf %parallel_loop3A_164, %parallel_loop3A_174 : vector<16xf32>
        %parallel_loop3A_186 = arith.mulf %parallel_loop3A_158, %parallel_loop3A_184 : vector<16xf32>
        %parallel_loop3A_187 = arith.addf %parallel_loop3A_185, %parallel_loop3A_186 : vector<16xf32>
        %parallel_loop3A_188 = arith.constant 16 : i32
        %parallel_loop3A_189 = arith.muli %parallel_loop3A_146, %parallel_loop3A_188 : i32
        %parallel_loop3A_190 = arith.constant 0 : i32
        %parallel_loop3A_191 = arith.index_cast %parallel_loop3A_190 : i32 to index
        %parallel_loop3A_192 = arith.index_cast %parallel_loop3A_189 : i32 to index
        %parallel_loop3A_193 = tpu.vector_load %arg9[%parallel_loop3A_191, %parallel_loop3A_192] {strides = array<i32>} : memref<27x256xf32, #tpu.memory_space<vmem>>, vector<16xf32>,
        tpu.vector_store %arg9[%parallel_loop3A_191, %parallel_loop3A_192], %parallel_loop3A_187 {strides = array<i32>} : memref<27x256xf32, #tpu.memory_space<vmem>>, vector<16xf32>,
        %parallel_loop3A_194 = arith.constant 2 : i32
        %parallel_loop3A_195 = vector.broadcast %parallel_loop3A_194 : i32 to vector<16xi32>
        %parallel_loop3A_196 = arith.addi %parallel_loop3A_161, %parallel_loop3A_195 : vector<16xi32>
        %parallel_loop3A_197 = arith.constant 0 : i32
        %parallel_loop3A_198 = arith.constant 127 : i32
        %parallel_loop3A_199 = vector.broadcast %parallel_loop3A_197 : i32 to vector<16xi32>
        %parallel_loop3A_200 = arith.maxsi %parallel_loop3A_199, %parallel_loop3A_196 : vector<16xi32>
        %parallel_loop3A_201 = vector.broadcast %parallel_loop3A_198 : i32 to vector<16xi32>
        %parallel_loop3A_202 = arith.minsi %parallel_loop3A_201, %parallel_loop3A_200 : vector<16xi32>
        %parallel_loop3A_203 = tpu.vector_load_idx %arg6[%parallel_loop3A_202, %parallel_loop3A_150] : memref<128x256xf32, #tpu.memory_space<vmem>>[vector<16xi32>, vector<16xi32>], vector<16xf32>,
        %parallel_loop3A_204 = arith.mulf %parallel_loop3A_164, %parallel_loop3A_184 : vector<16xf32>
        %parallel_loop3A_205 = arith.mulf %parallel_loop3A_158, %parallel_loop3A_203 : vector<16xf32>
        %parallel_loop3A_206 = arith.addf %parallel_loop3A_204, %parallel_loop3A_205 : vector<16xf32>
        %parallel_loop3A_207 = arith.constant 16 : i32
        %parallel_loop3A_208 = arith.muli %parallel_loop3A_146, %parallel_loop3A_207 : i32
        %parallel_loop3A_209 = arith.constant 1 : i32
        %parallel_loop3A_210 = arith.index_cast %parallel_loop3A_209 : i32 to index
        %parallel_loop3A_211 = arith.index_cast %parallel_loop3A_208 : i32 to index
        %parallel_loop3A_212 = tpu.vector_load %arg9[%parallel_loop3A_210, %parallel_loop3A_211] {strides = array<i32>} : memref<27x256xf32, #tpu.memory_space<vmem>>, vector<16xf32>,
        tpu.vector_store %arg9[%parallel_loop3A_210, %parallel_loop3A_211], %parallel_loop3A_206 {strides = array<i32>} : memref<27x256xf32, #tpu.memory_space<vmem>>, vector<16xf32>,
        %parallel_loop3A_213 = arith.constant 3 : i32
        %parallel_loop3A_214 = vector.broadcast %parallel_loop3A_213 : i32 to vector<16xi32>
        %parallel_loop3A_215 = arith.addi %parallel_loop3A_161, %parallel_loop3A_214 : vector<16xi32>
        %parallel_loop3A_216 = arith.constant 0 : i32
        %parallel_loop3A_217 = arith.constant 127 : i32
        %parallel_loop3A_218 = vector.broadcast %parallel_loop3A_216 : i32 to vector<16xi32>
        %parallel_loop3A_219 = arith.maxsi %parallel_loop3A_218, %parallel_loop3A_215 : vector<16xi32>
        %parallel_loop3A_220 = vector.broadcast %parallel_loop3A_217 : i32 to vector<16xi32>
        %parallel_loop3A_221 = arith.minsi %parallel_loop3A_220, %parallel_loop3A_219 : vector<16xi32>
        %parallel_loop3A_222 = tpu.vector_load_idx %arg6[%parallel_loop3A_221, %parallel_loop3A_150] : memref<128x256xf32, #tpu.memory_space<vmem>>[vector<16xi32>, vector<16xi32>], vector<16xf32>,
        %parallel_loop3A_223 = arith.mulf %parallel_loop3A_164, %parallel_loop3A_203 : vector<16xf32>
        %parallel_loop3A_224 = arith.mulf %parallel_loop3A_158, %parallel_loop3A_222 : vector<16xf32>
        %parallel_loop3A_225 = arith.addf %parallel_loop3A_223, %parallel_loop3A_224 : vector<16xf32>
        %parallel_loop3A_226 = arith.constant 16 : i32
        %parallel_loop3A_227 = arith.muli %parallel_loop3A_146, %parallel_loop3A_226 : i32
        %parallel_loop3A_228 = arith.constant 2 : i32
        %parallel_loop3A_229 = arith.index_cast %parallel_loop3A_228 : i32 to index
        %parallel_loop3A_230 = arith.index_cast %parallel_loop3A_227 : i32 to index
        %parallel_loop3A_231 = tpu.vector_load %arg9[%parallel_loop3A_229, %parallel_loop3A_230] {strides = array<i32>} : memref<27x256xf32, #tpu.memory_space<vmem>>, vector<16xf32>,
        tpu.vector_store %arg9[%parallel_loop3A_229, %parallel_loop3A_230], %parallel_loop3A_225 {strides = array<i32>} : memref<27x256xf32, #tpu.memory_space<vmem>>, vector<16xf32>,
        %parallel_loop3A_232 = arith.constant 4 : i32
        %parallel_loop3A_233 = vector.broadcast %parallel_loop3A_232 : i32 to vector<16xi32>
        %parallel_loop3A_234 = arith.addi %parallel_loop3A_161, %parallel_loop3A_233 : vector<16xi32>
        %parallel_loop3A_235 = arith.constant 0 : i32
        %parallel_loop3A_236 = arith.constant 127 : i32
        %parallel_loop3A_237 = vector.broadcast %parallel_loop3A_235 : i32 to vector<16xi32>
        %parallel_loop3A_238 = arith.maxsi %parallel_loop3A_237, %parallel_loop3A_234 : vector<16xi32>
        %parallel_loop3A_239 = vector.broadcast %parallel_loop3A_236 : i32 to vector<16xi32>
        %parallel_loop3A_240 = arith.minsi %parallel_loop3A_239, %parallel_loop3A_238 : vector<16xi32>
        %parallel_loop3A_241 = tpu.vector_load_idx %arg6[%parallel_loop3A_240, %parallel_loop3A_150] : memref<128x256xf32, #tpu.memory_space<vmem>>[vector<16xi32>, vector<16xi32>], vector<16xf32>,
        %parallel_loop3A_242 = arith.mulf %parallel_loop3A_164, %parallel_loop3A_222 : vector<16xf32>
        %parallel_loop3A_243 = arith.mulf %parallel_loop3A_158, %parallel_loop3A_241 : vector<16xf32>
        %parallel_loop3A_244 = arith.addf %parallel_loop3A_242, %parallel_loop3A_243 : vector<16xf32>
        %parallel_loop3A_245 = arith.constant 16 : i32
        %parallel_loop3A_246 = arith.muli %parallel_loop3A_146, %parallel_loop3A_245 : i32
        %parallel_loop3A_247 = arith.constant 3 : i32
        %parallel_loop3A_248 = arith.index_cast %parallel_loop3A_247 : i32 to index
        %parallel_loop3A_249 = arith.index_cast %parallel_loop3A_246 : i32 to index
        %parallel_loop3A_250 = tpu.vector_load %arg9[%parallel_loop3A_248, %parallel_loop3A_249] {strides = array<i32>} : memref<27x256xf32, #tpu.memory_space<vmem>>, vector<16xf32>,
        tpu.vector_store %arg9[%parallel_loop3A_248, %parallel_loop3A_249], %parallel_loop3A_244 {strides = array<i32>} : memref<27x256xf32, #tpu.memory_space<vmem>>, vector<16xf32>,
        %parallel_loop3A_251 = arith.constant 5 : i32
        %parallel_loop3A_252 = vector.broadcast %parallel_loop3A_251 : i32 to vector<16xi32>
        %parallel_loop3A_253 = arith.addi %parallel_loop3A_161, %parallel_loop3A_252 : vector<16xi32>
        %parallel_loop3A_254 = arith.constant 0 : i32
        %parallel_loop3A_255 = arith.constant 127 : i32
        %parallel_loop3A_256 = vector.broadcast %parallel_loop3A_254 : i32 to vector<16xi32>
        %parallel_loop3A_257 = arith.maxsi %parallel_loop3A_256, %parallel_loop3A_253 : vector<16xi32>
        %parallel_loop3A_258 = vector.broadcast %parallel_loop3A_255 : i32 to vector<16xi32>
        %parallel_loop3A_259 = arith.minsi %parallel_loop3A_258, %parallel_loop3A_257 : vector<16xi32>
        %parallel_loop3A_260 = tpu.vector_load_idx %arg6[%parallel_loop3A_259, %parallel_loop3A_150] : memref<128x256xf32, #tpu.memory_space<vmem>>[vector<16xi32>, vector<16xi32>], vector<16xf32>,
        %parallel_loop3A_261 = arith.mulf %parallel_loop3A_164, %parallel_loop3A_241 : vector<16xf32>
        %parallel_loop3A_262 = arith.mulf %parallel_loop3A_158, %parallel_loop3A_260 : vector<16xf32>
        %parallel_loop3A_263 = arith.addf %parallel_loop3A_261, %parallel_loop3A_262 : vector<16xf32>
        %parallel_loop3A_264 = arith.constant 16 : i32
        %parallel_loop3A_265 = arith.muli %parallel_loop3A_146, %parallel_loop3A_264 : i32
        %parallel_loop3A_266 = arith.constant 4 : i32
        %parallel_loop3A_267 = arith.index_cast %parallel_loop3A_266 : i32 to index
        %parallel_loop3A_268 = arith.index_cast %parallel_loop3A_265 : i32 to index
        %parallel_loop3A_269 = tpu.vector_load %arg9[%parallel_loop3A_267, %parallel_loop3A_268] {strides = array<i32>} : memref<27x256xf32, #tpu.memory_space<vmem>>, vector<16xf32>,
        tpu.vector_store %arg9[%parallel_loop3A_267, %parallel_loop3A_268], %parallel_loop3A_263 {strides = array<i32>} : memref<27x256xf32, #tpu.memory_space<vmem>>, vector<16xf32>,
        %parallel_loop3A_270 = arith.constant 6 : i32
        %parallel_loop3A_271 = vector.broadcast %parallel_loop3A_270 : i32 to vector<16xi32>
        %parallel_loop3A_272 = arith.addi %parallel_loop3A_161, %parallel_loop3A_271 : vector<16xi32>
        %parallel_loop3A_273 = arith.constant 0 : i32
        %parallel_loop3A_274 = arith.constant 127 : i32
        %parallel_loop3A_275 = vector.broadcast %parallel_loop3A_273 : i32 to vector<16xi32>
        %parallel_loop3A_276 = arith.maxsi %parallel_loop3A_275, %parallel_loop3A_272 : vector<16xi32>
        %parallel_loop3A_277 = vector.broadcast %parallel_loop3A_274 : i32 to vector<16xi32>
        %parallel_loop3A_278 = arith.minsi %parallel_loop3A_277, %parallel_loop3A_276 : vector<16xi32>
        %parallel_loop3A_279 = tpu.vector_load_idx %arg6[%parallel_loop3A_278, %parallel_loop3A_150] : memref<128x256xf32, #tpu.memory_space<vmem>>[vector<16xi32>, vector<16xi32>], vector<16xf32>,
        %parallel_loop3A_280 = arith.mulf %parallel_loop3A_164, %parallel_loop3A_260 : vector<16xf32>
        %parallel_loop3A_281 = arith.mulf %parallel_loop3A_158, %parallel_loop3A_279 : vector<16xf32>
        %parallel_loop3A_282 = arith.addf %parallel_loop3A_280, %parallel_loop3A_281 : vector<16xf32>
        %parallel_loop3A_283 = arith.constant 16 : i32
        %parallel_loop3A_284 = arith.muli %parallel_loop3A_146, %parallel_loop3A_283 : i32
        %parallel_loop3A_285 = arith.constant 5 : i32
        %parallel_loop3A_286 = arith.index_cast %parallel_loop3A_285 : i32 to index
        %parallel_loop3A_287 = arith.index_cast %parallel_loop3A_284 : i32 to index
        %parallel_loop3A_288 = tpu.vector_load %arg9[%parallel_loop3A_286, %parallel_loop3A_287] {strides = array<i32>} : memref<27x256xf32, #tpu.memory_space<vmem>>, vector<16xf32>,
        tpu.vector_store %arg9[%parallel_loop3A_286, %parallel_loop3A_287], %parallel_loop3A_282 {strides = array<i32>} : memref<27x256xf32, #tpu.memory_space<vmem>>, vector<16xf32>,
        %parallel_loop3A_289 = arith.constant 7 : i32
        %parallel_loop3A_290 = vector.broadcast %parallel_loop3A_289 : i32 to vector<16xi32>
        %parallel_loop3A_291 = arith.addi %parallel_loop3A_161, %parallel_loop3A_290 : vector<16xi32>
        %parallel_loop3A_292 = arith.constant 0 : i32
        %parallel_loop3A_293 = arith.constant 127 : i32
        %parallel_loop3A_294 = vector.broadcast %parallel_loop3A_292 : i32 to vector<16xi32>
        %parallel_loop3A_295 = arith.maxsi %parallel_loop3A_294, %parallel_loop3A_291 : vector<16xi32>
        %parallel_loop3A_296 = vector.broadcast %parallel_loop3A_293 : i32 to vector<16xi32>
        %parallel_loop3A_297 = arith.minsi %parallel_loop3A_296, %parallel_loop3A_295 : vector<16xi32>
        %parallel_loop3A_298 = tpu.vector_load_idx %arg6[%parallel_loop3A_297, %parallel_loop3A_150] : memref<128x256xf32, #tpu.memory_space<vmem>>[vector<16xi32>, vector<16xi32>], vector<16xf32>,
        %parallel_loop3A_299 = arith.mulf %parallel_loop3A_164, %parallel_loop3A_279 : vector<16xf32>
        %parallel_loop3A_300 = arith.mulf %parallel_loop3A_158, %parallel_loop3A_298 : vector<16xf32>
        %parallel_loop3A_301 = arith.addf %parallel_loop3A_299, %parallel_loop3A_300 : vector<16xf32>
        %parallel_loop3A_302 = arith.constant 16 : i32
        %parallel_loop3A_303 = arith.muli %parallel_loop3A_146, %parallel_loop3A_302 : i32
        %parallel_loop3A_304 = arith.constant 6 : i32
        %parallel_loop3A_305 = arith.index_cast %parallel_loop3A_304 : i32 to index
        %parallel_loop3A_306 = arith.index_cast %parallel_loop3A_303 : i32 to index
        %parallel_loop3A_307 = tpu.vector_load %arg9[%parallel_loop3A_305, %parallel_loop3A_306] {strides = array<i32>} : memref<27x256xf32, #tpu.memory_space<vmem>>, vector<16xf32>,
        tpu.vector_store %arg9[%parallel_loop3A_305, %parallel_loop3A_306], %parallel_loop3A_301 {strides = array<i32>} : memref<27x256xf32, #tpu.memory_space<vmem>>, vector<16xf32>,
        %parallel_loop3A_308 = arith.constant 8 : i32
        %parallel_loop3A_309 = vector.broadcast %parallel_loop3A_308 : i32 to vector<16xi32>
        %parallel_loop3A_310 = arith.addi %parallel_loop3A_161, %parallel_loop3A_309 : vector<16xi32>
        %parallel_loop3A_311 = arith.constant 0 : i32
        %parallel_loop3A_312 = arith.constant 127 : i32
        %parallel_loop3A_313 = vector.broadcast %parallel_loop3A_311 : i32 to vector<16xi32>
        %parallel_loop3A_314 = arith.maxsi %parallel_loop3A_313, %parallel_loop3A_310 : vector<16xi32>
        %parallel_loop3A_315 = vector.broadcast %parallel_loop3A_312 : i32 to vector<16xi32>
        %parallel_loop3A_316 = arith.minsi %parallel_loop3A_315, %parallel_loop3A_314 : vector<16xi32>
        %parallel_loop3A_317 = tpu.vector_load_idx %arg6[%parallel_loop3A_316, %parallel_loop3A_150] : memref<128x256xf32, #tpu.memory_space<vmem>>[vector<16xi32>, vector<16xi32>], vector<16xf32>,
        %parallel_loop3A_318 = arith.mulf %parallel_loop3A_164, %parallel_loop3A_298 : vector<16xf32>
        %parallel_loop3A_319 = arith.mulf %parallel_loop3A_158, %parallel_loop3A_317 : vector<16xf32>
        %parallel_loop3A_320 = arith.addf %parallel_loop3A_318, %parallel_loop3A_319 : vector<16xf32>
        %parallel_loop3A_321 = arith.constant 16 : i32
        %parallel_loop3A_322 = arith.muli %parallel_loop3A_146, %parallel_loop3A_321 : i32
        %parallel_loop3A_323 = arith.constant 7 : i32
        %parallel_loop3A_324 = arith.index_cast %parallel_loop3A_323 : i32 to index
        %parallel_loop3A_325 = arith.index_cast %parallel_loop3A_322 : i32 to index
        %parallel_loop3A_326 = tpu.vector_load %arg9[%parallel_loop3A_324, %parallel_loop3A_325] {strides = array<i32>} : memref<27x256xf32, #tpu.memory_space<vmem>>, vector<16xf32>,
        tpu.vector_store %arg9[%parallel_loop3A_324, %parallel_loop3A_325], %parallel_loop3A_320 {strides = array<i32>} : memref<27x256xf32, #tpu.memory_space<vmem>>, vector<16xf32>,
        %parallel_loop3A_327 = arith.constant 9 : i32
        %parallel_loop3A_328 = vector.broadcast %parallel_loop3A_327 : i32 to vector<16xi32>
        %parallel_loop3A_329 = arith.addi %parallel_loop3A_161, %parallel_loop3A_328 : vector<16xi32>
        %parallel_loop3A_330 = arith.constant 0 : i32
        %parallel_loop3A_331 = arith.constant 127 : i32
        %parallel_loop3A_332 = vector.broadcast %parallel_loop3A_330 : i32 to vector<16xi32>
        %parallel_loop3A_333 = arith.maxsi %parallel_loop3A_332, %parallel_loop3A_329 : vector<16xi32>
        %parallel_loop3A_334 = vector.broadcast %parallel_loop3A_331 : i32 to vector<16xi32>
        %parallel_loop3A_335 = arith.minsi %parallel_loop3A_334, %parallel_loop3A_333 : vector<16xi32>
        %parallel_loop3A_336 = tpu.vector_load_idx %arg6[%parallel_loop3A_335, %parallel_loop3A_150] : memref<128x256xf32, #tpu.memory_space<vmem>>[vector<16xi32>, vector<16xi32>], vector<16xf32>,
        %parallel_loop3A_337 = arith.mulf %parallel_loop3A_164, %parallel_loop3A_317 : vector<16xf32>
        %parallel_loop3A_338 = arith.mulf %parallel_loop3A_158, %parallel_loop3A_336 : vector<16xf32>
        %parallel_loop3A_339 = arith.addf %parallel_loop3A_337, %parallel_loop3A_338 : vector<16xf32>
        %parallel_loop3A_340 = arith.constant 16 : i32
        %parallel_loop3A_341 = arith.muli %parallel_loop3A_146, %parallel_loop3A_340 : i32
        %parallel_loop3A_342 = arith.constant 8 : i32
        %parallel_loop3A_343 = arith.index_cast %parallel_loop3A_342 : i32 to index
        %parallel_loop3A_344 = arith.index_cast %parallel_loop3A_341 : i32 to index
        %parallel_loop3A_345 = tpu.vector_load %arg9[%parallel_loop3A_343, %parallel_loop3A_344] {strides = array<i32>} : memref<27x256xf32, #tpu.memory_space<vmem>>, vector<16xf32>,
        tpu.vector_store %arg9[%parallel_loop3A_343, %parallel_loop3A_344], %parallel_loop3A_339 {strides = array<i32>} : memref<27x256xf32, #tpu.memory_space<vmem>>, vector<16xf32>,
        %parallel_loop3A_346 = arith.constant 5.000000e-01 : f32
        %parallel_loop3A_347 = vector.broadcast %parallel_loop3A_346 : f32 to vector<16xf32>
        %parallel_loop3A_348 = arith.mulf %parallel_loop3A_155, %parallel_loop3A_347 : vector<16xf32>
        %parallel_loop3A_349 = arith.fptosi %parallel_loop3A_348 : vector<16xf32> to vector<16xi32>
        %parallel_loop3A_350 = arith.sitofp %parallel_loop3A_349 : vector<16xi32> to vector<16xf32>
        %parallel_loop3A_351 = arith.subf %parallel_loop3A_348, %parallel_loop3A_350 : vector<16xf32>
        %parallel_loop3A_352 = arith.constant 2.500000e-01 : f32
        %parallel_loop3A_353 = vector.broadcast %parallel_loop3A_352 : f32 to vector<16xf32>
        %parallel_loop3A_354 = arith.mulf %parallel_loop3A_155, %parallel_loop3A_353 : vector<16xf32>
        %parallel_loop3A_355 = arith.fptosi %parallel_loop3A_354 : vector<16xf32> to vector<16xi32>
        %parallel_loop3A_356 = arith.sitofp %parallel_loop3A_355 : vector<16xi32> to vector<16xf32>
        %parallel_loop3A_357 = arith.subf %parallel_loop3A_354, %parallel_loop3A_356 : vector<16xf32>
        %parallel_loop3A_358 = arith.constant 2 : i32
        %parallel_loop3A_359 = vector.broadcast %parallel_loop3A_358 : i32 to vector<16xi32>
        %parallel_loop3A_360 = arith.muli %parallel_loop3A_359, %parallel_loop3A_355 : vector<16xi32>
        %parallel_loop3A_361 = arith.constant 8 : i32
        %parallel_loop3A_362 = vector.broadcast %parallel_loop3A_361 : i32 to vector<16xi32>
        %parallel_loop3A_363 = arith.subi %parallel_loop3A_360, %parallel_loop3A_362 : vector<16xi32>
        %parallel_loop3A_364 = arith.constant 4 : i32
        %parallel_loop3A_365 = vector.broadcast %parallel_loop3A_364 : i32 to vector<16xi32>
        %parallel_loop3A_366 = arith.subi %parallel_loop3A_349, %parallel_loop3A_365 : vector<16xi32>
        %parallel_loop3A_367 = arith.subi %parallel_loop3A_366, %parallel_loop3A_363 : vector<16xi32>
        %parallel_loop3A_368 = arith.constant 5 : i32
        %parallel_loop3A_369 = vector.broadcast %parallel_loop3A_368 : i32 to vector<16xi32>
        %parallel_loop3A_370 = arith.cmpi eq, %parallel_loop3A_367, %parallel_loop3A_369 : vector<16xi32>
        %parallel_loop3A_371 = arith.constant 0 : i32
        %parallel_loop3A_372 = vector.broadcast %parallel_loop3A_371 : i32 to vector<16xi32>
        %parallel_loop3A_373 = arith.addi %parallel_loop3A_363, %parallel_loop3A_372 : vector<16xi32>
        %parallel_loop3A_374 = arith.constant 0 : i32
        %parallel_loop3A_375 = arith.constant 63 : i32
        %parallel_loop3A_376 = vector.broadcast %parallel_loop3A_374 : i32 to vector<16xi32>
        %parallel_loop3A_377 = arith.maxsi %parallel_loop3A_376, %parallel_loop3A_373 : vector<16xi32>
        %parallel_loop3A_378 = vector.broadcast %parallel_loop3A_375 : i32 to vector<16xi32>
        %parallel_loop3A_379 = arith.minsi %parallel_loop3A_378, %parallel_loop3A_377 : vector<16xi32>
        %parallel_loop3A_380 = arith.constant 1 : i32
        %parallel_loop3A_381 = vector.broadcast %parallel_loop3A_380 : i32 to vector<16xi32>
        %parallel_loop3A_382 = arith.shli %parallel_loop3A_379, %parallel_loop3A_381 : vector<16xi32>
        %parallel_loop3A_383 = tpu.vector_load_idx %arg6[%parallel_loop3A_382, %parallel_loop3A_150] : memref<128x256xf32, #tpu.memory_space<vmem>>[vector<16xi32>, vector<16xi32>], vector<16xf32>,
        %parallel_loop3A_384 = arith.constant 1 : i32
        %parallel_loop3A_385 = vector.broadcast %parallel_loop3A_384 : i32 to vector<16xi32>
        %parallel_loop3A_386 = arith.addi %parallel_loop3A_382, %parallel_loop3A_385 : vector<16xi32>
        %parallel_loop3A_387 = tpu.vector_load_idx %arg6[%parallel_loop3A_386, %parallel_loop3A_150] : memref<128x256xf32, #tpu.memory_space<vmem>>[vector<16xi32>, vector<16xi32>], vector<16xf32>,
        %parallel_loop3A_388 = arith.addf %parallel_loop3A_383, %parallel_loop3A_387 : vector<16xf32>
        %parallel_loop3A_389 = arith.constant 1 : i32
        %parallel_loop3A_390 = vector.broadcast %parallel_loop3A_389 : i32 to vector<16xi32>
        %parallel_loop3A_391 = arith.addi %parallel_loop3A_363, %parallel_loop3A_390 : vector<16xi32>
        %parallel_loop3A_392 = arith.constant 0 : i32
        %parallel_loop3A_393 = arith.constant 63 : i32
        %parallel_loop3A_394 = vector.broadcast %parallel_loop3A_392 : i32 to vector<16xi32>
        %parallel_loop3A_395 = arith.maxsi %parallel_loop3A_394, %parallel_loop3A_391 : vector<16xi32>
        %parallel_loop3A_396 = vector.broadcast %parallel_loop3A_393 : i32 to vector<16xi32>
        %parallel_loop3A_397 = arith.minsi %parallel_loop3A_396, %parallel_loop3A_395 : vector<16xi32>
        %parallel_loop3A_398 = arith.constant 1 : i32
        %parallel_loop3A_399 = vector.broadcast %parallel_loop3A_398 : i32 to vector<16xi32>
        %parallel_loop3A_400 = arith.shli %parallel_loop3A_397, %parallel_loop3A_399 : vector<16xi32>
        %parallel_loop3A_401 = tpu.vector_load_idx %arg6[%parallel_loop3A_400, %parallel_loop3A_150] : memref<128x256xf32, #tpu.memory_space<vmem>>[vector<16xi32>, vector<16xi32>], vector<16xf32>,
        %parallel_loop3A_402 = arith.constant 1 : i32
        %parallel_loop3A_403 = vector.broadcast %parallel_loop3A_402 : i32 to vector<16xi32>
        %parallel_loop3A_404 = arith.addi %parallel_loop3A_400, %parallel_loop3A_403 : vector<16xi32>
        %parallel_loop3A_405 = tpu.vector_load_idx %arg6[%parallel_loop3A_404, %parallel_loop3A_150] : memref<128x256xf32, #tpu.memory_space<vmem>>[vector<16xi32>, vector<16xi32>], vector<16xf32>,
        %parallel_loop3A_406 = arith.addf %parallel_loop3A_401, %parallel_loop3A_405 : vector<16xf32>
        %parallel_loop3A_407 = arith.constant 2 : i32
        %parallel_loop3A_408 = vector.broadcast %parallel_loop3A_407 : i32 to vector<16xi32>
        %parallel_loop3A_409 = arith.addi %parallel_loop3A_363, %parallel_loop3A_408 : vector<16xi32>
        %parallel_loop3A_410 = arith.constant 0 : i32
        %parallel_loop3A_411 = arith.constant 63 : i32
        %parallel_loop3A_412 = vector.broadcast %parallel_loop3A_410 : i32 to vector<16xi32>
        %parallel_loop3A_413 = arith.maxsi %parallel_loop3A_412, %parallel_loop3A_409 : vector<16xi32>
        %parallel_loop3A_414 = vector.broadcast %parallel_loop3A_411 : i32 to vector<16xi32>
        %parallel_loop3A_415 = arith.minsi %parallel_loop3A_414, %parallel_loop3A_413 : vector<16xi32>
        %parallel_loop3A_416 = arith.constant 1 : i32
        %parallel_loop3A_417 = vector.broadcast %parallel_loop3A_416 : i32 to vector<16xi32>
        %parallel_loop3A_418 = arith.shli %parallel_loop3A_415, %parallel_loop3A_417 : vector<16xi32>
        %parallel_loop3A_419 = tpu.vector_load_idx %arg6[%parallel_loop3A_418, %parallel_loop3A_150] : memref<128x256xf32, #tpu.memory_space<vmem>>[vector<16xi32>, vector<16xi32>], vector<16xf32>,
        %parallel_loop3A_420 = arith.constant 1 : i32
        %parallel_loop3A_421 = vector.broadcast %parallel_loop3A_420 : i32 to vector<16xi32>
        %parallel_loop3A_422 = arith.addi %parallel_loop3A_418, %parallel_loop3A_421 : vector<16xi32>
        %parallel_loop3A_423 = tpu.vector_load_idx %arg6[%parallel_loop3A_422, %parallel_loop3A_150] : memref<128x256xf32, #tpu.memory_space<vmem>>[vector<16xi32>, vector<16xi32>], vector<16xf32>,
        %parallel_loop3A_424 = arith.addf %parallel_loop3A_419, %parallel_loop3A_423 : vector<16xf32>
        %parallel_loop3A_425 = arith.constant 3 : i32
        %parallel_loop3A_426 = vector.broadcast %parallel_loop3A_425 : i32 to vector<16xi32>
        %parallel_loop3A_427 = arith.addi %parallel_loop3A_363, %parallel_loop3A_426 : vector<16xi32>
        %parallel_loop3A_428 = arith.constant 0 : i32
        %parallel_loop3A_429 = arith.constant 63 : i32
        %parallel_loop3A_430 = vector.broadcast %parallel_loop3A_428 : i32 to vector<16xi32>
        %parallel_loop3A_431 = arith.maxsi %parallel_loop3A_430, %parallel_loop3A_427 : vector<16xi32>
        %parallel_loop3A_432 = vector.broadcast %parallel_loop3A_429 : i32 to vector<16xi32>
        %parallel_loop3A_433 = arith.minsi %parallel_loop3A_432, %parallel_loop3A_431 : vector<16xi32>
        %parallel_loop3A_434 = arith.constant 1 : i32
        %parallel_loop3A_435 = vector.broadcast %parallel_loop3A_434 : i32 to vector<16xi32>
        %parallel_loop3A_436 = arith.shli %parallel_loop3A_433, %parallel_loop3A_435 : vector<16xi32>
        %parallel_loop3A_437 = tpu.vector_load_idx %arg6[%parallel_loop3A_436, %parallel_loop3A_150] : memref<128x256xf32, #tpu.memory_space<vmem>>[vector<16xi32>, vector<16xi32>], vector<16xf32>,
        %parallel_loop3A_438 = arith.constant 1 : i32
        %parallel_loop3A_439 = vector.broadcast %parallel_loop3A_438 : i32 to vector<16xi32>
        %parallel_loop3A_440 = arith.addi %parallel_loop3A_436, %parallel_loop3A_439 : vector<16xi32>
        %parallel_loop3A_441 = tpu.vector_load_idx %arg6[%parallel_loop3A_440, %parallel_loop3A_150] : memref<128x256xf32, #tpu.memory_space<vmem>>[vector<16xi32>, vector<16xi32>], vector<16xf32>,
        %parallel_loop3A_442 = arith.addf %parallel_loop3A_437, %parallel_loop3A_441 : vector<16xf32>
        %parallel_loop3A_443 = arith.constant 4 : i32
        %parallel_loop3A_444 = vector.broadcast %parallel_loop3A_443 : i32 to vector<16xi32>
        %parallel_loop3A_445 = arith.addi %parallel_loop3A_363, %parallel_loop3A_444 : vector<16xi32>
        %parallel_loop3A_446 = arith.constant 0 : i32
        %parallel_loop3A_447 = arith.constant 63 : i32
        %parallel_loop3A_448 = vector.broadcast %parallel_loop3A_446 : i32 to vector<16xi32>
        %parallel_loop3A_449 = arith.maxsi %parallel_loop3A_448, %parallel_loop3A_445 : vector<16xi32>
        %parallel_loop3A_450 = vector.broadcast %parallel_loop3A_447 : i32 to vector<16xi32>
        %parallel_loop3A_451 = arith.minsi %parallel_loop3A_450, %parallel_loop3A_449 : vector<16xi32>
        %parallel_loop3A_452 = arith.constant 1 : i32
        %parallel_loop3A_453 = vector.broadcast %parallel_loop3A_452 : i32 to vector<16xi32>
        %parallel_loop3A_454 = arith.shli %parallel_loop3A_451, %parallel_loop3A_453 : vector<16xi32>
        %parallel_loop3A_455 = tpu.vector_load_idx %arg6[%parallel_loop3A_454, %parallel_loop3A_150] : memref<128x256xf32, #tpu.memory_space<vmem>>[vector<16xi32>, vector<16xi32>], vector<16xf32>,
        %parallel_loop3A_456 = arith.constant 1 : i32
        %parallel_loop3A_457 = vector.broadcast %parallel_loop3A_456 : i32 to vector<16xi32>
        %parallel_loop3A_458 = arith.addi %parallel_loop3A_454, %parallel_loop3A_457 : vector<16xi32>
        %parallel_loop3A_459 = tpu.vector_load_idx %arg6[%parallel_loop3A_458, %parallel_loop3A_150] : memref<128x256xf32, #tpu.memory_space<vmem>>[vector<16xi32>, vector<16xi32>], vector<16xf32>,
        %parallel_loop3A_460 = arith.addf %parallel_loop3A_455, %parallel_loop3A_459 : vector<16xf32>
        %parallel_loop3A_461 = arith.constant 5 : i32
        %parallel_loop3A_462 = vector.broadcast %parallel_loop3A_461 : i32 to vector<16xi32>
        %parallel_loop3A_463 = arith.addi %parallel_loop3A_363, %parallel_loop3A_462 : vector<16xi32>
        %parallel_loop3A_464 = arith.constant 0 : i32
        %parallel_loop3A_465 = arith.constant 63 : i32
        %parallel_loop3A_466 = vector.broadcast %parallel_loop3A_464 : i32 to vector<16xi32>
        %parallel_loop3A_467 = arith.maxsi %parallel_loop3A_466, %parallel_loop3A_463 : vector<16xi32>
        %parallel_loop3A_468 = vector.broadcast %parallel_loop3A_465 : i32 to vector<16xi32>
        %parallel_loop3A_469 = arith.minsi %parallel_loop3A_468, %parallel_loop3A_467 : vector<16xi32>
        %parallel_loop3A_470 = arith.constant 1 : i32
        %parallel_loop3A_471 = vector.broadcast %parallel_loop3A_470 : i32 to vector<16xi32>
        %parallel_loop3A_472 = arith.shli %parallel_loop3A_469, %parallel_loop3A_471 : vector<16xi32>
        %parallel_loop3A_473 = tpu.vector_load_idx %arg6[%parallel_loop3A_472, %parallel_loop3A_150] : memref<128x256xf32, #tpu.memory_space<vmem>>[vector<16xi32>, vector<16xi32>], vector<16xf32>,
        %parallel_loop3A_474 = arith.constant 1 : i32
        %parallel_loop3A_475 = vector.broadcast %parallel_loop3A_474 : i32 to vector<16xi32>
        %parallel_loop3A_476 = arith.addi %parallel_loop3A_472, %parallel_loop3A_475 : vector<16xi32>
        %parallel_loop3A_477 = tpu.vector_load_idx %arg6[%parallel_loop3A_476, %parallel_loop3A_150] : memref<128x256xf32, #tpu.memory_space<vmem>>[vector<16xi32>, vector<16xi32>], vector<16xf32>,
        %parallel_loop3A_478 = arith.addf %parallel_loop3A_473, %parallel_loop3A_477 : vector<16xf32>
        %parallel_loop3A_479 = arith.constant 6 : i32
        %parallel_loop3A_480 = vector.broadcast %parallel_loop3A_479 : i32 to vector<16xi32>
        %parallel_loop3A_481 = arith.addi %parallel_loop3A_363, %parallel_loop3A_480 : vector<16xi32>
        %parallel_loop3A_482 = arith.constant 0 : i32
        %parallel_loop3A_483 = arith.constant 63 : i32
        %parallel_loop3A_484 = vector.broadcast %parallel_loop3A_482 : i32 to vector<16xi32>
        %parallel_loop3A_485 = arith.maxsi %parallel_loop3A_484, %parallel_loop3A_481 : vector<16xi32>
        %parallel_loop3A_486 = vector.broadcast %parallel_loop3A_483 : i32 to vector<16xi32>
        %parallel_loop3A_487 = arith.minsi %parallel_loop3A_486, %parallel_loop3A_485 : vector<16xi32>
        %parallel_loop3A_488 = arith.constant 1 : i32
        %parallel_loop3A_489 = vector.broadcast %parallel_loop3A_488 : i32 to vector<16xi32>
        %parallel_loop3A_490 = arith.shli %parallel_loop3A_487, %parallel_loop3A_489 : vector<16xi32>
        %parallel_loop3A_491 = tpu.vector_load_idx %arg6[%parallel_loop3A_490, %parallel_loop3A_150] : memref<128x256xf32, #tpu.memory_space<vmem>>[vector<16xi32>, vector<16xi32>], vector<16xf32>,
        %parallel_loop3A_492 = arith.constant 1 : i32
        %parallel_loop3A_493 = vector.broadcast %parallel_loop3A_492 : i32 to vector<16xi32>
        %parallel_loop3A_494 = arith.addi %parallel_loop3A_490, %parallel_loop3A_493 : vector<16xi32>
        %parallel_loop3A_495 = tpu.vector_load_idx %arg6[%parallel_loop3A_494, %parallel_loop3A_150] : memref<128x256xf32, #tpu.memory_space<vmem>>[vector<16xi32>, vector<16xi32>], vector<16xf32>,
        %parallel_loop3A_496 = arith.addf %parallel_loop3A_491, %parallel_loop3A_495 : vector<16xf32>
        %parallel_loop3A_497 = arith.constant 7 : i32
        %parallel_loop3A_498 = vector.broadcast %parallel_loop3A_497 : i32 to vector<16xi32>
        %parallel_loop3A_499 = arith.addi %parallel_loop3A_363, %parallel_loop3A_498 : vector<16xi32>
        %parallel_loop3A_500 = arith.constant 0 : i32
        %parallel_loop3A_501 = arith.constant 63 : i32
        %parallel_loop3A_502 = vector.broadcast %parallel_loop3A_500 : i32 to vector<16xi32>
        %parallel_loop3A_503 = arith.maxsi %parallel_loop3A_502, %parallel_loop3A_499 : vector<16xi32>
        %parallel_loop3A_504 = vector.broadcast %parallel_loop3A_501 : i32 to vector<16xi32>
        %parallel_loop3A_505 = arith.minsi %parallel_loop3A_504, %parallel_loop3A_503 : vector<16xi32>
        %parallel_loop3A_506 = arith.constant 1 : i32
        %parallel_loop3A_507 = vector.broadcast %parallel_loop3A_506 : i32 to vector<16xi32>
        %parallel_loop3A_508 = arith.shli %parallel_loop3A_505, %parallel_loop3A_507 : vector<16xi32>
        %parallel_loop3A_509 = tpu.vector_load_idx %arg6[%parallel_loop3A_508, %parallel_loop3A_150] : memref<128x256xf32, #tpu.memory_space<vmem>>[vector<16xi32>, vector<16xi32>], vector<16xf32>,
        %parallel_loop3A_510 = arith.constant 1 : i32
        %parallel_loop3A_511 = vector.broadcast %parallel_loop3A_510 : i32 to vector<16xi32>
        %parallel_loop3A_512 = arith.addi %parallel_loop3A_508, %parallel_loop3A_511 : vector<16xi32>
        %parallel_loop3A_513 = tpu.vector_load_idx %arg6[%parallel_loop3A_512, %parallel_loop3A_150] : memref<128x256xf32, #tpu.memory_space<vmem>>[vector<16xi32>, vector<16xi32>], vector<16xf32>,
        %parallel_loop3A_514 = arith.addf %parallel_loop3A_509, %parallel_loop3A_513 : vector<16xf32>
        %parallel_loop3A_515 = arith.constant 8 : i32
        %parallel_loop3A_516 = vector.broadcast %parallel_loop3A_515 : i32 to vector<16xi32>
        %parallel_loop3A_517 = arith.addi %parallel_loop3A_363, %parallel_loop3A_516 : vector<16xi32>
        %parallel_loop3A_518 = arith.constant 0 : i32
        %parallel_loop3A_519 = arith.constant 63 : i32
        %parallel_loop3A_520 = vector.broadcast %parallel_loop3A_518 : i32 to vector<16xi32>
        %parallel_loop3A_521 = arith.maxsi %parallel_loop3A_520, %parallel_loop3A_517 : vector<16xi32>
        %parallel_loop3A_522 = vector.broadcast %parallel_loop3A_519 : i32 to vector<16xi32>
        %parallel_loop3A_523 = arith.minsi %parallel_loop3A_522, %parallel_loop3A_521 : vector<16xi32>
        %parallel_loop3A_524 = arith.constant 1 : i32
        %parallel_loop3A_525 = vector.broadcast %parallel_loop3A_524 : i32 to vector<16xi32>
        %parallel_loop3A_526 = arith.shli %parallel_loop3A_523, %parallel_loop3A_525 : vector<16xi32>
        %parallel_loop3A_527 = tpu.vector_load_idx %arg6[%parallel_loop3A_526, %parallel_loop3A_150] : memref<128x256xf32, #tpu.memory_space<vmem>>[vector<16xi32>, vector<16xi32>], vector<16xf32>,
        %parallel_loop3A_528 = arith.constant 1 : i32
        %parallel_loop3A_529 = vector.broadcast %parallel_loop3A_528 : i32 to vector<16xi32>
        %parallel_loop3A_530 = arith.addi %parallel_loop3A_526, %parallel_loop3A_529 : vector<16xi32>
        %parallel_loop3A_531 = tpu.vector_load_idx %arg6[%parallel_loop3A_530, %parallel_loop3A_150] : memref<128x256xf32, #tpu.memory_space<vmem>>[vector<16xi32>, vector<16xi32>], vector<16xf32>,
        %parallel_loop3A_532 = arith.addf %parallel_loop3A_527, %parallel_loop3A_531 : vector<16xf32>
        %parallel_loop3A_533 = arith.constant 9 : i32
        %parallel_loop3A_534 = vector.broadcast %parallel_loop3A_533 : i32 to vector<16xi32>
        %parallel_loop3A_535 = arith.addi %parallel_loop3A_363, %parallel_loop3A_534 : vector<16xi32>
        %parallel_loop3A_536 = arith.constant 0 : i32
        %parallel_loop3A_537 = arith.constant 63 : i32
        %parallel_loop3A_538 = vector.broadcast %parallel_loop3A_536 : i32 to vector<16xi32>
        %parallel_loop3A_539 = arith.maxsi %parallel_loop3A_538, %parallel_loop3A_535 : vector<16xi32>
        %parallel_loop3A_540 = vector.broadcast %parallel_loop3A_537 : i32 to vector<16xi32>
        %parallel_loop3A_541 = arith.minsi %parallel_loop3A_540, %parallel_loop3A_539 : vector<16xi32>
        %parallel_loop3A_542 = arith.constant 1 : i32
        %parallel_loop3A_543 = vector.broadcast %parallel_loop3A_542 : i32 to vector<16xi32>
        %parallel_loop3A_544 = arith.shli %parallel_loop3A_541, %parallel_loop3A_543 : vector<16xi32>
        %parallel_loop3A_545 = tpu.vector_load_idx %arg6[%parallel_loop3A_544, %parallel_loop3A_150] : memref<128x256xf32, #tpu.memory_space<vmem>>[vector<16xi32>, vector<16xi32>], vector<16xf32>,
        %parallel_loop3A_546 = arith.constant 1 : i32
        %parallel_loop3A_547 = vector.broadcast %parallel_loop3A_546 : i32 to vector<16xi32>
        %parallel_loop3A_548 = arith.addi %parallel_loop3A_544, %parallel_loop3A_547 : vector<16xi32>
        %parallel_loop3A_549 = tpu.vector_load_idx %arg6[%parallel_loop3A_548, %parallel_loop3A_150] : memref<128x256xf32, #tpu.memory_space<vmem>>[vector<16xi32>, vector<16xi32>], vector<16xf32>,
        %parallel_loop3A_550 = arith.addf %parallel_loop3A_545, %parallel_loop3A_549 : vector<16xf32>
        %parallel_loop3A_551 = arith.constant 10 : i32
        %parallel_loop3A_552 = vector.broadcast %parallel_loop3A_551 : i32 to vector<16xi32>
        %parallel_loop3A_553 = arith.addi %parallel_loop3A_363, %parallel_loop3A_552 : vector<16xi32>
        %parallel_loop3A_554 = arith.constant 0 : i32
        %parallel_loop3A_555 = arith.constant 63 : i32
        %parallel_loop3A_556 = vector.broadcast %parallel_loop3A_554 : i32 to vector<16xi32>
        %parallel_loop3A_557 = arith.maxsi %parallel_loop3A_556, %parallel_loop3A_553 : vector<16xi32>
        %parallel_loop3A_558 = vector.broadcast %parallel_loop3A_555 : i32 to vector<16xi32>
        %parallel_loop3A_559 = arith.minsi %parallel_loop3A_558, %parallel_loop3A_557 : vector<16xi32>
        %parallel_loop3A_560 = arith.constant 1 : i32
        %parallel_loop3A_561 = vector.broadcast %parallel_loop3A_560 : i32 to vector<16xi32>
        %parallel_loop3A_562 = arith.shli %parallel_loop3A_559, %parallel_loop3A_561 : vector<16xi32>
        %parallel_loop3A_563 = tpu.vector_load_idx %arg6[%parallel_loop3A_562, %parallel_loop3A_150] : memref<128x256xf32, #tpu.memory_space<vmem>>[vector<16xi32>, vector<16xi32>], vector<16xf32>,
        %parallel_loop3A_564 = arith.constant 1 : i32
        %parallel_loop3A_565 = vector.broadcast %parallel_loop3A_564 : i32 to vector<16xi32>
        %parallel_loop3A_566 = arith.addi %parallel_loop3A_562, %parallel_loop3A_565 : vector<16xi32>
        %parallel_loop3A_567 = tpu.vector_load_idx %arg6[%parallel_loop3A_566, %parallel_loop3A_150] : memref<128x256xf32, #tpu.memory_space<vmem>>[vector<16xi32>, vector<16xi32>], vector<16xf32>,
        %parallel_loop3A_568 = arith.addf %parallel_loop3A_563, %parallel_loop3A_567 : vector<16xf32>
        %parallel_loop3A_569 = arith.constant 11 : i32
        %parallel_loop3A_570 = vector.broadcast %parallel_loop3A_569 : i32 to vector<16xi32>
        %parallel_loop3A_571 = arith.addi %parallel_loop3A_363, %parallel_loop3A_570 : vector<16xi32>
        %parallel_loop3A_572 = arith.constant 0 : i32
        %parallel_loop3A_573 = arith.constant 63 : i32
        %parallel_loop3A_574 = vector.broadcast %parallel_loop3A_572 : i32 to vector<16xi32>
        %parallel_loop3A_575 = arith.maxsi %parallel_loop3A_574, %parallel_loop3A_571 : vector<16xi32>
        %parallel_loop3A_576 = vector.broadcast %parallel_loop3A_573 : i32 to vector<16xi32>
        %parallel_loop3A_577 = arith.minsi %parallel_loop3A_576, %parallel_loop3A_575 : vector<16xi32>
        %parallel_loop3A_578 = arith.constant 1 : i32
        %parallel_loop3A_579 = vector.broadcast %parallel_loop3A_578 : i32 to vector<16xi32>
        %parallel_loop3A_580 = arith.shli %parallel_loop3A_577, %parallel_loop3A_579 : vector<16xi32>
        %parallel_loop3A_581 = tpu.vector_load_idx %arg6[%parallel_loop3A_580, %parallel_loop3A_150] : memref<128x256xf32, #tpu.memory_space<vmem>>[vector<16xi32>, vector<16xi32>], vector<16xf32>,
        %parallel_loop3A_582 = arith.constant 1 : i32
        %parallel_loop3A_583 = vector.broadcast %parallel_loop3A_582 : i32 to vector<16xi32>
        %parallel_loop3A_584 = arith.addi %parallel_loop3A_580, %parallel_loop3A_583 : vector<16xi32>
        %parallel_loop3A_585 = tpu.vector_load_idx %arg6[%parallel_loop3A_584, %parallel_loop3A_150] : memref<128x256xf32, #tpu.memory_space<vmem>>[vector<16xi32>, vector<16xi32>], vector<16xf32>,
        %parallel_loop3A_586 = arith.addf %parallel_loop3A_581, %parallel_loop3A_585 : vector<16xf32>
        %parallel_loop3A_587 = arith.constant 12 : i32
        %parallel_loop3A_588 = vector.broadcast %parallel_loop3A_587 : i32 to vector<16xi32>
        %parallel_loop3A_589 = arith.addi %parallel_loop3A_363, %parallel_loop3A_588 : vector<16xi32>
        %parallel_loop3A_590 = arith.constant 0 : i32
        %parallel_loop3A_591 = arith.constant 63 : i32
        %parallel_loop3A_592 = vector.broadcast %parallel_loop3A_590 : i32 to vector<16xi32>
        %parallel_loop3A_593 = arith.maxsi %parallel_loop3A_592, %parallel_loop3A_589 : vector<16xi32>
        %parallel_loop3A_594 = vector.broadcast %parallel_loop3A_591 : i32 to vector<16xi32>
        %parallel_loop3A_595 = arith.minsi %parallel_loop3A_594, %parallel_loop3A_593 : vector<16xi32>
        %parallel_loop3A_596 = arith.constant 1 : i32
        %parallel_loop3A_597 = vector.broadcast %parallel_loop3A_596 : i32 to vector<16xi32>
        %parallel_loop3A_598 = arith.shli %parallel_loop3A_595, %parallel_loop3A_597 : vector<16xi32>
        %parallel_loop3A_599 = tpu.vector_load_idx %arg6[%parallel_loop3A_598, %parallel_loop3A_150] : memref<128x256xf32, #tpu.memory_space<vmem>>[vector<16xi32>, vector<16xi32>], vector<16xf32>,
        %parallel_loop3A_600 = arith.constant 1 : i32
        %parallel_loop3A_601 = vector.broadcast %parallel_loop3A_600 : i32 to vector<16xi32>
        %parallel_loop3A_602 = arith.addi %parallel_loop3A_598, %parallel_loop3A_601 : vector<16xi32>
        %parallel_loop3A_603 = tpu.vector_load_idx %arg6[%parallel_loop3A_602, %parallel_loop3A_150] : memref<128x256xf32, #tpu.memory_space<vmem>>[vector<16xi32>, vector<16xi32>], vector<16xf32>,
        %parallel_loop3A_604 = arith.addf %parallel_loop3A_599, %parallel_loop3A_603 : vector<16xf32>
        %parallel_loop3A_605 = arith.constant 13 : i32
        %parallel_loop3A_606 = vector.broadcast %parallel_loop3A_605 : i32 to vector<16xi32>
        %parallel_loop3A_607 = arith.addi %parallel_loop3A_363, %parallel_loop3A_606 : vector<16xi32>
        %parallel_loop3A_608 = arith.constant 0 : i32
        %parallel_loop3A_609 = arith.constant 63 : i32
        %parallel_loop3A_610 = vector.broadcast %parallel_loop3A_608 : i32 to vector<16xi32>
        %parallel_loop3A_611 = arith.maxsi %parallel_loop3A_610, %parallel_loop3A_607 : vector<16xi32>
        %parallel_loop3A_612 = vector.broadcast %parallel_loop3A_609 : i32 to vector<16xi32>
        %parallel_loop3A_613 = arith.minsi %parallel_loop3A_612, %parallel_loop3A_611 : vector<16xi32>
        %parallel_loop3A_614 = arith.constant 1 : i32
        %parallel_loop3A_615 = vector.broadcast %parallel_loop3A_614 : i32 to vector<16xi32>
        %parallel_loop3A_616 = arith.shli %parallel_loop3A_613, %parallel_loop3A_615 : vector<16xi32>
        %parallel_loop3A_617 = tpu.vector_load_idx %arg6[%parallel_loop3A_616, %parallel_loop3A_150] : memref<128x256xf32, #tpu.memory_space<vmem>>[vector<16xi32>, vector<16xi32>], vector<16xf32>,
        %parallel_loop3A_618 = arith.constant 1 : i32
        %parallel_loop3A_619 = vector.broadcast %parallel_loop3A_618 : i32 to vector<16xi32>
        %parallel_loop3A_620 = arith.addi %parallel_loop3A_616, %parallel_loop3A_619 : vector<16xi32>
        %parallel_loop3A_621 = tpu.vector_load_idx %arg6[%parallel_loop3A_620, %parallel_loop3A_150] : memref<128x256xf32, #tpu.memory_space<vmem>>[vector<16xi32>, vector<16xi32>], vector<16xf32>,
        %parallel_loop3A_622 = arith.addf %parallel_loop3A_617, %parallel_loop3A_621 : vector<16xf32>
        %parallel_loop3A_623 = arith.constant 14 : i32
        %parallel_loop3A_624 = vector.broadcast %parallel_loop3A_623 : i32 to vector<16xi32>
        %parallel_loop3A_625 = arith.addi %parallel_loop3A_363, %parallel_loop3A_624 : vector<16xi32>
        %parallel_loop3A_626 = arith.constant 0 : i32
        %parallel_loop3A_627 = arith.constant 63 : i32
        %parallel_loop3A_628 = vector.broadcast %parallel_loop3A_626 : i32 to vector<16xi32>
        %parallel_loop3A_629 = arith.maxsi %parallel_loop3A_628, %parallel_loop3A_625 : vector<16xi32>
        %parallel_loop3A_630 = vector.broadcast %parallel_loop3A_627 : i32 to vector<16xi32>
        %parallel_loop3A_631 = arith.minsi %parallel_loop3A_630, %parallel_loop3A_629 : vector<16xi32>
        %parallel_loop3A_632 = arith.constant 1 : i32
        %parallel_loop3A_633 = vector.broadcast %parallel_loop3A_632 : i32 to vector<16xi32>
        %parallel_loop3A_634 = arith.shli %parallel_loop3A_631, %parallel_loop3A_633 : vector<16xi32>
        %parallel_loop3A_635 = tpu.vector_load_idx %arg6[%parallel_loop3A_634, %parallel_loop3A_150] : memref<128x256xf32, #tpu.memory_space<vmem>>[vector<16xi32>, vector<16xi32>], vector<16xf32>,
        %parallel_loop3A_636 = arith.constant 1 : i32
        %parallel_loop3A_637 = vector.broadcast %parallel_loop3A_636 : i32 to vector<16xi32>
        %parallel_loop3A_638 = arith.addi %parallel_loop3A_634, %parallel_loop3A_637 : vector<16xi32>
        %parallel_loop3A_639 = tpu.vector_load_idx %arg6[%parallel_loop3A_638, %parallel_loop3A_150] : memref<128x256xf32, #tpu.memory_space<vmem>>[vector<16xi32>, vector<16xi32>], vector<16xf32>,
        %parallel_loop3A_640 = arith.addf %parallel_loop3A_635, %parallel_loop3A_639 : vector<16xf32>
        %parallel_loop3A_641 = arith.constant 15 : i32
        %parallel_loop3A_642 = vector.broadcast %parallel_loop3A_641 : i32 to vector<16xi32>
        %parallel_loop3A_643 = arith.addi %parallel_loop3A_363, %parallel_loop3A_642 : vector<16xi32>
        %parallel_loop3A_644 = arith.constant 0 : i32
        %parallel_loop3A_645 = arith.constant 63 : i32
        %parallel_loop3A_646 = vector.broadcast %parallel_loop3A_644 : i32 to vector<16xi32>
        %parallel_loop3A_647 = arith.maxsi %parallel_loop3A_646, %parallel_loop3A_643 : vector<16xi32>
        %parallel_loop3A_648 = vector.broadcast %parallel_loop3A_645 : i32 to vector<16xi32>
        %parallel_loop3A_649 = arith.minsi %parallel_loop3A_648, %parallel_loop3A_647 : vector<16xi32>
        %parallel_loop3A_650 = arith.constant 1 : i32
        %parallel_loop3A_651 = vector.broadcast %parallel_loop3A_650 : i32 to vector<16xi32>
        %parallel_loop3A_652 = arith.shli %parallel_loop3A_649, %parallel_loop3A_651 : vector<16xi32>
        %parallel_loop3A_653 = tpu.vector_load_idx %arg6[%parallel_loop3A_652, %parallel_loop3A_150] : memref<128x256xf32, #tpu.memory_space<vmem>>[vector<16xi32>, vector<16xi32>], vector<16xf32>,
        %parallel_loop3A_654 = arith.constant 1 : i32
        %parallel_loop3A_655 = vector.broadcast %parallel_loop3A_654 : i32 to vector<16xi32>
        %parallel_loop3A_656 = arith.addi %parallel_loop3A_652, %parallel_loop3A_655 : vector<16xi32>
        %parallel_loop3A_657 = tpu.vector_load_idx %arg6[%parallel_loop3A_656, %parallel_loop3A_150] : memref<128x256xf32, #tpu.memory_space<vmem>>[vector<16xi32>, vector<16xi32>], vector<16xf32>,
        %parallel_loop3A_658 = arith.addf %parallel_loop3A_653, %parallel_loop3A_657 : vector<16xf32>
        %parallel_loop3A_659 = arith.constant 16 : i32
        %parallel_loop3A_660 = vector.broadcast %parallel_loop3A_659 : i32 to vector<16xi32>
        %parallel_loop3A_661 = arith.addi %parallel_loop3A_363, %parallel_loop3A_660 : vector<16xi32>
        %parallel_loop3A_662 = arith.constant 0 : i32
        %parallel_loop3A_663 = arith.constant 63 : i32
        %parallel_loop3A_664 = vector.broadcast %parallel_loop3A_662 : i32 to vector<16xi32>
        %parallel_loop3A_665 = arith.maxsi %parallel_loop3A_664, %parallel_loop3A_661 : vector<16xi32>
        %parallel_loop3A_666 = vector.broadcast %parallel_loop3A_663 : i32 to vector<16xi32>
        %parallel_loop3A_667 = arith.minsi %parallel_loop3A_666, %parallel_loop3A_665 : vector<16xi32>
        %parallel_loop3A_668 = arith.constant 1 : i32
        %parallel_loop3A_669 = vector.broadcast %parallel_loop3A_668 : i32 to vector<16xi32>
        %parallel_loop3A_670 = arith.shli %parallel_loop3A_667, %parallel_loop3A_669 : vector<16xi32>
        %parallel_loop3A_671 = tpu.vector_load_idx %arg6[%parallel_loop3A_670, %parallel_loop3A_150] : memref<128x256xf32, #tpu.memory_space<vmem>>[vector<16xi32>, vector<16xi32>], vector<16xf32>,
        %parallel_loop3A_672 = arith.constant 1 : i32
        %parallel_loop3A_673 = vector.broadcast %parallel_loop3A_672 : i32 to vector<16xi32>
        %parallel_loop3A_674 = arith.addi %parallel_loop3A_670, %parallel_loop3A_673 : vector<16xi32>
        %parallel_loop3A_675 = tpu.vector_load_idx %arg6[%parallel_loop3A_674, %parallel_loop3A_150] : memref<128x256xf32, #tpu.memory_space<vmem>>[vector<16xi32>, vector<16xi32>], vector<16xf32>,
        %parallel_loop3A_676 = arith.addf %parallel_loop3A_671, %parallel_loop3A_675 : vector<16xf32>
        %parallel_loop3A_677 = arith.constant 17 : i32
        %parallel_loop3A_678 = vector.broadcast %parallel_loop3A_677 : i32 to vector<16xi32>
        %parallel_loop3A_679 = arith.addi %parallel_loop3A_363, %parallel_loop3A_678 : vector<16xi32>
        %parallel_loop3A_680 = arith.constant 0 : i32
        %parallel_loop3A_681 = arith.constant 63 : i32
        %parallel_loop3A_682 = vector.broadcast %parallel_loop3A_680 : i32 to vector<16xi32>
        %parallel_loop3A_683 = arith.maxsi %parallel_loop3A_682, %parallel_loop3A_679 : vector<16xi32>
        %parallel_loop3A_684 = vector.broadcast %parallel_loop3A_681 : i32 to vector<16xi32>
        %parallel_loop3A_685 = arith.minsi %parallel_loop3A_684, %parallel_loop3A_683 : vector<16xi32>
        %parallel_loop3A_686 = arith.constant 1 : i32
        %parallel_loop3A_687 = vector.broadcast %parallel_loop3A_686 : i32 to vector<16xi32>
        %parallel_loop3A_688 = arith.shli %parallel_loop3A_685, %parallel_loop3A_687 : vector<16xi32>
        %parallel_loop3A_689 = tpu.vector_load_idx %arg6[%parallel_loop3A_688, %parallel_loop3A_150] : memref<128x256xf32, #tpu.memory_space<vmem>>[vector<16xi32>, vector<16xi32>], vector<16xf32>,
        %parallel_loop3A_690 = arith.constant 1 : i32
        %parallel_loop3A_691 = vector.broadcast %parallel_loop3A_690 : i32 to vector<16xi32>
        %parallel_loop3A_692 = arith.addi %parallel_loop3A_688, %parallel_loop3A_691 : vector<16xi32>
        %parallel_loop3A_693 = tpu.vector_load_idx %arg6[%parallel_loop3A_692, %parallel_loop3A_150] : memref<128x256xf32, #tpu.memory_space<vmem>>[vector<16xi32>, vector<16xi32>], vector<16xf32>,
        %parallel_loop3A_694 = arith.addf %parallel_loop3A_689, %parallel_loop3A_693 : vector<16xf32>
        %parallel_loop3A_695 = arith.constant 18 : i32
        %parallel_loop3A_696 = vector.broadcast %parallel_loop3A_695 : i32 to vector<16xi32>
        %parallel_loop3A_697 = arith.addi %parallel_loop3A_363, %parallel_loop3A_696 : vector<16xi32>
        %parallel_loop3A_698 = arith.constant 0 : i32
        %parallel_loop3A_699 = arith.constant 63 : i32
        %parallel_loop3A_700 = vector.broadcast %parallel_loop3A_698 : i32 to vector<16xi32>
        %parallel_loop3A_701 = arith.maxsi %parallel_loop3A_700, %parallel_loop3A_697 : vector<16xi32>
        %parallel_loop3A_702 = vector.broadcast %parallel_loop3A_699 : i32 to vector<16xi32>
        %parallel_loop3A_703 = arith.minsi %parallel_loop3A_702, %parallel_loop3A_701 : vector<16xi32>
        %parallel_loop3A_704 = arith.constant 1 : i32
        %parallel_loop3A_705 = vector.broadcast %parallel_loop3A_704 : i32 to vector<16xi32>
        %parallel_loop3A_706 = arith.shli %parallel_loop3A_703, %parallel_loop3A_705 : vector<16xi32>
        %parallel_loop3A_707 = tpu.vector_load_idx %arg6[%parallel_loop3A_706, %parallel_loop3A_150] : memref<128x256xf32, #tpu.memory_space<vmem>>[vector<16xi32>, vector<16xi32>], vector<16xf32>,
        %parallel_loop3A_708 = arith.constant 1 : i32
        %parallel_loop3A_709 = vector.broadcast %parallel_loop3A_708 : i32 to vector<16xi32>
        %parallel_loop3A_710 = arith.addi %parallel_loop3A_706, %parallel_loop3A_709 : vector<16xi32>
        %parallel_loop3A_711 = tpu.vector_load_idx %arg6[%parallel_loop3A_710, %parallel_loop3A_150] : memref<128x256xf32, #tpu.memory_space<vmem>>[vector<16xi32>, vector<16xi32>], vector<16xf32>,
        %parallel_loop3A_712 = arith.addf %parallel_loop3A_707, %parallel_loop3A_711 : vector<16xf32>
        %parallel_loop3A_713 = arith.constant 19 : i32
        %parallel_loop3A_714 = vector.broadcast %parallel_loop3A_713 : i32 to vector<16xi32>
        %parallel_loop3A_715 = arith.addi %parallel_loop3A_363, %parallel_loop3A_714 : vector<16xi32>
        %parallel_loop3A_716 = arith.constant 0 : i32
        %parallel_loop3A_717 = arith.constant 63 : i32
        %parallel_loop3A_718 = vector.broadcast %parallel_loop3A_716 : i32 to vector<16xi32>
        %parallel_loop3A_719 = arith.maxsi %parallel_loop3A_718, %parallel_loop3A_715 : vector<16xi32>
        %parallel_loop3A_720 = vector.broadcast %parallel_loop3A_717 : i32 to vector<16xi32>
        %parallel_loop3A_721 = arith.minsi %parallel_loop3A_720, %parallel_loop3A_719 : vector<16xi32>
        %parallel_loop3A_722 = arith.constant 1 : i32
        %parallel_loop3A_723 = vector.broadcast %parallel_loop3A_722 : i32 to vector<16xi32>
        %parallel_loop3A_724 = arith.shli %parallel_loop3A_721, %parallel_loop3A_723 : vector<16xi32>
        %parallel_loop3A_725 = tpu.vector_load_idx %arg6[%parallel_loop3A_724, %parallel_loop3A_150] : memref<128x256xf32, #tpu.memory_space<vmem>>[vector<16xi32>, vector<16xi32>], vector<16xf32>,
        %parallel_loop3A_726 = arith.constant 1 : i32
        %parallel_loop3A_727 = vector.broadcast %parallel_loop3A_726 : i32 to vector<16xi32>
        %parallel_loop3A_728 = arith.addi %parallel_loop3A_724, %parallel_loop3A_727 : vector<16xi32>
        %parallel_loop3A_729 = tpu.vector_load_idx %arg6[%parallel_loop3A_728, %parallel_loop3A_150] : memref<128x256xf32, #tpu.memory_space<vmem>>[vector<16xi32>, vector<16xi32>], vector<16xf32>,
        %parallel_loop3A_730 = arith.addf %parallel_loop3A_725, %parallel_loop3A_729 : vector<16xf32>
        %parallel_loop3A_731 = arith.constant 124 : i32
        %parallel_loop3A_732 = vector.broadcast %parallel_loop3A_731 : i32 to vector<16xi32>
        %parallel_loop3A_733 = tpu.vector_load_idx %arg6[%parallel_loop3A_732, %parallel_loop3A_150] : memref<128x256xf32, #tpu.memory_space<vmem>>[vector<16xi32>, vector<16xi32>], vector<16xf32>,
        %parallel_loop3A_734 = arith.constant 125 : i32
        %parallel_loop3A_735 = vector.broadcast %parallel_loop3A_734 : i32 to vector<16xi32>
        %parallel_loop3A_736 = tpu.vector_load_idx %arg6[%parallel_loop3A_735, %parallel_loop3A_150] : memref<128x256xf32, #tpu.memory_space<vmem>>[vector<16xi32>, vector<16xi32>], vector<16xf32>,
        %parallel_loop3A_737 = arith.addf %parallel_loop3A_733, %parallel_loop3A_736 : vector<16xf32>
        %parallel_loop3A_738 = arith.constant 2 : i32
        %parallel_loop3A_739 = vector.broadcast %parallel_loop3A_738 : i32 to vector<16xi32>
        %parallel_loop3A_740 = tpu.vector_load_idx %arg6[%parallel_loop3A_739, %parallel_loop3A_150] : memref<128x256xf32, #tpu.memory_space<vmem>>[vector<16xi32>, vector<16xi32>], vector<16xf32>,
        %parallel_loop3A_741 = arith.constant 3 : i32
        %parallel_loop3A_742 = vector.broadcast %parallel_loop3A_741 : i32 to vector<16xi32>
        %parallel_loop3A_743 = tpu.vector_load_idx %arg6[%parallel_loop3A_742, %parallel_loop3A_150] : memref<128x256xf32, #tpu.memory_space<vmem>>[vector<16xi32>, vector<16xi32>], vector<16xf32>,
        %parallel_loop3A_744 = arith.addf %parallel_loop3A_740, %parallel_loop3A_743 : vector<16xf32>
        %parallel_loop3A_745 = arith.constant 5.000000e-01 : f32
        %parallel_loop3A_746 = vector.broadcast %parallel_loop3A_745 : f32 to vector<16xf32>
        %parallel_loop3A_747 = arith.mulf %parallel_loop3A_351, %parallel_loop3A_746 : vector<16xf32>
        %parallel_loop3A_748 = arith.constant 5.000000e-01 : f32
        %parallel_loop3A_749 = vector.broadcast %parallel_loop3A_748 : f32 to vector<16xf32>
        %parallel_loop3A_750 = arith.subf %parallel_loop3A_749, %parallel_loop3A_747 : vector<16xf32>
        %parallel_loop3A_751 = arith.select %parallel_loop3A_370, %parallel_loop3A_478, %parallel_loop3A_460 : vector<16xi1>, vector<16xf32>
        %parallel_loop3A_752 = arith.select %parallel_loop3A_370, %parallel_loop3A_496, %parallel_loop3A_478 : vector<16xi1>, vector<16xf32>
        %parallel_loop3A_753 = arith.mulf %parallel_loop3A_750, %parallel_loop3A_751 : vector<16xf32>
        %parallel_loop3A_754 = arith.mulf %parallel_loop3A_747, %parallel_loop3A_752 : vector<16xf32>
        %parallel_loop3A_755 = arith.addf %parallel_loop3A_753, %parallel_loop3A_754 : vector<16xf32>
        %parallel_loop3A_756 = arith.constant 16 : i32
        %parallel_loop3A_757 = arith.muli %parallel_loop3A_146, %parallel_loop3A_756 : i32
        %parallel_loop3A_758 = arith.constant 9 : i32
        %parallel_loop3A_759 = arith.index_cast %parallel_loop3A_758 : i32 to index
        %parallel_loop3A_760 = arith.index_cast %parallel_loop3A_757 : i32 to index
        %parallel_loop3A_761 = tpu.vector_load %arg9[%parallel_loop3A_759, %parallel_loop3A_760] {strides = array<i32>} : memref<27x256xf32, #tpu.memory_space<vmem>>, vector<16xf32>,
        tpu.vector_store %arg9[%parallel_loop3A_759, %parallel_loop3A_760], %parallel_loop3A_755 {strides = array<i32>} : memref<27x256xf32, #tpu.memory_space<vmem>>, vector<16xf32>,
        %parallel_loop3A_762 = arith.select %parallel_loop3A_370, %parallel_loop3A_514, %parallel_loop3A_496 : vector<16xi1>, vector<16xf32>
        %parallel_loop3A_763 = arith.mulf %parallel_loop3A_750, %parallel_loop3A_752 : vector<16xf32>
        %parallel_loop3A_764 = arith.mulf %parallel_loop3A_747, %parallel_loop3A_762 : vector<16xf32>
        %parallel_loop3A_765 = arith.addf %parallel_loop3A_763, %parallel_loop3A_764 : vector<16xf32>
        %parallel_loop3A_766 = arith.constant 16 : i32
        %parallel_loop3A_767 = arith.muli %parallel_loop3A_146, %parallel_loop3A_766 : i32
        %parallel_loop3A_768 = arith.constant 10 : i32
        %parallel_loop3A_769 = arith.index_cast %parallel_loop3A_768 : i32 to index
        %parallel_loop3A_770 = arith.index_cast %parallel_loop3A_767 : i32 to index
        %parallel_loop3A_771 = tpu.vector_load %arg9[%parallel_loop3A_769, %parallel_loop3A_770] {strides = array<i32>} : memref<27x256xf32, #tpu.memory_space<vmem>>, vector<16xf32>,
        tpu.vector_store %arg9[%parallel_loop3A_769, %parallel_loop3A_770], %parallel_loop3A_765 {strides = array<i32>} : memref<27x256xf32, #tpu.memory_space<vmem>>, vector<16xf32>,
        %parallel_loop3A_772 = arith.select %parallel_loop3A_370, %parallel_loop3A_532, %parallel_loop3A_514 : vector<16xi1>, vector<16xf32>
        %parallel_loop3A_773 = arith.mulf %parallel_loop3A_750, %parallel_loop3A_762 : vector<16xf32>
        %parallel_loop3A_774 = arith.mulf %parallel_loop3A_747, %parallel_loop3A_772 : vector<16xf32>
        %parallel_loop3A_775 = arith.addf %parallel_loop3A_773, %parallel_loop3A_774 : vector<16xf32>
        %parallel_loop3A_776 = arith.constant 16 : i32
        %parallel_loop3A_777 = arith.muli %parallel_loop3A_146, %parallel_loop3A_776 : i32
        %parallel_loop3A_778 = arith.constant 11 : i32
        %parallel_loop3A_779 = arith.index_cast %parallel_loop3A_778 : i32 to index
        %parallel_loop3A_780 = arith.index_cast %parallel_loop3A_777 : i32 to index
        %parallel_loop3A_781 = tpu.vector_load %arg9[%parallel_loop3A_779, %parallel_loop3A_780] {strides = array<i32>} : memref<27x256xf32, #tpu.memory_space<vmem>>, vector<16xf32>,
        tpu.vector_store %arg9[%parallel_loop3A_779, %parallel_loop3A_780], %parallel_loop3A_775 {strides = array<i32>} : memref<27x256xf32, #tpu.memory_space<vmem>>, vector<16xf32>,
        %parallel_loop3A_782 = arith.select %parallel_loop3A_370, %parallel_loop3A_550, %parallel_loop3A_532 : vector<16xi1>, vector<16xf32>
        %parallel_loop3A_783 = arith.mulf %parallel_loop3A_750, %parallel_loop3A_772 : vector<16xf32>
        %parallel_loop3A_784 = arith.mulf %parallel_loop3A_747, %parallel_loop3A_782 : vector<16xf32>
        %parallel_loop3A_785 = arith.addf %parallel_loop3A_783, %parallel_loop3A_784 : vector<16xf32>
        %parallel_loop3A_786 = arith.constant 16 : i32
        %parallel_loop3A_787 = arith.muli %parallel_loop3A_146, %parallel_loop3A_786 : i32
        %parallel_loop3A_788 = arith.constant 12 : i32
        %parallel_loop3A_789 = arith.index_cast %parallel_loop3A_788 : i32 to index
        %parallel_loop3A_790 = arith.index_cast %parallel_loop3A_787 : i32 to index
        %parallel_loop3A_791 = tpu.vector_load %arg9[%parallel_loop3A_789, %parallel_loop3A_790] {strides = array<i32>} : memref<27x256xf32, #tpu.memory_space<vmem>>, vector<16xf32>,
        tpu.vector_store %arg9[%parallel_loop3A_789, %parallel_loop3A_790], %parallel_loop3A_785 {strides = array<i32>} : memref<27x256xf32, #tpu.memory_space<vmem>>, vector<16xf32>,
        %parallel_loop3A_792 = arith.select %parallel_loop3A_370, %parallel_loop3A_568, %parallel_loop3A_550 : vector<16xi1>, vector<16xf32>
        %parallel_loop3A_793 = arith.mulf %parallel_loop3A_750, %parallel_loop3A_782 : vector<16xf32>
        %parallel_loop3A_794 = arith.mulf %parallel_loop3A_747, %parallel_loop3A_792 : vector<16xf32>
        %parallel_loop3A_795 = arith.addf %parallel_loop3A_793, %parallel_loop3A_794 : vector<16xf32>
        %parallel_loop3A_796 = arith.constant 16 : i32
        %parallel_loop3A_797 = arith.muli %parallel_loop3A_146, %parallel_loop3A_796 : i32
        %parallel_loop3A_798 = arith.constant 13 : i32
        %parallel_loop3A_799 = arith.index_cast %parallel_loop3A_798 : i32 to index
        %parallel_loop3A_800 = arith.index_cast %parallel_loop3A_797 : i32 to index
        %parallel_loop3A_801 = tpu.vector_load %arg9[%parallel_loop3A_799, %parallel_loop3A_800] {strides = array<i32>} : memref<27x256xf32, #tpu.memory_space<vmem>>, vector<16xf32>,
        tpu.vector_store %arg9[%parallel_loop3A_799, %parallel_loop3A_800], %parallel_loop3A_795 {strides = array<i32>} : memref<27x256xf32, #tpu.memory_space<vmem>>, vector<16xf32>,
        %parallel_loop3A_802 = arith.select %parallel_loop3A_370, %parallel_loop3A_586, %parallel_loop3A_568 : vector<16xi1>, vector<16xf32>
        %parallel_loop3A_803 = arith.mulf %parallel_loop3A_750, %parallel_loop3A_792 : vector<16xf32>
        %parallel_loop3A_804 = arith.mulf %parallel_loop3A_747, %parallel_loop3A_802 : vector<16xf32>
        %parallel_loop3A_805 = arith.addf %parallel_loop3A_803, %parallel_loop3A_804 : vector<16xf32>
        %parallel_loop3A_806 = arith.constant 16 : i32
        %parallel_loop3A_807 = arith.muli %parallel_loop3A_146, %parallel_loop3A_806 : i32
        %parallel_loop3A_808 = arith.constant 14 : i32
        %parallel_loop3A_809 = arith.index_cast %parallel_loop3A_808 : i32 to index
        %parallel_loop3A_810 = arith.index_cast %parallel_loop3A_807 : i32 to index
        %parallel_loop3A_811 = tpu.vector_load %arg9[%parallel_loop3A_809, %parallel_loop3A_810] {strides = array<i32>} : memref<27x256xf32, #tpu.memory_space<vmem>>, vector<16xf32>,
        tpu.vector_store %arg9[%parallel_loop3A_809, %parallel_loop3A_810], %parallel_loop3A_805 {strides = array<i32>} : memref<27x256xf32, #tpu.memory_space<vmem>>, vector<16xf32>,
        %parallel_loop3A_812 = arith.select %parallel_loop3A_370, %parallel_loop3A_604, %parallel_loop3A_586 : vector<16xi1>, vector<16xf32>
        %parallel_loop3A_813 = arith.mulf %parallel_loop3A_750, %parallel_loop3A_802 : vector<16xf32>
        %parallel_loop3A_814 = arith.mulf %parallel_loop3A_747, %parallel_loop3A_812 : vector<16xf32>
        %parallel_loop3A_815 = arith.addf %parallel_loop3A_813, %parallel_loop3A_814 : vector<16xf32>
        %parallel_loop3A_816 = arith.constant 16 : i32
        %parallel_loop3A_817 = arith.muli %parallel_loop3A_146, %parallel_loop3A_816 : i32
        %parallel_loop3A_818 = arith.constant 15 : i32
        %parallel_loop3A_819 = arith.index_cast %parallel_loop3A_818 : i32 to index
        %parallel_loop3A_820 = arith.index_cast %parallel_loop3A_817 : i32 to index
        %parallel_loop3A_821 = tpu.vector_load %arg9[%parallel_loop3A_819, %parallel_loop3A_820] {strides = array<i32>} : memref<27x256xf32, #tpu.memory_space<vmem>>, vector<16xf32>,
        tpu.vector_store %arg9[%parallel_loop3A_819, %parallel_loop3A_820], %parallel_loop3A_815 {strides = array<i32>} : memref<27x256xf32, #tpu.memory_space<vmem>>, vector<16xf32>,
        %parallel_loop3A_822 = arith.select %parallel_loop3A_370, %parallel_loop3A_622, %parallel_loop3A_604 : vector<16xi1>, vector<16xf32>
        %parallel_loop3A_823 = arith.mulf %parallel_loop3A_750, %parallel_loop3A_812 : vector<16xf32>
        %parallel_loop3A_824 = arith.mulf %parallel_loop3A_747, %parallel_loop3A_822 : vector<16xf32>
        %parallel_loop3A_825 = arith.addf %parallel_loop3A_823, %parallel_loop3A_824 : vector<16xf32>
        %parallel_loop3A_826 = arith.constant 16 : i32
        %parallel_loop3A_827 = arith.muli %parallel_loop3A_146, %parallel_loop3A_826 : i32
        %parallel_loop3A_828 = arith.constant 16 : i32
        %parallel_loop3A_829 = arith.index_cast %parallel_loop3A_828 : i32 to index
        %parallel_loop3A_830 = arith.index_cast %parallel_loop3A_827 : i32 to index
        %parallel_loop3A_831 = tpu.vector_load %arg9[%parallel_loop3A_829, %parallel_loop3A_830] {strides = array<i32>} : memref<27x256xf32, #tpu.memory_space<vmem>>, vector<16xf32>,
        tpu.vector_store %arg9[%parallel_loop3A_829, %parallel_loop3A_830], %parallel_loop3A_825 {strides = array<i32>} : memref<27x256xf32, #tpu.memory_space<vmem>>, vector<16xf32>,
        %parallel_loop3A_832 = arith.select %parallel_loop3A_370, %parallel_loop3A_640, %parallel_loop3A_622 : vector<16xi1>, vector<16xf32>
        %parallel_loop3A_833 = arith.mulf %parallel_loop3A_750, %parallel_loop3A_822 : vector<16xf32>
        %parallel_loop3A_834 = arith.mulf %parallel_loop3A_747, %parallel_loop3A_832 : vector<16xf32>
        %parallel_loop3A_835 = arith.addf %parallel_loop3A_833, %parallel_loop3A_834 : vector<16xf32>
        %parallel_loop3A_836 = arith.constant 16 : i32
        %parallel_loop3A_837 = arith.muli %parallel_loop3A_146, %parallel_loop3A_836 : i32
        %parallel_loop3A_838 = arith.constant 17 : i32
        %parallel_loop3A_839 = arith.index_cast %parallel_loop3A_838 : i32 to index
        %parallel_loop3A_840 = arith.index_cast %parallel_loop3A_837 : i32 to index
        %parallel_loop3A_841 = tpu.vector_load %arg9[%parallel_loop3A_839, %parallel_loop3A_840] {strides = array<i32>} : memref<27x256xf32, #tpu.memory_space<vmem>>, vector<16xf32>,
        tpu.vector_store %arg9[%parallel_loop3A_839, %parallel_loop3A_840], %parallel_loop3A_835 {strides = array<i32>} : memref<27x256xf32, #tpu.memory_space<vmem>>, vector<16xf32>,
        %parallel_loop3A_842 = arith.constant 2.500000e-01 : f32
        %parallel_loop3A_843 = vector.broadcast %parallel_loop3A_842 : f32 to vector<16xf32>
        %parallel_loop3A_844 = arith.mulf %parallel_loop3A_357, %parallel_loop3A_843 : vector<16xf32>
        %parallel_loop3A_845 = arith.constant 2.500000e-01 : f32
        %parallel_loop3A_846 = vector.broadcast %parallel_loop3A_845 : f32 to vector<16xf32>
        %parallel_loop3A_847 = arith.subf %parallel_loop3A_846, %parallel_loop3A_844 : vector<16xf32>
        %parallel_loop3A_848 = arith.constant -1 : i32
        %parallel_loop3A_849 = vector.broadcast %parallel_loop3A_848 : i32 to vector<16xi32>
        %parallel_loop3A_850 = arith.cmpi sle, %parallel_loop3A_363, %parallel_loop3A_849 : vector<16xi32>
        %parallel_loop3A_851 = arith.select %parallel_loop3A_850, %parallel_loop3A_744, %parallel_loop3A_406 : vector<16xi1>, vector<16xf32>
        %parallel_loop3A_852 = arith.addf %parallel_loop3A_388, %parallel_loop3A_851 : vector<16xf32>
        %parallel_loop3A_853 = arith.constant -3 : i32
        %parallel_loop3A_854 = vector.broadcast %parallel_loop3A_853 : i32 to vector<16xi32>
        %parallel_loop3A_855 = arith.cmpi sle, %parallel_loop3A_363, %parallel_loop3A_854 : vector<16xi32>
        %parallel_loop3A_856 = arith.select %parallel_loop3A_855, %parallel_loop3A_744, %parallel_loop3A_442 : vector<16xi1>, vector<16xf32>
        %parallel_loop3A_857 = arith.addf %parallel_loop3A_424, %parallel_loop3A_856 : vector<16xf32>
        %parallel_loop3A_858 = arith.mulf %parallel_loop3A_847, %parallel_loop3A_852 : vector<16xf32>
        %parallel_loop3A_859 = arith.mulf %parallel_loop3A_844, %parallel_loop3A_857 : vector<16xf32>
        %parallel_loop3A_860 = arith.addf %parallel_loop3A_858, %parallel_loop3A_859 : vector<16xf32>
        %parallel_loop3A_861 = arith.constant 16 : i32
        %parallel_loop3A_862 = arith.muli %parallel_loop3A_146, %parallel_loop3A_861 : i32
        %parallel_loop3A_863 = arith.constant 18 : i32
        %parallel_loop3A_864 = arith.index_cast %parallel_loop3A_863 : i32 to index
        %parallel_loop3A_865 = arith.index_cast %parallel_loop3A_862 : i32 to index
        %parallel_loop3A_866 = tpu.vector_load %arg9[%parallel_loop3A_864, %parallel_loop3A_865] {strides = array<i32>} : memref<27x256xf32, #tpu.memory_space<vmem>>, vector<16xf32>,
        tpu.vector_store %arg9[%parallel_loop3A_864, %parallel_loop3A_865], %parallel_loop3A_860 {strides = array<i32>} : memref<27x256xf32, #tpu.memory_space<vmem>>, vector<16xf32>,
        %parallel_loop3A_867 = arith.constant -5 : i32
        %parallel_loop3A_868 = vector.broadcast %parallel_loop3A_867 : i32 to vector<16xi32>
        %parallel_loop3A_869 = arith.cmpi sle, %parallel_loop3A_363, %parallel_loop3A_868 : vector<16xi32>
        %parallel_loop3A_870 = arith.select %parallel_loop3A_869, %parallel_loop3A_744, %parallel_loop3A_478 : vector<16xi1>, vector<16xf32>
        %parallel_loop3A_871 = arith.addf %parallel_loop3A_460, %parallel_loop3A_870 : vector<16xf32>
        %parallel_loop3A_872 = arith.mulf %parallel_loop3A_847, %parallel_loop3A_857 : vector<16xf32>
        %parallel_loop3A_873 = arith.mulf %parallel_loop3A_844, %parallel_loop3A_871 : vector<16xf32>
        %parallel_loop3A_874 = arith.addf %parallel_loop3A_872, %parallel_loop3A_873 : vector<16xf32>
        %parallel_loop3A_875 = arith.constant 16 : i32
        %parallel_loop3A_876 = arith.muli %parallel_loop3A_146, %parallel_loop3A_875 : i32
        %parallel_loop3A_877 = arith.constant 19 : i32
        %parallel_loop3A_878 = arith.index_cast %parallel_loop3A_877 : i32 to index
        %parallel_loop3A_879 = arith.index_cast %parallel_loop3A_876 : i32 to index
        %parallel_loop3A_880 = tpu.vector_load %arg9[%parallel_loop3A_878, %parallel_loop3A_879] {strides = array<i32>} : memref<27x256xf32, #tpu.memory_space<vmem>>, vector<16xf32>,
        tpu.vector_store %arg9[%parallel_loop3A_878, %parallel_loop3A_879], %parallel_loop3A_874 {strides = array<i32>} : memref<27x256xf32, #tpu.memory_space<vmem>>, vector<16xf32>,
        %parallel_loop3A_881 = arith.constant -7 : i32
        %parallel_loop3A_882 = vector.broadcast %parallel_loop3A_881 : i32 to vector<16xi32>
        %parallel_loop3A_883 = arith.cmpi sle, %parallel_loop3A_363, %parallel_loop3A_882 : vector<16xi32>
        %parallel_loop3A_884 = arith.select %parallel_loop3A_883, %parallel_loop3A_744, %parallel_loop3A_514 : vector<16xi1>, vector<16xf32>
        %parallel_loop3A_885 = arith.addf %parallel_loop3A_496, %parallel_loop3A_884 : vector<16xf32>
        %parallel_loop3A_886 = arith.mulf %parallel_loop3A_847, %parallel_loop3A_871 : vector<16xf32>
        %parallel_loop3A_887 = arith.mulf %parallel_loop3A_844, %parallel_loop3A_885 : vector<16xf32>
        %parallel_loop3A_888 = arith.addf %parallel_loop3A_886, %parallel_loop3A_887 : vector<16xf32>
        %parallel_loop3A_889 = arith.constant 16 : i32
        %parallel_loop3A_890 = arith.muli %parallel_loop3A_146, %parallel_loop3A_889 : i32
        %parallel_loop3A_891 = arith.constant 20 : i32
        %parallel_loop3A_892 = arith.index_cast %parallel_loop3A_891 : i32 to index
        %parallel_loop3A_893 = arith.index_cast %parallel_loop3A_890 : i32 to index
        %parallel_loop3A_894 = tpu.vector_load %arg9[%parallel_loop3A_892, %parallel_loop3A_893] {strides = array<i32>} : memref<27x256xf32, #tpu.memory_space<vmem>>, vector<16xf32>,
        tpu.vector_store %arg9[%parallel_loop3A_892, %parallel_loop3A_893], %parallel_loop3A_888 {strides = array<i32>} : memref<27x256xf32, #tpu.memory_space<vmem>>, vector<16xf32>,
        %parallel_loop3A_895 = arith.addf %parallel_loop3A_532, %parallel_loop3A_550 : vector<16xf32>
        %parallel_loop3A_896 = arith.mulf %parallel_loop3A_847, %parallel_loop3A_885 : vector<16xf32>
        %parallel_loop3A_897 = arith.mulf %parallel_loop3A_844, %parallel_loop3A_895 : vector<16xf32>
        %parallel_loop3A_898 = arith.addf %parallel_loop3A_896, %parallel_loop3A_897 : vector<16xf32>
        %parallel_loop3A_899 = arith.constant 16 : i32
        %parallel_loop3A_900 = arith.muli %parallel_loop3A_146, %parallel_loop3A_899 : i32
        %parallel_loop3A_901 = arith.constant 21 : i32
        %parallel_loop3A_902 = arith.index_cast %parallel_loop3A_901 : i32 to index
        %parallel_loop3A_903 = arith.index_cast %parallel_loop3A_900 : i32 to index
        %parallel_loop3A_904 = tpu.vector_load %arg9[%parallel_loop3A_902, %parallel_loop3A_903] {strides = array<i32>} : memref<27x256xf32, #tpu.memory_space<vmem>>, vector<16xf32>,
        tpu.vector_store %arg9[%parallel_loop3A_902, %parallel_loop3A_903], %parallel_loop3A_898 {strides = array<i32>} : memref<27x256xf32, #tpu.memory_space<vmem>>, vector<16xf32>,
        %parallel_loop3A_905 = arith.constant 53 : i32
        %parallel_loop3A_906 = vector.broadcast %parallel_loop3A_905 : i32 to vector<16xi32>
        %parallel_loop3A_907 = arith.cmpi sge, %parallel_loop3A_363, %parallel_loop3A_906 : vector<16xi32>
        %parallel_loop3A_908 = arith.select %parallel_loop3A_907, %parallel_loop3A_737, %parallel_loop3A_568 : vector<16xi1>, vector<16xf32>
        %parallel_loop3A_909 = arith.addf %parallel_loop3A_908, %parallel_loop3A_586 : vector<16xf32>
        %parallel_loop3A_910 = arith.mulf %parallel_loop3A_847, %parallel_loop3A_895 : vector<16xf32>
        %parallel_loop3A_911 = arith.mulf %parallel_loop3A_844, %parallel_loop3A_909 : vector<16xf32>
        %parallel_loop3A_912 = arith.addf %parallel_loop3A_910, %parallel_loop3A_911 : vector<16xf32>
        %parallel_loop3A_913 = arith.constant 16 : i32
        %parallel_loop3A_914 = arith.muli %parallel_loop3A_146, %parallel_loop3A_913 : i32
        %parallel_loop3A_915 = arith.constant 22 : i32
        %parallel_loop3A_916 = arith.index_cast %parallel_loop3A_915 : i32 to index
        %parallel_loop3A_917 = arith.index_cast %parallel_loop3A_914 : i32 to index
        %parallel_loop3A_918 = tpu.vector_load %arg9[%parallel_loop3A_916, %parallel_loop3A_917] {strides = array<i32>} : memref<27x256xf32, #tpu.memory_space<vmem>>, vector<16xf32>,
        tpu.vector_store %arg9[%parallel_loop3A_916, %parallel_loop3A_917], %parallel_loop3A_912 {strides = array<i32>} : memref<27x256xf32, #tpu.memory_space<vmem>>, vector<16xf32>,
        %parallel_loop3A_919 = arith.constant 51 : i32
        %parallel_loop3A_920 = vector.broadcast %parallel_loop3A_919 : i32 to vector<16xi32>
        %parallel_loop3A_921 = arith.cmpi sge, %parallel_loop3A_363, %parallel_loop3A_920 : vector<16xi32>
        %parallel_loop3A_922 = arith.select %parallel_loop3A_921, %parallel_loop3A_737, %parallel_loop3A_604 : vector<16xi1>, vector<16xf32>
        %parallel_loop3A_923 = arith.addf %parallel_loop3A_922, %parallel_loop3A_622 : vector<16xf32>
        %parallel_loop3A_924 = arith.mulf %parallel_loop3A_847, %parallel_loop3A_909 : vector<16xf32>
        %parallel_loop3A_925 = arith.mulf %parallel_loop3A_844, %parallel_loop3A_923 : vector<16xf32>
        %parallel_loop3A_926 = arith.addf %parallel_loop3A_924, %parallel_loop3A_925 : vector<16xf32>
        %parallel_loop3A_927 = arith.constant 16 : i32
        %parallel_loop3A_928 = arith.muli %parallel_loop3A_146, %parallel_loop3A_927 : i32
        %parallel_loop3A_929 = arith.constant 23 : i32
        %parallel_loop3A_930 = arith.index_cast %parallel_loop3A_929 : i32 to index
        %parallel_loop3A_931 = arith.index_cast %parallel_loop3A_928 : i32 to index
        %parallel_loop3A_932 = tpu.vector_load %arg9[%parallel_loop3A_930, %parallel_loop3A_931] {strides = array<i32>} : memref<27x256xf32, #tpu.memory_space<vmem>>, vector<16xf32>,
        tpu.vector_store %arg9[%parallel_loop3A_930, %parallel_loop3A_931], %parallel_loop3A_926 {strides = array<i32>} : memref<27x256xf32, #tpu.memory_space<vmem>>, vector<16xf32>,
        %parallel_loop3A_933 = arith.constant 49 : i32
        %parallel_loop3A_934 = vector.broadcast %parallel_loop3A_933 : i32 to vector<16xi32>
        %parallel_loop3A_935 = arith.cmpi sge, %parallel_loop3A_363, %parallel_loop3A_934 : vector<16xi32>
        %parallel_loop3A_936 = arith.select %parallel_loop3A_935, %parallel_loop3A_737, %parallel_loop3A_640 : vector<16xi1>, vector<16xf32>
        %parallel_loop3A_937 = arith.addf %parallel_loop3A_936, %parallel_loop3A_658 : vector<16xf32>
        %parallel_loop3A_938 = arith.mulf %parallel_loop3A_847, %parallel_loop3A_923 : vector<16xf32>
        %parallel_loop3A_939 = arith.mulf %parallel_loop3A_844, %parallel_loop3A_937 : vector<16xf32>
        %parallel_loop3A_940 = arith.addf %parallel_loop3A_938, %parallel_loop3A_939 : vector<16xf32>
        %parallel_loop3A_941 = arith.constant 16 : i32
        %parallel_loop3A_942 = arith.muli %parallel_loop3A_146, %parallel_loop3A_941 : i32
        %parallel_loop3A_943 = arith.constant 24 : i32
        %parallel_loop3A_944 = arith.index_cast %parallel_loop3A_943 : i32 to index
        %parallel_loop3A_945 = arith.index_cast %parallel_loop3A_942 : i32 to index
        %parallel_loop3A_946 = tpu.vector_load %arg9[%parallel_loop3A_944, %parallel_loop3A_945] {strides = array<i32>} : memref<27x256xf32, #tpu.memory_space<vmem>>, vector<16xf32>,
        tpu.vector_store %arg9[%parallel_loop3A_944, %parallel_loop3A_945], %parallel_loop3A_940 {strides = array<i32>} : memref<27x256xf32, #tpu.memory_space<vmem>>, vector<16xf32>,
        %parallel_loop3A_947 = arith.constant 47 : i32
        %parallel_loop3A_948 = vector.broadcast %parallel_loop3A_947 : i32 to vector<16xi32>
        %parallel_loop3A_949 = arith.cmpi sge, %parallel_loop3A_363, %parallel_loop3A_948 : vector<16xi32>
        %parallel_loop3A_950 = arith.select %parallel_loop3A_949, %parallel_loop3A_737, %parallel_loop3A_676 : vector<16xi1>, vector<16xf32>
        %parallel_loop3A_951 = arith.addf %parallel_loop3A_950, %parallel_loop3A_694 : vector<16xf32>
        %parallel_loop3A_952 = arith.mulf %parallel_loop3A_847, %parallel_loop3A_937 : vector<16xf32>
        %parallel_loop3A_953 = arith.mulf %parallel_loop3A_844, %parallel_loop3A_951 : vector<16xf32>
        %parallel_loop3A_954 = arith.addf %parallel_loop3A_952, %parallel_loop3A_953 : vector<16xf32>
        %parallel_loop3A_955 = arith.constant 16 : i32
        %parallel_loop3A_956 = arith.muli %parallel_loop3A_146, %parallel_loop3A_955 : i32
        %parallel_loop3A_957 = arith.constant 25 : i32
        %parallel_loop3A_958 = arith.index_cast %parallel_loop3A_957 : i32 to index
        %parallel_loop3A_959 = arith.index_cast %parallel_loop3A_956 : i32 to index
        %parallel_loop3A_960 = tpu.vector_load %arg9[%parallel_loop3A_958, %parallel_loop3A_959] {strides = array<i32>} : memref<27x256xf32, #tpu.memory_space<vmem>>, vector<16xf32>,
        tpu.vector_store %arg9[%parallel_loop3A_958, %parallel_loop3A_959], %parallel_loop3A_954 {strides = array<i32>} : memref<27x256xf32, #tpu.memory_space<vmem>>, vector<16xf32>,
        %parallel_loop3A_961 = arith.constant 45 : i32
        %parallel_loop3A_962 = vector.broadcast %parallel_loop3A_961 : i32 to vector<16xi32>
        %parallel_loop3A_963 = arith.cmpi sge, %parallel_loop3A_363, %parallel_loop3A_962 : vector<16xi32>
        %parallel_loop3A_964 = arith.select %parallel_loop3A_963, %parallel_loop3A_737, %parallel_loop3A_712 : vector<16xi1>, vector<16xf32>
        %parallel_loop3A_965 = arith.addf %parallel_loop3A_964, %parallel_loop3A_730 : vector<16xf32>
        %parallel_loop3A_966 = arith.mulf %parallel_loop3A_847, %parallel_loop3A_951 : vector<16xf32>
        %parallel_loop3A_967 = arith.mulf %parallel_loop3A_844, %parallel_loop3A_965 : vector<16xf32>
        %parallel_loop3A_968 = arith.addf %parallel_loop3A_966, %parallel_loop3A_967 : vector<16xf32>
        %parallel_loop3A_969 = arith.constant 16 : i32
        %parallel_loop3A_970 = arith.muli %parallel_loop3A_146, %parallel_loop3A_969 : i32
        %parallel_loop3A_971 = arith.constant 26 : i32
        %parallel_loop3A_972 = arith.index_cast %parallel_loop3A_971 : i32 to index
        %parallel_loop3A_973 = arith.index_cast %parallel_loop3A_970 : i32 to index
        %parallel_loop3A_974 = tpu.vector_load %arg9[%parallel_loop3A_972, %parallel_loop3A_973] {strides = array<i32>} : memref<27x256xf32, #tpu.memory_space<vmem>>, vector<16xf32>,
        tpu.vector_store %arg9[%parallel_loop3A_972, %parallel_loop3A_973], %parallel_loop3A_968 {strides = array<i32>} : memref<27x256xf32, #tpu.memory_space<vmem>>, vector<16xf32>,
      } {sc.loop_unroll_factor = 2 : i64, sc.parallel_access}
      %add3A_130 = arith.addi %mul3A_32, %add3A_112 : i32
      %dma_start3A_131 = arith.constant 0 : i32
      %dma_start3A_132 = arith.constant 0 : i32
      %dma_start3A_133 = tpu.memref_slice %arg4[%select_n3A, %dma_start3A_131, %add3A_130, %dma_start3A_132] : memref<4x27x128x256xf32, #tpu.memory_space<hbm>> -> memref<1x27x1x256xf32, #tpu.memory_space<hbm>>
      %dma_start3A_134 = tpu.memref_squeeze %dma_start3A_133 : memref<1x27x1x256xf32, #tpu.memory_space<hbm>> -> memref<27x256xf32, #tpu.memory_space<hbm>>
      %dma_start3A_135 = arith.constant 0 : i32
      %dma_start3A_136 = arith.constant 0 : i32
      %dma_start3A_137 = tpu.memref_slice %arg4[%select_n3A, %dma_start3A_135, %add3A_130, %dma_start3A_136] : memref<4x27x128x256xf32, #tpu.memory_space<hbm>> -> memref<1x27x1x256xf32, #tpu.memory_space<hbm>>
      %dma_start3A_138 = tpu.memref_squeeze %dma_start3A_137 : memref<1x27x1x256xf32, #tpu.memory_space<hbm>> -> memref<27x256xf32, #tpu.memory_space<hbm>>
      tpu.enqueue_dma source(%arg9 : memref<27x256xf32, #tpu.memory_space<vmem>>) target(%dma_start3A_138 : memref<27x256xf32, #tpu.memory_space<hbm>>) target_semaphore(%arg13 : memref<!tpu.dma_semaphore, #tpu.memory_space<semaphore_mem>>)
      %add3A_139 = arith.constant 2 : i32
      %add3A_140 = arith.addi %add3A_112, %add3A_139 : i32
      %lt3A_141 = arith.constant 16 : i32
      %lt3A_142 = arith.cmpi slt, %add3A_140, %lt3A_141 : i32
      %convert_element_type3A_143 = arith.extui %lt3A_142 : i1 to i32
      %cond3A_144 = arith.constant 0 : i32
      %cond3A_145 = arith.cmpi ne, %convert_element_type3A_143, %cond3A_144 : i32
      scf.if %cond3A_145 {
        %add3A_146 = arith.constant 2 : i32
        %add3A_147 = arith.addi %add3A_112, %add3A_146 : i32
        %add3A_148 = arith.addi %mul3A_32, %add3A_147 : i32
        %dma_start3A_149 = arith.constant 0 : i32
        %dma_start3A_150 = arith.constant 0 : i32
        %dma_start3A_151 = tpu.memref_slice %arg2[%select_n3A, %dma_start3A_149, %add3A_148, %dma_start3A_150] : memref<4x128x128x256xf32, #tpu.memory_space<hbm>> -> memref<1x128x1x256xf32, #tpu.memory_space<hbm>>
        %dma_start3A_152 = tpu.memref_squeeze %dma_start3A_151 : memref<1x128x1x256xf32, #tpu.memory_space<hbm>> -> memref<128x256xf32, #tpu.memory_space<hbm>>
        %dma_start3A_153 = arith.constant 0 : i32
        %dma_start3A_154 = arith.constant 0 : i32
        %dma_start3A_155 = tpu.memref_slice %arg2[%select_n3A, %dma_start3A_153, %add3A_148, %dma_start3A_154] : memref<4x128x128x256xf32, #tpu.memory_space<hbm>> -> memref<1x128x1x256xf32, #tpu.memory_space<hbm>>
        %dma_start3A_156 = tpu.memref_squeeze %dma_start3A_155 : memref<1x128x1x256xf32, #tpu.memory_space<hbm>> -> memref<128x256xf32, #tpu.memory_space<hbm>>
        tpu.enqueue_dma source(%dma_start3A_156 : memref<128x256xf32, #tpu.memory_space<hbm>>) target(%arg6 : memref<128x256xf32, #tpu.memory_space<vmem>>) target_semaphore(%arg11 : memref<!tpu.dma_semaphore, #tpu.memory_space<semaphore_mem>>)
      } else {
      }
    }
    %scan3A_55 = arith.constant 8 : i32
    %add3A_56 = arith.constant 14 : i32
    %add3A_57 = arith.addi %mul3A_32, %add3A_56 : i32
    %dma_wait3A = arith.constant 0 : i32
    %dma_wait3A_58 = arith.constant 0 : i32
    %dma_wait3A_59 = tpu.memref_slice %arg4[%select_n3A, %dma_wait3A, %add3A_57, %dma_wait3A_58] : memref<4x27x128x256xf32, #tpu.memory_space<hbm>> -> memref<1x27x1x256xf32, #tpu.memory_space<hbm>>
    %dma_wait3A_60 = tpu.memref_squeeze %dma_wait3A_59 : memref<1x27x1x256xf32, #tpu.memory_space<hbm>> -> memref<27x256xf32, #tpu.memory_space<hbm>>
    %dma_wait3A_61 = arith.constant 0 : i32
    %dma_wait3A_62 = arith.constant 0 : i32
    %dma_wait3A_63 = tpu.memref_slice %arg4[%select_n3A, %dma_wait3A_61, %add3A_57, %dma_wait3A_62] : memref<4x27x128x256xf32, #tpu.memory_space<hbm>> -> memref<1x27x1x256xf32, #tpu.memory_space<hbm>>
    %dma_wait3A_64 = tpu.memref_squeeze %dma_wait3A_63 : memref<1x27x1x256xf32, #tpu.memory_space<hbm>> -> memref<27x256xf32, #tpu.memory_space<hbm>>
    tpu.wait_dma2 semaphore(%arg12 : memref<!tpu.dma_semaphore, #tpu.memory_space<semaphore_mem>>) src(%arg8 : memref<27x256xf32, #tpu.memory_space<vmem>>) dst(%dma_wait3A_64 : memref<27x256xf32, #tpu.memory_space<hbm>>)
    %add3A_65 = arith.constant 15 : i32
    %add3A_66 = arith.addi %mul3A_32, %add3A_65 : i32
    %dma_wait3A_67 = arith.constant 0 : i32
    %dma_wait3A_68 = arith.constant 0 : i32
    %dma_wait3A_69 = tpu.memref_slice %arg4[%select_n3A, %dma_wait3A_67, %add3A_66, %dma_wait3A_68] : memref<4x27x128x256xf32, #tpu.memory_space<hbm>> -> memref<1x27x1x256xf32, #tpu.memory_space<hbm>>
    %dma_wait3A_70 = tpu.memref_squeeze %dma_wait3A_69 : memref<1x27x1x256xf32, #tpu.memory_space<hbm>> -> memref<27x256xf32, #tpu.memory_space<hbm>>
    %dma_wait3A_71 = arith.constant 0 : i32
    %dma_wait3A_72 = arith.constant 0 : i32
    %dma_wait3A_73 = tpu.memref_slice %arg4[%select_n3A, %dma_wait3A_71, %add3A_66, %dma_wait3A_72] : memref<4x27x128x256xf32, #tpu.memory_space<hbm>> -> memref<1x27x1x256xf32, #tpu.memory_space<hbm>>
    %dma_wait3A_74 = tpu.memref_squeeze %dma_wait3A_73 : memref<1x27x1x256xf32, #tpu.memory_space<hbm>> -> memref<27x256xf32, #tpu.memory_space<hbm>>
    tpu.wait_dma2 semaphore(%arg13 : memref<!tpu.dma_semaphore, #tpu.memory_space<semaphore_mem>>) src(%arg9 : memref<27x256xf32, #tpu.memory_space<vmem>>) dst(%dma_wait3A_74 : memref<27x256xf32, #tpu.memory_space<hbm>>)
    return
  }
}

</mosaic_0001>

<sc_bundles>
// kernel: kernel.3.cloned.1.call-start
scs
__scs_entry_jumppad:
0x0: {  	(pc) =	sbr.rel $0x88, $3  }
0x1: {  	(tag) =	ssettag $0x0;
	lr =	simm.s32 $0x1  }
0x2: {  	[smem:$0x3F9F] =	sst lr;
	_ =	strace $0xD0000000  }
0x3: {  	_ = 	snop  }
0x4: {  	_ = 	snop  }
0x5: {  	_ = 	snop  }
0x6: {  	_ = 	snop  }
0x7: {  	_ = 	snop  }
__scs_overlays_trampoline_lowered:
0x8: {  	[smem:$0x3FAE] =	sst s0  }
0x9: {  	[smem:$0x3FAF] =	sst s1  }
0xa: {  	[smem:$0x3FB0] =	sst s2  }
0xb: {  	[smem:$0x3FB1] =	sst s3  }
0xc: {  	[smem:$0x3FB2] =	sst s4  }
0xd: {  	[smem:$0x3FB3] =	sst s5  }
0xe: {  	[smem:$0x3FB4] =	sst s6  }
0xf: {  	[smem:$0x3FB5] =	sst s7  }
0x10: {  	[smem:$0x3FB6] =	sst s8  }
0x11: {  	[smem:$0x3FB7] =	sst s9;
	s0 =	simm.s32 @!p0 $0x0  }
0x12: {  	s1 =	sld [smem:$0x3F9D];
	s0 =	simm.s32 @p0 $0x1  }
0x13: {  	[smem:$0x3FB8] =	sst s0;
	s0 =	simm.s32 @!p1 $0x0  }
0x14: {  	s2 =	sld [smem:$0x3F9C];
	s0 =	simm.s32 @p1 $0x1  }
0x15: {  	[smem:$0x3FB9] =	sst s0;
	s0 =	simm.s32 @!p2 $0x0  }
0x16: {  	s3 =	sld [smem:$0x3FDB];
	s0 =	simm.s32 @p2 $0x1  }
0x17: {  	s4 =	simm.s32 $0x1BF5;
	[smem:$0x3FBB] =	sst s0  }
0x18: {  	s0 =	sld [smem:$0x3F9E];
	_ =	swait.ge [sflag:s4], $0x0  }
0x19: {  	s7 =	sld [smem:$0x3F9F]  }
0x1a: {  	s8 =	sadd.s32 $0xFFFFE003, lr  }
0x1b: {  	s9 =	sadd.s32 $0xFFFFFEF7, lr;
	s5 =	simm.s32 $0xFFFFFFFF;
	p2 =	slt.u32 s8, $0xFFFFF086  }
0x1c: {  	p1 =	slt.u32 s9, $0xF7A;
	s5 =	simm.s32 @!p2 $0x0  }
0x1d: {  	s5 =	simm.s32 @p1 $0x1;
	p0 =	seq.s32 s7, s2  }
0x1e: {  	s7 =	smul.u32 @!p0 $0xF7A, s2;
	p2 =	seq.s32 @!p0 s5, $0x0  }
0x1f: {  	s9 =	smul.u32 $0xF7A, s1;
	s8 =	simm.s32 @!p0 $0x1BF5;
	p2 =	por !p2, p0  }
0x20: {  	[sflag:s8] =	ssyncset.s32 @!p0 $0xFFFFF086;
	s6 =	sadd.s32 @!p0 s3, s7;
	s7 =	simm.s32 @!p0 $0x108  }
0x21: {  	s3 =	sadd.s32 s3, s9;
	s6 =	sadd.s32 @!p0 $0x88, s6;
	s7 =	simm.s32 @p2 $0x1082  }
0x22: {  	[simem:s7], [sflag:s8] =	dma.local @!p0 [hbm:s6], $0xF7A  }
0x23: {  	s9 =	sor.u32 $0xD0000000, s2;
	s6 =	simm.s32 $0x108;
	_ =	swait.ge @!p0 [sflag:s8], $0x0  }
0x24: {  	s3 =	sadd.s32 $0x88, s3;
	s6 =	simm.s32 @!p1 $0x1082;
	[sflag:s4] =	ssyncset.s32 $0xFFFFF086  }
0x25: {  	[simem:s6], [sflag:s4] =	dma.local [hbm:s3], $0xF7A  }
0x26: {  	[smem:$0x3F9F] =	sst s1;
	(tag) =	ssettag s2;
	_ =	strace s9  }
0x27: {  	s1 =	sld [smem:$0x3FAF]  }
0x28: {  	s2 =	sld [smem:$0x3FB0]  }
0x29: {  	s4 =	sld [smem:$0x3FB2]  }
0x2a: {  	p0 =	seq.s32 s5, $0x0;
	s5 =	sld [smem:$0x3FB3]  }
0x2b: {  	s6 =	sld [smem:$0x3FB4]  }
0x2c: {  	s7 =	sld [smem:$0x3FB5]  }
0x2d: {  	s3 =	simm.s32 $0x108;
	s8 =	sld [smem:$0x3FB6]  }
0x2e: {  	s3 =	simm.s32 @!p0 $0x1082;
	s9 =	sld [smem:$0x3FB7]  }
0x2f: {  	lr =	sadd.s32 s0, s3;
	s0 =	sld [smem:$0x3FAE]  }
0x30: {  	s3 =	sld [smem:$0x3FB1]  }
0x31: {  	[smem:$0x3FBA] =	sst s10  }
0x32: {  	s10 =	sld [smem:$0x3FB8];
	_ =	sdelay $0x3  }
0x33: {  	p0 =	seq.s32 s10, $0x1;
	s10 =	sld [smem:$0x3FBA];
	_ =	sdelay $0x3  }
0x34: {  	[smem:$0x3FBA] =	sst s10  }
0x35: {  	s10 =	sld [smem:$0x3FB9];
	_ =	sdelay $0x3  }
0x36: {  	p1 =	seq.s32 s10, $0x1;
	s10 =	sld [smem:$0x3FBA];
	_ =	sdelay $0x3  }
0x37: {  	[smem:$0x3FBA] =	sst s10  }
0x38: {  	s10 =	sld [smem:$0x3FBB]  }
0x39: {  	_ = 	snop;
	(pc) =	sbr.ind lr, $3  }
0x3a: {  	_ = 	snop  }
0x3b: {  	_ = 	snop  }
0x3c: {  	p2 =	seq.s32 s10, $0x1;
	s10 =	sld [smem:$0x3FBA]  }
0x3d: {  	_ =	shalt  }
0x3e: {  	_ =	shalt  }
0x3f: {  	_ =	shalt  }
0x40: {  	_ =	shalt  }
0x41: {  	_ =	shalt  }
0x42: {  	_ =	shalt  }
0x43: {  	_ =	shalt  }
0x44: {  	_ =	shalt  }
0x45: {  	_ =	shalt  }
0x46: {  	_ =	shalt  }
0x47: {  	_ =	shalt  }
0x48: {  	_ =	shalt  }
0x49: {  	_ =	shalt  }
0x4a: {  	_ =	shalt  }
0x4b: {  	_ =	shalt  }
0x4c: {  	_ =	shalt  }
0x4d: {  	_ =	shalt  }
0x4e: {  	_ =	shalt  }
0x4f: {  	_ =	shalt  }
0x50: {  	_ =	shalt  }
0x51: {  	_ =	shalt  }
0x52: {  	_ =	shalt  }
0x53: {  	_ =	shalt  }
0x54: {  	_ =	shalt  }
0x55: {  	_ =	shalt  }
0x56: {  	_ =	shalt  }
0x57: {  	_ =	shalt  }
0x58: {  	_ =	shalt  }
0x59: {  	_ =	shalt  }
0x5a: {  	_ =	shalt  }
0x5b: {  	_ =	shalt  }
0x5c: {  	_ =	shalt  }
0x5d: {  	_ =	shalt  }
0x5e: {  	_ =	shalt  }
0x5f: {  	_ =	shalt  }
0x60: {  	_ =	shalt  }
0x61: {  	_ =	shalt  }
0x62: {  	_ =	shalt  }
0x63: {  	_ =	shalt  }
0x64: {  	_ =	shalt  }
0x65: {  	_ =	shalt  }
0x66: {  	_ =	shalt  }
0x67: {  	_ =	shalt  }
0x68: {  	_ =	shalt  }
0x69: {  	_ =	shalt  }
0x6a: {  	_ =	shalt  }
0x6b: {  	_ =	shalt  }
0x6c: {  	_ =	shalt  }
0x6d: {  	_ =	shalt  }
0x6e: {  	_ =	shalt  }
0x6f: {  	_ =	shalt  }
0x70: {  	_ =	shalt  }
0x71: {  	_ =	shalt  }
0x72: {  	_ =	shalt  }
0x73: {  	_ =	shalt  }
0x74: {  	_ =	shalt  }
0x75: {  	_ =	shalt  }
0x76: {  	_ =	shalt  }
0x77: {  	_ =	shalt  }
0x78: {  	_ =	shalt  }
0x79: {  	_ =	shalt  }
0x7a: {  	_ =	shalt  }
0x7b: {  	_ =	shalt  }
0x7c: {  	_ =	shalt  }
0x7d: {  	_ =	shalt  }
0x7e: {  	_ =	shalt  }
0x7f: {  	_ =	shalt  }
0x80: {  	_ =	shalt  }
0x81: {  	_ =	shalt  }
0x82: {  	_ =	shalt  }
0x83: {  	_ =	shalt  }
0x84: {  	_ =	shalt  }
0x85: {  	_ =	shalt  }
0x86: {  	_ =	shalt  }
0x87: {  	_ =	shalt  }
.Lfunc_end0:
.L_simem_size_0:
called_computation_lowered:
.L_overlay_start_0:
0x88: {  	s2 =	sld [smem:$0x3FD9]  }
0x89: {  	s3 =	sld [smem:$0x3FFE];
	_ =	sdelay $0x1  }
0x8a: {  	s1 =	srdreg.scid  }
0x8b: {  	s0 =	sand.u32 $0x1, s1  }
0x8c: {  	s18 =	sshll.u32 s0, $0xA;
	s2 =	sadd.s32 s3, s2  }
0x8d: {  	s2 =	sadd.s32 s2, s18  }
0x8e: {  	[smem:$0x3FC6] =	sst s2  }
0x8f: {  	_ = 	snop  }
0x90: {  	s2 =	sld [smem:$0x3FC9]  }
0x91: {  	s19 =	sld [smem:$0x3FC8]  }
0x92: {  	s4 =	sld [smem:$0x3FD0];
	(tm) =	ssettm $0x1  }
0x93: {  	s5 =	sld [smem:$0x3FFB];
	_ =	sdelay $0x3  }
0x94: {  	_ =	strace s5  }
0x95: {  	s5 =	sld [smem:$0x3FFC];
	_ =	sdelay $0x3  }
0x96: {  	_ =	strace s5  }
0x97: {  	s5 =	sld [smem:$0x3FFD];
	_ =	sdelay $0x3  }
0x98: {  	_ =	strace s5  }
0x99: {  	_ =	strace $0x8FFFFFFF  }
0x9a: {  	s20 =	sld [smem:$0x3FDB];
	_ =	sdelay $0x1  }
0x9b: {  	s6 =	simm.s32 $_scs_section_size  }
0x9c: {  	s7 =	simm.s32 $_size__tile_overlayer_lowered;
	s8 =	simm.s32 $_tile_overlayer_lowered  }
0x9d: {  	s23 =	simm.s32 $0x1BFF;
	s22 =	sshll.u32 s8, $0x1;
	s5 =	sadd.s32 s6, s20  }
0x9e: {  	s9 =	simm.s32 $0x0;
	s21 =	sshll.u32 s7, $0x1;
	s7 =	sadd.s32 s22, s5  }
0x9f: {  	[timem:s9], [sflag:s23] =	dma.local [hbm:s7], s21  }
0xa0: {  	_ =	swait.ge [sflag:s23], s21  }
0xa1: {  	s6 =	ssub.s32 $0x0, s21;
	[sflag:s23] =	ssyncset.done $0x0  }
0xa2: {  	[sflag:s23] =	ssyncadd.s32 s6;
	_ =	sdelay $0x1  }
0xa3: {  	s24 =	simm.s32 $0x1B8B  }
0xa4: {  	_ =	swait.ge [sflag:s24], $0x1  }
0xa5: {  	[sflag:s24] =	ssyncset.done $0x0  }
0xa6: {  	s25 =	simm.s32 $0x1B8E;
	[sflag:s24] =	ssyncadd.s32 $0xFFFFFFFF  }
0xa7: {  	s26 =	simm.s32 $execute0_lowered;
	[smem:$0x3FD2] =	sst s25  }
0xa8: {  	s6 =	sshll.u32 s26, $0x1;
	_ =	strace $0x80000046;
	[dreg:$0x1] =	wrdreg $0xFFFFFFFF  }
0xa9: {  	s28 =	simm.s32 $_size_execute0_lowered;
	s5 =	sadd.s32 s5, s6;
	[dreg:$0x0] =	wrdreg $0x0  }
0xaa: {  	s6 =	sshll.u32 s28, $0x1;
	[dreg:$0x2] =	wrdreg s5  }
0xab: {  	[dreg:$0x3] =	wrdreg s6  }
0xac: {  	[dreg:$0x4] =	wrdreg $0xC0  }
0xad: {  	_ =	task [dreg:s9], $0x5FFFF  }
0xae: {  	[dreg:$0x1] =	wrdreg $0xFFFFFFFF  }
0xaf: {  	[dreg:$0x0] =	wrdreg $0x60  }
0xb0: {  	[dreg:$0x2] =	wrdreg s2  }
0xb1: {  	[dreg:$0x3] =	wrdreg s19  }
0xb2: {  	[dreg:$0x4] =	wrdreg s4  }
0xb3: {  	[dreg:$0x5] =	wrdreg $0x9  }
0xb4: {  	_ =	task.clear_ibuf [dreg:s9], $0x6FFFF;
	_ =	strace $0x90000046  }
0xb5: {  	s29 =	simm.s32 $0x9;
	_ =	strace $0x80000048  }
0xb6: {  	_ =	swait.ge [sflag:s29], $0x1  }
0xb7: {  	[sflag:s29] =	ssyncadd.s32 $0xFFFFFFFF  }
0xb8: {  	_ =	strace $0x90000048  }
0xb9: {  	_ =	sfence  }
0xba: {  	s30 =	sld [smem:$0x0];
	_ =	sdelay $0x2  }
0xbb: {  	s31 =	sshll.u32 s1, $0xD;
	s1 =	sshrl.u32 s1, $0x2  }
0xbc: {  	s3 =	sand.u32 $0x4000, s31;
	s1 =	sadd.s32 s1, s30  }
0xbd: {  	s0 =	sor.u32 s3, s0;
	s1 =	sshll.u32 s1, $0x11  }
0xbe: {  	s0 =	sor.u32 s1, s0  }
0xbf: {  	s0 =	sadd.s32 $0x8F2B, s0  }
0xc0: {  	[sflag:s0] =	ssyncadd.remote.s32 $0x1  }
0xc1: {  	_ =	sfence.sel $0xFFFF  }
0xc2: {  	[dreg:$0x0] =	wrdreg $0xFFFFFFFF;
	(pc) =	sbr.abs _section_cstart, $3  }
0xc3: {  	[dreg:$0x1] =	wrdreg $0xFFFFFFFF  }
0xc4: {  	_ =	task.clear_ibuf [dreg:s9], $0x2FFFF;
	_ =	strace $0x9FFFFFFF  }
0xc5: {  	(tm) =	ssettm $0x7FFFFFFF  }
tec
execute0_lowered:
.L_overlay_start_1:
0x0: {  	(tag) =	ssettag $0x1  }
0x1: {  	s9 =	rddreg [dreg:$0x0]  }
0x2: {  	s0 =	rddreg [dreg:$0x1]  }
0x3: {  	s3 =	stileid.u32;
	s1 =	srdreg.scid  }
0x4: {  	s4 =	simm.s32 $0x0;
	s14 =	simm.s32 $0x80;
	s15 =	simm.s32 $0x8000  }
0x5: {  	s2 =	sshll.u32 s3, $0x1;
	s1 =	sand.u32 $0x1, s1;
	[smem:$0x7FF] =	sst s4  }
0x6: {  	s3 =	sshrl.u32 s3, $0x2;
	s2 =	sand.u32 $0x6, s2;
	_ =	strace $0x80000047  }
0x7: {  	s7 =	sshll.u32 s3, $0x16;
	s6 =	sshll.u32 s3, $0xF;
	s30 =	smul.u32 $0xD8000, s3  }
0x8: {  	s2 =	sor.u32 s1, s2;
	s1 =	ssub.s32 $0x2, s1;
	[dreg:$0x6] =	wrdreg s7  }
0x9: {  	s5 =	sshll.u32 s2, $0xC;
	s8 =	sshrl.u32 s1, $0x1;
	s2 =	sshll.u32 s2, $0x4  }
.Ltmp0:
0xa: {  	[dreg:$0x9] =	wrdreg s30;
	s7 =	sor.u32 s7, s5;
	(pc) =	sbr.rel .LBB2_1-.Ltmp0, $4  }
0xb: {  	s5 =	sor.u32 s6, s5;
	s1 =	ssub.s32 s1, s8;
	[dreg:$0x7] =	wrdreg s2  }
0xc: {  	s29 =	sshrl.u32 s7, $0x3;
	s5 =	sshrl.u32 s5, $0x3;
	s31 =	smax.u32 s1, $0x1  }
0xd: {  	s6 =	sadd.s32 s9, s29;
	s0 =	sadd.s32 s0, s5;
	[dreg:$0xa] =	wrdreg s31  }
0xe: {  	v47 =	vlaneseq.u32;
	s2 =	simm.s32 $0x0;
	[dreg:$0x8] =	wrdreg s0;
	s9 =	sadd.s32 $0x10, s6  }
.LBB2_18:
0xf: {  	s0 =	simm.s32 $0x3  }
0x10: {  	_ =	swait.ge [sflag:s0], $0x1B00  }
0x11: {  	[sflag:s0] =	ssyncset.done $0x0  }
0x12: {  	s1 =	simm.s32 $0x4;
	[sflag:s0] =	ssyncadd.s32 $0xFFFFE500  }
0x13: {  	_ =	swait.ge [sflag:s1], $0x1B00  }
0x14: {  	s2 =	rddreg [dreg:$0xb]  }
0x15: {  	s31 =	rddreg [dreg:$0xa];
	s2 =	sadd.s32 $0x1, s2  }
0x16: {  	p0 =	sne.s32 s2, s31  }
.Ltmp1:
0x17: {  	_ = 	snop;
	(pc) =	sbr.rel @!p0 .LBB2_19-.Ltmp1, $3  }
0x18: {  	_ =	sdelay $0x1  }
0x19: {  	[sflag:s1] =	ssyncset.done $0x0  }
0x1a: {  	[sflag:s1] =	ssyncadd.s32 $0xFFFFE500  }
.LBB2_1:
0x1b: {  	[dreg:$0xb] =	wrdreg s2  }
0x1c: {  	s0 =	rddreg [dreg:$0x8];
	s1 =	simm.s32 $0x10000;
	s30 =	simm.s32 $0x5  }
0x1d: {  	[tilespmem:s1], [sflag:$0x5] =	stream.linear.gather [hbm4b:s0+s4], $0x1000, $0x38;
	[tilespmem:$0x15000] =	vst v63  }
0x1e: {  	s31 =	sadd.s32 $0x0, s6;
	_ =	swait.ge [sflag:s30], $0x1000  }
0x1f: {  	s3 =	simm.s32 $0x400;
	s0 =	simm.s32 $0x8000;
	[sflag:s30] =	ssyncset.done $0x0  }
0x20: {  	s2 =	sadd.s32 $0x80, s31;
	s1 =	simm.s32 $0x800;
	[sflag:s30] =	ssyncadd.s32 $0xFFFFF000  }
0x21: {  	[tilespmem:s4], [sflag:$0x1] =	stream.strided.gather [hbm4b:s31+s14], $0x400, s15, s14, $0x38;
	[tilespmem:$0x15000] =	vst v63  }
.LBB2_2:
0x22: {  	[tilespmem:s3], [sflag:$0x1] =	stream.strided.gather [hbm4b:s2+s14], $0x400, s15, s14, $0x38;
	[tilespmem:$0x15000] =	vst v63  }
0x23: {  	s2 =	smov.u32 s0;
	p0 =	sne.s32 s0, $0x78000  }
.Ltmp2:
0x24: {  	s0 =	sadd.s32 $0x8000, s0;
	(pc) =	sbr.rel @p0 .LBB2_2-.Ltmp2, $4  }
0x25: {  	_ = 	snop  }
0x26: {  	s2 =	sadd.s32 s2, s6  }
0x27: {  	[tilespmem:s1], [sflag:$0x1] =	stream.strided.gather [hbm4b:s2+s14], $0x400, s15, s14, $0x38;
	[tilespmem:$0x15000] =	vst v63  }
0x28: {  	s3 =	sadd.s32 $0x400, s1;
	s2 =	sadd.s32 $0x80, s2;
	s1 =	sadd.s32 $0x800, s1  }
0x29: {  	[tilespmem:s3], [sflag:$0x1] =	stream.strided.gather [hbm4b:s2+s14], $0x400, s15, s14, $0x38;
	[tilespmem:$0x15000] =	vst v63  }
0x2a: {  	s0 =	simm.s32 $0x8000  }
0x2b: {  	s1 =	sadd.s32 $0x0, s9;
	s5 =	simm.s32 $0x0;
	s3 =	simm.s32 $0x8400  }
0x2c: {  	[tilespmem:s0], [sflag:$0x2] =	stream.strided.gather [hbm4b:s1+s14], $0x400, s15, s14, $0x38;
	[tilespmem:$0x15000] =	vst v63  }
0x2d: {  	s2 =	sadd.s32 $0x80, s1;
	s0 =	simm.s32 $0x8000;
	s1 =	simm.s32 $0x8800  }
.LBB2_4:
0x2e: {  	[tilespmem:s3], [sflag:$0x2] =	stream.strided.gather [hbm4b:s2+s14], $0x400, s15, s14, $0x38;
	[tilespmem:$0x15000] =	vst v63  }
0x2f: {  	s2 =	smov.u32 s0;
	p0 =	sne.s32 s0, $0x78000  }
.Ltmp3:
0x30: {  	s0 =	sadd.s32 $0x8000, s0;
	(pc) =	sbr.rel @p0 .LBB2_4-.Ltmp3, $4  }
0x31: {  	_ = 	snop  }
0x32: {  	s2 =	sadd.s32 s2, s9  }
0x33: {  	[tilespmem:s1], [sflag:$0x2] =	stream.strided.gather [hbm4b:s2+s14], $0x400, s15, s14, $0x38;
	[tilespmem:$0x15000] =	vst v63  }
0x34: {  	s3 =	sadd.s32 $0x400, s1;
	s2 =	sadd.s32 $0x80, s2;
	s1 =	sadd.s32 $0x800, s1  }
0x35: {  	[tilespmem:s3], [sflag:$0x2] =	stream.strided.gather [hbm4b:s2+s14], $0x400, s15, s14, $0x38;
	[tilespmem:$0x15000] =	vst v63  }
.LBB2_6:
0x36: {  	s1 =	sshll.u32 s5, $0x1  }
0x37: {  	s0 =	rddreg [dreg:$0x7];
	s30 =	simm.s32 $0x1;
	p0 =	seq.s32 s5, $0x0  }
0x38: {  	s2 =	sshll.u32 s5, $0x9;
	s3 =	sshll.u32 s5, $0x8;
	s19 =	simm.s32 $0xFFFFFFFE  }
0x39: {  	s20 =	simm.s32 $0x0;
	s21 =	simm.s32 $0x0;
	[dreg:$0xd] =	wrdreg s1  }
0x3a: {  	s0 =	sadd.s32 s0, s1;
	s1 =	simm.s32 @!p0 $0x3;
	_ =	swait.ge [sflag:s30], $0x8000  }
0x3b: {  	s2 =	sand.u32 $0x800, s2;
	s0 =	sshll.u32 s0, $0x8;
	[sflag:s30] =	ssyncset.done $0x0  }
0x3c: {  	[dreg:$0xc] =	wrdreg s5;
	s0 =	sand.u32 $0x7800, s0;
	[sflag:s30] =	ssyncadd.s32 $0xFFFF8000  }
0x3d: {  	s2 =	sor.u32 $0x10000, s2;
	_ =	swait.ge @!p0 [sflag:s1], $0x1B00;
	[dreg:$0xe] =	wrdreg s0  }
0x3e: {  	s22 =	simm.s32 $0x0;
	s3 =	sand.u32 $0x300, s3;
	[dreg:$0xf] =	wrdreg s2  }
0x3f: {  	s31 =	sor.u32 s3, s2;
	[dreg:$0x10] =	wrdreg s3;
	[sflag:s1] =	ssyncset.done @!p0 $0x0  }
0x40: {  	s23 =	simm.s32 $0x0;
	[dreg:$0x4] =	wrdreg s31;
	[sflag:s1] =	ssyncadd.s32 @!p0 $0xFFFFE500  }
.LBB2_7:
0x41: {  	s0 =	rddreg [dreg:$0x4];
	s26 =	sand.u32 $0x400, s23  }
0x42: {  	s24 =	sand.u32 $0x60, s20;
	s31 =	sadd.s32 s26, s0  }
0x43: {  	s0 =	sadd.s32 s24, s31  }
0x44: {  	v4 =	vld [tilespmem:s0+$0x0];
	_ =	sdelay $0x4  }
0x45: {  	v1 =	vtrunc.f32 v4  }
0x46: {  	v1 =	vcvt.f32.s32 v1;
	_ =	sdelay $0x1  }
0x47: {  	v3 =	vmov s20;
	v2 =	vadd.s32 $0xFFFFFFFC, v1;
	v51 =	vadd.s32 $0xFFFFFFFD, v1  }
0x48: {  	v6 =	vor.u32 s20, v47;
	vm0 =	vgt.s32 v2, $0x0;
	vm15 =	vgt.s32 v51, $0x0  }
0x49: {  	v3 =	vshll.u32 v3, $0x3;
	v2 =	vnsel vm0, $0x0, v2;
	v8 =	vnsel vm15, $0x0, v51  }
0x4a: {  	v52 =	vand.u32 $0x400, v3;
	v5 =	vmin.u32 v2, $0x7F;
	v54 =	vmin.u32 v8, $0x7F  }
0x4b: {  	v7 =	vshll.u32 v5, $0x8;
	v53 =	vshll.u32 v5, $0x7;
	v8 =	vshll.u32 v54, $0x8  }
0x4c: {  	v5 =	vshll.u32 v54, $0x7;
	v7 =	vand.u32 $0x7800, v7;
	v3 =	vand.u32 $0x380, v53  }
0x4d: {  	v8 =	vand.u32 $0x7800, v8;
	v5 =	vand.u32 $0x380, v5;
	v7 =	vor.u32 v7, v3  }
0x4e: {  	v55 =	vand.u32 $0x6F, v6;
	v5 =	vor.u32 v8, v5;
	v56 =	vor.u32 v52, v7  }
0x4f: {  	v5 =	vor.u32 v52, v5;
	v6 =	vor.u32 v55, v56  }
0x50: {  	v5 =	vor.u32 v55, v5;
	_ =	sdelay $0x1  }
0x51: {  	v57 =	vadd.s32 $0xFFFFFFFE, v1  }
0x52: {  	vm4 =	vgt.s32 v57, $0x0  }
0x53: {  	v58 =	vcvt.s32.f32 v1;
	v7 =	vnsel vm4, $0x0, v57;
	v6 =	vld.idx.msk [tilespmem:v6+s4+$0x0], $0xffff  }
0x54: {  	v7 =	vmin.u32 v7, $0x7F;
	v9 =	vld.idx.msk [tilespmem:v5+s4+$0x0], $0xffff  }
0x55: {  	v59 =	vsub.f32 v4, v58;
	v60 =	vshll.u32 v7, $0x8;
	v7 =	vshll.u32 v7, $0x7  }
0x56: {  	v8 =	vand.u32 $0x7800, v60;
	v10 =	vand.u32 $0x380, v7  }
0x57: {  	v61 =	vsub.f32 $1.000000000e+00, v59;
	v8 =	vor.u32 v8, v10  }
0x58: {  	v8 =	vor.u32 v52, v8  }
0x59: {  	v8 =	vor.u32 v55, v8;
	v6 =	vmul.f32 v61, v6;
	v62 =	vmul.f32 v59, v9;
	_ =	sdelay $0x1  }
0x5a: {  	s30 =	sor.u32 $0x11000, s26;
	v63 =	vadd.s32 $0xFFFFFFFF, v1;
	v6 =	vadd.f32 v6, v62  }
0x5b: {  	s13 =	sor.u32 s24, s30;
	vm5 =	vgt.s32 v63, $0x0  }
0x5c: {  	v0 =	vnsel vm5, $0x0, v63;
	[tilespmem:s13+$0x0] =	vst v6  }
0x5d: {  	v6 =	vmin.u32 v0, $0x7F;
	v8 =	vld.idx.msk [tilespmem:v8+s4+$0x0], $0xffff  }
0x5e: {  	v12 =	vshll.u32 v6, $0x8;
	v6 =	vshll.u32 v6, $0x7  }
0x5f: {  	v10 =	vand.u32 $0x7800, v12;
	v6 =	vand.u32 $0x380, v6  }
0x60: {  	v6 =	vor.u32 v10, v6  }
0x61: {  	v6 =	vor.u32 v52, v6  }
0x62: {  	v9 =	vmul.f32 v61, v9;
	v6 =	vor.u32 v55, v6;
	v13 =	vmul.f32 v8, v59;
	_ =	sdelay $0x1  }
0x63: {  	v9 =	vadd.f32 v13, v9  }
0x64: {  	vm6 =	vgt.s32 v1, $0x0  }
0x65: {  	v14 =	vnsel vm6, $0x0, v1;
	[tilespmem:s13+$0x80] =	vst v9  }
0x66: {  	v9 =	vmin.u32 v14, $0x7F;
	v6 =	vld.idx.msk [tilespmem:v6+s4+$0x0], $0xffff  }
0x67: {  	v15 =	vshll.u32 v9, $0x8;
	v9 =	vshll.u32 v9, $0x7  }
0x68: {  	v10 =	vand.u32 $0x7800, v15;
	v9 =	vand.u32 $0x380, v9  }
0x69: {  	v9 =	vor.u32 v10, v9  }
0x6a: {  	v9 =	vor.u32 v52, v9  }
0x6b: {  	v8 =	vmul.f32 v8, v61;
	v9 =	vor.u32 v55, v9;
	v16 =	vmul.f32 v6, v59;
	_ =	sdelay $0x1  }
0x6c: {  	v17 =	vadd.s32 $0x1, v1;
	v8 =	vadd.f32 v16, v8  }
0x6d: {  	vm7 =	vgt.s32 v17, $0x0  }
0x6e: {  	v18 =	vnsel vm7, $0x0, v17;
	[tilespmem:s13+$0x100] =	vst v8  }
0x6f: {  	v8 =	vmin.u32 v18, $0x7F;
	v9 =	vld.idx.msk [tilespmem:v9+s4+$0x0], $0xffff  }
0x70: {  	v19 =	vshll.u32 v8, $0x8;
	v8 =	vshll.u32 v8, $0x7  }
0x71: {  	v10 =	vand.u32 $0x7800, v19;
	v8 =	vand.u32 $0x380, v8  }
0x72: {  	v8 =	vor.u32 v10, v8  }
0x73: {  	v8 =	vor.u32 v52, v8  }
0x74: {  	v6 =	vmul.f32 v6, v61;
	v8 =	vor.u32 v55, v8;
	v20 =	vmul.f32 v9, v59;
	_ =	sdelay $0x1  }
0x75: {  	v21 =	vadd.s32 $0x2, v1;
	v6 =	vadd.f32 v20, v6  }
0x76: {  	vm8 =	vgt.s32 v21, $0x0  }
0x77: {  	v22 =	vnsel vm8, $0x0, v21;
	[tilespmem:s13+$0x180] =	vst v6  }
0x78: {  	v6 =	vmin.u32 v22, $0x7F;
	v8 =	vld.idx.msk [tilespmem:v8+s4+$0x0], $0xffff  }
0x79: {  	v23 =	vshll.u32 v6, $0x8;
	v6 =	vshll.u32 v6, $0x7  }
0x7a: {  	v10 =	vand.u32 $0x7800, v23;
	v6 =	vand.u32 $0x380, v6  }
0x7b: {  	v6 =	vor.u32 v10, v6  }
0x7c: {  	v6 =	vor.u32 v52, v6  }
0x7d: {  	v9 =	vmul.f32 v9, v61;
	v6 =	vor.u32 v55, v6;
	v24 =	vmul.f32 v8, v59;
	_ =	sdelay $0x1  }
0x7e: {  	v25 =	vadd.s32 $0x3, v1;
	v9 =	vadd.f32 v24, v9  }
0x7f: {  	vm9 =	vgt.s32 v25, $0x0  }
0x80: {  	v26 =	vnsel vm9, $0x0, v25;
	[tilespmem:s13+$0x200] =	vst v9  }
0x81: {  	v9 =	vmin.u32 v26, $0x7F;
	v6 =	vld.idx.msk [tilespmem:v6+s4+$0x0], $0xffff  }
0x82: {  	v27 =	vshll.u32 v9, $0x8;
	v9 =	vshll.u32 v9, $0x7  }
0x83: {  	v10 =	vand.u32 $0x7800, v27;
	v9 =	vand.u32 $0x380, v9  }
0x84: {  	v9 =	vor.u32 v10, v9  }
0x85: {  	v9 =	vor.u32 v52, v9  }
0x86: {  	v8 =	vmul.f32 v8, v61;
	v9 =	vor.u32 v55, v9;
	v28 =	vmul.f32 v6, v59;
	_ =	sdelay $0x1  }
0x87: {  	v29 =	vadd.s32 $0x4, v1;
	v8 =	vadd.f32 v28, v8  }
0x88: {  	vm10 =	vgt.s32 v29, $0x0  }
0x89: {  	v30 =	vnsel vm10, $0x0, v29;
	[tilespmem:s13+$0x280] =	vst v8  }
0x8a: {  	v8 =	vmin.u32 v30, $0x7F;
	v9 =	vld.idx.msk [tilespmem:v9+s4+$0x0], $0xffff  }
0x8b: {  	v31 =	vshll.u32 v8, $0x8;
	v8 =	vshll.u32 v8, $0x7  }
0x8c: {  	v10 =	vand.u32 $0x7800, v31;
	v8 =	vand.u32 $0x380, v8  }
0x8d: {  	v8 =	vor.u32 v10, v8  }
0x8e: {  	v8 =	vor.u32 v52, v8  }
0x8f: {  	s16 =	sand.u32 $0x3, s21;
	v6 =	vmul.f32 v6, v61;
	v8 =	vor.u32 v55, v8;
	v32 =	vmul.f32 v9, v59  }
0x90: {  	s0 =	sshll.u32 s16, $0x5  }
0x91: {  	s0 =	sadd.s32 s0, s23;
	v1 =	vadd.s32 $0x5, v1;
	v6 =	vadd.f32 v32, v6  }
0x92: {  	s0 =	sor.u32 $0x300, s0;
	vm11 =	vgt.s32 v1, $0x0  }
0x93: {  	v1 =	vnsel vm11, $0x0, v1;
	[tilespmem:s0+$0x11000] =	vst v6  }
0x94: {  	v1 =	vmin.u32 v1, $0x7F;
	v8 =	vld.idx.msk [tilespmem:v8+s4+$0x0], $0xffff  }
0x95: {  	v33 =	vshll.u32 v1, $0x8;
	v1 =	vshll.u32 v1, $0x7  }
0x96: {  	v1 =	vand.u32 $0x380, v1;
	v6 =	vand.u32 $0x7800, v33  }
0x97: {  	v1 =	vor.u32 v6, v1  }
0x98: {  	v36 =	vmul.f32 $2.500000000e-01, v4;
	v4 =	vmul.f32 $5.000000000e-01, v4;
	v1 =	vor.u32 v52, v1  }
0x99: {  	v34 =	vmul.f32 v9, v61;
	v1 =	vor.u32 v55, v1;
	v35 =	vmul.f32 v8, v59  }
0x9a: {  	v37 =	vtrunc.f32 v36;
	v51 =	vtrunc.f32 v4  }
0x9b: {  	s17 =	sor.u32 s20, s23;
	v11 =	vcvt.f32.s32 v37;
	v53 =	vcvt.f32.s32 v51;
	v6 =	vadd.f32 v35, v34  }
0x9c: {  	v2 =	vor.u32 v52, v55;
	s0 =	sor.u32 $0x380, s17  }
0x9d: {  	v3 =	vor.u32 $0x80, v2;
	v54 =	vcvt.s32.f32 v53;
	[tilespmem:s0+$0x11000] =	vst v6;
	v6 =	vshll.u32 v11, $0x1  }
0x9e: {  	v7 =	vmul.f32 v8, v61;
	v11 =	vcvt.s32.f32 v11;
	v38 =	vld.idx.msk [tilespmem:v1+s4+$0x0], $0xffff;
	v1 =	vadd.s32 $0xFFFFFFF8, v6  }
0x9f: {  	v41 =	vadd.s32 $0xFFFFFFF9, v6;
	v13 =	vadd.s32 $0xFFFFFFFA, v6;
	v15 =	vadd.s32 $0xFFFFFFFB, v6  }
0xa0: {  	v19 =	vadd.s32 $0xFFFFFFFC, v6;
	v57 =	vadd.s32 $0xFFFFFFFD, v6;
	v61 =	vadd.s32 $0xFFFFFFFE, v6  }
0xa1: {  	vm6 =	vgt.s32 v6, $0x0;
	v51 =	vadd.s32 $0x2, v6;
	v30 =	vadd.s32 $0x5, v6  }
0xa2: {  	v34 =	vadd.s32 $0x7, v6;
	vm0 =	vlt.s32 v1, $0x0;
	vm1 =	vgt.s32 v41, $0x0  }
0xa3: {  	vm12 =	vgt.s32 v13, $0x0;
	vm13 =	vgt.s32 v15, $0x0;
	vm14 =	vgt.s32 v19, $0x0  }
0xa4: {  	vm15 =	vgt.s32 v57, $0x0;
	vm4 =	vgt.s32 v61, $0x0;
	v20 =	vnsel vm6, $0x0, v6  }
0xa5: {  	vm8 =	vgt.s32 v51, $0x0;
	vm11 =	vgt.s32 v30, $0x0;
	v39 =	vsel vm0, $0x0, v1  }
0xa6: {  	v10 =	vnsel vm1, $0x0, v41;
	v13 =	vnsel vm12, $0x0, v13;
	v15 =	vnsel vm13, $0x0, v15  }
0xa7: {  	v55 =	vnsel vm14, $0x0, v19;
	v9 =	vnsel vm15, $0x0, v57;
	v63 =	vnsel vm4, $0x0, v61  }
0xa8: {  	v22 =	vmin.u32 v20, $0x3F;
	v30 =	vnsel vm11, $0x0, v30;
	vm13 =	vgt.s32 v34, $0x0  }
0xa9: {  	v61 =	vadd.s32 $0x8, v6;
	v8 =	vmin.u32 v39, $0x3F;
	v10 =	vmin.u32 v10, $0x3F  }
0xaa: {  	v13 =	vmin.u32 v13, $0x3F;
	v15 =	vmin.u32 v15, $0x3F;
	v9 =	vmin.u32 v9, $0x3F  }
0xab: {  	v41 =	vmin.u32 v63, $0x3F;
	v57 =	vmin.u32 v30, $0x3F;
	v34 =	vnsel vm13, $0x0, v34  }
0xac: {  	vm14 =	vgt.s32 v61, $0x0;
	v39 =	vadd.s32 $0x9, v6;
	v40 =	vshll.u32 v8, $0x9  }
0xad: {  	v8 =	vshll.u32 v8, $0x8;
	v42 =	vshll.u32 v10, $0x8;
	v10 =	vshll.u32 v10, $0x9  }
0xae: {  	v16 =	vshll.u32 v13, $0x8;
	v13 =	vshll.u32 v13, $0x9;
	v44 =	vshll.u32 v15, $0x8  }
0xaf: {  	v15 =	vshll.u32 v15, $0x9;
	v60 =	vshll.u32 v9, $0x8;
	v9 =	vshll.u32 v9, $0x9  }
0xb0: {  	v30 =	vshll.u32 v57, $0x8;
	vm15 =	vgt.s32 v39, $0x0;
	v5 =	vmul.f32 v38, v59  }
0xb1: {  	v8 =	vand.u32 $0x300, v8;
	v16 =	vand.u32 $0x300, v16;
	v13 =	vand.u32 $0x7800, v13  }
0xb2: {  	v46 =	vand.u32 $0x300, v44;
	v48 =	vand.u32 $0x7800, v15;
	v17 =	vor.u32 v16, v2  }
0xb3: {  	v12 =	vor.u32 v8, v2;
	v49 =	vor.u32 v46, v2;
	v43 =	vor.u32 v13, v17  }
0xb4: {  	v5 =	vadd.f32 v5, v7;
	v7 =	vand.u32 $0x7800, v40;
	v15 =	vor.u32 v48, v49  }
0xb5: {  	s29 =	sor.u32 $0x11800, s26;
	v10 =	vand.u32 $0x7800, v10;
	v8 =	vor.u32 v8, v3;
	v12 =	vor.u32 v7, v12  }
0xb6: {  	s18 =	sor.u32 s24, s29;
	v9 =	vand.u32 $0x7800, v9;
	v45 =	vor.u32 v16, v3;
	v7 =	vor.u32 v7, v8  }
0xb7: {  	v30 =	vand.u32 $0x300, v30;
	v16 =	vor.u32 v46, v3;
	[tilespmem:s18+$0x0] =	vst v5;
	v5 =	vor.u32 v13, v45  }
0xb8: {  	v39 =	vnsel vm15, $0x0, v39;
	vm15 =	vlt.s32 v1, $0xFFFFFFFC;
	v13 =	vor.u32 v48, v16;
	v52 =	vld.idx.msk [tilespmem:v43+s4+$0x0], $0xffff  }
0xb9: {  	v46 =	vshll.u32 v22, $0x8;
	v33 =	vor.u32 v30, v2;
	v8 =	vand.u32 $0x300, v42;
	v15 =	vld.idx.msk [tilespmem:v15+s4+$0x0], $0xffff  }
0xba: {  	v30 =	vor.u32 v30, v3;
	v39 =	vmin.u32 v39, $0x3F;
	v14 =	vor.u32 v8, v2;
	v12 =	vld.idx.msk [tilespmem:v12+s4+$0x0], $0xffff  }
0xbb: {  	v49 =	vor.u32 $0x1, v6;
	v8 =	vor.u32 v8, v3;
	v14 =	vor.u32 v10, v14;
	v7 =	vld.idx.msk [tilespmem:v7+s4+$0x0], $0xffff  }
0xbc: {  	v42 =	vshll.u32 v41, $0x8;
	vm7 =	vgt.s32 v49, $0x0;
	v8 =	vor.u32 v10, v8;
	v18 =	vld.idx.msk [tilespmem:v5+s4+$0x0], $0xffff  }
0xbd: {  	v17 =	vand.u32 $0x300, v42;
	v48 =	vshll.u32 v22, $0x9;
	v24 =	vnsel vm7, $0x0, v49;
	v13 =	vld.idx.msk [tilespmem:v13+s4+$0x0], $0xffff  }
0xbe: {  	v44 =	vor.u32 v17, v2;
	v17 =	vor.u32 v17, v3;
	v43 =	vadd.s32 $0xFFFFFFFF, v6  }
0xbf: {  	v5 =	vsub.f32 v4, v54;
	v4 =	vsub.s32 v53, v6;
	v53 =	vadd.s32 $0x3, v6  }
0xc0: {  	vm5 =	vgt.s32 v43, $0x0;
	v50 =	vld.idx.msk [tilespmem:v14+s4+$0x0], $0xffff;
	v14 =	vsub.f32 v36, v11;
	vm9 =	vgt.s32 v53, $0x0  }
0xc1: {  	v8 =	vld.idx.msk [tilespmem:v8+s4+$0x0], $0xffff;
	vm11 =	veq.s32 v4, $0x1;
	v10 =	vadd.f32 v7, v12;
	v7 =	vmin.u32 v55, $0x3F  }
0xc2: {  	v55 =	vadd.s32 $0x4, v6;
	v11 =	vadd.f32 v18, v52;
	v13 =	vadd.f32 v13, v15  }
0xc3: {  	v56 =	vshll.u32 v7, $0x8;
	v7 =	vshll.u32 v7, $0x9;
	v15 =	vand.u32 $0x300, v60  }
0xc4: {  	v18 =	vnsel vm5, $0x0, v43;
	vm10 =	vgt.s32 v55, $0x0;
	v60 =	vmin.u32 v34, $0x3F  }
0xc5: {  	v34 =	vnsel vm14, $0x0, v61;
	v43 =	vshll.u32 v39, $0x9;
	v39 =	vshll.u32 v39, $0x8  }
0xc6: {  	vm14 =	vlt.s32 v1, $0xFFFFFFFE;
	v12 =	vadd.f32 v8, v50;
	v7 =	vand.u32 $0x7800, v7  }
0xc7: {  	v8 =	vand.u32 $0x300, v56;
	v62 =	vor.u32 v15, v2;
	v15 =	vor.u32 v15, v3  }
0xc8: {  	v45 =	vmin.u32 v18, $0x3F;
	v50 =	vmin.u32 v24, $0x3F;
	v37 =	vshll.u32 v60, $0x8  }
0xc9: {  	v34 =	vmin.u32 v34, $0x3F;
	v43 =	vand.u32 $0x7800, v43;
	v39 =	vand.u32 $0x300, v39  }
0xca: {  	v58 =	vor.u32 v8, v2;
	v59 =	vor.u32 v8, v3;
	v0 =	vor.u32 v9, v62  }
0xcb: {  	v9 =	vor.u32 v9, v15;
	v15 =	vshll.u32 v41, $0x9;
	v18 =	vshll.u32 v45, $0x8  }
0xcc: {  	v24 =	vshll.u32 v50, $0x8;
	v37 =	vand.u32 $0x300, v37;
	v62 =	vshll.u32 v34, $0x8  }
0xcd: {  	v34 =	vshll.u32 v34, $0x9;
	v8 =	vor.u32 v7, v58;
	v7 =	vor.u32 v7, v59  }
0xce: {  	v15 =	vand.u32 $0x7800, v15;
	v18 =	vand.u32 $0x300, v18;
	v24 =	vand.u32 $0x300, v24  }
0xcf: {  	v58 =	vadd.s32 $0x6, v6;
	v38 =	vor.u32 v37, v2;
	v37 =	vor.u32 v37, v3  }
0xd0: {  	v41 =	vand.u32 $0x300, v62;
	v34 =	vand.u32 $0x7800, v34;
	v19 =	vor.u32 v15, v44  }
0xd1: {  	v17 =	vor.u32 v15, v17;
	v15 =	vshll.u32 v45, $0x9;
	v21 =	vor.u32 v18, v2  }
0xd2: {  	v18 =	vor.u32 v18, v3;
	v25 =	vor.u32 v24, v2;
	v15 =	vand.u32 $0x7800, v15  }
0xd3: {  	v20 =	vor.u32 v15, v21;
	v21 =	vor.u32 v15, v18;
	v15 =	vand.u32 $0x300, v46  }
0xd4: {  	v18 =	vand.u32 $0x7800, v48;
	v23 =	vor.u32 v15, v2;
	v15 =	vor.u32 v15, v3  }
0xd5: {  	v24 =	vor.u32 v24, v3;
	v22 =	vor.u32 v18, v15;
	v15 =	vshll.u32 v50, $0x9  }
0xd6: {  	v23 =	vor.u32 v18, v23;
	v18 =	vnsel vm8, $0x0, v51;
	v15 =	vand.u32 $0x7800, v15  }
0xd7: {  	vm12 =	vgt.s32 v58, $0x0;
	v18 =	vmin.u32 v18, $0x3F;
	v26 =	vor.u32 v15, v25  }
0xd8: {  	v24 =	vor.u32 v15, v24;
	v52 =	vshll.u32 v18, $0x8;
	v18 =	vshll.u32 v18, $0x9  }
0xd9: {  	v25 =	vnsel vm9, $0x0, v53;
	v15 =	vand.u32 $0x300, v52;
	v18 =	vand.u32 $0x7800, v18  }
0xda: {  	v54 =	vmin.u32 v25, $0x3F;
	v27 =	vor.u32 v15, v2;
	v15 =	vor.u32 v15, v3  }
0xdb: {  	v25 =	vshll.u32 v54, $0x8;
	v27 =	vor.u32 v18, v27;
	v28 =	vor.u32 v18, v15  }
0xdc: {  	v15 =	vshll.u32 v54, $0x9;
	v25 =	vand.u32 $0x300, v25;
	v18 =	vnsel vm10, $0x0, v55  }
0xdd: {  	v15 =	vand.u32 $0x7800, v15;
	v29 =	vor.u32 v25, v2;
	v18 =	vmin.u32 v18, $0x3F  }
0xde: {  	v25 =	vor.u32 v25, v3;
	v29 =	vor.u32 v15, v29;
	v56 =	vshll.u32 v18, $0x8  }
0xdf: {  	v25 =	vor.u32 v15, v25;
	v18 =	vshll.u32 v18, $0x9;
	v15 =	vand.u32 $0x300, v56  }
0xe0: {  	v63 =	vor.u32 v41, v2;
	v18 =	vand.u32 $0x7800, v18;
	v31 =	vor.u32 v15, v2  }
0xe1: {  	v41 =	vor.u32 v41, v3;
	v15 =	vor.u32 v15, v3;
	v31 =	vor.u32 v18, v31  }
0xe2: {  	s25 =	sadd.s32 $0x10, s20;
	v32 =	vor.u32 v18, v15;
	v15 =	vshll.u32 v57, $0x9;
	v18 =	vnsel vm12, $0x0, v58  }
0xe3: {  	v44 =	vmov s25;
	v15 =	vand.u32 $0x7800, v15;
	v18 =	vmin.u32 v18, $0x3F  }
0xe4: {  	v44 =	vshll.u32 v44, $0x3;
	v33 =	vor.u32 v15, v33;
	v59 =	vshll.u32 v18, $0x8  }
0xe5: {  	s28 =	sand.u32 $0x70, s25;
	v30 =	vor.u32 v15, v30;
	v18 =	vshll.u32 v18, $0x9;
	v15 =	vand.u32 $0x300, v59  }
0xe6: {  	s1 =	sadd.s32 s28, s31;
	v16 =	vld.idx.msk [tilespmem:v0+s4+$0x0], $0xffff;
	v18 =	vand.u32 $0x7800, v18;
	v35 =	vor.u32 v15, v2;
	v15 =	vor.u32 v15, v3  }
0xe7: {  	v0 =	vor.u32 s25, v47;
	v35 =	vor.u32 v18, v35;
	v36 =	vor.u32 v18, v15;
	v18 =	vld [tilespmem:s1+$0x0]  }
0xe8: {  	v48 =	vld.idx.msk [tilespmem:v20+s4+$0x0], $0xffff;
	v20 =	vand.u32 $0x400, v44;
	v57 =	vadd.s32 $0xA, v6;
	v6 =	vadd.s32 $0xB, v6  }
0xe9: {  	v56 =	vor.u32 v39, v2;
	vm6 =	vgt.s32 v57, $0x0;
	vm8 =	vgt.s32 v6, $0x0  }
0xea: {  	v58 =	vor.u32 v39, v3;
	v6 =	vnsel vm8, $0x0, v6;
	v59 =	vnsel vm6, $0x0, v57  }
0xeb: {  	v9 =	vld.idx.msk [tilespmem:v9+s4+$0x0], $0xffff;
	vm8 =	vgt.s32 v1, $0x32;
	v61 =	vmin.u32 v59, $0x3F;
	v15 =	vshll.u32 v60, $0x9  }
0xec: {  	v8 =	vld.idx.msk [tilespmem:v8+s4+$0x0], $0xffff;
	v39 =	vshll.u32 v61, $0x9;
	v15 =	vand.u32 $0x7800, v15;
	v40 =	vtrunc.f32 v18  }
0xed: {  	v7 =	vld.idx.msk [tilespmem:v7+s4+$0x0], $0xffff;
	v38 =	vor.u32 v15, v38;
	v37 =	vor.u32 v15, v37;
	v15 =	vcvt.f32.s32 v40  }
0xee: {  	v46 =	vld.idx.msk [tilespmem:v19+s4+$0x0], $0xffff;
	v6 =	vmin.u32 v6, $0x3F;
	vm6 =	vgt.s32 v1, $0x34;
	v39 =	vand.u32 $0x7800, v39  }
0xef: {  	v17 =	vld.idx.msk [tilespmem:v17+s4+$0x0], $0xffff;
	v40 =	vor.u32 v34, v63;
	v42 =	vadd.s32 $0xFFFFFFFC, v15;
	v45 =	vadd.s32 $0xFFFFFFFD, v15  }
0xf0: {  	v23 =	vld.idx.msk [tilespmem:v23+s4+$0x0], $0xffff;
	v34 =	vor.u32 v34, v41;
	vm4 =	vgt.s32 v42, $0x0;
	vm5 =	vgt.s32 v45, $0x0  }
0xf1: {  	v22 =	vld.idx.msk [tilespmem:v22+s4+$0x0], $0xffff;
	v41 =	vor.u32 v43, v56;
	v42 =	vnsel vm4, $0x0, v42;
	v45 =	vnsel vm5, $0x0, v45  }
0xf2: {  	v26 =	vld.idx.msk [tilespmem:v26+s4+$0x0], $0xffff;
	v43 =	vor.u32 v43, v58;
	v42 =	vmin.u32 v42, $0x7F;
	v52 =	vmin.u32 v45, $0x7F  }
0xf3: {  	v27 =	vld.idx.msk [tilespmem:v27+s4+$0x0], $0xffff;
	v51 =	vshll.u32 v42, $0x8;
	v42 =	vshll.u32 v42, $0x7;
	v54 =	vshll.u32 v52, $0x8  }
0xf4: {  	v28 =	vld.idx.msk [tilespmem:v28+s4+$0x0], $0xffff;
	v44 =	vshll.u32 v52, $0x7;
	v47 =	vand.u32 $0x7800, v51;
	v53 =	vand.u32 $0x380, v42  }
0xf5: {  	v29 =	vld.idx.msk [tilespmem:v29+s4+$0x0], $0xffff;
	v42 =	vand.u32 $0x7800, v54;
	v44 =	vand.u32 $0x380, v44;
	v47 =	vor.u32 v47, v53  }
0xf6: {  	v45 =	vld.idx.msk [tilespmem:v21+s4+$0x0], $0xffff;
	v21 =	vand.u32 $0x7F, v0;
	v42 =	vor.u32 v42, v44;
	v55 =	vor.u32 v20, v47  }
0xf7: {  	v25 =	vld.idx.msk [tilespmem:v25+s4+$0x0], $0xffff;
	v60 =	vadd.s32 $0xFFFFFFFE, v15;
	v42 =	vor.u32 v20, v42;
	v19 =	vor.u32 v21, v55  }
0xf8: {  	v49 =	vcvt.s32.f32 v15;
	vm7 =	vgt.s32 v60, $0x0;
	v40 =	vld.idx.msk [tilespmem:v40+s4+$0x0], $0xffff;
	v42 =	vor.u32 v21, v42  }
0xf9: {  	v62 =	vnsel vm7, $0x0, v60;
	v60 =	vshll.u32 v6, $0x8;
	v6 =	vshll.u32 v6, $0x9;
	v51 =	vld.idx.msk [tilespmem:v31+s4+$0x0], $0xffff  }
0xfa: {  	v59 =	vadd.s32 $0xFFFFFFFF, v15;
	v6 =	vand.u32 $0x7800, v6;
	v44 =	vld.idx.msk [tilespmem:v24+s4+$0x0], $0xffff;
	v24 =	vshll.u32 v61, $0x8  }
0xfb: {  	v54 =	vld.idx.msk [tilespmem:v36+s4+$0x0], $0xffff;
	v36 =	vand.u32 $0x300, v60;
	v47 =	vmin.u32 v62, $0x7F;
	v0 =	vand.u32 $0x300, v24  }
0xfc: {  	v62 =	vor.u32 v36, v2;
	v31 =	vor.u32 v0, v3;
	v3 =	vor.u32 v36, v3;
	v50 =	vld.idx.msk [tilespmem:v19+s4+$0x0], $0xffff  }
0xfd: {  	v63 =	vshll.u32 v47, $0x8;
	v47 =	vshll.u32 v47, $0x7;
	v3 =	vor.u32 v6, v3;
	v42 =	vld.idx.msk [tilespmem:v42+s4+$0x0], $0xffff  }
0xfe: {  	v52 =	vld.idx.msk [tilespmem:v32+s4+$0x0], $0xffff;
	v47 =	vand.u32 $0x380, v47;
	v19 =	vsub.f32 v18, v49;
	v49 =	vand.u32 $0x7800, v63  }
0xff: {  	v56 =	vor.u32 v0, v2;
	v63 =	vor.u32 v6, v62;
	v55 =	vor.u32 v49, v47;
	v47 =	vld.idx.msk [tilespmem:v33+s4+$0x0], $0xffff  }
0x100: {  	vm10 =	vgt.s32 v15, $0x0;
	v49 =	vld.idx.msk [tilespmem:v30+s4+$0x0], $0xffff;
	v33 =	vor.u32 v39, v56;
	v24 =	vsub.f32 $1.000000000e+00, v19  }
0x101: {  	vm9 =	vgt.s32 v59, $0x0;
	v31 =	vor.u32 v39, v31;
	v39 =	vld.idx.msk [tilespmem:v37+s4+$0x0], $0xffff;
	v32 =	vor.u32 v20, v55  }
0x102: {  	v3 =	vld.idx.msk [tilespmem:v3+s4+$0x0], $0xffff;
	v32 =	vor.u32 v21, v32;
	v57 =	vmul.f32 v24, v50;
	v58 =	vmul.f32 v19, v42  }
0x103: {  	vm4 =	vlt.s32 v1, $0xFFFFFFFA;
	v61 =	vnsel vm9, $0x0, v59;
	vm9 =	vgt.s32 v1, $0x30;
	v55 =	vld.idx.msk [tilespmem:v34+s4+$0x0], $0xffff  }
0x104: {  	v36 =	vadd.f32 v9, v16;
	v62 =	vor.u32 $0x7A80, v2;
	v63 =	vld.idx.msk [tilespmem:v63+s4+$0x0], $0xffff;
	v30 =	vadd.f32 v57, v58  }
0x105: {  	s30 =	sor.u32 s28, s30;
	v34 =	vadd.f32 v7, v8;
	v59 =	vmul.f32 v24, v42;
	v57 =	vor.u32 $0x7A00, v2;
	v58 =	vld.idx.msk [tilespmem:v33+s4+$0x0], $0xffff  }
0x106: {  	v33 =	vadd.f32 v28, v27;
	[tilespmem:s30+$0x0] =	vst v30;
	v30 =	vmin.u32 v61, $0x7F;
	v61 =	vld.idx.msk [tilespmem:v31+s4+$0x0], $0xffff;
	v31 =	vadd.f32 v25, v29  }
0x107: {  	v29 =	vadd.f32 v52, v51;
	v25 =	vadd.f32 v49, v47;
	v50 =	vld.idx.msk [tilespmem:v32+s4+$0x0], $0xffff;
	v37 =	vshll.u32 v30, $0x8  }
0x108: {  	v38 =	vld.idx.msk [tilespmem:v38+s4+$0x0], $0xffff;
	v30 =	vshll.u32 v30, $0x7;
	v32 =	vadd.f32 v44, v26;
	v26 =	vadd.f32 v55, v40  }
0x109: {  	v53 =	vld.idx.msk [tilespmem:v35+s4+$0x0], $0xffff;
	v27 =	vadd.f32 v3, v63;
	v35 =	vand.u32 $0x7800, v37;
	v30 =	vand.u32 $0x380, v30  }
0x10a: {  	v7 =	vld.idx.msk [tilespmem:v41+s4+$0x0], $0xffff;
	v37 =	vadd.f32 v45, v48;
	v45 =	vor.u32 $0x100, v2;
	v41 =	vor.u32 v35, v30  }
0x10b: {  	v2 =	vor.u32 $0x180, v2;
	v35 =	vadd.f32 v17, v46;
	v6 =	vor.u32 v20, v41  }
0x10c: {  	v48 =	vld.idx.msk [tilespmem:v62+s4+$0x0], $0xffff;
	v30 =	vadd.f32 v22, v23;
	v6 =	vor.u32 v21, v6;
	v60 =	vmul.f32 v50, v19  }
0x10d: {  	v9 =	vld.idx.msk [tilespmem:v57+s4+$0x0], $0xffff;
	v46 =	vnsel vm10, $0x0, v15;
	v17 =	vadd.f32 v39, v38;
	v39 =	vmul.f32 $5.000000000e-01, v5  }
0x10e: {  	vm10 =	vgt.s32 v1, $0x2E;
	v47 =	vmin.u32 v46, $0x7F;
	v16 =	vadd.f32 v60, v59  }
0x10f: {  	v49 =	vshll.u32 v47, $0x8;
	v23 =	vshll.u32 v47, $0x7;
	v22 =	vadd.f32 v61, v58  }
0x110: {  	v56 =	vld.idx.msk [tilespmem:v43+s4+$0x0], $0xffff;
	v40 =	vsub.f32 $5.000000000e-01, v39;
	v61 =	vsel vm11, v35, v36;
	v47 =	vsel vm11, v37, v35;
	[tilespmem:s30+$0x80] =	vst v16  }
0x111: {  	v52 =	vand.u32 $0x7800, v49;
	v63 =	vmul.f32 v61, v39;
	v49 =	vmul.f32 v47, v39;
	v6 =	vld.idx.msk [tilespmem:v6+s4+$0x0], $0xffff  }
0x112: {  	v8 =	vmul.f32 v47, v40;
	v47 =	vsel vm11, v25, v29;
	v28 =	vadd.f32 v48, v9  }
0x113: {  	v59 =	vadd.s32 $0x1, v15;
	v16 =	vadd.f32 v54, v53;
	v53 =	vand.u32 $0x380, v23  }
0x114: {  	v51 =	vld.idx.msk [tilespmem:v45+s4+$0x0], $0xffff;
	v60 =	vsel vm11, v36, v34;
	vm2 =	vgt.s32 v59, $0x0;
	v54 =	vor.u32 v52, v53  }
0x115: {  	v2 =	vld.idx.msk [tilespmem:v2+s4+$0x0], $0xffff;
	v23 =	vadd.f32 v56, v7;
	v56 =	vmul.f32 v50, v24;
	v55 =	vor.u32 v20, v54  }
0x116: {  	v62 =	vnsel vm2, $0x0, v59;
	v5 =	vor.u32 v21, v55;
	v57 =	vmul.f32 v6, v19  }
0x117: {  	v7 =	vmul.f32 v61, v40;
	v50 =	vsel vm11, v30, v37;
	v59 =	vadd.s32 $0x2, v15  }
0x118: {  	v26 =	vsel vm10, v28, v26;
	v3 =	vmin.u32 v62, $0x7F;
	v58 =	vadd.f32 v57, v56  }
0x119: {  	v52 =	vsel vm11, v32, v30;
	vm12 =	vgt.s32 v59, $0x0;
	v62 =	vsel vm11, v33, v32  }
0x11a: {  	v30 =	vadd.f32 v32, v30;
	v38 =	vadd.f32 v2, v51;
	v2 =	vmul.f32 v60, v40;
	[tilespmem:s30+$0x100] =	vst v58  }
0x11b: {  	v48 =	vshll.u32 v3, $0x8;
	v3 =	vshll.u32 v3, $0x7;
	v51 =	vmul.f32 v50, v39;
	v5 =	vld.idx.msk [tilespmem:v5+s4+$0x0], $0xffff  }
0x11c: {  	v0 =	vadd.f32 v49, v7;
	v46 =	vsel vm11, v16, v25;
	v16 =	vsel vm9, v28, v16  }
0x11d: {  	v23 =	vadd.f32 v26, v23;
	v9 =	vand.u32 $0x7800, v48;
	v3 =	vand.u32 $0x380, v3  }
0x11e: {  	v3 =	vor.u32 v9, v3;
	[tilespmem:$0x1FFC0] =	vst v0;
	v60 =	vadd.f32 v51, v8;
	v0 =	vnsel vm12, $0x0, v59  }
0x11f: {  	v8 =	vmul.f32 v62, v40;
	v12 =	vsel vm0, v38, v12;
	v3 =	vor.u32 v20, v3  }
0x120: {  	v53 =	vmul.f32 v6, v24;
	v55 =	vor.u32 v21, v3;
	v54 =	vmul.f32 v5, v19  }
0x121: {  	v13 =	vsel vm14, v38, v13;
	v36 =	vsel vm15, v38, v36;
	v10 =	vadd.f32 v12, v10  }
0x122: {  	v7 =	vmin.u32 v0, $0x7F;
	v11 =	vadd.f32 v13, v11;
	v58 =	vadd.f32 v54, v53  }
0x123: {  	v6 =	vadd.f32 v63, v2;
	v63 =	vmul.f32 v52, v40;
	v2 =	vmul.f32 v62, v39  }
0x124: {  	v34 =	vadd.f32 v36, v34;
	v56 =	vmul.f32 v50, v40;
	v57 =	vmul.f32 v52, v39;
	[tilespmem:s30+$0x180] =	vst v58  }
0x125: {  	v52 =	vsel vm11, v31, v33;
	v9 =	vadd.f32 v2, v63;
	v63 =	vadd.s32 $0x3, v15;
	v53 =	vld.idx.msk [tilespmem:v55+s4+$0x0], $0xffff  }
0x126: {  	v33 =	vsel vm6, v28, v33;
	v54 =	vshll.u32 v7, $0x8;
	v7 =	vshll.u32 v7, $0x7  }
0x127: {  	v42 =	vmul.f32 v52, v40;
	v44 =	vand.u32 $0x7800, v54;
	v7 =	vand.u32 $0x380, v7  }
0x128: {  	vm13 =	vgt.s32 v63, $0x0;
	v61 =	vadd.f32 v57, v56;
	v7 =	vor.u32 v44, v7  }
0x129: {  	v56 =	vsel vm11, v29, v31;
	v48 =	vnsel vm13, $0x0, v63;
	v7 =	vor.u32 v20, v7  }
0x12a: {  	v5 =	vmul.f32 v5, v24;
	v59 =	vor.u32 v21, v7;
	v58 =	vmul.f32 v53, v19  }
0x12b: {  	v31 =	vadd.f32 v33, v31;
	v29 =	vsel vm8, v28, v29;
	vm11 =	vgt.s32 v1, $0x2C  }
0x12c: {  	[tilespmem:$0x1FFD0] =	vst v60;
	v57 =	vmul.f32 v56, v39;
	v60 =	vmul.f32 v56, v40;
	v62 =	vadd.f32 v58, v5  }
0x12d: {  	v40 =	vmul.f32 v47, v40;
	v56 =	vadd.s32 $0x4, v15;
	v15 =	vadd.s32 $0x5, v15;
	[tilespmem:$0x1FFE0] =	vst v61  }
0x12e: {  	v43 =	vadd.f32 v29, v25;
	v1 =	vsel vm11, v28, v22;
	v61 =	vmul.f32 v47, v39;
	[tilespmem:s30+$0x200] =	vst v62  }
0x12f: {  	v7 =	vadd.f32 v57, v42;
	v42 =	vmul.f32 $2.500000000e-01, v14;
	v14 =	vmin.u32 v48, $0x7F;
	v50 =	vld.idx.msk [tilespmem:v59+s4+$0x0], $0xffff  }
0x130: {  	vm5 =	vgt.s32 v56, $0x0;
	v51 =	vshll.u32 v14, $0x8;
	v14 =	vshll.u32 v14, $0x7  }
0x131: {  	vm7 =	vgt.s32 v15, $0x0;
	v45 =	vand.u32 $0x7800, v51;
	v14 =	vand.u32 $0x380, v14  }
0x132: {  	v27 =	vadd.f32 v1, v27;
	v15 =	vnsel vm7, $0x0, v15;
	v14 =	vor.u32 v45, v14  }
0x133: {  	v41 =	vmin.u32 v15, $0x7F;
	v55 =	vmul.f32 v52, v39;
	v52 =	vor.u32 v20, v14  }
0x134: {  	v53 =	vmul.f32 v53, v24;
	v12 =	vor.u32 v21, v52;
	v54 =	vmul.f32 v50, v19  }
0x135: {  	v44 =	vadd.f32 v61, v60;
	v39 =	vmul.f32 v46, v39;
	v48 =	vadd.f32 v16, v17  }
0x136: {  	v57 =	vsel vm4, v38, v37;
	v8 =	vadd.f32 v55, v8;
	v13 =	vadd.f32 v54, v53  }
0x137: {  	[tilespmem:$0x1FFF0] =	vst v44;
	v35 =	vadd.f32 v57, v35;
	v57 =	vmul.f32 $5.000000000e-01, v18;
	v44 =	vsub.f32 $2.500000000e-01, v42  }
0x138: {  	v55 =	vmul.f32 v11, v42;
	v33 =	vmul.f32 v31, v42;
	v58 =	vnsel vm5, $0x0, v56;
	[tilespmem:s30+$0x280] =	vst v13  }
0x139: {  	v47 =	vmul.f32 v43, v42;
	v27 =	vmul.f32 v27, v42;
	v61 =	vmin.u32 v58, $0x7F;
	v60 =	vld.idx.msk [tilespmem:v12+s4+$0x0], $0xffff  }
0x13a: {  	v45 =	vshll.u32 v41, $0x8;
	v13 =	vshll.u32 v61, $0x8;
	v12 =	vshll.u32 v61, $0x7  }
0x13b: {  	v10 =	vmul.f32 v10, v44;
	v63 =	vand.u32 $0x7800, v13;
	v0 =	vand.u32 $0x380, v12  }
0x13c: {  	v11 =	vmul.f32 v11, v44;
	v62 =	vmul.f32 v35, v42;
	v38 =	vor.u32 v63, v0  }
0x13d: {  	s2 =	sand.u32 $0x7, s22;
	v59 =	vmul.f32 v34, v42;
	v34 =	vmul.f32 v34, v44;
	v2 =	vor.u32 v20, v38  }
0x13e: {  	s1 =	sshll.u32 s2, $0x4;
	v3 =	vmul.f32 v50, v24;
	v14 =	vor.u32 v21, v2;
	v4 =	vmul.f32 v60, v19  }
0x13f: {  	s1 =	sadd.s32 s23, s1;
	v25 =	vand.u32 $0x7800, v45;
	v46 =	vmul.f32 v31, v44;
	v12 =	vadd.f32 v55, v10  }
0x140: {  	s1 =	sadd.s32 $0x10, s1;
	v52 =	vmul.f32 v43, v44;
	v10 =	vadd.f32 v62, v34;
	v34 =	vadd.f32 v4, v3  }
0x141: {  	s1 =	sor.u32 $0x300, s1;
	v5 =	vmul.f32 v35, v44;
	v15 =	vadd.f32 v47, v46;
	v11 =	vadd.f32 v59, v11  }
0x142: {  	v59 =	vmul.f32 v23, v42;
	v13 =	vadd.f32 v39, v40;
	v40 =	vmul.f32 v30, v42;
	[tilespmem:s1+$0x11000] =	vst v34  }
0x143: {  	v30 =	vmul.f32 v30, v44;
	v61 =	vmul.f32 v23, v44;
	v34 =	vld.idx.msk [tilespmem:v14+s4+$0x0], $0xffff;
	v14 =	vshll.u32 v41, $0x7  }
0x144: {  	v49 =	vmul.f32 v60, v24;
	v60 =	vtrunc.f32 v57;
	v14 =	vand.u32 $0x380, v14  }
0x145: {  	v23 =	vcvt.f32.s32 v60;
	v14 =	vor.u32 v25, v14;
	v25 =	vmul.f32 $2.500000000e-01, v18  }
0x146: {  	v58 =	vmul.f32 v48, v44;
	v53 =	vmul.f32 v48, v42;
	v16 =	vadd.f32 v5, v40  }
0x147: {  	v17 =	vadd.f32 v33, v30;
	v62 =	vcvt.s32.f32 v23;
	v55 =	vtrunc.f32 v25  }
0x148: {  	v18 =	vadd.f32 v27, v61;
	v14 =	vor.u32 v20, v14;
	v26 =	vcvt.f32.s32 v55  }
0x149: {  	v20 =	vor.u32 v20, v21;
	v51 =	vor.u32 v21, v14;
	v50 =	vmul.f32 v34, v19  }
0x14a: {  	v14 =	vadd.f32 v53, v52;
	v21 =	vor.u32 $0x80, v20;
	v22 =	vshll.u32 v26, $0x1  }
0x14b: {  	v24 =	vmul.f32 v34, v24;
	v54 =	vadd.f32 v50, v49;
	v4 =	vadd.s32 $0xFFFFFFF8, v22  }
0x14c: {  	v2 =	vadd.s32 $0xFFFFFFF9, v22;
	v36 =	vadd.s32 $0xFFFFFFFA, v22;
	v39 =	vadd.s32 $0xFFFFFFFB, v22  }
0x14d: {  	v42 =	vadd.s32 $0xFFFFFFFC, v22;
	v45 =	vadd.s32 $0xFFFFFFFD, v22;
	v48 =	vadd.s32 $0xFFFFFFFE, v22  }
0x14e: {  	v50 =	vadd.s32 $0xFFFFFFFF, v22;
	vm7 =	vgt.s32 v22, $0x0;
	v60 =	vadd.s32 $0x2, v22  }
0x14f: {  	vm0 =	vlt.s32 v4, $0x0;
	vm12 =	vgt.s32 v2, $0x0;
	vm13 =	vgt.s32 v36, $0x0  }
0x150: {  	vm14 =	vgt.s32 v39, $0x0;
	vm15 =	vgt.s32 v42, $0x0;
	vm4 =	vgt.s32 v45, $0x0  }
0x151: {  	vm5 =	vgt.s32 v48, $0x0;
	vm6 =	vgt.s32 v50, $0x0;
	v55 =	vnsel vm7, $0x0, v22  }
0x152: {  	vm9 =	vgt.s32 v60, $0x0;
	v63 =	vsel vm0, $0x0, v4;
	v30 =	vnsel vm12, $0x0, v2  }
0x153: {  	v32 =	vnsel vm13, $0x0, v36;
	v34 =	vnsel vm14, $0x0, v39;
	v36 =	vnsel vm15, $0x0, v42  }
0x154: {  	v42 =	vnsel vm6, $0x0, v50;
	v0 =	vmin.u32 v63, $0x3F;
	v30 =	vmin.u32 v30, $0x3F  }
0x155: {  	s0 =	sor.u32 s25, s23;
	v32 =	vmin.u32 v32, $0x3F;
	v34 =	vmin.u32 v34, $0x3F;
	v36 =	vmin.u32 v36, $0x3F  }
0x156: {  	s0 =	sor.u32 $0x380, s0;
	v42 =	vmin.u32 v42, $0x3F;
	v63 =	vadd.s32 $0x3, v22;
	v1 =	vshll.u32 v0, $0x9  }
0x157: {  	[tilespmem:s0+$0x11000] =	vst v54;
	v28 =	vshll.u32 v0, $0x8;
	v5 =	vshll.u32 v30, $0x8;
	v30 =	vshll.u32 v30, $0x9  }
0x158: {  	v56 =	vld.idx.msk [tilespmem:v51+s4+$0x0], $0xffff;
	v38 =	vshll.u32 v32, $0x8;
	v32 =	vshll.u32 v32, $0x9;
	v41 =	vshll.u32 v34, $0x8  }
0x159: {  	v34 =	vshll.u32 v34, $0x9;
	v44 =	vshll.u32 v36, $0x8;
	v36 =	vshll.u32 v36, $0x9  }
0x15a: {  	v53 =	vshll.u32 v42, $0x8;
	v42 =	vshll.u32 v42, $0x9;
	vm10 =	vgt.s32 v63, $0x0  }
0x15b: {  	v28 =	vand.u32 $0x300, v28;
	v30 =	vand.u32 $0x7800, v30;
	v32 =	vand.u32 $0x7800, v32  }
0x15c: {  	v34 =	vand.u32 $0x7800, v34;
	v36 =	vand.u32 $0x7800, v36;
	v42 =	vand.u32 $0x7800, v42  }
0x15d: {  	v3 =	vor.u32 v28, v20;
	v29 =	vmul.f32 v56, v19;
	v56 =	vor.u32 $0x1, v22  }
0x15e: {  	v28 =	vor.u32 v28, v21;
	v19 =	vadd.f32 v59, v58;
	vm8 =	vgt.s32 v56, $0x0  }
0x15f: {  	v27 =	vadd.f32 v29, v24;
	v24 =	vsub.f32 v57, v62;
	v29 =	vand.u32 $0x7800, v1  }
0x160: {  	v31 =	vor.u32 v29, v3;
	v28 =	vor.u32 v29, v28;
	v29 =	vand.u32 $0x300, v5  }
0x161: {  	v62 =	vnsel vm9, $0x0, v60;
	v3 =	vadd.s32 $0x4, v22;
	v37 =	vor.u32 v29, v20  }
0x162: {  	v29 =	vor.u32 v29, v21;
	vm11 =	vgt.s32 v3, $0x0;
	v33 =	vor.u32 v30, v37  }
0x163: {  	v30 =	vor.u32 v30, v29;
	v29 =	vand.u32 $0x300, v38;
	v38 =	vnsel vm4, $0x0, v45  }
0x164: {  	v45 =	vmin.u32 v55, $0x3F;
	v40 =	vor.u32 v29, v20;
	v29 =	vor.u32 v29, v21  }
0x165: {  	v38 =	vmin.u32 v38, $0x3F;
	v57 =	vshll.u32 v45, $0x8;
	v45 =	vshll.u32 v45, $0x9  }
0x166: {  	v35 =	vor.u32 v32, v40;
	v32 =	vor.u32 v32, v29;
	v29 =	vand.u32 $0x300, v41  }
0x167: {  	v47 =	vshll.u32 v38, $0x8;
	v38 =	vshll.u32 v38, $0x9;
	v40 =	vnsel vm5, $0x0, v48  }
0x168: {  	v45 =	vand.u32 $0x7800, v45;
	v43 =	vor.u32 v29, v20;
	v29 =	vor.u32 v29, v21  }
0x169: {  	v38 =	vand.u32 $0x7800, v38;
	v40 =	vmin.u32 v40, $0x3F;
	v37 =	vor.u32 v34, v43  }
0x16a: {  	v34 =	vor.u32 v34, v29;
	v29 =	vand.u32 $0x300, v44;
	v51 =	vshll.u32 v40, $0x8  }
0x16b: {  	v40 =	vshll.u32 v40, $0x9;
	v46 =	vor.u32 v29, v20;
	v29 =	vor.u32 v29, v21  }
0x16c: {  	v43 =	vand.u32 $0x300, v51;
	v40 =	vand.u32 $0x7800, v40;
	v39 =	vor.u32 v36, v46  }
0x16d: {  	v36 =	vor.u32 v36, v29;
	v29 =	vand.u32 $0x300, v47;
	v52 =	vor.u32 v43, v20  }
0x16e: {  	v43 =	vor.u32 v43, v21;
	v46 =	vnsel vm8, $0x0, v56;
	v49 =	vor.u32 v29, v20  }
0x16f: {  	v29 =	vor.u32 v29, v21;
	v44 =	vor.u32 v40, v52;
	v40 =	vor.u32 v40, v43  }
0x170: {  	v46 =	vmin.u32 v46, $0x3F;
	v41 =	vor.u32 v38, v49;
	v38 =	vor.u32 v38, v29  }
0x171: {  	v29 =	vand.u32 $0x300, v53;
	v59 =	vshll.u32 v46, $0x8;
	v46 =	vshll.u32 v46, $0x9  }
0x172: {  	v49 =	vnsel vm10, $0x0, v63;
	v53 =	vnsel vm11, $0x0, v3;
	v54 =	vor.u32 v29, v20  }
0x173: {  	v29 =	vor.u32 v29, v21;
	v48 =	vand.u32 $0x300, v59;
	v46 =	vand.u32 $0x7800, v46  }
0x174: {  	v49 =	vmin.u32 v49, $0x3F;
	v43 =	vor.u32 v42, v54;
	v42 =	vor.u32 v42, v29  }
0x175: {  	v29 =	vand.u32 $0x300, v57;
	v61 =	vor.u32 v48, v20;
	v48 =	vor.u32 v48, v21  }
0x176: {  	v2 =	vshll.u32 v49, $0x8;
	v49 =	vshll.u32 v49, $0x9;
	v57 =	vmin.u32 v53, $0x3F  }
0x177: {  	v58 =	vor.u32 v29, v20;
	v29 =	vor.u32 v29, v21;
	v50 =	vor.u32 v46, v61  }
0x178: {  	v46 =	vor.u32 v46, v48;
	v52 =	vand.u32 $0x300, v2;
	v5 =	vand.u32 $0x7800, v49  }
0x179: {  	v59 =	vshll.u32 v57, $0x8;
	v47 =	vor.u32 v45, v58;
	v45 =	vor.u32 v45, v29  }
0x17a: {  	v29 =	vmin.u32 v62, $0x3F;
	v55 =	vor.u32 v52, v20;
	v56 =	vor.u32 v52, v21  }
0x17b: {  	s3 =	sor.u32 s28, s29;
	v58 =	vadd.s32 $0x5, v22;
	v52 =	vshll.u32 v57, $0x9;
	v62 =	vadd.s32 $0x7, v22  }
0x17c: {  	[tilespmem:s3+$0x0] =	vst v27;
	v0 =	vshll.u32 v29, $0x8;
	v29 =	vshll.u32 v29, $0x9;
	v49 =	vor.u32 v5, v55  }
0x17d: {  	v27 =	vld.idx.msk [tilespmem:v31+s4+$0x0], $0xffff;
	v31 =	vor.u32 v5, v56;
	vm12 =	vgt.s32 v58, $0x0;
	v52 =	vand.u32 $0x7800, v52  }
0x17e: {  	v56 =	vadd.s32 $0x6, v22;
	vm14 =	vgt.s32 v62, $0x0;
	v48 =	vand.u32 $0x300, v0  }
0x17f: {  	v29 =	vand.u32 $0x7800, v29;
	v53 =	vnsel vm12, $0x0, v58;
	vm13 =	vgt.s32 v56, $0x0  }
0x180: {  	v0 =	vadd.s32 $0x9, v22;
	v1 =	vor.u32 v48, v20;
	v48 =	vor.u32 v48, v21  }
0x181: {  	v28 =	vld.idx.msk [tilespmem:v28+s4+$0x0], $0xffff;
	v53 =	vmin.u32 v53, $0x3F;
	v56 =	vnsel vm13, $0x0, v56;
	vm4 =	vgt.s32 v0, $0x0  }
0x182: {  	v51 =	vor.u32 v29, v1;
	v48 =	vor.u32 v29, v48;
	v29 =	vld.idx.msk [tilespmem:v33+s4+$0x0], $0xffff;
	v33 =	vand.u32 $0x300, v59  }
0x183: {  	v30 =	vld.idx.msk [tilespmem:v30+s4+$0x0], $0xffff;
	v61 =	vshll.u32 v53, $0x8;
	v53 =	vshll.u32 v53, $0x9;
	v56 =	vmin.u32 v56, $0x3F  }
0x184: {  	v35 =	vld.idx.msk [tilespmem:v35+s4+$0x0], $0xffff;
	v60 =	vor.u32 v33, v20;
	v33 =	vor.u32 v33, v21;
	v55 =	vand.u32 $0x300, v61  }
0x185: {  	v32 =	vld.idx.msk [tilespmem:v32+s4+$0x0], $0xffff;
	v53 =	vand.u32 $0x7800, v53;
	v63 =	vshll.u32 v56, $0x8;
	v56 =	vshll.u32 v56, $0x9  }
0x186: {  	v37 =	vld.idx.msk [tilespmem:v37+s4+$0x0], $0xffff;
	v54 =	vor.u32 v52, v60;
	v57 =	vor.u32 v55, v20;
	v33 =	vor.u32 v52, v33  }
0x187: {  	v34 =	vld.idx.msk [tilespmem:v34+s4+$0x0], $0xffff;
	v55 =	vor.u32 v55, v21;
	v56 =	vand.u32 $0x7800, v56;
	v60 =	vadd.s32 $0x8, v22  }
0x188: {  	v39 =	vld.idx.msk [tilespmem:v39+s4+$0x0], $0xffff;
	v52 =	vor.u32 v53, v57;
	v53 =	vor.u32 v53, v55;
	v55 =	vand.u32 $0x300, v63  }
0x189: {  	v36 =	vld.idx.msk [tilespmem:v36+s4+$0x0], $0xffff;
	v57 =	vnsel vm14, $0x0, v62;
	vm15 =	vgt.s32 v60, $0x0;
	v58 =	vor.u32 v55, v20  }
0x18a: {  	v44 =	vld.idx.msk [tilespmem:v44+s4+$0x0], $0xffff;
	v57 =	vmin.u32 v57, $0x3F;
	v55 =	vor.u32 v55, v21;
	v60 =	vnsel vm15, $0x0, v60  }
0x18b: {  	v40 =	vld.idx.msk [tilespmem:v40+s4+$0x0], $0xffff;
	v58 =	vor.u32 v56, v58;
	v59 =	vshll.u32 v57, $0x8;
	v57 =	vshll.u32 v57, $0x9  }
0x18c: {  	v41 =	vld.idx.msk [tilespmem:v41+s4+$0x0], $0xffff;
	v55 =	vor.u32 v56, v55;
	v60 =	vmin.u32 v60, $0x3F;
	v59 =	vand.u32 $0x300, v59  }
0x18d: {  	v38 =	vld.idx.msk [tilespmem:v38+s4+$0x0], $0xffff;
	v57 =	vand.u32 $0x7800, v57;
	v1 =	vshll.u32 v60, $0x8;
	v60 =	vshll.u32 v60, $0x9  }
0x18e: {  	v43 =	vld.idx.msk [tilespmem:v43+s4+$0x0], $0xffff;
	v61 =	vor.u32 v59, v20;
	v59 =	vor.u32 v59, v21;
	v60 =	vand.u32 $0x7800, v60  }
0x18f: {  	v42 =	vld.idx.msk [tilespmem:v42+s4+$0x0], $0xffff;
	v56 =	vor.u32 v57, v61;
	v57 =	vor.u32 v57, v59;
	v61 =	vnsel vm4, $0x0, v0  }
0x190: {  	v50 =	vld.idx.msk [tilespmem:v50+s4+$0x0], $0xffff;
	v59 =	vand.u32 $0x300, v1;
	v0 =	vadd.s32 $0xB, v22;
	v61 =	vmin.u32 v61, $0x3F  }
0x191: {  	v46 =	vld.idx.msk [tilespmem:v46+s4+$0x0], $0xffff;
	v62 =	vor.u32 v59, v20;
	v59 =	vor.u32 v59, v21;
	v63 =	vshll.u32 v61, $0x8  }
0x192: {  	v47 =	vld.idx.msk [tilespmem:v47+s4+$0x0], $0xffff;
	v2 =	vshll.u32 v61, $0x9;
	v61 =	vand.u32 $0x300, v63;
	v63 =	vadd.s32 $0xA, v22  }
0x193: {  	v3 =	vld.idx.msk [tilespmem:v31+s4+$0x0], $0xffff;
	v31 =	vand.u32 $0x7800, v2;
	vm5 =	vgt.s32 v63, $0x0;
	v5 =	vor.u32 v61, v20  }
0x194: {  	v45 =	vld.idx.msk [tilespmem:v45+s4+$0x0], $0xffff;
	v62 =	vor.u32 v60, v62;
	v2 =	vor.u32 v31, v5;
	v5 =	vnsel vm5, $0x0, v63  }
0x195: {  	v59 =	vor.u32 v60, v59;
	v60 =	vld.idx.msk [tilespmem:v33+s4+$0x0], $0xffff;
	v61 =	vor.u32 v61, v21;
	v33 =	vmin.u32 v5, $0x3F  }
0x196: {  	v49 =	vld.idx.msk [tilespmem:v49+s4+$0x0], $0xffff;
	vm6 =	vgt.s32 v0, $0x0;
	v31 =	vor.u32 v31, v61;
	v1 =	vshll.u32 v33, $0x8  }
0x197: {  	v51 =	vld.idx.msk [tilespmem:v51+s4+$0x0], $0xffff;
	v63 =	vnsel vm6, $0x0, v0;
	v33 =	vshll.u32 v33, $0x9;
	v61 =	vand.u32 $0x300, v1  }
0x198: {  	v48 =	vld.idx.msk [tilespmem:v48+s4+$0x0], $0xffff;
	v63 =	vmin.u32 v63, $0x3F;
	v33 =	vand.u32 $0x7800, v33;
	v5 =	vor.u32 v61, v20  }
0x199: {  	v26 =	vcvt.s32.f32 v26;
	v54 =	vld.idx.msk [tilespmem:v54+s4+$0x0], $0xffff;
	v1 =	vor.u32 v33, v5;
	v5 =	vshll.u32 v63, $0x8  }
0x19a: {  	v52 =	vld.idx.msk [tilespmem:v52+s4+$0x0], $0xffff;
	v61 =	vor.u32 v61, v21;
	v63 =	vshll.u32 v63, $0x9;
	v0 =	vand.u32 $0x300, v5  }
0x19b: {  	v33 =	vor.u32 v33, v61;
	v61 =	vld.idx.msk [tilespmem:v62+s4+$0x0], $0xffff;
	v62 =	vand.u32 $0x7800, v63;
	v63 =	vor.u32 v0, v20  }
0x19c: {  	v53 =	vld.idx.msk [tilespmem:v53+s4+$0x0], $0xffff;
	v5 =	vsub.f32 v25, v26;
	v0 =	vor.u32 v0, v21;
	v25 =	vor.u32 v62, v63  }
0x19d: {  	v58 =	vld.idx.msk [tilespmem:v58+s4+$0x0], $0xffff;
	v0 =	vor.u32 v62, v0  }
0x19e: {  	v55 =	vld.idx.msk [tilespmem:v55+s4+$0x0], $0xffff  }
0x19f: {  	v62 =	vadd.f32 v32, v35;
	v32 =	vld.idx.msk [tilespmem:v31+s4+$0x0], $0xffff  }
0x1a0: {  	v36 =	vadd.f32 v36, v39;
	v39 =	vld.idx.msk [tilespmem:v33+s4+$0x0], $0xffff  }
0x1a1: {  	v31 =	vadd.f32 v46, v50;
	v46 =	vld.idx.msk [tilespmem:v25+s4+$0x0], $0xffff  }
0x1a2: {  	v33 =	vadd.f32 v48, v51;
	v51 =	vld.idx.msk [tilespmem:v0+s4+$0x0], $0xffff  }
0x1a3: {  	v23 =	vsub.s32 v23, v22;
	v56 =	vld.idx.msk [tilespmem:v56+s4+$0x0], $0xffff  }
0x1a4: {  	vm7 =	veq.s32 v23, $0x1;
	vm9 =	vlt.s32 v4, $0xFFFFFFFC;
	v57 =	vld.idx.msk [tilespmem:v57+s4+$0x0], $0xffff  }
0x1a5: {  	s29 =	sor.u32 $0x11880, s26;
	v24 =	vmul.f32 $5.000000000e-01, v24;
	vm8 =	vlt.s32 v4, $0xFFFFFFFE;
	vm10 =	vlt.s32 v4, $0xFFFFFFFA;
	v21 =	vld.idx.msk [tilespmem:v59+s4+$0x0], $0xffff  }
0x1a6: {  	s5 =	sor.u32 s24, s29;
	vm11 =	vgt.s32 v4, $0x34;
	v37 =	vadd.f32 v34, v37;
	v26 =	vor.u32 $0x7A00, v20;
	v1 =	vld.idx.msk [tilespmem:v1+s4+$0x0], $0xffff  }
0x1a7: {  	[tilespmem:s5+$0x0] =	vst v6;
	v35 =	vadd.f32 v38, v41;
	v38 =	vor.u32 $0x7A80, v20;
	v6 =	vadd.f32 v51, v46;
	v46 =	vld [tilespmem:$0x1FFC0]  }
0x1a8: {  	v63 =	vadd.f32 v30, v29;
	v30 =	vadd.f32 v40, v44;
	v40 =	vor.u32 $0x100, v20;
	v51 =	vld [tilespmem:$0x1FFD0]  }
0x1a9: {  	vm12 =	vgt.s32 v4, $0x32;
	v59 =	vadd.f32 v28, v27;
	v27 =	vadd.f32 v60, v54;
	v54 =	vld [tilespmem:$0x1FFE0]  }
0x1aa: {  	s0 =	sor.u32 $0x11900, s26;
	v34 =	vadd.f32 v42, v43;
	v2 =	vld.idx.msk [tilespmem:v2+s4+$0x0], $0xffff;
	v28 =	vadd.f32 v3, v49;
	v50 =	vor.u32 $0x180, v20  }
0x1ab: {  	s30 =	sor.u32 $0x11980, s26;
	s7 =	sor.u32 s24, s0;
	vm13 =	vgt.s32 v4, $0x30;
	v29 =	vadd.f32 v45, v47;
	v20 =	vadd.f32 v57, v56;
	v26 =	vld.idx.msk [tilespmem:v26+s4+$0x0], $0xffff  }
0x1ac: {  	s31 =	sor.u32 $0x11A00, s26;
	s8 =	sor.u32 s24, s30;
	vm14 =	vgt.s32 v4, $0x2E;
	v38 =	vld.idx.msk [tilespmem:v38+s4+$0x0], $0xffff;
	v23 =	vadd.f32 v39, v1;
	v39 =	vsub.f32 $5.000000000e-01, v24;
	[tilespmem:s7+$0x0] =	vst v46  }
0x1ad: {  	s2 =	sor.u32 s24, s31;
	s1 =	sor.u32 $0x11A80, s26;
	vm15 =	vgt.s32 v4, $0x2C;
	v44 =	vsel vm7, v35, v36;
	v45 =	vsel vm7, v30, v35;
	v60 =	vld.idx.msk [tilespmem:v40+s4+$0x0], $0xffff;
	[tilespmem:s8+$0x0] =	vst v51  }
0x1ae: {  	s12 =	sor.u32 $0x11B00, s26;
	s10 =	sor.u32 s24, s1;
	v49 =	vmul.f32 v45, v24;
	v22 =	vadd.f32 v21, v61;
	v48 =	vmul.f32 v44, v39;
	v44 =	vld [tilespmem:$0x1FFF0];
	[tilespmem:s2+$0x0] =	vst v54  }
0x1af: {  	s11 =	sor.u32 s24, s12;
	s3 =	sor.u32 $0x11B80, s26;
	v5 =	vmul.f32 $2.500000000e-01, v5;
	v0 =	vadd.f32 v53, v52;
	v61 =	vld.idx.msk [tilespmem:v50+s4+$0x0], $0xffff;
	v50 =	vsel vm7, v34, v30;
	[tilespmem:s10+$0x0] =	vst v9  }
0x1b0: {  	s5 =	sor.u32 s24, s3;
	v52 =	vmul.f32 v50, v24;
	v3 =	vmul.f32 v45, v39;
	v9 =	vadd.f32 v49, v48;
	[tilespmem:s11+$0x0] =	vst v8  }
0x1b1: {  	s29 =	sor.u32 s28, s29;
	v57 =	vsel vm7, v31, v29;
	v42 =	vadd.f32 v31, v29;
	v53 =	vsel vm7, v29, v34;
	s2 =	sor.u32 $0x12000, s26;
	[tilespmem:s5+$0x0] =	vst v7  }
0x1b2: {  	v25 =	vadd.f32 v55, v58;
	v56 =	vmul.f32 v53, v24;
	v3 =	vadd.f32 v52, v3;
	s7 =	sor.u32 s24, s2;
	[tilespmem:s29+$0x0] =	vst v9  }
0x1b3: {  	s0 =	sor.u32 s28, s0;
	v21 =	vadd.f32 v32, v2;
	v55 =	vmul.f32 v50, v39;
	v58 =	vmul.f32 v53, v39;
	s5 =	sor.u32 $0x12080, s26;
	[tilespmem:s7+$0x0] =	vst v44  }
0x1b4: {  	s16 =	sor.u32 $0x12100, s26;
	v50 =	vsel vm7, v27, v28;
	v2 =	vadd.f32 v38, v26;
	v1 =	vadd.f32 v61, v60;
	s13 =	sor.u32 s24, s5;
	[tilespmem:s0+$0x0] =	vst v3  }
0x1b5: {  	s17 =	sor.u32 s24, s16;
	s25 =	sor.u32 $0x12180, s26;
	v60 =	vmul.f32 v57, v24;
	v61 =	vsel vm7, v33, v31;
	v26 =	vmul.f32 v57, v39;
	[tilespmem:s13+$0x0] =	vst v13  }
0x1b6: {  	s18 =	sor.u32 s24, s25;
	v57 =	vsel vm7, v0, v27;
	v45 =	vmul.f32 v61, v24;
	v52 =	vmul.f32 v50, v24;
	s10 =	sor.u32 $0x12200, s26;
	[tilespmem:s17+$0x0] =	vst v12  }
0x1b7: {  	v35 =	vsel vm9, v1, v35;
	v43 =	vsel vm11, v2, v33;
	v46 =	vsel vm7, v28, v33;
	s8 =	sor.u32 s24, s10;
	s11 =	sor.u32 $0x12280, s26;
	[tilespmem:s18+$0x0] =	vst v11  }
0x1b8: {  	v53 =	vadd.f32 v45, v26;
	v51 =	vmul.f32 v46, v39;
	v54 =	vsel vm0, v1, v63;
	s13 =	sor.u32 s24, s11;
	s17 =	sor.u32 $0x12300, s26;
	[tilespmem:s8+$0x0] =	vst v10  }
0x1b9: {  	v48 =	vmul.f32 v61, v39;
	v49 =	vmul.f32 v46, v24;
	v61 =	vsel vm7, v25, v0;
	s7 =	sor.u32 $0x12380, s26;
	s8 =	sor.u32 s24, s17;
	[tilespmem:s13+$0x0] =	vst v16  }
0x1ba: {  	v46 =	vmul.f32 v42, v5;
	v8 =	vadd.f32 v56, v55;
	v55 =	vadd.f32 v52, v51;
	s18 =	sor.u32 s24, s7;
	s13 =	sor.u32 $0x12800, s26;
	[tilespmem:s8+$0x0] =	vst v17  }
0x1bb: {  	v56 =	vadd.f32 v54, v59;
	v59 =	vsel vm8, v1, v37;
	v7 =	vadd.f32 v60, v58;
	s8 =	sor.u32 $0x12880, s26;
	[tilespmem:s18+$0x0] =	vst v15;
	s18 =	sor.u32 s24, s13  }
0x1bc: {  	v1 =	vsel vm10, v1, v34;
	v26 =	vadd.f32 v59, v62;
	v62 =	vsub.f32 $2.500000000e-01, v5;
	s26 =	sor.u32 $0x12900, s26;
	[tilespmem:s18+$0x0] =	vst v14;
	s18 =	sor.u32 s24, s8  }
0x1bd: {  	v58 =	vmul.f32 v50, v39;
	v60 =	vmul.f32 v57, v24;
	v1 =	vadd.f32 v1, v30;
	s24 =	sor.u32 s24, s26;
	[tilespmem:s18+$0x0] =	vst v19  }
0x1be: {  	v50 =	vsel vm12, v2, v27;
	v32 =	vmul.f32 v26, v5;
	v40 =	vmul.f32 v26, v62;
	[tilespmem:s24+$0x0] =	vst v18;
	s24 =	sor.u32 s28, s30  }
0x1bf: {  	s29 =	sor.u32 s28, s31;
	v0 =	vadd.f32 v50, v0;
	v45 =	vmul.f32 v1, v5;
	v1 =	vmul.f32 v1, v62;
	[tilespmem:s24+$0x0] =	vst v8  }
0x1c0: {  	v13 =	vadd.f32 v49, v48;
	v48 =	vmul.f32 v42, v62;
	v12 =	vmul.f32 v56, v62;
	s30 =	sor.u32 s28, s1;
	[tilespmem:s29+$0x0] =	vst v7  }
0x1c1: {  	s31 =	sor.u32 s28, s12;
	v16 =	vmul.f32 v57, v39;
	v39 =	vadd.f32 v35, v36;
	v15 =	vmul.f32 v61, v24;
	[tilespmem:s30+$0x0] =	vst v53  }
0x1c2: {  	v63 =	vadd.f32 v60, v58;
	v56 =	vmul.f32 v0, v5;
	v0 =	vmul.f32 v0, v62;
	s1 =	sor.u32 s28, s3;
	[tilespmem:s31+$0x0] =	vst v13  }
0x1c3: {  	s2 =	sor.u32 s28, s2;
	v17 =	vadd.f32 v43, v28;
	v41 =	vmul.f32 v39, v5;
	v15 =	vadd.f32 v15, v16;
	[tilespmem:s1+$0x0] =	vst v55  }
0x1c4: {  	v1 =	vadd.f32 v1, v46;
	v38 =	vadd.f32 v32, v12;
	v44 =	vmul.f32 v39, v62;
	s3 =	sor.u32 s28, s5;
	[tilespmem:s2+$0x0] =	vst v63  }
0x1c5: {  	v49 =	vmul.f32 v17, v5;
	v3 =	vadd.f32 v41, v40;
	s5 =	sor.u32 s28, s16;
	v53 =	vsel vm13, v2, v25;
	[tilespmem:s3+$0x0] =	vst v15  }
0x1c6: {  	s12 =	sor.u32 s28, s25;
	v7 =	vadd.f32 v45, v44;
	v54 =	vadd.f32 v53, v20;
	v55 =	vsel vm14, v2, v22;
	[tilespmem:s5+$0x0] =	vst v38  }
0x1c7: {  	v52 =	vmul.f32 v17, v62;
	s16 =	sor.u32 s28, s10;
	v2 =	vsel vm15, v2, v23;
	v57 =	vadd.f32 v55, v21;
	[tilespmem:s12+$0x0] =	vst v3  }
0x1c8: {  	s19 =	sadd.s32 $0x2, s19;
	s18 =	sor.u32 s28, s11;
	v51 =	vadd.f32 v49, v48;
	v58 =	vmul.f32 v54, v5;
	v2 =	vadd.f32 v2, v6;
	[tilespmem:s16+$0x0] =	vst v7  }
0x1c9: {  	p1 =	slt.u32 s19, $0xE;
	v59 =	vadd.f32 v56, v52;
	s24 =	sor.u32 s28, s17;
	v60 =	vmul.f32 v54, v62;
	v61 =	vmul.f32 v57, v5;
	[tilespmem:s18+$0x0] =	vst v1  }
.Ltmp4:
0x1ca: {  	s25 =	sor.u32 s28, s7;
	v0 =	vadd.f32 v58, v0;
	v4 =	vmul.f32 v57, v62;
	v2 =	vmul.f32 v2, v5;
	[tilespmem:s24+$0x0] =	vst v51;
	(pc) =	sbr.rel @p1 .LBB2_7-.Ltmp4, $4  }
0x1cb: {  	s29 =	sor.u32 s28, s13;
	v62 =	vadd.f32 v61, v60;
	[tilespmem:s25+$0x0] =	vst v59  }
0x1cc: {  	s30 =	sor.u32 s28, s8;
	v63 =	vadd.f32 v2, v4;
	[tilespmem:s29+$0x0] =	vst v0  }
0x1cd: {  	s22 =	sadd.s32 $0x2, s22;
	s31 =	sor.u32 s28, s26;
	[tilespmem:s30+$0x0] =	vst v62  }
0x1ce: {  	s21 =	sadd.s32 $0x1, s21;
	s20 =	sadd.s32 $0x20, s20;
	s23 =	sadd.s32 $0x100, s23;
	v47 =	vlaneseq.u32;
	[tilespmem:s31+$0x0] =	vst v63  }
0x1cf: {  	s0 =	rddreg [dreg:$0x9]  }
0x1d0: {  	s1 =	rddreg [dreg:$0xe]  }
0x1d1: {  	s7 =	rddreg [dreg:$0x10];
	s0 =	sor.u32 s0, s1  }
0x1d2: {  	s0 =	sor.u32 s7, s0  }
0x1d3: {  	s18 =	rddreg [dreg:$0x2];
	s0 =	sshrl.u32 s0, $0x3  }
0x1d4: {  	s19 =	simm.s32 $0x11000;
	s0 =	sadd.s32 s18, s0  }
0x1d5: {  	[hbm4b:s0+s14] =	stream.strided.scatter [tilespmem:s19], [sflag:$0x3], $0x400, s15, s14, $0x38;
	[tilespmem:$0x15000] =	vst v63  }
0x1d6: {  	s2 =	simm.s32 $0x11400;
	s20 =	sadd.s32 $0x80, s0  }
0x1d7: {  	[hbm4b:s20+s14] =	stream.strided.scatter [tilespmem:s2], [sflag:$0x3], $0x400, s15, s14, $0x38;
	[tilespmem:$0x15000] =	vst v63  }
0x1d8: {  	s22 =	simm.s32 $0x11800;
	s21 =	sadd.s32 $0x8000, s0  }
0x1d9: {  	[hbm4b:s21+s14] =	stream.strided.scatter [tilespmem:s22], [sflag:$0x3], $0x400, s15, s14, $0x38;
	[tilespmem:$0x15000] =	vst v63  }
0x1da: {  	s24 =	simm.s32 $0x11C00;
	s23 =	sadd.s32 $0x8080, s0  }
0x1db: {  	[hbm4b:s23+s14] =	stream.strided.scatter [tilespmem:s24], [sflag:$0x3], $0x400, s15, s14, $0x38;
	[tilespmem:$0x15000] =	vst v63  }
0x1dc: {  	s26 =	simm.s32 $0x12000;
	s31 =	rddreg [dreg:$0xc];
	s25 =	sadd.s32 $0x10000, s0  }
0x1dd: {  	[hbm4b:s25+s14] =	stream.strided.scatter [tilespmem:s26], [sflag:$0x3], $0x400, s15, s14, $0x38;
	[tilespmem:$0x15000] =	vst v63  }
0x1de: {  	s28 =	simm.s32 $0x12400;
	p1 =	seq.s32 s31, $0x7;
	s1 =	sadd.s32 $0x80, s25  }
0x1df: {  	[hbm4b:s1+s14] =	stream.strided.scatter [tilespmem:s28], [sflag:$0x3], $0x400, s15, s14, $0x38;
	[tilespmem:$0x15000] =	vst v63  }
.Ltmp5:
0x1e0: {  	_ = 	snop;
	(pc) =	sbr.rel @p1 .LBB2_12-.Ltmp5, $4  }
0x1e1: {  	s29 =	simm.s32 $0x12800;
	s0 =	sadd.s32 $0x18000, s0  }
0x1e2: {  	[hbm4b:s0+s14] =	stream.strided.scatter [tilespmem:s29], [sflag:$0x3], $0x180, s15, s14, $0x38;
	[tilespmem:$0x15000] =	vst v63  }
0x1e3: {  	s30 =	simm.s32 $0x12C00;
	s0 =	sadd.s32 $0x80, s0  }
0x1e4: {  	[hbm4b:s0+s14] =	stream.strided.scatter [tilespmem:s30], [sflag:$0x3], $0x180, s15, s14, $0x38;
	[tilespmem:$0x15000] =	vst v63  }
0x1e5: {  	s0 =	rddreg [dreg:$0xd]  }
0x1e6: {  	s1 =	rddreg [dreg:$0x7];
	s0 =	sadd.s32 $0x2, s0  }
0x1e7: {  	s1 =	sadd.s32 s1, s0  }
0x1e8: {  	s0 =	sshll.u32 s0, $0x7;
	s1 =	sshll.u32 s1, $0x8  }
0x1e9: {  	s0 =	sand.u32 $0x300, s0;
	s1 =	sand.u32 $0xF800, s1  }
0x1ea: {  	s29 =	rddreg [dreg:$0x6];
	s0 =	sor.u32 s1, s0  }
0x1eb: {  	s0 =	sor.u32 s29, s0  }
0x1ec: {  	s30 =	rddreg [dreg:$0x0];
	s0 =	sshrl.u32 s0, $0x3  }
0x1ed: {  	s0 =	sadd.s32 s30, s0  }
0x1ee: {  	s31 =	simm.s32 $0x0;
	s5 =	simm.s32 $0x400;
	s2 =	sadd.s32 $0x0, s0  }
0x1ef: {  	[tilespmem:s31], [sflag:$0x1] =	stream.strided.gather [hbm4b:s2+s14], $0x400, s15, s14, $0x38;
	[tilespmem:$0x15000] =	vst v63  }
0x1f0: {  	s1 =	simm.s32 $0x8000;
	s3 =	sadd.s32 $0x80, s2;
	s2 =	simm.s32 $0x800  }
.LBB2_10:
0x1f1: {  	[tilespmem:s5], [sflag:$0x1] =	stream.strided.gather [hbm4b:s3+s14], $0x400, s15, s14, $0x38;
	[tilespmem:$0x15000] =	vst v63  }
0x1f2: {  	s3 =	smov.u32 s1;
	p2 =	sne.s32 s1, $0x78000  }
.Ltmp6:
0x1f3: {  	s1 =	sadd.s32 $0x8000, s1;
	(pc) =	sbr.rel @p2 .LBB2_10-.Ltmp6, $4  }
0x1f4: {  	_ = 	snop  }
0x1f5: {  	s3 =	sadd.s32 s3, s0  }
0x1f6: {  	[tilespmem:s2], [sflag:$0x1] =	stream.strided.gather [hbm4b:s3+s14], $0x400, s15, s14, $0x38;
	[tilespmem:$0x15000] =	vst v63  }
0x1f7: {  	s5 =	sadd.s32 $0x400, s2;
	s3 =	sadd.s32 $0x80, s3;
	s2 =	sadd.s32 $0x800, s2  }
0x1f8: {  	[tilespmem:s5], [sflag:$0x1] =	stream.strided.gather [hbm4b:s3+s14], $0x400, s15, s14, $0x38;
	[tilespmem:$0x15000] =	vst v63  }
.LBB2_12:
0x1f9: {  	s0 =	simm.s32 $0x2  }
0x1fa: {  	_ =	swait.ge [sflag:s0], $0x8000  }
0x1fb: {  	[sflag:s0] =	ssyncset.done $0x0  }
0x1fc: {  	s1 =	sor.u32 $0x80, s7;
	[sflag:s0] =	ssyncadd.s32 $0xFFFF8000;
	s0 =	simm.s32 @!p0 $0x4  }
0x1fd: {  	s17 =	simm.s32 $0xFFFFFFFE;
	s19 =	simm.s32 $0x0;
	_ =	swait.ge @!p0 [sflag:s0], $0x1B00  }
0x1fe: {  	s20 =	simm.s32 $0x0;
	[sflag:s0] =	ssyncset.done @!p0 $0x0;
	s31 =	rddreg [dreg:$0xf]  }
0x1ff: {  	[dreg:$0x11] =	wrdreg s1;
	[sflag:s0] =	ssyncadd.s32 @!p0 $0xFFFFE500;
	s0 =	sadd.s32 s1, s31  }
0x200: {  	s21 =	simm.s32 $0x0;
	s22 =	simm.s32 $0x0;
	[dreg:$0x5] =	wrdreg s0  }
.LBB2_13:
0x201: {  	s0 =	rddreg [dreg:$0x5];
	s24 =	sand.u32 $0x400, s22  }
0x202: {  	s23 =	sand.u32 $0x60, s19;
	s30 =	sadd.s32 s24, s0  }
0x203: {  	s0 =	sadd.s32 s23, s30  }
0x204: {  	v4 =	vld [tilespmem:s0+$0x0];
	_ =	sdelay $0x4  }
0x205: {  	v0 =	vtrunc.f32 v4  }
0x206: {  	v1 =	vcvt.f32.s32 v0;
	_ =	sdelay $0x1  }
0x207: {  	v2 =	vmov s19;
	v0 =	vadd.s32 $0xFFFFFFFC, v1;
	v3 =	vadd.s32 $0xFFFFFFFD, v1  }
0x208: {  	v5 =	vor.u32 s19, v47;
	vm0 =	vgt.s32 v0, $0x0;
	vm15 =	vgt.s32 v3, $0x0  }
0x209: {  	v2 =	vshll.u32 v2, $0x3;
	v0 =	vnsel vm0, $0x0, v0;
	v3 =	vnsel vm15, $0x0, v3  }
0x20a: {  	v2 =	vand.u32 $0x400, v2;
	v0 =	vmin.u32 v0, $0x7F;
	v3 =	vmin.u32 v3, $0x7F  }
0x20b: {  	v6 =	vshll.u32 v0, $0x8;
	v0 =	vshll.u32 v0, $0x7;
	v7 =	vshll.u32 v3, $0x8  }
0x20c: {  	v3 =	vshll.u32 v3, $0x7;
	v6 =	vand.u32 $0x7800, v6;
	v0 =	vand.u32 $0x380, v0  }
0x20d: {  	v45 =	vand.u32 $0x7800, v7;
	v46 =	vand.u32 $0x380, v3;
	v0 =	vor.u32 v6, v0  }
0x20e: {  	v48 =	vand.u32 $0x6F, v5;
	v49 =	vor.u32 v45, v46;
	v0 =	vor.u32 v2, v0  }
0x20f: {  	v5 =	vor.u32 v2, v49;
	v0 =	vor.u32 v48, v0  }
0x210: {  	v5 =	vor.u32 v48, v5;
	_ =	sdelay $0x1  }
0x211: {  	v50 =	vadd.s32 $0xFFFFFFFE, v1  }
0x212: {  	vm4 =	vgt.s32 v50, $0x0  }
0x213: {  	v51 =	vcvt.s32.f32 v1;
	v6 =	vnsel vm4, $0x0, v50;
	v0 =	vld.idx.msk [tilespmem:v0+s15+$0x0], $0xffff  }
0x214: {  	v6 =	vmin.u32 v6, $0x7F;
	v8 =	vld.idx.msk [tilespmem:v5+s15+$0x0], $0xffff  }
0x215: {  	v52 =	vsub.f32 v4, v51;
	v53 =	vshll.u32 v6, $0x8;
	v6 =	vshll.u32 v6, $0x7  }
0x216: {  	v9 =	vand.u32 $0x7800, v53;
	v6 =	vand.u32 $0x380, v6  }
0x217: {  	v54 =	vsub.f32 $1.000000000e+00, v52;
	v6 =	vor.u32 v9, v6  }
0x218: {  	v6 =	vor.u32 v2, v6  }
0x219: {  	v6 =	vor.u32 v48, v6;
	v0 =	vmul.f32 v54, v0;
	v55 =	vmul.f32 v52, v8;
	_ =	sdelay $0x1  }
0x21a: {  	s29 =	sor.u32 $0x13000, s24;
	v56 =	vadd.s32 $0xFFFFFFFF, v1;
	v0 =	vadd.f32 v0, v55  }
0x21b: {  	s16 =	sor.u32 s23, s29;
	vm5 =	vgt.s32 v56, $0x0  }
0x21c: {  	v57 =	vnsel vm5, $0x0, v56;
	[tilespmem:s16+$0x0] =	vst v0  }
0x21d: {  	v0 =	vmin.u32 v57, $0x7F;
	v6 =	vld.idx.msk [tilespmem:v6+s15+$0x0], $0xffff  }
0x21e: {  	v58 =	vshll.u32 v0, $0x8;
	v0 =	vshll.u32 v0, $0x7  }
0x21f: {  	v9 =	vand.u32 $0x7800, v58;
	v0 =	vand.u32 $0x380, v0  }
0x220: {  	v0 =	vor.u32 v9, v0  }
0x221: {  	v0 =	vor.u32 v2, v0  }
0x222: {  	v8 =	vmul.f32 v54, v8;
	v0 =	vor.u32 v48, v0;
	v59 =	vmul.f32 v6, v52;
	_ =	sdelay $0x1  }
0x223: {  	v8 =	vadd.f32 v59, v8  }
0x224: {  	vm6 =	vgt.s32 v1, $0x0  }
0x225: {  	v60 =	vnsel vm6, $0x0, v1;
	[tilespmem:s16+$0x80] =	vst v8  }
0x226: {  	v8 =	vmin.u32 v60, $0x7F;
	v0 =	vld.idx.msk [tilespmem:v0+s15+$0x0], $0xffff  }
0x227: {  	v61 =	vshll.u32 v8, $0x8;
	v8 =	vshll.u32 v8, $0x7  }
0x228: {  	v9 =	vand.u32 $0x7800, v61;
	v8 =	vand.u32 $0x380, v8  }
0x229: {  	v8 =	vor.u32 v9, v8  }
0x22a: {  	v8 =	vor.u32 v2, v8  }
0x22b: {  	v6 =	vmul.f32 v6, v54;
	v8 =	vor.u32 v48, v8;
	v62 =	vmul.f32 v0, v52;
	_ =	sdelay $0x1  }
0x22c: {  	v63 =	vadd.s32 $0x1, v1;
	v6 =	vadd.f32 v62, v6  }
0x22d: {  	vm7 =	vgt.s32 v63, $0x0  }
0x22e: {  	v12 =	vnsel vm7, $0x0, v63;
	[tilespmem:s16+$0x100] =	vst v6  }
0x22f: {  	v6 =	vmin.u32 v12, $0x7F;
	v8 =	vld.idx.msk [tilespmem:v8+s15+$0x0], $0xffff  }
0x230: {  	v13 =	vshll.u32 v6, $0x8;
	v6 =	vshll.u32 v6, $0x7  }
0x231: {  	v9 =	vand.u32 $0x7800, v13;
	v6 =	vand.u32 $0x380, v6  }
0x232: {  	v6 =	vor.u32 v9, v6  }
0x233: {  	v6 =	vor.u32 v2, v6  }
0x234: {  	v0 =	vmul.f32 v0, v54;
	v6 =	vor.u32 v48, v6;
	v14 =	vmul.f32 v8, v52;
	_ =	sdelay $0x1  }
0x235: {  	v15 =	vadd.s32 $0x2, v1;
	v0 =	vadd.f32 v14, v0  }
0x236: {  	vm8 =	vgt.s32 v15, $0x0  }
0x237: {  	v16 =	vnsel vm8, $0x0, v15;
	[tilespmem:s16+$0x180] =	vst v0  }
0x238: {  	v0 =	vmin.u32 v16, $0x7F;
	v6 =	vld.idx.msk [tilespmem:v6+s15+$0x0], $0xffff  }
0x239: {  	v17 =	vshll.u32 v0, $0x8;
	v0 =	vshll.u32 v0, $0x7  }
0x23a: {  	v9 =	vand.u32 $0x7800, v17;
	v0 =	vand.u32 $0x380, v0  }
0x23b: {  	v0 =	vor.u32 v9, v0  }
0x23c: {  	v0 =	vor.u32 v2, v0  }
0x23d: {  	v8 =	vmul.f32 v8, v54;
	v0 =	vor.u32 v48, v0;
	v18 =	vmul.f32 v6, v52;
	_ =	sdelay $0x1  }
0x23e: {  	v19 =	vadd.s32 $0x3, v1;
	v8 =	vadd.f32 v18, v8  }
0x23f: {  	vm9 =	vgt.s32 v19, $0x0  }
0x240: {  	v20 =	vnsel vm9, $0x0, v19;
	[tilespmem:s16+$0x200] =	vst v8  }
0x241: {  	v8 =	vmin.u32 v20, $0x7F;
	v0 =	vld.idx.msk [tilespmem:v0+s15+$0x0], $0xffff  }
0x242: {  	v21 =	vshll.u32 v8, $0x8;
	v8 =	vshll.u32 v8, $0x7  }
0x243: {  	v9 =	vand.u32 $0x7800, v21;
	v8 =	vand.u32 $0x380, v8  }
0x244: {  	v8 =	vor.u32 v9, v8  }
0x245: {  	v8 =	vor.u32 v2, v8  }
0x246: {  	v6 =	vmul.f32 v6, v54;
	v8 =	vor.u32 v48, v8;
	v22 =	vmul.f32 v0, v52;
	_ =	sdelay $0x1  }
0x247: {  	v23 =	vadd.s32 $0x4, v1;
	v6 =	vadd.f32 v22, v6  }
0x248: {  	vm10 =	vgt.s32 v23, $0x0  }
0x249: {  	v24 =	vnsel vm10, $0x0, v23;
	[tilespmem:s16+$0x280] =	vst v6  }
0x24a: {  	v6 =	vmin.u32 v24, $0x7F;
	v8 =	vld.idx.msk [tilespmem:v8+s15+$0x0], $0xffff  }
0x24b: {  	v25 =	vshll.u32 v6, $0x8;
	v6 =	vshll.u32 v6, $0x7  }
0x24c: {  	v9 =	vand.u32 $0x7800, v25;
	v6 =	vand.u32 $0x380, v6  }
0x24d: {  	v6 =	vor.u32 v9, v6  }
0x24e: {  	v6 =	vor.u32 v2, v6  }
0x24f: {  	s18 =	sand.u32 $0x3, s20;
	v0 =	vmul.f32 v0, v54;
	v6 =	vor.u32 v48, v6;
	v26 =	vmul.f32 v8, v52  }
0x250: {  	s0 =	sshll.u32 s18, $0x5  }
0x251: {  	s0 =	sadd.s32 s0, s22;
	v0 =	vadd.f32 v26, v0  }
0x252: {  	s0 =	sor.u32 $0x300, s0;
	v1 =	vadd.s32 $0x5, v1  }
0x253: {  	v31 =	vmul.f32 $2.500000000e-01, v4;
	vm11 =	vgt.s32 v1, $0x0;
	[tilespmem:s0+$0x13000] =	vst v0  }
0x254: {  	v27 =	vnsel vm11, $0x0, v1;
	v28 =	vld.idx.msk [tilespmem:v6+s15+$0x0], $0xffff  }
0x255: {  	v32 =	vtrunc.f32 v31;
	v0 =	vmin.u32 v27, $0x7F  }
0x256: {  	v4 =	vmul.f32 $5.000000000e-01, v4;
	v29 =	vshll.u32 v0, $0x8;
	v0 =	vshll.u32 v0, $0x7  }
0x257: {  	v10 =	vcvt.f32.s32 v32;
	v1 =	vand.u32 $0x7800, v29;
	v0 =	vand.u32 $0x380, v0  }
0x258: {  	v46 =	vtrunc.f32 v4;
	v30 =	vmul.f32 v8, v54;
	v0 =	vor.u32 v1, v0  }
0x259: {  	v0 =	vor.u32 v2, v0;
	v2 =	vor.u32 v2, v48;
	v6 =	vmul.f32 v28, v52  }
0x25a: {  	v0 =	vor.u32 v48, v0;
	v3 =	vor.u32 $0x80, v2;
	v48 =	vcvt.f32.s32 v46  }
0x25b: {  	v7 =	vmul.f32 v28, v54;
	v1 =	vadd.f32 v6, v30;
	v6 =	vshll.u32 v10, $0x1  }
0x25c: {  	v49 =	vcvt.s32.f32 v48;
	v10 =	vcvt.s32.f32 v10;
	v35 =	vadd.s32 $0xFFFFFFF9, v6  }
0x25d: {  	s25 =	sor.u32 s19, s22;
	v12 =	vadd.s32 $0xFFFFFFFA, v6;
	v14 =	vadd.s32 $0xFFFFFFFB, v6;
	v19 =	vadd.s32 $0xFFFFFFFC, v6  }
0x25e: {  	s0 =	sor.u32 $0x380, s25;
	v57 =	vadd.s32 $0xFFFFFFFE, v6;
	v60 =	vadd.s32 $0xFFFFFFFF, v6;
	vm6 =	vgt.s32 v6, $0x0  }
0x25f: {  	v29 =	vadd.s32 $0x5, v6;
	[tilespmem:s0+$0x13000] =	vst v1;
	v1 =	vadd.s32 $0xFFFFFFF8, v6;
	vm1 =	vgt.s32 v35, $0x0  }
0x260: {  	vm12 =	vgt.s32 v12, $0x0;
	vm13 =	vgt.s32 v14, $0x0;
	vm14 =	vgt.s32 v19, $0x0  }
0x261: {  	vm4 =	vgt.s32 v57, $0x0;
	vm5 =	vgt.s32 v60, $0x0;
	vm11 =	vgt.s32 v29, $0x0  }
0x262: {  	vm0 =	vlt.s32 v1, $0x0;
	v9 =	vnsel vm1, $0x0, v35;
	v12 =	vnsel vm12, $0x0, v12  }
0x263: {  	v14 =	vnsel vm13, $0x0, v14;
	v50 =	vnsel vm14, $0x0, v19;
	v20 =	vnsel vm5, $0x0, v60  }
0x264: {  	v29 =	vnsel vm11, $0x0, v29;
	v33 =	vsel vm0, $0x0, v1;
	v9 =	vmin.u32 v9, $0x3F  }
0x265: {  	v12 =	vmin.u32 v12, $0x3F;
	v14 =	vmin.u32 v14, $0x3F;
	v51 =	vmin.u32 v50, $0x3F  }
0x266: {  	v50 =	vadd.s32 $0x3, v6;
	v5 =	vmin.u32 v33, $0x3F;
	v36 =	vshll.u32 v9, $0x8  }
0x267: {  	v9 =	vshll.u32 v9, $0x9;
	v15 =	vshll.u32 v12, $0x8;
	v12 =	vshll.u32 v12, $0x9  }
0x268: {  	v0 =	vld.idx.msk [tilespmem:v0+s15+$0x0], $0xffff;
	v38 =	vshll.u32 v14, $0x8;
	v14 =	vshll.u32 v14, $0x9;
	vm9 =	vgt.s32 v50, $0x0  }
0x269: {  	v33 =	vadd.s32 $0x7, v6;
	v34 =	vshll.u32 v5, $0x9;
	v5 =	vshll.u32 v5, $0x8  }
0x26a: {  	v9 =	vand.u32 $0x7800, v9;
	v15 =	vand.u32 $0x300, v15;
	v12 =	vand.u32 $0x7800, v12  }
0x26b: {  	v40 =	vand.u32 $0x300, v38;
	v41 =	vand.u32 $0x7800, v14;
	v14 =	vsub.f32 v31, v10  }
0x26c: {  	vm13 =	vgt.s32 v33, $0x0;
	v38 =	vadd.s32 $0x9, v6;
	v5 =	vand.u32 $0x300, v5  }
0x26d: {  	v16 =	vor.u32 v15, v2;
	v39 =	vor.u32 v15, v3;
	v0 =	vmul.f32 v0, v52  }
0x26e: {  	v42 =	vor.u32 v40, v2;
	v11 =	vor.u32 v5, v2;
	v37 =	vor.u32 v12, v16  }
0x26f: {  	v44 =	vor.u32 v41, v42;
	v0 =	vadd.f32 v0, v7;
	v7 =	vand.u32 $0x7800, v34  }
0x270: {  	s28 =	sor.u32 $0x13800, s24;
	v45 =	vor.u32 v40, v3;
	v5 =	vor.u32 v5, v3;
	v11 =	vor.u32 v7, v11  }
0x271: {  	s26 =	sor.u32 s23, s28;
	v15 =	vnsel vm4, $0x0, v57;
	v5 =	vor.u32 v7, v5;
	v7 =	vand.u32 $0x300, v36  }
0x272: {  	v13 =	vor.u32 v7, v2;
	v7 =	vor.u32 v7, v3;
	[tilespmem:s26+$0x0] =	vst v0;
	v0 =	vor.u32 v12, v39  }
0x273: {  	v52 =	vadd.s32 $0xFFFFFFFD, v6;
	v13 =	vor.u32 v9, v13;
	v7 =	vor.u32 v9, v7;
	v9 =	vld.idx.msk [tilespmem:v37+s15+$0x0], $0xffff  }
0x274: {  	v33 =	vnsel vm13, $0x0, v33;
	v59 =	vmin.u32 v15, $0x3F;
	vm15 =	vgt.s32 v52, $0x0;
	v17 =	vld.idx.msk [tilespmem:v44+s15+$0x0], $0xffff  }
0x275: {  	v15 =	vshll.u32 v59, $0x8;
	v54 =	vnsel vm15, $0x0, v52;
	v12 =	vor.u32 v41, v45;
	v11 =	vld.idx.msk [tilespmem:v11+s15+$0x0], $0xffff  }
0x276: {  	v15 =	vand.u32 $0x300, v15;
	v52 =	vadd.s32 $0x4, v6;
	vm15 =	vgt.s32 v38, $0x0;
	v43 =	vld.idx.msk [tilespmem:v5+s15+$0x0], $0xffff  }
0x277: {  	v55 =	vmin.u32 v54, $0x3F;
	v61 =	vor.u32 v15, v2;
	v15 =	vor.u32 v15, v3;
	v0 =	vld.idx.msk [tilespmem:v0+s15+$0x0], $0xffff  }
0x278: {  	vm10 =	vgt.s32 v52, $0x0;
	v38 =	vnsel vm15, $0x0, v38;
	vm15 =	vlt.s32 v1, $0xFFFFFFFC;
	v13 =	vld.idx.msk [tilespmem:v13+s15+$0x0], $0xffff  }
0x279: {  	v56 =	vshll.u32 v55, $0x8;
	v39 =	vmin.u32 v20, $0x3F;
	v41 =	vnsel vm6, $0x0, v6;
	v7 =	vld.idx.msk [tilespmem:v7+s15+$0x0], $0xffff  }
0x27a: {  	v45 =	vor.u32 $0x1, v6;
	v38 =	vmin.u32 v38, $0x3F;
	v40 =	vshll.u32 v39, $0x8;
	v18 =	vld.idx.msk [tilespmem:v12+s15+$0x0], $0xffff  }
0x27b: {  	v5 =	vsub.f32 v4, v49;
	v4 =	vsub.s32 v48, v6;
	v48 =	vadd.s32 $0x2, v6  }
0x27c: {  	vm7 =	vgt.s32 v45, $0x0;
	vm8 =	vgt.s32 v48, $0x0;
	vm11 =	veq.s32 v4, $0x1  }
0x27d: {  	v10 =	vadd.f32 v43, v11;
	v11 =	vadd.f32 v0, v9;
	v0 =	vshll.u32 v51, $0x9  }
0x27e: {  	v9 =	vand.u32 $0x300, v56;
	v56 =	vadd.s32 $0x6, v6;
	v12 =	vadd.f32 v7, v13  }
0x27f: {  	v13 =	vadd.f32 v18, v17;
	v7 =	vshll.u32 v51, $0x8;
	v0 =	vand.u32 $0x7800, v0  }
0x280: {  	v58 =	vor.u32 v9, v2;
	v9 =	vor.u32 v9, v3;
	v18 =	vmin.u32 v41, $0x3F  }
0x281: {  	vm12 =	vgt.s32 v56, $0x0;
	v7 =	vand.u32 $0x300, v7;
	v43 =	vshll.u32 v18, $0x8  }
0x282: {  	v44 =	vshll.u32 v18, $0x9;
	v18 =	vnsel vm7, $0x0, v45;
	v53 =	vor.u32 v7, v2  }
0x283: {  	v7 =	vor.u32 v7, v3;
	v46 =	vmin.u32 v18, $0x3F;
	v8 =	vor.u32 v0, v53  }
0x284: {  	v7 =	vor.u32 v0, v7;
	v0 =	vshll.u32 v55, $0x9;
	v18 =	vshll.u32 v46, $0x8  }
0x285: {  	v55 =	vmin.u32 v29, $0x3F;
	v0 =	vand.u32 $0x7800, v0;
	v18 =	vand.u32 $0x300, v18  }
0x286: {  	v29 =	vshll.u32 v55, $0x8;
	v16 =	vor.u32 v0, v58;
	v9 =	vor.u32 v0, v9  }
0x287: {  	v0 =	vshll.u32 v59, $0x9;
	v24 =	vor.u32 v18, v2;
	v18 =	vor.u32 v18, v3  }
0x288: {  	v29 =	vand.u32 $0x300, v29;
	v58 =	vmin.u32 v33, $0x3F;
	v59 =	vadd.s32 $0x8, v6  }
0x289: {  	v0 =	vand.u32 $0x7800, v0;
	v32 =	vor.u32 v29, v2;
	v29 =	vor.u32 v29, v3  }
0x28a: {  	v36 =	vshll.u32 v58, $0x8;
	vm14 =	vgt.s32 v59, $0x0;
	v62 =	vor.u32 v0, v61  }
0x28b: {  	v63 =	vor.u32 v0, v15;
	v0 =	vshll.u32 v39, $0x9;
	v15 =	vand.u32 $0x300, v40  }
0x28c: {  	v36 =	vand.u32 $0x300, v36;
	v33 =	vnsel vm14, $0x0, v59;
	vm14 =	vlt.s32 v1, $0xFFFFFFFE  }
0x28d: {  	v0 =	vand.u32 $0x7800, v0;
	v42 =	vor.u32 v15, v2;
	v15 =	vor.u32 v15, v3  }
0x28e: {  	v37 =	vor.u32 v36, v2;
	v36 =	vor.u32 v36, v3;
	v33 =	vmin.u32 v33, $0x3F  }
0x28f: {  	v20 =	vor.u32 v0, v42;
	v21 =	vor.u32 v0, v15;
	v0 =	vand.u32 $0x300, v43  }
0x290: {  	s31 =	sadd.s32 $0x10, s19;
	v15 =	vand.u32 $0x7800, v44;
	v60 =	vshll.u32 v33, $0x8;
	v33 =	vshll.u32 v33, $0x9  }
0x291: {  	v42 =	vshll.u32 v38, $0x9;
	v38 =	vshll.u32 v38, $0x8;
	v43 =	vmov s31  }
0x292: {  	v22 =	vor.u32 v0, v2;
	v0 =	vor.u32 v0, v3;
	v40 =	vand.u32 $0x300, v60  }
0x293: {  	v33 =	vand.u32 $0x7800, v33;
	v42 =	vand.u32 $0x7800, v42;
	v43 =	vshll.u32 v43, $0x3  }
0x294: {  	v23 =	vor.u32 v15, v22;
	v22 =	vor.u32 v15, v0;
	v0 =	vshll.u32 v46, $0x9  }
0x295: {  	v38 =	vand.u32 $0x300, v38;
	v15 =	vnsel vm8, $0x0, v48;
	v0 =	vand.u32 $0x7800, v0  }
0x296: {  	v61 =	vor.u32 v40, v2;
	v15 =	vmin.u32 v15, $0x3F;
	v26 =	vor.u32 v0, v24  }
0x297: {  	v24 =	vor.u32 v0, v18;
	v49 =	vshll.u32 v15, $0x8;
	v15 =	vshll.u32 v15, $0x9  }
0x298: {  	v18 =	vnsel vm9, $0x0, v50;
	v0 =	vand.u32 $0x300, v49;
	v15 =	vand.u32 $0x7800, v15  }
0x299: {  	v51 =	vmin.u32 v18, $0x3F;
	v18 =	vnsel vm10, $0x0, v52;
	v25 =	vor.u32 v0, v2  }
0x29a: {  	v0 =	vor.u32 v0, v3;
	v53 =	vshll.u32 v51, $0x8;
	v18 =	vmin.u32 v18, $0x3F  }
0x29b: {  	v27 =	vor.u32 v15, v25;
	v0 =	vor.u32 v15, v0;
	v15 =	vshll.u32 v51, $0x9  }
0x29c: {  	v25 =	vand.u32 $0x300, v53;
	v54 =	vshll.u32 v18, $0x8;
	v18 =	vshll.u32 v18, $0x9  }
0x29d: {  	v15 =	vand.u32 $0x7800, v15;
	v28 =	vor.u32 v25, v2;
	v25 =	vor.u32 v25, v3  }
0x29e: {  	v28 =	vor.u32 v15, v28;
	v25 =	vor.u32 v15, v25;
	v15 =	vand.u32 $0x300, v54  }
0x29f: {  	v40 =	vor.u32 v40, v3;
	v18 =	vand.u32 $0x7800, v18;
	v30 =	vor.u32 v15, v2  }
0x2a0: {  	v45 =	vld.idx.msk [tilespmem:v62+s15+$0x0], $0xffff;
	v62 =	vor.u32 s31, v47;
	v15 =	vor.u32 v15, v3;
	v30 =	vor.u32 v18, v30  }
0x2a1: {  	v31 =	vor.u32 v18, v15;
	v15 =	vshll.u32 v55, $0x9;
	v18 =	vnsel vm12, $0x0, v56  }
0x2a2: {  	v47 =	vld.idx.msk [tilespmem:v20+s15+$0x0], $0xffff;
	v20 =	vand.u32 $0x400, v43;
	v15 =	vand.u32 $0x7800, v15;
	v18 =	vmin.u32 v18, $0x3F  }
0x2a3: {  	v52 =	vadd.s32 $0xA, v6;
	v32 =	vor.u32 v15, v32;
	v57 =	vshll.u32 v18, $0x8  }
0x2a4: {  	s26 =	sand.u32 $0x70, s31;
	v29 =	vor.u32 v15, v29;
	v18 =	vshll.u32 v18, $0x9;
	v15 =	vand.u32 $0x300, v57  }
0x2a5: {  	s1 =	sadd.s32 s26, s30;
	v18 =	vand.u32 $0x7800, v18;
	v34 =	vor.u32 v15, v2;
	v15 =	vor.u32 v15, v3  }
0x2a6: {  	v6 =	vadd.s32 $0xB, v6;
	v34 =	vor.u32 v18, v34;
	v35 =	vor.u32 v18, v15;
	v18 =	vld [tilespmem:s1+$0x0]  }
0x2a7: {  	v8 =	vld.idx.msk [tilespmem:v8+s15+$0x0], $0xffff;
	vm6 =	vgt.s32 v52, $0x0;
	vm8 =	vgt.s32 v6, $0x0;
	v51 =	vor.u32 v38, v2  }
0x2a8: {  	v7 =	vld.idx.msk [tilespmem:v7+s15+$0x0], $0xffff;
	v53 =	vor.u32 v38, v3;
	v6 =	vnsel vm8, $0x0, v6;
	v54 =	vnsel vm6, $0x0, v52  }
0x2a9: {  	vm8 =	vgt.s32 v1, $0x32;
	v6 =	vmin.u32 v6, $0x3F;
	v56 =	vmin.u32 v54, $0x3F  }
0x2aa: {  	vm6 =	vgt.s32 v1, $0x34;
	v38 =	vshll.u32 v56, $0x9;
	v15 =	vshll.u32 v58, $0x9  }
0x2ab: {  	v38 =	vand.u32 $0x7800, v38;
	v15 =	vand.u32 $0x7800, v15;
	v39 =	vtrunc.f32 v18  }
0x2ac: {  	v16 =	vld.idx.msk [tilespmem:v16+s15+$0x0], $0xffff;
	v37 =	vor.u32 v15, v37;
	v36 =	vor.u32 v15, v36;
	v15 =	vcvt.f32.s32 v39  }
0x2ad: {  	v52 =	vld.idx.msk [tilespmem:v34+s15+$0x0], $0xffff;
	v34 =	vadd.f32 v7, v8;
	v39 =	vor.u32 v33, v61;
	v33 =	vor.u32 v33, v40  }
0x2ae: {  	v9 =	vld.idx.msk [tilespmem:v9+s15+$0x0], $0xffff;
	v40 =	vor.u32 v42, v51;
	v42 =	vor.u32 v42, v53;
	v41 =	vadd.s32 $0xFFFFFFFC, v15  }
0x2af: {  	v17 =	vld.idx.msk [tilespmem:v63+s15+$0x0], $0xffff;
	v44 =	vadd.s32 $0xFFFFFFFD, v15;
	v55 =	vadd.s32 $0xFFFFFFFE, v15;
	vm10 =	vgt.s32 v15, $0x0  }
0x2b0: {  	v23 =	vld.idx.msk [tilespmem:v23+s15+$0x0], $0xffff;
	vm4 =	vgt.s32 v41, $0x0;
	vm5 =	vgt.s32 v44, $0x0;
	vm7 =	vgt.s32 v55, $0x0  }
0x2b1: {  	v22 =	vld.idx.msk [tilespmem:v22+s15+$0x0], $0xffff;
	v41 =	vnsel vm4, $0x0, v41;
	v44 =	vnsel vm5, $0x0, v44;
	v57 =	vnsel vm7, $0x0, v55  }
0x2b2: {  	v26 =	vld.idx.msk [tilespmem:v26+s15+$0x0], $0xffff;
	v55 =	vadd.s32 $0xFFFFFFFF, v15;
	v41 =	vmin.u32 v41, $0x7F;
	v63 =	vmin.u32 v44, $0x7F  }
0x2b3: {  	v27 =	vld.idx.msk [tilespmem:v27+s15+$0x0], $0xffff;
	v46 =	vshll.u32 v41, $0x8;
	v41 =	vshll.u32 v41, $0x7;
	v49 =	vshll.u32 v63, $0x8  }
0x2b4: {  	v0 =	vld.idx.msk [tilespmem:v0+s15+$0x0], $0xffff;
	v43 =	vshll.u32 v63, $0x7;
	v46 =	vand.u32 $0x7800, v46;
	v48 =	vand.u32 $0x380, v41  }
0x2b5: {  	v51 =	vld.idx.msk [tilespmem:v31+s15+$0x0], $0xffff;
	v41 =	vand.u32 $0x7800, v49;
	v43 =	vand.u32 $0x380, v43;
	v46 =	vor.u32 v46, v48  }
0x2b6: {  	v44 =	vld.idx.msk [tilespmem:v21+s15+$0x0], $0xffff;
	v21 =	vand.u32 $0x7F, v62;
	v41 =	vor.u32 v41, v43;
	v50 =	vor.u32 v20, v46  }
0x2b7: {  	v53 =	vld.idx.msk [tilespmem:v35+s15+$0x0], $0xffff;
	vm4 =	vlt.s32 v1, $0xFFFFFFFA;
	v41 =	vor.u32 v20, v41;
	v19 =	vor.u32 v21, v50  }
0x2b8: {  	vm9 =	vgt.s32 v55, $0x0;
	v39 =	vld.idx.msk [tilespmem:v39+s15+$0x0], $0xffff;
	v48 =	vcvt.s32.f32 v15;
	v41 =	vor.u32 v21, v41  }
0x2b9: {  	v43 =	vld.idx.msk [tilespmem:v24+s15+$0x0], $0xffff;
	v24 =	vshll.u32 v56, $0x8;
	v56 =	vshll.u32 v6, $0x8;
	v6 =	vshll.u32 v6, $0x9  }
0x2ba: {  	v46 =	vmin.u32 v57, $0x7F;
	v59 =	vand.u32 $0x300, v24;
	v57 =	vnsel vm9, $0x0, v55;
	v55 =	vld.idx.msk [tilespmem:v33+s15+$0x0], $0xffff  }
0x2bb: {  	v35 =	vand.u32 $0x300, v56;
	v6 =	vand.u32 $0x7800, v6;
	v33 =	vadd.f32 v0, v27;
	v50 =	vld.idx.msk [tilespmem:v30+s15+$0x0], $0xffff  }
0x2bc: {  	v58 =	vshll.u32 v46, $0x8;
	v46 =	vshll.u32 v46, $0x7;
	v61 =	vor.u32 v59, v2;
	v49 =	vld.idx.msk [tilespmem:v19+s15+$0x0], $0xffff  }
0x2bd: {  	v46 =	vand.u32 $0x380, v46;
	v41 =	vld.idx.msk [tilespmem:v41+s15+$0x0], $0xffff;
	v19 =	vsub.f32 v18, v48;
	v48 =	vand.u32 $0x7800, v58  }
0x2be: {  	v30 =	vor.u32 v59, v3;
	v60 =	vor.u32 v48, v46;
	v46 =	vld.idx.msk [tilespmem:v32+s15+$0x0], $0xffff;
	v32 =	vor.u32 v38, v61  }
0x2bf: {  	v7 =	vld.idx.msk [tilespmem:v40+s15+$0x0], $0xffff;
	vm9 =	vgt.s32 v1, $0x30;
	v3 =	vor.u32 v35, v3;
	v30 =	vor.u32 v38, v30  }
0x2c0: {  	v8 =	vld.idx.msk [tilespmem:v42+s15+$0x0], $0xffff;
	v3 =	vor.u32 v6, v3;
	v24 =	vsub.f32 $1.000000000e+00, v19;
	v31 =	vor.u32 v20, v60  }
0x2c1: {  	v58 =	vor.u32 v35, v2;
	v35 =	vadd.f32 v17, v45;
	v48 =	vld.idx.msk [tilespmem:v29+s15+$0x0], $0xffff;
	v31 =	vor.u32 v21, v31  }
0x2c2: {  	v62 =	vmul.f32 v24, v49;
	v63 =	vmul.f32 v19, v41;
	v49 =	vld.idx.msk [tilespmem:v37+s15+$0x0], $0xffff;
	v37 =	vadd.f32 v44, v47  }
0x2c3: {  	v40 =	vld.idx.msk [tilespmem:v32+s15+$0x0], $0xffff;
	v32 =	vadd.f32 v43, v26;
	v26 =	vadd.f32 v55, v39;
	v39 =	vmul.f32 $5.000000000e-01, v5  }
0x2c4: {  	v38 =	vld.idx.msk [tilespmem:v36+s15+$0x0], $0xffff;
	v36 =	vadd.f32 v9, v16;
	v29 =	vadd.f32 v62, v63;
	v62 =	vor.u32 $0x7A00, v2  }
0x2c5: {  	s29 =	sor.u32 s26, s29;
	v63 =	vmul.f32 v24, v41;
	v55 =	vsel vm11, v37, v35;
	v0 =	vsub.f32 $5.000000000e-01, v39  }
0x2c6: {  	[tilespmem:s29+$0x0] =	vst v29;
	v29 =	vmin.u32 v57, $0x7F;
	v57 =	vld.idx.msk [tilespmem:v30+s15+$0x0], $0xffff;
	v30 =	vadd.f32 v22, v23;
	v23 =	vadd.f32 v8, v7  }
0x2c7: {  	v54 =	vld.idx.msk [tilespmem:v31+s15+$0x0], $0xffff;
	v31 =	vor.u32 v6, v58;
	v59 =	vshll.u32 v29, $0x8;
	v29 =	vshll.u32 v29, $0x7  }
0x2c8: {  	v58 =	vor.u32 $0x7A80, v2;
	v60 =	vand.u32 $0x7800, v59;
	v29 =	vand.u32 $0x380, v29  }
0x2c9: {  	v28 =	vld.idx.msk [tilespmem:v28+s15+$0x0], $0xffff;
	v17 =	vadd.f32 v38, v49;
	v8 =	vmul.f32 v55, v0;
	v61 =	vor.u32 v60, v29  }
0x2ca: {  	v25 =	vld.idx.msk [tilespmem:v25+s15+$0x0], $0xffff;
	v60 =	vor.u32 $0x100, v2;
	v2 =	vor.u32 $0x180, v2;
	v29 =	vadd.f32 v51, v50  }
0x2cb: {  	v50 =	vadd.s32 $0x1, v15;
	v51 =	vsel vm11, v36, v34;
	v6 =	vor.u32 v20, v61  }
0x2cc: {  	v61 =	vld.idx.msk [tilespmem:v62+s15+$0x0], $0xffff;
	v62 =	vnsel vm10, $0x0, v15;
	vm2 =	vgt.s32 v50, $0x0;
	vm10 =	vgt.s32 v1, $0x2E  }
0x2cd: {  	v6 =	vor.u32 v21, v6;
	v22 =	vadd.f32 v57, v40;
	v57 =	vmul.f32 v55, v39  }
0x2ce: {  	v9 =	vmin.u32 v62, $0x7F;
	v40 =	vmul.f32 $5.000000000e-01, v18;
	v56 =	vmul.f32 v54, v19  }
0x2cf: {  	v59 =	vld.idx.msk [tilespmem:v31+s15+$0x0], $0xffff;
	v31 =	vadd.f32 v25, v28;
	v27 =	vshll.u32 v9, $0x8;
	v9 =	vshll.u32 v9, $0x7  }
0x2d0: {  	v3 =	vld.idx.msk [tilespmem:v3+s15+$0x0], $0xffff;
	v25 =	vadd.f32 v48, v46;
	v44 =	vand.u32 $0x7800, v27;
	v9 =	vand.u32 $0x380, v9  }
0x2d1: {  	v47 =	vmul.f32 v54, v24;
	v16 =	vadd.f32 v56, v63;
	v63 =	vld.idx.msk [tilespmem:v58+s15+$0x0], $0xffff;
	v45 =	vor.u32 v44, v9  }
0x2d2: {  	v43 =	vld.idx.msk [tilespmem:v60+s15+$0x0], $0xffff;
	v58 =	vsel vm11, v30, v37;
	v60 =	vsel vm11, v32, v30;
	v30 =	vadd.f32 v32, v30  }
0x2d3: {  	v2 =	vld.idx.msk [tilespmem:v2+s15+$0x0], $0xffff;
	v46 =	vor.u32 v20, v45;
	v45 =	vtrunc.f32 v40;
	[tilespmem:s29+$0x80] =	vst v16;
	v16 =	vadd.f32 v53, v52  }
0x2d4: {  	v5 =	vor.u32 v21, v46;
	v52 =	vsel vm11, v35, v36;
	v53 =	vnsel vm2, $0x0, v50  }
0x2d5: {  	v46 =	vsel vm11, v25, v29;
	v27 =	vadd.f32 v3, v59;
	v54 =	vmul.f32 v52, v39  }
0x2d6: {  	v3 =	vmin.u32 v53, $0x7F;
	v7 =	vmul.f32 v52, v0;
	v59 =	vmul.f32 v58, v39  }
0x2d7: {  	v6 =	vld.idx.msk [tilespmem:v6+s15+$0x0], $0xffff;
	v53 =	vsel vm11, v33, v32;
	v56 =	vshll.u32 v3, $0x8;
	v3 =	vshll.u32 v3, $0x7  }
0x2d8: {  	v28 =	vadd.f32 v63, v61;
	v38 =	vadd.f32 v2, v43;
	v2 =	vmul.f32 v51, v0  }
0x2d9: {  	v9 =	vand.u32 $0x7800, v56;
	v3 =	vand.u32 $0x380, v3;
	v51 =	vadd.s32 $0x2, v15  }
0x2da: {  	v52 =	vadd.f32 v59, v8;
	v56 =	vmul.f32 v53, v39;
	v3 =	vor.u32 v9, v3  }
0x2db: {  	v8 =	vmul.f32 v53, v0;
	vm12 =	vgt.s32 v51, $0x0;
	v3 =	vor.u32 v20, v3  }
0x2dc: {  	[tilespmem:$0x1FF90] =	vst v52;
	v55 =	vnsel vm12, $0x0, v51;
	v52 =	vmul.f32 v46, v39;
	v48 =	vmul.f32 v6, v19  }
0x2dd: {  	v12 =	vsel vm0, v38, v12;
	v13 =	vsel vm14, v38, v13;
	v36 =	vsel vm15, v38, v36  }
0x2de: {  	v26 =	vsel vm10, v28, v26;
	v61 =	vmul.f32 v6, v24;
	v49 =	vadd.f32 v48, v47  }
0x2df: {  	v63 =	vor.u32 v21, v3;
	v6 =	vadd.f32 v54, v2;
	v10 =	vadd.f32 v12, v10  }
0x2e0: {  	v11 =	vadd.f32 v13, v11;
	v34 =	vadd.f32 v36, v34;
	v3 =	vsel vm4, v38, v37;
	[tilespmem:s29+$0x100] =	vst v49  }
0x2e1: {  	v54 =	vmul.f32 v60, v0;
	v23 =	vadd.f32 v26, v23;
	v35 =	vadd.f32 v3, v35;
	v5 =	vld.idx.msk [tilespmem:v5+s15+$0x0], $0xffff  }
0x2e2: {  	v47 =	vmul.f32 v58, v0;
	v48 =	vmul.f32 v60, v39;
	v60 =	vsel vm11, v29, v31  }
0x2e3: {  	v9 =	vadd.f32 v56, v54;
	v54 =	vadd.s32 $0x3, v15;
	v56 =	vsel vm11, v16, v25  }
0x2e4: {  	v29 =	vsel vm8, v28, v29;
	v16 =	vsel vm9, v28, v16;
	v51 =	vmul.f32 v60, v0  }
0x2e5: {  	vm13 =	vgt.s32 v54, $0x0;
	v25 =	vadd.f32 v29, v25;
	v49 =	vadd.f32 v57, v7  }
0x2e6: {  	v2 =	vadd.f32 v48, v47;
	v57 =	vsel vm11, v31, v33;
	v62 =	vmul.f32 v5, v19  }
0x2e7: {  	v7 =	vmin.u32 v55, $0x7F;
	v33 =	vsel vm6, v28, v33;
	vm11 =	vgt.s32 v1, $0x2C  }
0x2e8: {  	v58 =	vshll.u32 v7, $0x8;
	v7 =	vshll.u32 v7, $0x7;
	v50 =	vadd.f32 v62, v61  }
0x2e9: {  	v59 =	vmul.f32 v57, v39;
	v41 =	vmul.f32 v57, v0;
	v55 =	vadd.f32 v52, v51  }
0x2ea: {  	v57 =	vnsel vm13, $0x0, v54;
	v0 =	vmul.f32 v46, v0;
	v31 =	vadd.f32 v33, v31;
	[tilespmem:s29+$0x180] =	vst v50  }
0x2eb: {  	v1 =	vsel vm11, v28, v22;
	v43 =	vand.u32 $0x7800, v58;
	v7 =	vand.u32 $0x380, v7;
	v42 =	vld.idx.msk [tilespmem:v63+s15+$0x0], $0xffff  }
0x2ec: {  	[tilespmem:$0x1FFA0] =	vst v2;
	v2 =	vadd.s32 $0x4, v15;
	v27 =	vadd.f32 v1, v27;
	v7 =	vor.u32 v43, v7  }
0x2ed: {  	v8 =	vadd.f32 v59, v8;
	v7 =	vor.u32 v20, v7;
	v61 =	vmul.f32 v60, v39  }
0x2ee: {  	vm5 =	vgt.s32 v2, $0x0;
	v5 =	vmul.f32 v5, v24;
	v63 =	vor.u32 v21, v7  }
0x2ef: {  	v7 =	vadd.f32 v61, v41;
	v41 =	vmul.f32 $2.500000000e-01, v14;
	v14 =	vmin.u32 v57, $0x7F  }
0x2f0: {  	v39 =	vmul.f32 v56, v39;
	v59 =	vshll.u32 v14, $0x8;
	v62 =	vmul.f32 v42, v19  }
0x2f1: {  	v14 =	vshll.u32 v14, $0x7;
	v43 =	vsub.f32 $2.500000000e-01, v41;
	v44 =	vand.u32 $0x7800, v59  }
0x2f2: {  	v50 =	vmul.f32 v35, v41;
	v57 =	vmul.f32 v30, v41;
	v53 =	vadd.f32 v62, v5  }
0x2f3: {  	v14 =	vand.u32 $0x380, v14;
	v59 =	vmul.f32 v31, v41;
	v27 =	vmul.f32 v27, v41  }
0x2f4: {  	v14 =	vor.u32 v44, v14;
	v44 =	vmul.f32 v23, v41;
	v10 =	vmul.f32 v10, v43;
	[tilespmem:s29+$0x200] =	vst v53  }
0x2f5: {  	v4 =	vnsel vm5, $0x0, v2;
	v56 =	vmul.f32 v35, v43;
	v30 =	vmul.f32 v30, v43;
	v58 =	vld.idx.msk [tilespmem:v63+s15+$0x0], $0xffff  }
0x2f6: {  	[tilespmem:$0x1FF80] =	vst v49;
	v49 =	vmin.u32 v4, $0x7F;
	v31 =	vmul.f32 v31, v43;
	v4 =	vmul.f32 v25, v43  }
0x2f7: {  	v15 =	vadd.s32 $0x5, v15;
	v46 =	vmul.f32 v23, v43;
	v23 =	vcvt.f32.s32 v45  }
0x2f8: {  	vm7 =	vgt.s32 v15, $0x0;
	v61 =	vmul.f32 v42, v24;
	v5 =	vmul.f32 v34, v41  }
0x2f9: {  	v60 =	vor.u32 v20, v14;
	v63 =	vmul.f32 v11, v41;
	v11 =	vmul.f32 v11, v43  }
0x2fa: {  	v12 =	vor.u32 v21, v60;
	v34 =	vmul.f32 v34, v43;
	v62 =	vmul.f32 v58, v19  }
0x2fb: {  	v11 =	vadd.f32 v5, v11;
	v54 =	vmul.f32 v58, v24;
	v58 =	vnsel vm7, $0x0, v15  }
0x2fc: {  	v13 =	vadd.f32 v62, v61;
	v61 =	vmul.f32 v25, v41;
	v62 =	vadd.f32 v16, v17  }
0x2fd: {  	v16 =	vadd.f32 v56, v57;
	v25 =	vmul.f32 $2.500000000e-01, v18;
	v17 =	vadd.f32 v59, v30  }
0x2fe: {  	v18 =	vadd.f32 v27, v46;
	[tilespmem:s29+$0x280] =	vst v13;
	v13 =	vshll.u32 v49, $0x8;
	v5 =	vmul.f32 v62, v41  }
0x2ff: {  	v15 =	vadd.f32 v61, v31;
	v38 =	vtrunc.f32 v25;
	v42 =	vmul.f32 v62, v43  }
0x300: {  	v48 =	vld.idx.msk [tilespmem:v12+s15+$0x0], $0xffff;
	v12 =	vshll.u32 v49, $0x7;
	v51 =	vand.u32 $0x7800, v13;
	v26 =	vcvt.f32.s32 v38  }
0x301: {  	v13 =	vadd.f32 v39, v0;
	v52 =	vand.u32 $0x380, v12;
	v12 =	vadd.f32 v63, v10  }
0x302: {  	v10 =	vadd.f32 v50, v34;
	v53 =	vor.u32 v51, v52;
	v22 =	vshll.u32 v26, $0x1  }
0x303: {  	v0 =	vor.u32 v20, v53;
	v52 =	vadd.s32 $0xFFFFFFF9, v22;
	v61 =	vadd.s32 $0xFFFFFFFC, v22  }
0x304: {  	v1 =	vadd.s32 $0xFFFFFFFD, v22;
	v45 =	vadd.s32 $0xFFFFFFFF, v22;
	vm7 =	vgt.s32 v22, $0x0  }
0x305: {  	s2 =	sand.u32 $0x7, s21;
	v0 =	vor.u32 v21, v0;
	vm12 =	vgt.s32 v52, $0x0;
	vm15 =	vgt.s32 v61, $0x0  }
0x306: {  	s1 =	sshll.u32 s2, $0x4;
	[tilespmem:$0x1FFB0] =	vst v55;
	vm4 =	vgt.s32 v1, $0x0;
	vm6 =	vgt.s32 v45, $0x0;
	v55 =	vmul.f32 v48, v19  }
0x307: {  	s1 =	sadd.s32 s22, s1;
	v63 =	vmul.f32 v48, v24;
	v48 =	vcvt.s32.f32 v23;
	v35 =	vnsel vm15, $0x0, v61  }
0x308: {  	s1 =	sadd.s32 $0x10, s1;
	v41 =	vnsel vm6, $0x0, v45;
	v14 =	vadd.f32 v55, v54;
	v55 =	vadd.s32 $0xFFFFFFFA, v22  }
0x309: {  	s1 =	sor.u32 $0x300, s1;
	v35 =	vmin.u32 v35, $0x3F;
	v41 =	vmin.u32 v41, $0x3F;
	vm13 =	vgt.s32 v55, $0x0  }
0x30a: {  	[tilespmem:s1+$0x13000] =	vst v14;
	v14 =	vmin.u32 v58, $0x7F;
	v31 =	vnsel vm13, $0x0, v55;
	v58 =	vadd.s32 $0xFFFFFFFB, v22  }
0x30b: {  	v55 =	vadd.s32 $0x2, v22;
	v60 =	vshll.u32 v14, $0x8;
	v14 =	vshll.u32 v14, $0x7  }
0x30c: {  	v31 =	vmin.u32 v31, $0x3F;
	vm14 =	vgt.s32 v58, $0x0;
	vm9 =	vgt.s32 v55, $0x0  }
0x30d: {  	v0 =	vld.idx.msk [tilespmem:v0+s15+$0x0], $0xffff;
	v29 =	vand.u32 $0x7800, v60;
	v14 =	vand.u32 $0x380, v14;
	v57 =	vshll.u32 v31, $0x8  }
0x30e: {  	v31 =	vshll.u32 v31, $0x9;
	v33 =	vnsel vm14, $0x0, v58;
	v58 =	vadd.s32 $0x3, v22  }
0x30f: {  	v14 =	vor.u32 v29, v14;
	v29 =	vnsel vm12, $0x0, v52;
	v31 =	vand.u32 $0x7800, v31  }
0x310: {  	v33 =	vmin.u32 v33, $0x3F;
	vm10 =	vgt.s32 v58, $0x0;
	v14 =	vor.u32 v20, v14  }
0x311: {  	v20 =	vor.u32 v20, v21;
	v29 =	vmin.u32 v29, $0x3F;
	v60 =	vshll.u32 v33, $0x8  }
0x312: {  	v33 =	vshll.u32 v33, $0x9;
	v3 =	vor.u32 v21, v14;
	v2 =	vmul.f32 v0, v19  }
0x313: {  	v14 =	vadd.f32 v5, v4;
	v21 =	vor.u32 $0x80, v20;
	v54 =	vshll.u32 v29, $0x8  }
0x314: {  	s0 =	sor.u32 s31, s22;
	v29 =	vshll.u32 v29, $0x9;
	v33 =	vand.u32 $0x7800, v33;
	v37 =	vadd.f32 v2, v63  }
0x315: {  	s0 =	sor.u32 $0x380, s0;
	v5 =	vadd.s32 $0xFFFFFFFE, v22;
	v0 =	vmul.f32 v0, v24;
	v24 =	vsub.f32 v40, v48  }
0x316: {  	v29 =	vand.u32 $0x7800, v29;
	v48 =	vshll.u32 v41, $0x8;
	v41 =	vshll.u32 v41, $0x9;
	[tilespmem:s0+$0x13000] =	vst v37  }
0x317: {  	vm5 =	vgt.s32 v5, $0x0;
	v41 =	vand.u32 $0x7800, v41;
	v39 =	vld.idx.msk [tilespmem:v3+s15+$0x0], $0xffff;
	v3 =	vadd.s32 $0xFFFFFFF8, v22  }
0x318: {  	v63 =	vshll.u32 v35, $0x8;
	v37 =	vnsel vm4, $0x0, v1;
	vm0 =	vlt.s32 v3, $0x0  }
0x319: {  	v35 =	vshll.u32 v35, $0x9;
	v37 =	vmin.u32 v37, $0x3F;
	v49 =	vsel vm0, $0x0, v3  }
0x31a: {  	v4 =	vshll.u32 v37, $0x8;
	v37 =	vshll.u32 v37, $0x9;
	v50 =	vmin.u32 v49, $0x3F  }
0x31b: {  	v35 =	vand.u32 $0x7800, v35;
	v37 =	vand.u32 $0x7800, v37;
	v51 =	vshll.u32 v50, $0x9  }
0x31c: {  	v28 =	vshll.u32 v50, $0x8;
	v50 =	vnsel vm7, $0x0, v22;
	v47 =	vmul.f32 v39, v19  }
0x31d: {  	v19 =	vadd.f32 v44, v42;
	v28 =	vand.u32 $0x300, v28;
	v39 =	vnsel vm5, $0x0, v5  }
0x31e: {  	v53 =	vor.u32 v28, v20;
	v28 =	vor.u32 v28, v21;
	v39 =	vmin.u32 v39, $0x3F  }
0x31f: {  	v27 =	vadd.f32 v47, v0;
	v0 =	vand.u32 $0x7800, v51;
	v46 =	vshll.u32 v39, $0x8  }
0x320: {  	v39 =	vshll.u32 v39, $0x9;
	v51 =	vor.u32 $0x1, v22;
	v30 =	vor.u32 v0, v53  }
0x321: {  	v28 =	vor.u32 v0, v28;
	v0 =	vand.u32 $0x300, v54;
	v42 =	vand.u32 $0x300, v46  }
0x322: {  	v39 =	vand.u32 $0x7800, v39;
	vm8 =	vgt.s32 v51, $0x0;
	v56 =	vor.u32 v0, v20  }
0x323: {  	v0 =	vor.u32 v0, v21;
	v47 =	vor.u32 v42, v20;
	v42 =	vor.u32 v42, v21  }
0x324: {  	v45 =	vnsel vm8, $0x0, v51;
	v32 =	vor.u32 v29, v56;
	v0 =	vor.u32 v29, v0  }
0x325: {  	v29 =	vand.u32 $0x300, v57;
	v43 =	vor.u32 v39, v47;
	v39 =	vor.u32 v39, v42  }
0x326: {  	v45 =	vmin.u32 v45, $0x3F;
	v57 =	vnsel vm9, $0x0, v55;
	v59 =	vor.u32 v29, v20  }
0x327: {  	v29 =	vor.u32 v29, v21;
	v54 =	vshll.u32 v45, $0x8;
	v45 =	vshll.u32 v45, $0x9  }
0x328: {  	v34 =	vor.u32 v31, v59;
	v31 =	vor.u32 v31, v29;
	v29 =	vand.u32 $0x300, v60  }
0x329: {  	v47 =	vand.u32 $0x300, v54;
	v45 =	vand.u32 $0x7800, v45;
	v62 =	vor.u32 v29, v20  }
0x32a: {  	v29 =	vor.u32 v29, v21;
	v56 =	vor.u32 v47, v20;
	v47 =	vor.u32 v47, v21  }
0x32b: {  	v36 =	vor.u32 v33, v62;
	v33 =	vor.u32 v33, v29;
	v29 =	vand.u32 $0x300, v63  }
0x32c: {  	s3 =	sor.u32 s26, s28;
	v62 =	vadd.s32 $0x4, v22;
	v2 =	vor.u32 v29, v20;
	v29 =	vor.u32 v29, v21  }
0x32d: {  	[tilespmem:s3+$0x0] =	vst v27;
	v38 =	vor.u32 v35, v2;
	v35 =	vor.u32 v35, v29;
	v29 =	vand.u32 $0x300, v4  }
0x32e: {  	vm11 =	vgt.s32 v62, $0x0;
	v5 =	vld.idx.msk [tilespmem:v0+s15+$0x0], $0xffff;
	v0 =	vadd.s32 $0x9, v22;
	v44 =	vor.u32 v29, v20  }
0x32f: {  	vm4 =	vgt.s32 v0, $0x0;
	v29 =	vor.u32 v29, v21;
	v40 =	vor.u32 v37, v44  }
0x330: {  	v37 =	vor.u32 v37, v29;
	v29 =	vand.u32 $0x300, v48;
	v44 =	vmin.u32 v50, $0x3F  }
0x331: {  	v48 =	vnsel vm10, $0x0, v58;
	v49 =	vor.u32 v29, v20;
	v29 =	vor.u32 v29, v21  }
0x332: {  	v52 =	vshll.u32 v44, $0x8;
	v44 =	vshll.u32 v44, $0x9;
	v48 =	vmin.u32 v48, $0x3F  }
0x333: {  	v42 =	vor.u32 v41, v49;
	v41 =	vor.u32 v41, v29;
	v29 =	vand.u32 $0x300, v52  }
0x334: {  	v44 =	vand.u32 $0x7800, v44;
	v49 =	vor.u32 v45, v56;
	v45 =	vor.u32 v45, v47  }
0x335: {  	v61 =	vshll.u32 v48, $0x8;
	v48 =	vshll.u32 v48, $0x9;
	v52 =	vnsel vm11, $0x0, v62  }
0x336: {  	v62 =	vadd.s32 $0x7, v22;
	v53 =	vor.u32 v29, v20;
	v29 =	vor.u32 v29, v21  }
0x337: {  	v51 =	vand.u32 $0x300, v61;
	v63 =	vand.u32 $0x7800, v48;
	v56 =	vmin.u32 v52, $0x3F  }
0x338: {  	v61 =	vadd.s32 $0x6, v22;
	vm14 =	vgt.s32 v62, $0x0;
	v46 =	vor.u32 v44, v53  }
0x339: {  	v44 =	vor.u32 v44, v29;
	v29 =	vmin.u32 v57, $0x3F;
	v1 =	vor.u32 v51, v20  }
0x33a: {  	v2 =	vor.u32 v51, v21;
	v57 =	vadd.s32 $0x5, v22;
	v58 =	vshll.u32 v56, $0x8  }
0x33b: {  	v51 =	vshll.u32 v56, $0x9;
	vm13 =	vgt.s32 v61, $0x0;
	v59 =	vshll.u32 v29, $0x8  }
0x33c: {  	v27 =	vld.idx.msk [tilespmem:v30+s15+$0x0], $0xffff;
	v29 =	vshll.u32 v29, $0x9;
	v48 =	vor.u32 v63, v1;
	v30 =	vor.u32 v63, v2  }
0x33d: {  	v38 =	vld.idx.msk [tilespmem:v38+s15+$0x0], $0xffff;
	vm12 =	vgt.s32 v57, $0x0;
	v51 =	vand.u32 $0x7800, v51;
	v55 =	vnsel vm13, $0x0, v61  }
0x33e: {  	v35 =	vld.idx.msk [tilespmem:v35+s15+$0x0], $0xffff;
	v47 =	vand.u32 $0x300, v59;
	v29 =	vand.u32 $0x7800, v29;
	v52 =	vnsel vm12, $0x0, v57  }
0x33f: {  	v40 =	vld.idx.msk [tilespmem:v40+s15+$0x0], $0xffff;
	v55 =	vmin.u32 v55, $0x3F;
	v60 =	vor.u32 v47, v20;
	v47 =	vor.u32 v47, v21  }
0x340: {  	v37 =	vld.idx.msk [tilespmem:v37+s15+$0x0], $0xffff;
	v52 =	vmin.u32 v52, $0x3F;
	v63 =	vshll.u32 v55, $0x8;
	v55 =	vshll.u32 v55, $0x9  }
0x341: {  	v50 =	vor.u32 v29, v60;
	v47 =	vor.u32 v29, v47;
	v29 =	vld.idx.msk [tilespmem:v32+s15+$0x0], $0xffff;
	v32 =	vand.u32 $0x300, v58  }
0x342: {  	v28 =	vld.idx.msk [tilespmem:v28+s15+$0x0], $0xffff;
	v60 =	vshll.u32 v52, $0x8;
	v52 =	vshll.u32 v52, $0x9;
	v55 =	vand.u32 $0x7800, v55  }
0x343: {  	v43 =	vld.idx.msk [tilespmem:v43+s15+$0x0], $0xffff;
	v38 =	vadd.f32 v35, v38;
	v59 =	vor.u32 v32, v20;
	v32 =	vor.u32 v32, v21  }
0x344: {  	v39 =	vld.idx.msk [tilespmem:v39+s15+$0x0], $0xffff;
	v54 =	vand.u32 $0x300, v60;
	v52 =	vand.u32 $0x7800, v52;
	v53 =	vor.u32 v51, v59  }
0x345: {  	v34 =	vld.idx.msk [tilespmem:v34+s15+$0x0], $0xffff;
	v56 =	vor.u32 v54, v20;
	v32 =	vor.u32 v51, v32;
	v54 =	vor.u32 v54, v21  }
0x346: {  	v31 =	vld.idx.msk [tilespmem:v31+s15+$0x0], $0xffff;
	v59 =	vadd.s32 $0x8, v22;
	v35 =	vadd.f32 v37, v40;
	v37 =	vor.u32 $0x7A80, v20  }
0x347: {  	v36 =	vld.idx.msk [tilespmem:v36+s15+$0x0], $0xffff;
	v51 =	vor.u32 v52, v56;
	v52 =	vor.u32 v52, v54;
	v54 =	vand.u32 $0x300, v63  }
0x348: {  	v33 =	vld.idx.msk [tilespmem:v33+s15+$0x0], $0xffff;
	v56 =	vnsel vm14, $0x0, v62;
	vm15 =	vgt.s32 v59, $0x0;
	v57 =	vor.u32 v54, v20  }
0x349: {  	v42 =	vld.idx.msk [tilespmem:v42+s15+$0x0], $0xffff;
	v56 =	vmin.u32 v56, $0x3F;
	v54 =	vor.u32 v54, v21;
	v59 =	vnsel vm15, $0x0, v59  }
0x34a: {  	v41 =	vld.idx.msk [tilespmem:v41+s15+$0x0], $0xffff;
	v57 =	vor.u32 v55, v57;
	v58 =	vshll.u32 v56, $0x8;
	v56 =	vshll.u32 v56, $0x9  }
0x34b: {  	v49 =	vld.idx.msk [tilespmem:v49+s15+$0x0], $0xffff;
	v54 =	vor.u32 v55, v54;
	v59 =	vmin.u32 v59, $0x3F;
	v58 =	vand.u32 $0x300, v58  }
0x34c: {  	v45 =	vld.idx.msk [tilespmem:v45+s15+$0x0], $0xffff;
	v56 =	vand.u32 $0x7800, v56;
	v1 =	vshll.u32 v59, $0x8;
	v59 =	vshll.u32 v59, $0x9  }
0x34d: {  	v46 =	vld.idx.msk [tilespmem:v46+s15+$0x0], $0xffff;
	v60 =	vor.u32 v58, v20;
	v58 =	vor.u32 v58, v21;
	v59 =	vand.u32 $0x7800, v59  }
0x34e: {  	v44 =	vld.idx.msk [tilespmem:v44+s15+$0x0], $0xffff;
	v55 =	vor.u32 v56, v60;
	v56 =	vor.u32 v56, v58;
	v60 =	vnsel vm4, $0x0, v0  }
0x34f: {  	v48 =	vld.idx.msk [tilespmem:v48+s15+$0x0], $0xffff;
	v58 =	vand.u32 $0x300, v1;
	v0 =	vadd.s32 $0xB, v22;
	v60 =	vmin.u32 v60, $0x3F  }
0x350: {  	v63 =	vld.idx.msk [tilespmem:v30+s15+$0x0], $0xffff;
	v61 =	vor.u32 v58, v20;
	v58 =	vor.u32 v58, v21;
	v62 =	vshll.u32 v60, $0x8  }
0x351: {  	v50 =	vld.idx.msk [tilespmem:v50+s15+$0x0], $0xffff;
	v2 =	vshll.u32 v60, $0x9;
	v60 =	vand.u32 $0x300, v62;
	v62 =	vadd.s32 $0xA, v22  }
0x352: {  	v47 =	vld.idx.msk [tilespmem:v47+s15+$0x0], $0xffff;
	v30 =	vand.u32 $0x7800, v2;
	vm5 =	vgt.s32 v62, $0x0;
	v4 =	vor.u32 v60, v20  }
0x353: {  	v53 =	vld.idx.msk [tilespmem:v53+s15+$0x0], $0xffff;
	v61 =	vor.u32 v59, v61;
	v2 =	vor.u32 v30, v4;
	v4 =	vnsel vm5, $0x0, v62  }
0x354: {  	v58 =	vor.u32 v59, v58;
	v59 =	vld.idx.msk [tilespmem:v32+s15+$0x0], $0xffff;
	v60 =	vor.u32 v60, v21;
	v32 =	vmin.u32 v4, $0x3F  }
0x355: {  	v37 =	vld.idx.msk [tilespmem:v37+s15+$0x0], $0xffff;
	vm6 =	vgt.s32 v0, $0x0;
	v30 =	vor.u32 v30, v60;
	v1 =	vshll.u32 v32, $0x8  }
0x356: {  	v51 =	vld.idx.msk [tilespmem:v51+s15+$0x0], $0xffff;
	v62 =	vnsel vm6, $0x0, v0;
	v32 =	vshll.u32 v32, $0x9;
	v60 =	vand.u32 $0x300, v1  }
0x357: {  	v52 =	vld.idx.msk [tilespmem:v52+s15+$0x0], $0xffff;
	v62 =	vmin.u32 v62, $0x3F;
	v32 =	vand.u32 $0x7800, v32;
	v4 =	vor.u32 v60, v20  }
0x358: {  	v26 =	vcvt.s32.f32 v26;
	v57 =	vld.idx.msk [tilespmem:v57+s15+$0x0], $0xffff;
	v1 =	vor.u32 v32, v4;
	v4 =	vshll.u32 v62, $0x8  }
0x359: {  	v54 =	vld.idx.msk [tilespmem:v54+s15+$0x0], $0xffff;
	v60 =	vor.u32 v60, v21;
	v62 =	vshll.u32 v62, $0x9;
	v0 =	vand.u32 $0x300, v4  }
0x35a: {  	v55 =	vld.idx.msk [tilespmem:v55+s15+$0x0], $0xffff;
	v60 =	vor.u32 v32, v60;
	v32 =	vand.u32 $0x7800, v62;
	v62 =	vor.u32 v0, v20  }
0x35b: {  	v56 =	vld.idx.msk [tilespmem:v56+s15+$0x0], $0xffff;
	v4 =	vsub.f32 v25, v26;
	v25 =	vor.u32 v32, v62  }
0x35c: {  	v61 =	vld.idx.msk [tilespmem:v61+s15+$0x0], $0xffff;
	v62 =	vadd.f32 v31, v34;
	v31 =	vadd.f32 v45, v49;
	v49 =	vor.u32 $0x180, v20  }
0x35d: {  	v0 =	vor.u32 v0, v21;
	v21 =	vld.idx.msk [tilespmem:v58+s15+$0x0], $0xffff  }
0x35e: {  	v0 =	vor.u32 v32, v0;
	v32 =	vld.idx.msk [tilespmem:v30+s15+$0x0], $0xffff  }
0x35f: {  	v23 =	vsub.s32 v23, v22;
	v1 =	vld.idx.msk [tilespmem:v1+s15+$0x0], $0xffff  }
0x360: {  	v24 =	vmul.f32 $5.000000000e-01, v24;
	vm7 =	veq.s32 v23, $0x1;
	v30 =	vadd.f32 v39, v43;
	v39 =	vld.idx.msk [tilespmem:v60+s15+$0x0], $0xffff  }
0x361: {  	v26 =	vor.u32 $0x7A00, v20;
	v58 =	vadd.f32 v28, v27;
	v28 =	vadd.f32 v63, v48;
	v63 =	vld.idx.msk [tilespmem:v49+s15+$0x0], $0xffff  }
0x362: {  	vm8 =	vlt.s32 v3, $0xFFFFFFFE;
	vm9 =	vlt.s32 v3, $0xFFFFFFFC;
	v40 =	vor.u32 $0x100, v20;
	v49 =	vld [tilespmem:$0x1FF80]  }
0x363: {  	vm10 =	vlt.s32 v3, $0xFFFFFFFA;
	vm11 =	vgt.s32 v3, $0x34;
	v27 =	vadd.f32 v59, v53;
	v53 =	vld [tilespmem:$0x1FF90]  }
0x364: {  	s28 =	sor.u32 $0x13880, s24;
	vm13 =	vgt.s32 v3, $0x30;
	v36 =	vadd.f32 v33, v36;
	v20 =	vadd.f32 v56, v55;
	v56 =	vld [tilespmem:$0x1FFA0]  }
0x365: {  	s5 =	sor.u32 s23, s28;
	s0 =	sor.u32 $0x13900, s24;
	vm12 =	vgt.s32 v3, $0x32;
	v5 =	vadd.f32 v5, v29;
	v29 =	vadd.f32 v44, v46;
	v2 =	vld.idx.msk [tilespmem:v2+s15+$0x0], $0xffff  }
0x366: {  	[tilespmem:s5+$0x0] =	vst v6;
	s29 =	sor.u32 $0x13980, s24;
	s7 =	sor.u32 s23, s0;
	vm14 =	vgt.s32 v3, $0x2E;
	v33 =	vadd.f32 v47, v50;
	v26 =	vld.idx.msk [tilespmem:v26+s15+$0x0], $0xffff;
	v22 =	vadd.f32 v21, v61  }
0x367: {  	s30 =	sor.u32 $0x13A00, s24;
	s8 =	sor.u32 s23, s29;
	v46 =	vsel vm7, v35, v38;
	v61 =	vld.idx.msk [tilespmem:v40+s15+$0x0], $0xffff;
	v23 =	vadd.f32 v39, v1;
	v39 =	vsub.f32 $5.000000000e-01, v24;
	[tilespmem:s7+$0x0] =	vst v49  }
0x368: {  	s2 =	sor.u32 s23, s30;
	s1 =	sor.u32 $0x13A80, s24;
	vm15 =	vgt.s32 v3, $0x2C;
	v34 =	vadd.f32 v41, v42;
	v48 =	vsel vm7, v30, v35;
	v60 =	vld.idx.msk [tilespmem:v0+s15+$0x0], $0xffff;
	[tilespmem:s8+$0x0] =	vst v53  }
0x369: {  	s12 =	sor.u32 $0x13B00, s24;
	s10 =	sor.u32 s23, s1;
	v0 =	vadd.f32 v52, v51;
	v51 =	vmul.f32 v48, v24;
	v50 =	vmul.f32 v46, v39;
	v46 =	vld [tilespmem:$0x1FFB0];
	[tilespmem:s2+$0x0] =	vst v56  }
0x36a: {  	s11 =	sor.u32 s23, s12;
	s3 =	sor.u32 $0x13B80, s24;
	v4 =	vmul.f32 $2.500000000e-01, v4;
	v41 =	vld.idx.msk [tilespmem:v25+s15+$0x0], $0xffff;
	v25 =	vadd.f32 v54, v57;
	v52 =	vsel vm7, v34, v30;
	[tilespmem:s10+$0x0] =	vst v9  }
0x36b: {  	s5 =	sor.u32 s23, s3;
	v54 =	vmul.f32 v52, v24;
	v40 =	vmul.f32 v48, v39;
	v9 =	vadd.f32 v51, v50;
	[tilespmem:s11+$0x0] =	vst v8  }
0x36c: {  	s28 =	sor.u32 s26, s28;
	v55 =	vsel vm7, v29, v34;
	v45 =	vsel vm7, v33, v31;
	v21 =	vadd.f32 v32, v2;
	s2 =	sor.u32 $0x14000, s24;
	[tilespmem:s5+$0x0] =	vst v7  }
0x36d: {  	v59 =	vmul.f32 v55, v24;
	v2 =	vadd.f32 v37, v26;
	s7 =	sor.u32 s23, s2;
	v8 =	vadd.f32 v54, v40;
	[tilespmem:s28+$0x0] =	vst v9  }
0x36e: {  	s0 =	sor.u32 s26, s0;
	v57 =	vmul.f32 v52, v39;
	v48 =	vmul.f32 v45, v24;
	v52 =	vsel vm7, v27, v28;
	s5 =	sor.u32 $0x14080, s24;
	[tilespmem:s7+$0x0] =	vst v46  }
0x36f: {  	s16 =	sor.u32 $0x14100, s24;
	v6 =	vadd.f32 v60, v41;
	v1 =	vadd.f32 v63, v61;
	v60 =	vsel vm7, v31, v29;
	s13 =	sor.u32 s23, s5;
	[tilespmem:s0+$0x0] =	vst v8  }
0x370: {  	s18 =	sor.u32 s23, s16;
	s25 =	sor.u32 $0x14180, s24;
	v61 =	vmul.f32 v55, v39;
	v49 =	vsel vm7, v28, v33;
	v41 =	vadd.f32 v31, v29;
	[tilespmem:s13+$0x0] =	vst v13  }
0x371: {  	s31 =	sor.u32 s23, s25;
	v42 =	vsel vm11, v2, v33;
	v26 =	vadd.f32 v59, v57;
	v63 =	vmul.f32 v60, v24;
	s10 =	sor.u32 $0x14200, s24;
	[tilespmem:s18+$0x0] =	vst v12  }
0x372: {  	v32 =	vmul.f32 v60, v39;
	v53 =	vmul.f32 v49, v39;
	v57 =	vsel vm7, v0, v27;
	s8 =	sor.u32 s23, s10;
	s11 =	sor.u32 $0x14280, s24;
	[tilespmem:s31+$0x0] =	vst v11  }
0x373: {  	v5 =	vsel vm0, v1, v5;
	v59 =	vsel vm8, v1, v36;
	v60 =	vmul.f32 v57, v24;
	s13 =	sor.u32 s23, s11;
	s31 =	sor.u32 $0x14300, s24;
	[tilespmem:s8+$0x0] =	vst v10  }
0x374: {  	v37 =	vsel vm9, v1, v35;
	v1 =	vsel vm10, v1, v34;
	v50 =	vmul.f32 v45, v39;
	s7 =	sor.u32 $0x14380, s24;
	s8 =	sor.u32 s23, s31;
	[tilespmem:s13+$0x0] =	vst v16  }
0x375: {  	v51 =	vmul.f32 v49, v24;
	v55 =	vadd.f32 v48, v32;
	v5 =	vadd.f32 v5, v58;
	s18 =	sor.u32 s23, s7;
	s13 =	sor.u32 $0x14800, s24;
	[tilespmem:s8+$0x0] =	vst v17  }
0x376: {  	v58 =	vmul.f32 v52, v39;
	v1 =	vadd.f32 v1, v30;
	v49 =	vsel vm12, v2, v27;
	s8 =	sor.u32 $0x14880, s24;
	[tilespmem:s18+$0x0] =	vst v15;
	s18 =	sor.u32 s23, s13  }
0x377: {  	v54 =	vmul.f32 v52, v24;
	v52 =	vsel vm13, v2, v25;
	v7 =	vadd.f32 v63, v61;
	s24 =	sor.u32 $0x14900, s24;
	[tilespmem:s18+$0x0] =	vst v14;
	s18 =	sor.u32 s23, s8  }
0x378: {  	v61 =	vsel vm7, v25, v0;
	v63 =	vadd.f32 v60, v58;
	v0 =	vadd.f32 v49, v0;
	s23 =	sor.u32 s23, s24;
	[tilespmem:s18+$0x0] =	vst v19  }
0x379: {  	v45 =	vmul.f32 v41, v4;
	v56 =	vadd.f32 v54, v53;
	v53 =	vadd.f32 v52, v20;
	[tilespmem:s23+$0x0] =	vst v18;
	s23 =	sor.u32 s26, s29  }
0x37a: {  	s28 =	sor.u32 s26, s30;
	v44 =	vmul.f32 v1, v4;
	v17 =	vadd.f32 v59, v62;
	v62 =	vsub.f32 $2.500000000e-01, v4;
	[tilespmem:s23+$0x0] =	vst v26  }
0x37b: {  	v54 =	vsel vm14, v2, v22;
	v13 =	vadd.f32 v51, v50;
	v12 =	vmul.f32 v57, v39;
	s29 =	sor.u32 s26, s1;
	[tilespmem:s28+$0x0] =	vst v7  }
0x37c: {  	s30 =	sor.u32 s26, s12;
	v39 =	vadd.f32 v37, v38;
	v15 =	vmul.f32 v61, v24;
	v5 =	vmul.f32 v5, v62;
	[tilespmem:s29+$0x0] =	vst v55  }
0x37d: {  	v2 =	vsel vm15, v2, v23;
	v32 =	vmul.f32 v17, v4;
	v40 =	vmul.f32 v17, v62;
	s1 =	sor.u32 s26, s3;
	[tilespmem:s30+$0x0] =	vst v13  }
0x37e: {  	v43 =	vmul.f32 v39, v62;
	v12 =	vadd.f32 v15, v12;
	v15 =	vmul.f32 v39, v4;
	s3 =	sor.u32 s26, s2;
	[tilespmem:s1+$0x0] =	vst v56  }
0x37f: {  	s5 =	sor.u32 s26, s5;
	v17 =	vadd.f32 v42, v28;
	v1 =	vmul.f32 v1, v62;
	v5 =	vadd.f32 v32, v5;
	[tilespmem:s3+$0x0] =	vst v63  }
0x380: {  	s12 =	sor.u32 s26, s16;
	v2 =	vadd.f32 v2, v6;
	v46 =	vmul.f32 v41, v62;
	v8 =	vadd.f32 v15, v40;
	[tilespmem:s5+$0x0] =	vst v12  }
0x381: {  	s16 =	sor.u32 s26, s25;
	v48 =	vmul.f32 v17, v4;
	v1 =	vadd.f32 v1, v45;
	v7 =	vadd.f32 v44, v43;
	[tilespmem:s12+$0x0] =	vst v5  }
0x382: {  	s18 =	sor.u32 s26, s10;
	v51 =	vmul.f32 v17, v62;
	v55 =	vmul.f32 v0, v4;
	v56 =	vadd.f32 v54, v21;
	[tilespmem:s16+$0x0] =	vst v8  }
0x383: {  	s17 =	sadd.s32 $0x2, s17;
	v57 =	vmul.f32 v53, v4;
	s23 =	sor.u32 s26, s11;
	v50 =	vadd.f32 v48, v46;
	v0 =	vmul.f32 v0, v62;
	[tilespmem:s18+$0x0] =	vst v7  }
0x384: {  	p0 =	slt.u32 s17, $0xE;
	s25 =	sor.u32 s26, s31;
	v59 =	vmul.f32 v53, v62;
	v58 =	vadd.f32 v55, v51;
	v60 =	vmul.f32 v56, v4;
	[tilespmem:s23+$0x0] =	vst v1  }
.Ltmp7:
0x385: {  	v2 =	vmul.f32 v2, v4;
	s28 =	sor.u32 s26, s7;
	v0 =	vadd.f32 v57, v0;
	v61 =	vmul.f32 v56, v62;
	[tilespmem:s25+$0x0] =	vst v50;
	(pc) =	sbr.rel @p0 .LBB2_13-.Ltmp7, $4  }
0x386: {  	s29 =	sor.u32 s26, s13;
	v62 =	vadd.f32 v60, v59;
	[tilespmem:s28+$0x0] =	vst v58  }
0x387: {  	s30 =	sor.u32 s26, s8;
	v63 =	vadd.f32 v2, v61;
	[tilespmem:s29+$0x0] =	vst v0  }
0x388: {  	s21 =	sadd.s32 $0x2, s21;
	s31 =	sor.u32 s26, s24;
	[tilespmem:s30+$0x0] =	vst v62  }
0x389: {  	s20 =	sadd.s32 $0x1, s20;
	s19 =	sadd.s32 $0x20, s19;
	s22 =	sadd.s32 $0x100, s22;
	v47 =	vlaneseq.u32;
	[tilespmem:s31+$0x0] =	vst v63  }
0x38a: {  	s0 =	rddreg [dreg:$0x9]  }
0x38b: {  	s1 =	rddreg [dreg:$0x11]  }
0x38c: {  	s18 =	rddreg [dreg:$0xe];
	s0 =	sor.u32 s0, s1  }
0x38d: {  	s0 =	sor.u32 s18, s0  }
0x38e: {  	s19 =	rddreg [dreg:$0x2];
	s0 =	sshrl.u32 s0, $0x3  }
0x38f: {  	s20 =	simm.s32 $0x13000;
	s0 =	sadd.s32 s19, s0  }
0x390: {  	[hbm4b:s0+s14] =	stream.strided.scatter [tilespmem:s20], [sflag:$0x4], $0x400, s15, s14, $0x38;
	[tilespmem:$0x15000] =	vst v63  }
0x391: {  	s2 =	simm.s32 $0x13400;
	s21 =	sadd.s32 $0x80, s0  }
0x392: {  	[hbm4b:s21+s14] =	stream.strided.scatter [tilespmem:s2], [sflag:$0x4], $0x400, s15, s14, $0x38;
	[tilespmem:$0x15000] =	vst v63  }
0x393: {  	s23 =	simm.s32 $0x13800;
	s22 =	sadd.s32 $0x8000, s0  }
0x394: {  	[hbm4b:s22+s14] =	stream.strided.scatter [tilespmem:s23], [sflag:$0x4], $0x400, s15, s14, $0x38;
	[tilespmem:$0x15000] =	vst v63  }
0x395: {  	s25 =	simm.s32 $0x13C00;
	s24 =	sadd.s32 $0x8080, s0  }
0x396: {  	[hbm4b:s24+s14] =	stream.strided.scatter [tilespmem:s25], [sflag:$0x4], $0x400, s15, s14, $0x38;
	[tilespmem:$0x15000] =	vst v63  }
0x397: {  	s28 =	simm.s32 $0x14000;
	s26 =	sadd.s32 $0x10000, s0  }
0x398: {  	[hbm4b:s26+s14] =	stream.strided.scatter [tilespmem:s28], [sflag:$0x4], $0x400, s15, s14, $0x38;
	[tilespmem:$0x15000] =	vst v63  }
0x399: {  	s29 =	simm.s32 $0x14400;
	s1 =	sadd.s32 $0x80, s26  }
0x39a: {  	[hbm4b:s1+s14] =	stream.strided.scatter [tilespmem:s29], [sflag:$0x4], $0x400, s15, s14, $0x38;
	[tilespmem:$0x15000] =	vst v63  }
.Ltmp8:
0x39b: {  	_ = 	snop;
	(pc) =	sbr.rel @p1 .LBB2_18-.Ltmp8, $4  }
0x39c: {  	s30 =	simm.s32 $0x14800;
	s0 =	sadd.s32 $0x18000, s0  }
0x39d: {  	[hbm4b:s0+s14] =	stream.strided.scatter [tilespmem:s30], [sflag:$0x4], $0x180, s15, s14, $0x38;
	[tilespmem:$0x15000] =	vst v63  }
0x39e: {  	s31 =	simm.s32 $0x14C00;
	s0 =	sadd.s32 $0x80, s0  }
0x39f: {  	[hbm4b:s0+s14] =	stream.strided.scatter [tilespmem:s31], [sflag:$0x4], $0x180, s15, s14, $0x38;
	[tilespmem:$0x15000] =	vst v63  }
0x3a0: {  	s0 =	rddreg [dreg:$0xd]  }
0x3a1: {  	s1 =	rddreg [dreg:$0x7];
	s0 =	sadd.s32 $0x3, s0  }
0x3a2: {  	s1 =	sadd.s32 s1, s0  }
0x3a3: {  	s0 =	sshll.u32 s0, $0x7;
	s1 =	sshll.u32 s1, $0x8  }
0x3a4: {  	s0 =	sand.u32 $0x380, s0;
	s1 =	sand.u32 $0xF800, s1  }
0x3a5: {  	s29 =	rddreg [dreg:$0x6];
	s0 =	sor.u32 s1, s0  }
0x3a6: {  	s0 =	sor.u32 s29, s0  }
0x3a7: {  	s30 =	rddreg [dreg:$0x0];
	s0 =	sshrl.u32 s0, $0x3  }
0x3a8: {  	s0 =	sadd.s32 s30, s0  }
0x3a9: {  	s31 =	simm.s32 $0x8000;
	s5 =	simm.s32 $0x8400;
	s2 =	sadd.s32 $0x0, s0  }
0x3aa: {  	[tilespmem:s31], [sflag:$0x2] =	stream.strided.gather [hbm4b:s2+s14], $0x400, s15, s14, $0x38;
	[tilespmem:$0x15000] =	vst v63  }
0x3ab: {  	s1 =	simm.s32 $0x8000;
	s3 =	sadd.s32 $0x80, s2;
	s2 =	simm.s32 $0x8800  }
.LBB2_16:
0x3ac: {  	[tilespmem:s5], [sflag:$0x2] =	stream.strided.gather [hbm4b:s3+s14], $0x400, s15, s14, $0x38;
	[tilespmem:$0x15000] =	vst v63  }
0x3ad: {  	s3 =	smov.u32 s1;
	p0 =	sne.s32 s1, $0x78000  }
.Ltmp9:
0x3ae: {  	s1 =	sadd.s32 $0x8000, s1;
	(pc) =	sbr.rel @p0 .LBB2_16-.Ltmp9, $4  }
0x3af: {  	_ = 	snop  }
0x3b0: {  	s3 =	sadd.s32 s3, s0  }
0x3b1: {  	[tilespmem:s2], [sflag:$0x2] =	stream.strided.gather [hbm4b:s3+s14], $0x400, s15, s14, $0x38;
	[tilespmem:$0x15000] =	vst v63  }
0x3b2: {  	s5 =	sadd.s32 $0x400, s2;
	s3 =	sadd.s32 $0x80, s3;
	s2 =	sadd.s32 $0x800, s2  }
.Ltmp10:
0x3b3: {  	(pc) =	sbr.rel .LBB2_6-.Ltmp10, $4  }
0x3b4: {  	_ = 	snop  }
0x3b5: {  	[tilespmem:s5], [sflag:$0x2] =	stream.strided.gather [hbm4b:s3+s14], $0x400, s15, s14, $0x38;
	[tilespmem:$0x15000] =	vst v63  }
0x3b6: {  	s31 =	rddreg [dreg:$0xc]  }
0x3b7: {  	s5 =	sadd.s32 $0x1, s31  }
.LBB2_19:
0x3b8: {  	_ =	sfence.sel $0x180000  }
0x3b9: {  	[bflag:$0x0] =	sbarrier.arrive $0xFFFF  }
0x3ba: {  	_ =	strace $0x90000047  }
0x3bb: {  	s0 =	stileid.u32;
	[bflag:$0x2] =	sbarrier.arrive $0xFFFF  }
0x3bc: {  	p0 =	sne.s32 s0, $0x0;
	s0 =	rddreg [dreg:$0x3]  }
0x3bd: {  	s0 =	sadd.s32 @!p0 $0x100000, s0  }
0x3be: {  	[sflag:s0] =	ssyncadd.tile.s32 @!p0 $0x1;
	_ =	shalt  }
.Lfunc_end2:
_tile_overlayer_lowered:
.L_overlay_start_2:
0x3bf: {  	(tag) =	ssettag $0x2  }
0x3c0: {  	s0 =	rddreg [dreg:$0x0];
	s2 =	stileid.u32  }
0x3c1: {  	s1 =	rddreg [dreg:$0x1];
	p0 =	sne.s32 s2, $0x0  }
0x3c2: {  	s3 =	rddreg [dreg:$0x2];
	[bflag:$0x3] =	sbarrier.arrive $0xFFFF;
	s2 =	simm.s32 @!p0 $0x1C05  }
0x3c3: {  	[timem:s3], [sflag:s2] =	dma.local @!p0 [hbm:s0], s1  }
0x3c4: {  	s0 =	simm.s32 @!p0 $0x5  }
0x3c5: {  	_ =	swait.ge @!p0 [sflag:s0], s1  }
0x3c6: {  	s1 =	ssub.s32 @!p0 $0x0, s1;
	[sflag:s0] =	ssyncset.done @!p0 $0x0  }
0x3c7: {  	[sflag:s0] =	ssyncadd.s32 @!p0 s1  }
0x3c8: {  	[bflag:$0x3] =	sbarrier.arrive $0xFFFF  }
0x3c9: {  	_ =	shalt  }

</sc_bundles>
